<compile_context>
chip_gen: v7x
topology: tpu7x:2x2x1
jax: 0.10.2.dev20260603
libtpu: 0.0.44.dev20260713+nightly
codegen_flags: <defaults>
</compile_context>

<pallas_src>
import functools

import jax
import jax.numpy as jnp
from jax import lax
from jax.experimental import pallas as pl
from jax.experimental.pallas import tpu as pltpu
from jax.experimental.pallas import tpu_sc as plsc

NC = 2
NS = 16
NW = NC * NS
CHUNK = 128
NBUF = 13


def _mesh():
    return plsc.VectorSubcoreMesh(
        core_axis_name="c", subcore_axis_name="s", num_cores=NC, num_subcores=NS
    )


_SC_PARAMS = pltpu.CompilerParams(use_tc_tiling_on_sc=False)


def _zero_shared(zbuf, acc, rows_per_tile, d, sid):

    def zstore(r, _):
        for j in range(d // 16):
            zbuf[r, pl.ds(j * 16, 16)] = jnp.zeros((16,), jnp.float32)
        return 0

    lax.fori_loop(0, rows_per_tile, zstore, 0)
    pltpu.sync_copy(zbuf, acc.at[pl.ds(sid * rows_per_tile, rows_per_tile)])


def _make_deg_kernel(n_pad, e):
    e_rows = e // CHUNK
    nch = e_rows // NW
    n_extra = e_rows - nch * NW
    assert nch % NBUF == 0
    rows_per_tile = n_pad // NS

    @functools.partial(
        pl.kernel,
        out_type=jax.ShapeDtypeStruct((NC, n_pad * 16 // 128, 128), jnp.float32),
        mesh=_mesh(),
        scratch_types=[
            pltpu.VMEM((nch + 1, CHUNK), jnp.int32),
            pltpu.VMEM((CHUNK, 16), jnp.float32),
            pltpu.VMEM((rows_per_tile, 16), jnp.float32),
            pltpu.VMEM_SHARED((n_pad, 16), jnp.float32),
            [pltpu.SemaphoreType.DMA for _ in range(NBUF)],
        ],
        compiler_params=_SC_PARAMS,
    )
    def deg_kernel(ei_hbm, out_hbm, dst_all, ones, zbuf, acc, ssem):
        cid = lax.axis_index("c")
        sid = lax.axis_index("s")
        wid = cid * NS + sid
        base = wid * nch
        xrow = nch * NW + jnp.minimum(wid, n_extra - 1)

        def fill_ones(r, _):
            ones[r, pl.ds(0, 16)] = jnp.ones((16,), jnp.float32)
            return 0

        lax.fori_loop(0, CHUNK, fill_ones, 0)
        _zero_shared(zbuf, acc, rows_per_tile, 16, sid)
        pltpu.sync_copy(ei_hbm.at[1, pl.ds(base, nch)], dst_all.at[pl.ds(0, nch)])
        pltpu.sync_copy(ei_hbm.at[1, pl.ds(xrow, 1)], dst_all.at[pl.ds(nch, 1)])
        plsc.subcore_barrier()

        def outer(o, _):
            for b in range(NBUF):
                i = o * NBUF + b

                @pl.when(o > 0)
                def _wait_prev_scatter():
                    pltpu.make_async_copy(
                        ones, acc.at[dst_all.at[i - NBUF]], ssem[b]
                    ).wait()

                pltpu.async_copy(ones, acc.at[dst_all.at[i]], ssem[b], add=True)
            return 0

        lax.fori_loop(0, nch // NBUF, outer, 0)
        for b in range(NBUF):
            i = nch - NBUF + b
            pltpu.make_async_copy(ones, acc.at[dst_all.at[i]], ssem[b]).wait()

        @pl.when(wid < n_extra)
        def _extra():
            pltpu.sync_copy(ones, acc.at[dst_all.at[nch]], add=True)

        plsc.subcore_barrier()
        tpq = NS // (128 // 16)
        q = sid // tpq
        r0 = (sid % tpq) * rows_per_tile
        pltpu.sync_copy(
            acc.at[pl.ds(sid * rows_per_tile, rows_per_tile)],
            out_hbm.at[cid, pl.ds(r0, rows_per_tile), pl.ds(q * 16, 16)],
        )

    return deg_kernel


def _make_scatter_kernel(n, n_pad, e, d):
    e_rows = e // CHUNK
    nch = e_rows // NW
    n_extra = e_rows - nch * NW
    assert nch % NBUF == 0
    rows_per_tile = n_pad // NS

    scratch_types = [
        pltpu.VMEM((nch + 1, CHUNK), jnp.int32),
        pltpu.VMEM((nch + 1, CHUNK), jnp.int32),
        [pltpu.VMEM((CHUNK, d), jnp.float32) for _ in range(NBUF)],
        pltpu.VMEM((rows_per_tile, d), jnp.float32),
        pltpu.VMEM_SHARED((n_pad, d), jnp.float32),
        [pltpu.SemaphoreType.DMA for _ in range(NBUF)],
        [pltpu.SemaphoreType.DMA for _ in range(NBUF)],
    ]

    @functools.partial(
        pl.kernel,
        out_type=jax.ShapeDtypeStruct((NC, n_pad * d // 128, 128), jnp.float32),
        mesh=_mesh(),
        scratch_types=scratch_types,
        compiler_params=_SC_PARAMS,
    )
    def scatter_kernel(
        g_hbm, ei_hbm, out_hbm,
        src_all, dst_all, rows, zbuf, acc, gsem, ssem,
    ):
        cid = lax.axis_index("c")
        sid = lax.axis_index("s")
        wid = cid * NS + sid
        base = wid * nch
        xrow = nch * NW + jnp.minimum(wid, n_extra - 1)

        _zero_shared(zbuf, acc, rows_per_tile, d, sid)
        pltpu.sync_copy(ei_hbm.at[0, pl.ds(base, nch)], src_all.at[pl.ds(0, nch)])
        pltpu.sync_copy(ei_hbm.at[1, pl.ds(base, nch)], dst_all.at[pl.ds(0, nch)])
        pltpu.sync_copy(ei_hbm.at[0, pl.ds(xrow, 1)], src_all.at[pl.ds(nch, 1)])
        pltpu.sync_copy(ei_hbm.at[1, pl.ds(xrow, 1)], dst_all.at[pl.ds(nch, 1)])
        plsc.subcore_barrier()

        def outer(o, _):
            for b in range(NBUF):
                i = o * NBUF + b

                @pl.when(o > 0)
                def _wait_prev_scatter():
                    pltpu.make_async_copy(
                        rows[b], acc.at[dst_all.at[i - NBUF]], ssem[b]
                    ).wait()

                pltpu.async_copy(g_hbm.at[src_all.at[i]], rows[b], gsem[b])
            for b in range(NBUF):
                i = o * NBUF + b
                pltpu.make_async_copy(
                    g_hbm.at[src_all.at[i]], rows[b], gsem[b]
                ).wait()
                pltpu.async_copy(rows[b], acc.at[dst_all.at[i]], ssem[b], add=True)
            return 0

        lax.fori_loop(0, nch // NBUF, outer, 0)
        for b in range(NBUF):
            i = nch - NBUF + b
            pltpu.make_async_copy(rows[b], acc.at[dst_all.at[i]], ssem[b]).wait()

        @pl.when(wid < n_extra)
        def _extra():
            pltpu.sync_copy(g_hbm.at[src_all.at[nch]], rows[0])
            pltpu.sync_copy(rows[0], acc.at[dst_all.at[nch]], add=True)

        plsc.subcore_barrier()
        tpq = NS // (128 // d)
        q = sid // tpq
        r0 = (sid % tpq) * rows_per_tile
        pltpu.sync_copy(
            acc.at[pl.ds(sid * rows_per_tile, rows_per_tile)],
            out_hbm.at[cid, pl.ds(r0, rows_per_tile), pl.ds(q * d, d)],
        )

    return scatter_kernel



BLK = 2000


def _mm1_body(x_ref, w_ref, h1_ref):
    h1_ref[...] = jnp.dot(x_ref[...], w_ref[...], preferred_element_type=jnp.float32)


def _unpack(p, d, nrows):
    parts = [p[:, :, q * d:(q + 1) * d] for q in range(128 // d)]
    return jnp.concatenate(parts, axis=1)[:, :nrows]


def _scale1_body(h1_ref, degp_ref, g1_ref, dinv_ref):
    dp = _unpack(degp_ref[...], 16, h1_ref.shape[0])
    deg = 1.0 + dp[0, :, 0:1] + dp[1, :, 0:1]
    dinv = lax.rsqrt(deg)
    dinv_ref[...] = dinv
    g1_ref[...] = h1_ref[...] * dinv


def _mid_body(sp_ref, g_ref, dinv_ref, b_ref, w_ref, o_ref):
    nrows, d = g_ref.shape
    p = _unpack(sp_ref[...], d, nrows)
    s = g_ref[...] + p[0] + p[1]
    dinv = dinv_ref[...]
    a = jnp.maximum(s * dinv + b_ref[...], 0.0)
    o_ref[...] = jnp.dot(a, w_ref[...], preferred_element_type=jnp.float32) * dinv


def _out_body(sp_ref, g_ref, dinv_ref, b_ref, wfc_ref, bfc_ref, o_ref):
    nrows, d = g_ref.shape
    p = _unpack(sp_ref[...], d, nrows)
    s = g_ref[...] + p[0] + p[1]
    a = jnp.maximum(s * dinv_ref[...] + b_ref[...], 0.0)
    h = jnp.dot(a, wfc_ref[...], preferred_element_type=jnp.float32) + bfc_ref[...]
    m = jnp.max(h, axis=1, keepdims=True)
    lse = m + jnp.log(jnp.sum(jnp.exp(h - m), axis=1, keepdims=True))
    o_ref[...] = h - lse


def _rows(shape):
    if len(shape) == 2:
        return pl.BlockSpec((BLK, shape[1]), lambda i: (i, 0))
    return pl.BlockSpec((shape[0], BLK, shape[2]), lambda i: (0, i, 0))


def _full(shape):
    return pl.BlockSpec(shape, lambda i: tuple(0 for _ in shape))


def kernel(x, edge_index, W1, b1, W2, b2, Wfc, bfc):
    n, d_in = x.shape
    e = edge_index.shape[1]
    d1 = W1.shape[1]
    d2 = W2.shape[1]
    assert n % BLK == 0
    grid = (n // BLK,)

    f32 = jnp.float32
    n_pad = ((n + 127) // 128) * 128
    ei3 = edge_index.astype(jnp.int32).reshape(2, e // CHUNK, CHUNK)
    degp = _make_deg_kernel(n_pad, e)(ei3)
    h1 = pl.pallas_call(
        _mm1_body,
        grid=grid,
        in_specs=[_rows((n, d_in)), _full((d_in, d1))],
        out_specs=_rows((n, d1)),
        out_shape=jax.ShapeDtypeStruct((n, d1), f32),
    )(x, W1)
    g1, dinv = pl.pallas_call(
        _scale1_body,
        out_shape=(
            jax.ShapeDtypeStruct((n, d1), f32),
            jax.ShapeDtypeStruct((n, 1), f32),
        ),
    )(h1, degp)
    s1p = _make_scatter_kernel(n, n_pad, e, d1)(g1, ei3)
    g2 = pl.pallas_call(
        _mid_body,
        out_shape=jax.ShapeDtypeStruct((n, d2), f32),
    )(s1p, g1, dinv, b1.reshape(1, d1), W2)
    s2p = _make_scatter_kernel(n, n_pad, e, d2)(g2, ei3)
    out = pl.pallas_call(
        _out_body,
        out_shape=jax.ShapeDtypeStruct((n, 2), f32),
    )(s2p, g2, dinv, b2.reshape(1, d2), Wfc, bfc.reshape(1, 2))
    return out

# --- scband reference (transcript-rebuilt; emitter-appended) ---
"""Pipeline reference for scband-gnnmodel-17008070493041 (READ-ONLY COPY).

The authoritative reference and input builder live on the scoring server;
editing this copy changes nothing except your own understanding.
"""

import jax, jax.numpy as jnp
import numpy as np

N = 10000
E = 320000
D_IN = 128


def gcn_conv(x, edge_index, W, b):
    n = x.shape[0]
    loop = jnp.arange(n, dtype=edge_index.dtype)
    src = jnp.concatenate([edge_index[0], loop])
    dst = jnp.concatenate([edge_index[1], loop])
    deg = jnp.zeros((n,), x.dtype).at[dst].add(1.0)
    dinv = jnp.where(deg > 0, jax.lax.rsqrt(jnp.maximum(deg, 1e-12)), 0.0)
    norm = dinv[src] * dinv[dst]
    h = x @ W
    msg = h[src] * norm[:, None]
    out = jnp.zeros((n, W.shape[1]), x.dtype).at[dst].add(msg)
    return out + b


def setup_inputs(seed: int = 0) -> dict:
    key = jax.random.key(seed)
    ks = jax.random.split(key, 9)
    x = jax.random.normal(ks[0], (N, D_IN), dtype=jnp.float32)
    edge_index = jax.random.randint(ks[1], (2, E), 0, N)
    s1 = 1.0 / np.sqrt(D_IN)
    W1 = jax.random.uniform(ks[2], (D_IN, 32), jnp.float32, -s1, s1)
    b1 = jnp.zeros((32,), jnp.float32)
    s2 = 1.0 / np.sqrt(32)
    W2 = jax.random.uniform(ks[3], (32, 16), jnp.float32, -s2, s2)
    b2 = jnp.zeros((16,), jnp.float32)
    s3 = 1.0 / np.sqrt(16)
    Wfc = jax.random.uniform(ks[4], (16, 2), jnp.float32, -s3, s3)
    bfc = jax.random.uniform(ks[5], (2,), jnp.float32, -s3, s3)
    return {"x": x, "edge_index": edge_index, "W1": W1, "b1": b1, "W2": W2, "b2": b2, "Wfc": Wfc, "bfc": bfc}


def reference(x, edge_index, W1, b1, W2, b2, Wfc, bfc):
    h = gcn_conv(x, edge_index, W1, b1)
    h = jax.nn.relu(h)
    h = gcn_conv(h, edge_index, W2, b2)
    h = jax.nn.relu(h)
    h = h @ Wfc + bfc
    return jax.nn.log_softmax(h, axis=1)

if __name__ == "__main__":
    import jax
    _d = setup_inputs()
    print(jax.jit(kernel)(*tuple(_d.values())))

</pallas_src>

<mosaic_0001>
#map = affine_map<(d0, d1) -> (0, 0)>
#map1 = affine_map<(d0, d1) -> (0, 0, 0)>
module attributes {stable_mosaic.version = 14 : i64} {
  func.func @scatter_kernel(%arg0: i32, %arg1: i32, %arg2: memref<10000x32xf32, #tpu.memory_space<hbm>>, %arg3: memref<2x2500x128xi32, #tpu.memory_space<hbm>>, %arg4: memref<2x2528x128xf32, #tpu.memory_space<hbm>>, %arg5: memref<79x128xi32, #tpu.memory_space<vmem>>, %arg6: memref<79x128xi32, #tpu.memory_space<vmem>>, %arg7: memref<128x32xf32, #tpu.memory_space<vmem>>, %arg8: memref<128x32xf32, #tpu.memory_space<vmem>>, %arg9: memref<128x32xf32, #tpu.memory_space<vmem>>, %arg10: memref<128x32xf32, #tpu.memory_space<vmem>>, %arg11: memref<128x32xf32, #tpu.memory_space<vmem>>, %arg12: memref<128x32xf32, #tpu.memory_space<vmem>>, %arg13: memref<128x32xf32, #tpu.memory_space<vmem>>, %arg14: memref<128x32xf32, #tpu.memory_space<vmem>>, %arg15: memref<128x32xf32, #tpu.memory_space<vmem>>, %arg16: memref<128x32xf32, #tpu.memory_space<vmem>>, %arg17: memref<128x32xf32, #tpu.memory_space<vmem>>, %arg18: memref<128x32xf32, #tpu.memory_space<vmem>>, %arg19: memref<128x32xf32, #tpu.memory_space<vmem>>, %arg20: memref<632x32xf32, #tpu.memory_space<vmem>>, %arg21: memref<10112x32xf32, #tpu.memory_space<vmem_shared>>, %arg22: memref<!tpu.dma_semaphore, #tpu.memory_space<semaphore_mem>>, %arg23: memref<!tpu.dma_semaphore, #tpu.memory_space<semaphore_mem>>, %arg24: memref<!tpu.dma_semaphore, #tpu.memory_space<semaphore_mem>>, %arg25: memref<!tpu.dma_semaphore, #tpu.memory_space<semaphore_mem>>, %arg26: memref<!tpu.dma_semaphore, #tpu.memory_space<semaphore_mem>>, %arg27: memref<!tpu.dma_semaphore, #tpu.memory_space<semaphore_mem>>, %arg28: memref<!tpu.dma_semaphore, #tpu.memory_space<semaphore_mem>>, %arg29: memref<!tpu.dma_semaphore, #tpu.memory_space<semaphore_mem>>, %arg30: memref<!tpu.dma_semaphore, #tpu.memory_space<semaphore_mem>>, %arg31: memref<!tpu.dma_semaphore, #tpu.memory_space<semaphore_mem>>, %arg32: memref<!tpu.dma_semaphore, #tpu.memory_space<semaphore_mem>>, %arg33: memref<!tpu.dma_semaphore, #tpu.memory_space<semaphore_mem>>, %arg34: memref<!tpu.dma_semaphore, #tpu.memory_space<semaphore_mem>>, %arg35: memref<!tpu.dma_semaphore, #tpu.memory_space<semaphore_mem>>, %arg36: memref<!tpu.dma_semaphore, #tpu.memory_space<semaphore_mem>>, %arg37: memref<!tpu.dma_semaphore, #tpu.memory_space<semaphore_mem>>, %arg38: memref<!tpu.dma_semaphore, #tpu.memory_space<semaphore_mem>>, %arg39: memref<!tpu.dma_semaphore, #tpu.memory_space<semaphore_mem>>, %arg40: memref<!tpu.dma_semaphore, #tpu.memory_space<semaphore_mem>>, %arg41: memref<!tpu.dma_semaphore, #tpu.memory_space<semaphore_mem>>, %arg42: memref<!tpu.dma_semaphore, #tpu.memory_space<semaphore_mem>>, %arg43: memref<!tpu.dma_semaphore, #tpu.memory_space<semaphore_mem>>, %arg44: memref<!tpu.dma_semaphore, #tpu.memory_space<semaphore_mem>>, %arg45: memref<!tpu.dma_semaphore, #tpu.memory_space<semaphore_mem>>, %arg46: memref<!tpu.dma_semaphore, #tpu.memory_space<semaphore_mem>>, %arg47: memref<!tpu.dma_semaphore, #tpu.memory_space<semaphore_mem>>) attributes {dimension_semantics = [#tpu.dimension_semantics<core_parallel>, #tpu.dimension_semantics<subcore_parallel>], iteration_bounds = array<i64: 2, 16>, scalar_prefetch = 0 : i64, scratch_operands = 43 : i64, tpu.core_type = #tpu.core_type<sc_vector_subcore>, window_params = [{transform_indices = #map}, {transform_indices = #map1}, {transform_indices = #map1}]} {
    %mul3A = arith.constant 16 : i32
    %mul3A_0 = arith.muli %arg0, %mul3A : i32
    %add3A = arith.addi %mul3A_0, %arg1 : i32
    %mul3A_1 = arith.constant 78 : i32
    %mul3A_2 = arith.muli %add3A, %mul3A_1 : i32
    %min3A = arith.constant 3 : i32
    %min3A_3 = arith.minsi %add3A, %min3A : i32
    %add3A_4 = arith.constant 2496 : i32
    %add3A_5 = arith.addi %add3A_4, %min3A_3 : i32
    %scan3A = arith.constant 0 : i32
    %scan3A_6 = arith.constant 0 : i32
    %scan3A_7 = arith.constant 632 : i32
    %scan3A_8 = arith.addi %scan3A_6, %scan3A_7 : i32
    %scan3A_9 = arith.constant 1 : i32
    %scan3A_10 = scf.for %scan3A_154 = %scan3A_6 to %scan3A_8 step %scan3A_9 iter_args(%scan3A_155 = %scan3A) -> (i32)  : i32 {
      %broadcast_in_dim3A = arith.constant 0.000000e+00 : f32
      %broadcast_in_dim3A_156 = vector.broadcast %broadcast_in_dim3A : f32 to vector<16xf32>
      %swap3A = arith.index_cast %scan3A_154 : i32 to index
      %swap3A_157 = arith.constant 0 : index
      %swap3A_158 = tpu.vector_load %arg20[%swap3A, %swap3A_157] {strides = array<i32>} : memref<632x32xf32, #tpu.memory_space<vmem>>, vector<1x16xf32>,
      %swap3A_159 = vector.shape_cast %swap3A_158 : vector<1x16xf32> to vector<16xf32>
      %swap3A_160 = vector.shape_cast %broadcast_in_dim3A_156 : vector<16xf32> to vector<1x16xf32>
      tpu.vector_store %arg20[%swap3A, %swap3A_157], %swap3A_160 {strides = array<i32>} : memref<632x32xf32, #tpu.memory_space<vmem>>, vector<1x16xf32>,
      %broadcast_in_dim3A_161 = arith.constant 0.000000e+00 : f32
      %broadcast_in_dim3A_162 = vector.broadcast %broadcast_in_dim3A_161 : f32 to vector<16xf32>
      %swap3A_163 = arith.index_cast %scan3A_154 : i32 to index
      %swap3A_164 = arith.constant 16 : index
      %swap3A_165 = tpu.vector_load %arg20[%swap3A_163, %swap3A_164] {strides = array<i32>} : memref<632x32xf32, #tpu.memory_space<vmem>>, vector<1x16xf32>,
      %swap3A_166 = vector.shape_cast %swap3A_165 : vector<1x16xf32> to vector<16xf32>
      %swap3A_167 = vector.shape_cast %broadcast_in_dim3A_162 : vector<16xf32> to vector<1x16xf32>
      tpu.vector_store %arg20[%swap3A_163, %swap3A_164], %swap3A_167 {strides = array<i32>} : memref<632x32xf32, #tpu.memory_space<vmem>>, vector<1x16xf32>,
      %scan3A_168 = arith.constant 0 : i32
      scf.yield %scan3A_168 : i32
    }
    %scan3A_11 = arith.constant 632 : i32
    %mul3A_12 = arith.constant 632 : i32
    %mul3A_13 = arith.muli %arg1, %mul3A_12 : i32
    "tpu.region"() ({
      %run_scoped3A_154 = tpu.sem_alloc : memref<!tpu.dma_semaphore, #tpu.memory_space<semaphore_mem>>
      %dma_start3A = arith.constant 0 : i32
      %dma_start3A_155 = tpu.memref_slice %arg21[%mul3A_13, %dma_start3A] : memref<10112x32xf32, #tpu.memory_space<vmem_shared>> -> memref<632x32xf32, #tpu.memory_space<vmem_shared>>
      %dma_start3A_156 = arith.constant 0 : i32
      %dma_start3A_157 = tpu.memref_slice %arg21[%mul3A_13, %dma_start3A_156] : memref<10112x32xf32, #tpu.memory_space<vmem_shared>> -> memref<632x32xf32, #tpu.memory_space<vmem_shared>>
      tpu.enqueue_dma source(%arg20 : memref<632x32xf32, #tpu.memory_space<vmem>>) target(%dma_start3A_157 : memref<632x32xf32, #tpu.memory_space<vmem_shared>>) target_semaphore(%run_scoped3A_154 : memref<!tpu.dma_semaphore, #tpu.memory_space<semaphore_mem>>)
      %dma_wait3A_158 = arith.constant 0 : i32
      %dma_wait3A_159 = tpu.memref_slice %arg21[%mul3A_13, %dma_wait3A_158] : memref<10112x32xf32, #tpu.memory_space<vmem_shared>> -> memref<632x32xf32, #tpu.memory_space<vmem_shared>>
      %dma_wait3A_160 = arith.constant 0 : i32
      %dma_wait3A_161 = tpu.memref_slice %arg21[%mul3A_13, %dma_wait3A_160] : memref<10112x32xf32, #tpu.memory_space<vmem_shared>> -> memref<632x32xf32, #tpu.memory_space<vmem_shared>>
      tpu.wait_dma2 semaphore(%run_scoped3A_154 : memref<!tpu.dma_semaphore, #tpu.memory_space<semaphore_mem>>) src(%arg20 : memref<632x32xf32, #tpu.memory_space<vmem>>) dst(%dma_wait3A_161 : memref<632x32xf32, #tpu.memory_space<vmem_shared>>)
      tpu.yield
    }) : () -> ()
    %run_scoped3A = arith.constant 0 : i32
    "tpu.region"() ({
      %run_scoped3A_154 = tpu.sem_alloc : memref<!tpu.dma_semaphore, #tpu.memory_space<semaphore_mem>>
      %dma_start3A = arith.constant 0 : i32
      %dma_start3A_155 = arith.constant 0 : i32
      %dma_start3A_156 = tpu.memref_slice %arg5[%dma_start3A, %dma_start3A_155] : memref<79x128xi32, #tpu.memory_space<vmem>> -> memref<78x128xi32, #tpu.memory_space<vmem>>
      %dma_start3A_157 = arith.constant 0 : i32
      %dma_start3A_158 = tpu.memref_slice %arg3[%run_scoped3A, %mul3A_2, %dma_start3A_157] : memref<2x2500x128xi32, #tpu.memory_space<hbm>> -> memref<1x78x128xi32, #tpu.memory_space<hbm>>
      %dma_start3A_159 = tpu.memref_squeeze %dma_start3A_158 : memref<1x78x128xi32, #tpu.memory_space<hbm>> -> memref<78x128xi32, #tpu.memory_space<hbm>>
      %dma_start3A_160 = arith.constant 0 : i32
      %dma_start3A_161 = arith.constant 0 : i32
      %dma_start3A_162 = tpu.memref_slice %arg5[%dma_start3A_160, %dma_start3A_161] : memref<79x128xi32, #tpu.memory_space<vmem>> -> memref<78x128xi32, #tpu.memory_space<vmem>>
      %dma_start3A_163 = arith.constant 0 : i32
      %dma_start3A_164 = tpu.memref_slice %arg3[%run_scoped3A, %mul3A_2, %dma_start3A_163] : memref<2x2500x128xi32, #tpu.memory_space<hbm>> -> memref<1x78x128xi32, #tpu.memory_space<hbm>>
      %dma_start3A_165 = tpu.memref_squeeze %dma_start3A_164 : memref<1x78x128xi32, #tpu.memory_space<hbm>> -> memref<78x128xi32, #tpu.memory_space<hbm>>
      tpu.enqueue_dma source(%dma_start3A_165 : memref<78x128xi32, #tpu.memory_space<hbm>>) target(%dma_start3A_162 : memref<78x128xi32, #tpu.memory_space<vmem>>) target_semaphore(%run_scoped3A_154 : memref<!tpu.dma_semaphore, #tpu.memory_space<semaphore_mem>>)
      %dma_wait3A_166 = arith.constant 0 : i32
      %dma_wait3A_167 = arith.constant 0 : i32
      %dma_wait3A_168 = tpu.memref_slice %arg5[%dma_wait3A_166, %dma_wait3A_167] : memref<79x128xi32, #tpu.memory_space<vmem>> -> memref<78x128xi32, #tpu.memory_space<vmem>>
      %dma_wait3A_169 = arith.constant 0 : i32
      %dma_wait3A_170 = tpu.memref_slice %arg3[%run_scoped3A, %mul3A_2, %dma_wait3A_169] : memref<2x2500x128xi32, #tpu.memory_space<hbm>> -> memref<1x78x128xi32, #tpu.memory_space<hbm>>
      %dma_wait3A_171 = tpu.memref_squeeze %dma_wait3A_170 : memref<1x78x128xi32, #tpu.memory_space<hbm>> -> memref<78x128xi32, #tpu.memory_space<hbm>>
      %dma_wait3A_172 = arith.constant 0 : i32
      %dma_wait3A_173 = arith.constant 0 : i32
      %dma_wait3A_174 = tpu.memref_slice %arg5[%dma_wait3A_172, %dma_wait3A_173] : memref<79x128xi32, #tpu.memory_space<vmem>> -> memref<78x128xi32, #tpu.memory_space<vmem>>
      %dma_wait3A_175 = arith.constant 0 : i32
      %dma_wait3A_176 = tpu.memref_slice %arg3[%run_scoped3A, %mul3A_2, %dma_wait3A_175] : memref<2x2500x128xi32, #tpu.memory_space<hbm>> -> memref<1x78x128xi32, #tpu.memory_space<hbm>>
      %dma_wait3A_177 = tpu.memref_squeeze %dma_wait3A_176 : memref<1x78x128xi32, #tpu.memory_space<hbm>> -> memref<78x128xi32, #tpu.memory_space<hbm>>
      tpu.wait_dma2 semaphore(%run_scoped3A_154 : memref<!tpu.dma_semaphore, #tpu.memory_space<semaphore_mem>>) src(%dma_wait3A_177 : memref<78x128xi32, #tpu.memory_space<hbm>>) dst(%dma_wait3A_174 : memref<78x128xi32, #tpu.memory_space<vmem>>)
      tpu.yield
    }) : () -> ()
    %run_scoped3A_14 = arith.constant 1 : i32
    "tpu.region"() ({
      %run_scoped3A_154 = tpu.sem_alloc : memref<!tpu.dma_semaphore, #tpu.memory_space<semaphore_mem>>
      %dma_start3A = arith.constant 0 : i32
      %dma_start3A_155 = arith.constant 0 : i32
      %dma_start3A_156 = tpu.memref_slice %arg6[%dma_start3A, %dma_start3A_155] : memref<79x128xi32, #tpu.memory_space<vmem>> -> memref<78x128xi32, #tpu.memory_space<vmem>>
      %dma_start3A_157 = arith.constant 0 : i32
      %dma_start3A_158 = tpu.memref_slice %arg3[%run_scoped3A_14, %mul3A_2, %dma_start3A_157] : memref<2x2500x128xi32, #tpu.memory_space<hbm>> -> memref<1x78x128xi32, #tpu.memory_space<hbm>>
      %dma_start3A_159 = tpu.memref_squeeze %dma_start3A_158 : memref<1x78x128xi32, #tpu.memory_space<hbm>> -> memref<78x128xi32, #tpu.memory_space<hbm>>
      %dma_start3A_160 = arith.constant 0 : i32
      %dma_start3A_161 = arith.constant 0 : i32
      %dma_start3A_162 = tpu.memref_slice %arg6[%dma_start3A_160, %dma_start3A_161] : memref<79x128xi32, #tpu.memory_space<vmem>> -> memref<78x128xi32, #tpu.memory_space<vmem>>
      %dma_start3A_163 = arith.constant 0 : i32
      %dma_start3A_164 = tpu.memref_slice %arg3[%run_scoped3A_14, %mul3A_2, %dma_start3A_163] : memref<2x2500x128xi32, #tpu.memory_space<hbm>> -> memref<1x78x128xi32, #tpu.memory_space<hbm>>
      %dma_start3A_165 = tpu.memref_squeeze %dma_start3A_164 : memref<1x78x128xi32, #tpu.memory_space<hbm>> -> memref<78x128xi32, #tpu.memory_space<hbm>>
      tpu.enqueue_dma source(%dma_start3A_165 : memref<78x128xi32, #tpu.memory_space<hbm>>) target(%dma_start3A_162 : memref<78x128xi32, #tpu.memory_space<vmem>>) target_semaphore(%run_scoped3A_154 : memref<!tpu.dma_semaphore, #tpu.memory_space<semaphore_mem>>)
      %dma_wait3A_166 = arith.constant 0 : i32
      %dma_wait3A_167 = arith.constant 0 : i32
      %dma_wait3A_168 = tpu.memref_slice %arg6[%dma_wait3A_166, %dma_wait3A_167] : memref<79x128xi32, #tpu.memory_space<vmem>> -> memref<78x128xi32, #tpu.memory_space<vmem>>
      %dma_wait3A_169 = arith.constant 0 : i32
      %dma_wait3A_170 = tpu.memref_slice %arg3[%run_scoped3A_14, %mul3A_2, %dma_wait3A_169] : memref<2x2500x128xi32, #tpu.memory_space<hbm>> -> memref<1x78x128xi32, #tpu.memory_space<hbm>>
      %dma_wait3A_171 = tpu.memref_squeeze %dma_wait3A_170 : memref<1x78x128xi32, #tpu.memory_space<hbm>> -> memref<78x128xi32, #tpu.memory_space<hbm>>
      %dma_wait3A_172 = arith.constant 0 : i32
      %dma_wait3A_173 = arith.constant 0 : i32
      %dma_wait3A_174 = tpu.memref_slice %arg6[%dma_wait3A_172, %dma_wait3A_173] : memref<79x128xi32, #tpu.memory_space<vmem>> -> memref<78x128xi32, #tpu.memory_space<vmem>>
      %dma_wait3A_175 = arith.constant 0 : i32
      %dma_wait3A_176 = tpu.memref_slice %arg3[%run_scoped3A_14, %mul3A_2, %dma_wait3A_175] : memref<2x2500x128xi32, #tpu.memory_space<hbm>> -> memref<1x78x128xi32, #tpu.memory_space<hbm>>
      %dma_wait3A_177 = tpu.memref_squeeze %dma_wait3A_176 : memref<1x78x128xi32, #tpu.memory_space<hbm>> -> memref<78x128xi32, #tpu.memory_space<hbm>>
      tpu.wait_dma2 semaphore(%run_scoped3A_154 : memref<!tpu.dma_semaphore, #tpu.memory_space<semaphore_mem>>) src(%dma_wait3A_177 : memref<78x128xi32, #tpu.memory_space<hbm>>) dst(%dma_wait3A_174 : memref<78x128xi32, #tpu.memory_space<vmem>>)
      tpu.yield
    }) : () -> ()
    %run_scoped3A_15 = arith.constant 0 : i32
    "tpu.region"() ({
      %run_scoped3A_154 = tpu.sem_alloc : memref<!tpu.dma_semaphore, #tpu.memory_space<semaphore_mem>>
      %dma_start3A = arith.constant 78 : i32
      %dma_start3A_155 = arith.constant 0 : i32
      %dma_start3A_156 = tpu.memref_slice %arg5[%dma_start3A, %dma_start3A_155] : memref<79x128xi32, #tpu.memory_space<vmem>> -> memref<1x128xi32, #tpu.memory_space<vmem>>
      %dma_start3A_157 = arith.constant 0 : i32
      %dma_start3A_158 = tpu.memref_slice %arg3[%run_scoped3A_15, %add3A_5, %dma_start3A_157] : memref<2x2500x128xi32, #tpu.memory_space<hbm>> -> memref<1x1x128xi32, #tpu.memory_space<hbm>>
      %dma_start3A_159 = tpu.memref_squeeze %dma_start3A_158 : memref<1x1x128xi32, #tpu.memory_space<hbm>> -> memref<1x128xi32, #tpu.memory_space<hbm>>
      %dma_start3A_160 = arith.constant 78 : i32
      %dma_start3A_161 = arith.constant 0 : i32
      %dma_start3A_162 = tpu.memref_slice %arg5[%dma_start3A_160, %dma_start3A_161] : memref<79x128xi32, #tpu.memory_space<vmem>> -> memref<1x128xi32, #tpu.memory_space<vmem>>
      %dma_start3A_163 = arith.constant 0 : i32
      %dma_start3A_164 = tpu.memref_slice %arg3[%run_scoped3A_15, %add3A_5, %dma_start3A_163] : memref<2x2500x128xi32, #tpu.memory_space<hbm>> -> memref<1x1x128xi32, #tpu.memory_space<hbm>>
      %dma_start3A_165 = tpu.memref_squeeze %dma_start3A_164 : memref<1x1x128xi32, #tpu.memory_space<hbm>> -> memref<1x128xi32, #tpu.memory_space<hbm>>
      tpu.enqueue_dma source(%dma_start3A_165 : memref<1x128xi32, #tpu.memory_space<hbm>>) target(%dma_start3A_162 : memref<1x128xi32, #tpu.memory_space<vmem>>) target_semaphore(%run_scoped3A_154 : memref<!tpu.dma_semaphore, #tpu.memory_space<semaphore_mem>>)
      %dma_wait3A_166 = arith.constant 78 : i32
      %dma_wait3A_167 = arith.constant 0 : i32
      %dma_wait3A_168 = tpu.memref_slice %arg5[%dma_wait3A_166, %dma_wait3A_167] : memref<79x128xi32, #tpu.memory_space<vmem>> -> memref<1x128xi32, #tpu.memory_space<vmem>>
      %dma_wait3A_169 = arith.constant 0 : i32
      %dma_wait3A_170 = tpu.memref_slice %arg3[%run_scoped3A_15, %add3A_5, %dma_wait3A_169] : memref<2x2500x128xi32, #tpu.memory_space<hbm>> -> memref<1x1x128xi32, #tpu.memory_space<hbm>>
      %dma_wait3A_171 = tpu.memref_squeeze %dma_wait3A_170 : memref<1x1x128xi32, #tpu.memory_space<hbm>> -> memref<1x128xi32, #tpu.memory_space<hbm>>
      %dma_wait3A_172 = arith.constant 78 : i32
      %dma_wait3A_173 = arith.constant 0 : i32
      %dma_wait3A_174 = tpu.memref_slice %arg5[%dma_wait3A_172, %dma_wait3A_173] : memref<79x128xi32, #tpu.memory_space<vmem>> -> memref<1x128xi32, #tpu.memory_space<vmem>>
      %dma_wait3A_175 = arith.constant 0 : i32
      %dma_wait3A_176 = tpu.memref_slice %arg3[%run_scoped3A_15, %add3A_5, %dma_wait3A_175] : memref<2x2500x128xi32, #tpu.memory_space<hbm>> -> memref<1x1x128xi32, #tpu.memory_space<hbm>>
      %dma_wait3A_177 = tpu.memref_squeeze %dma_wait3A_176 : memref<1x1x128xi32, #tpu.memory_space<hbm>> -> memref<1x128xi32, #tpu.memory_space<hbm>>
      tpu.wait_dma2 semaphore(%run_scoped3A_154 : memref<!tpu.dma_semaphore, #tpu.memory_space<semaphore_mem>>) src(%dma_wait3A_177 : memref<1x128xi32, #tpu.memory_space<hbm>>) dst(%dma_wait3A_174 : memref<1x128xi32, #tpu.memory_space<vmem>>)
      tpu.yield
    }) : () -> ()
    %run_scoped3A_16 = arith.constant 1 : i32
    "tpu.region"() ({
      %run_scoped3A_154 = tpu.sem_alloc : memref<!tpu.dma_semaphore, #tpu.memory_space<semaphore_mem>>
      %dma_start3A = arith.constant 78 : i32
      %dma_start3A_155 = arith.constant 0 : i32
      %dma_start3A_156 = tpu.memref_slice %arg6[%dma_start3A, %dma_start3A_155] : memref<79x128xi32, #tpu.memory_space<vmem>> -> memref<1x128xi32, #tpu.memory_space<vmem>>
      %dma_start3A_157 = arith.constant 0 : i32
      %dma_start3A_158 = tpu.memref_slice %arg3[%run_scoped3A_16, %add3A_5, %dma_start3A_157] : memref<2x2500x128xi32, #tpu.memory_space<hbm>> -> memref<1x1x128xi32, #tpu.memory_space<hbm>>
      %dma_start3A_159 = tpu.memref_squeeze %dma_start3A_158 : memref<1x1x128xi32, #tpu.memory_space<hbm>> -> memref<1x128xi32, #tpu.memory_space<hbm>>
      %dma_start3A_160 = arith.constant 78 : i32
      %dma_start3A_161 = arith.constant 0 : i32
      %dma_start3A_162 = tpu.memref_slice %arg6[%dma_start3A_160, %dma_start3A_161] : memref<79x128xi32, #tpu.memory_space<vmem>> -> memref<1x128xi32, #tpu.memory_space<vmem>>
      %dma_start3A_163 = arith.constant 0 : i32
      %dma_start3A_164 = tpu.memref_slice %arg3[%run_scoped3A_16, %add3A_5, %dma_start3A_163] : memref<2x2500x128xi32, #tpu.memory_space<hbm>> -> memref<1x1x128xi32, #tpu.memory_space<hbm>>
      %dma_start3A_165 = tpu.memref_squeeze %dma_start3A_164 : memref<1x1x128xi32, #tpu.memory_space<hbm>> -> memref<1x128xi32, #tpu.memory_space<hbm>>
      tpu.enqueue_dma source(%dma_start3A_165 : memref<1x128xi32, #tpu.memory_space<hbm>>) target(%dma_start3A_162 : memref<1x128xi32, #tpu.memory_space<vmem>>) target_semaphore(%run_scoped3A_154 : memref<!tpu.dma_semaphore, #tpu.memory_space<semaphore_mem>>)
      %dma_wait3A_166 = arith.constant 78 : i32
      %dma_wait3A_167 = arith.constant 0 : i32
      %dma_wait3A_168 = tpu.memref_slice %arg6[%dma_wait3A_166, %dma_wait3A_167] : memref<79x128xi32, #tpu.memory_space<vmem>> -> memref<1x128xi32, #tpu.memory_space<vmem>>
      %dma_wait3A_169 = arith.constant 0 : i32
      %dma_wait3A_170 = tpu.memref_slice %arg3[%run_scoped3A_16, %add3A_5, %dma_wait3A_169] : memref<2x2500x128xi32, #tpu.memory_space<hbm>> -> memref<1x1x128xi32, #tpu.memory_space<hbm>>
      %dma_wait3A_171 = tpu.memref_squeeze %dma_wait3A_170 : memref<1x1x128xi32, #tpu.memory_space<hbm>> -> memref<1x128xi32, #tpu.memory_space<hbm>>
      %dma_wait3A_172 = arith.constant 78 : i32
      %dma_wait3A_173 = arith.constant 0 : i32
      %dma_wait3A_174 = tpu.memref_slice %arg6[%dma_wait3A_172, %dma_wait3A_173] : memref<79x128xi32, #tpu.memory_space<vmem>> -> memref<1x128xi32, #tpu.memory_space<vmem>>
      %dma_wait3A_175 = arith.constant 0 : i32
      %dma_wait3A_176 = tpu.memref_slice %arg3[%run_scoped3A_16, %add3A_5, %dma_wait3A_175] : memref<2x2500x128xi32, #tpu.memory_space<hbm>> -> memref<1x1x128xi32, #tpu.memory_space<hbm>>
      %dma_wait3A_177 = tpu.memref_squeeze %dma_wait3A_176 : memref<1x1x128xi32, #tpu.memory_space<hbm>> -> memref<1x128xi32, #tpu.memory_space<hbm>>
      tpu.wait_dma2 semaphore(%run_scoped3A_154 : memref<!tpu.dma_semaphore, #tpu.memory_space<semaphore_mem>>) src(%dma_wait3A_177 : memref<1x128xi32, #tpu.memory_space<hbm>>) dst(%dma_wait3A_174 : memref<1x128xi32, #tpu.memory_space<vmem>>)
      tpu.yield
    }) : () -> ()
    %barrier3A = arith.constant 0 : index
    tpu.barrier barrier_id(%barrier3A)
    %scan3A_17 = arith.constant 0 : i32
    %scan3A_18 = arith.constant 0 : i32
    %scan3A_19 = arith.constant 6 : i32
    %scan3A_20 = arith.addi %scan3A_18, %scan3A_19 : i32
    %scan3A_21 = arith.constant 1 : i32
    %scan3A_22 = scf.for %scan3A_154 = %scan3A_18 to %scan3A_20 step %scan3A_21 iter_args(%scan3A_155 = %scan3A_17) -> (i32)  : i32 {
      %mul3A_156 = arith.constant 13 : i32
      %mul3A_157 = arith.muli %scan3A_154, %mul3A_156 : i32
      %add3A_158 = arith.constant 0 : i32
      %add3A_159 = arith.addi %mul3A_157, %add3A_158 : i32
      %gt3A = arith.constant 0 : i32
      %gt3A_160 = arith.cmpi sgt, %scan3A_154, %gt3A : i32
      %convert_element_type3A_161 = arith.extui %gt3A_160 : i1 to i32
      %cond3A_162 = arith.constant 0 : i32
      %cond3A_163 = arith.cmpi ne, %convert_element_type3A_161, %cond3A_162 : i32
      scf.if %cond3A_163 {
        %sub3A_558 = arith.constant 13 : i32
        %sub3A_559 = arith.subi %add3A_159, %sub3A_558 : i32
        %dma_wait3A_560 = arith.constant 0 : i32
        %dma_wait3A_561 = tpu.memref_slice %arg6[%sub3A_559, %dma_wait3A_560] : memref<79x128xi32, #tpu.memory_space<vmem>> -> memref<1x128xi32, #tpu.memory_space<vmem>>
        %dma_wait3A_562 = tpu.memref_squeeze %dma_wait3A_561 : memref<1x128xi32, #tpu.memory_space<vmem>> -> memref<128xi32, #tpu.memory_space<vmem>>
        %dma_wait3A_563 = arith.constant 0 : i32
        %dma_wait3A_564 = arith.constant 0 : i32
        %dma_wait3A_565 = tpu.memref_slice %arg21[%dma_wait3A_563, %dma_wait3A_564] : memref<10112x32xf32, #tpu.memory_space<vmem_shared>> -> memref<10112x32xf32, #tpu.memory_space<vmem_shared>>
        tpu.wait_indirect_dma semaphore(%arg35 : memref<!tpu.dma_semaphore, #tpu.memory_space<semaphore_mem>>) src(%arg7 : memref<128x32xf32, #tpu.memory_space<vmem>>) dst(%dma_wait3A_565 : memref<10112x32xf32, #tpu.memory_space<vmem_shared>>)
      } else {
      }
      %dma_start3A = arith.constant 0 : i32
      %dma_start3A_164 = tpu.memref_slice %arg5[%add3A_159, %dma_start3A] : memref<79x128xi32, #tpu.memory_space<vmem>> -> memref<1x128xi32, #tpu.memory_space<vmem>>
      %dma_start3A_165 = tpu.memref_squeeze %dma_start3A_164 : memref<1x128xi32, #tpu.memory_space<vmem>> -> memref<128xi32, #tpu.memory_space<vmem>>
      %dma_start3A_166 = arith.constant 0 : i32
      %dma_start3A_167 = arith.constant 0 : i32
      %dma_start3A_168 = tpu.memref_slice %arg2[%dma_start3A_166, %dma_start3A_167] : memref<10000x32xf32, #tpu.memory_space<hbm>> -> memref<10000x32xf32, #tpu.memory_space<hbm>>
      tpu.enqueue_indirect_dma source(%dma_start3A_168 : memref<10000x32xf32, #tpu.memory_space<hbm>>) target(%arg7 : memref<128x32xf32, #tpu.memory_space<vmem>>) offsets(%dma_start3A_165 : memref<128xi32, #tpu.memory_space<vmem>>) semaphore(%arg22 : memref<!tpu.dma_semaphore, #tpu.memory_space<semaphore_mem>>)
      %mul3A_169 = arith.constant 13 : i32
      %mul3A_170 = arith.muli %scan3A_154, %mul3A_169 : i32
      %add3A_171 = arith.constant 1 : i32
      %add3A_172 = arith.addi %mul3A_170, %add3A_171 : i32
      %gt3A_173 = arith.constant 0 : i32
      %gt3A_174 = arith.cmpi sgt, %scan3A_154, %gt3A_173 : i32
      %convert_element_type3A_175 = arith.extui %gt3A_174 : i1 to i32
      %cond3A_176 = arith.constant 0 : i32
      %cond3A_177 = arith.cmpi ne, %convert_element_type3A_175, %cond3A_176 : i32
      scf.if %cond3A_177 {
        %sub3A_558 = arith.constant 13 : i32
        %sub3A_559 = arith.subi %add3A_172, %sub3A_558 : i32
        %dma_wait3A_560 = arith.constant 0 : i32
        %dma_wait3A_561 = tpu.memref_slice %arg6[%sub3A_559, %dma_wait3A_560] : memref<79x128xi32, #tpu.memory_space<vmem>> -> memref<1x128xi32, #tpu.memory_space<vmem>>
        %dma_wait3A_562 = tpu.memref_squeeze %dma_wait3A_561 : memref<1x128xi32, #tpu.memory_space<vmem>> -> memref<128xi32, #tpu.memory_space<vmem>>
        %dma_wait3A_563 = arith.constant 0 : i32
        %dma_wait3A_564 = arith.constant 0 : i32
        %dma_wait3A_565 = tpu.memref_slice %arg21[%dma_wait3A_563, %dma_wait3A_564] : memref<10112x32xf32, #tpu.memory_space<vmem_shared>> -> memref<10112x32xf32, #tpu.memory_space<vmem_shared>>
        tpu.wait_indirect_dma semaphore(%arg36 : memref<!tpu.dma_semaphore, #tpu.memory_space<semaphore_mem>>) src(%arg8 : memref<128x32xf32, #tpu.memory_space<vmem>>) dst(%dma_wait3A_565 : memref<10112x32xf32, #tpu.memory_space<vmem_shared>>)
      } else {
      }
      %dma_start3A_178 = arith.constant 0 : i32
      %dma_start3A_179 = tpu.memref_slice %arg5[%add3A_172, %dma_start3A_178] : memref<79x128xi32, #tpu.memory_space<vmem>> -> memref<1x128xi32, #tpu.memory_space<vmem>>
      %dma_start3A_180 = tpu.memref_squeeze %dma_start3A_179 : memref<1x128xi32, #tpu.memory_space<vmem>> -> memref<128xi32, #tpu.memory_space<vmem>>
      %dma_start3A_181 = arith.constant 0 : i32
      %dma_start3A_182 = arith.constant 0 : i32
      %dma_start3A_183 = tpu.memref_slice %arg2[%dma_start3A_181, %dma_start3A_182] : memref<10000x32xf32, #tpu.memory_space<hbm>> -> memref<10000x32xf32, #tpu.memory_space<hbm>>
      tpu.enqueue_indirect_dma source(%dma_start3A_183 : memref<10000x32xf32, #tpu.memory_space<hbm>>) target(%arg8 : memref<128x32xf32, #tpu.memory_space<vmem>>) offsets(%dma_start3A_180 : memref<128xi32, #tpu.memory_space<vmem>>) semaphore(%arg23 : memref<!tpu.dma_semaphore, #tpu.memory_space<semaphore_mem>>)
      %mul3A_184 = arith.constant 13 : i32
      %mul3A_185 = arith.muli %scan3A_154, %mul3A_184 : i32
      %add3A_186 = arith.constant 2 : i32
      %add3A_187 = arith.addi %mul3A_185, %add3A_186 : i32
      %gt3A_188 = arith.constant 0 : i32
      %gt3A_189 = arith.cmpi sgt, %scan3A_154, %gt3A_188 : i32
      %convert_element_type3A_190 = arith.extui %gt3A_189 : i1 to i32
      %cond3A_191 = arith.constant 0 : i32
      %cond3A_192 = arith.cmpi ne, %convert_element_type3A_190, %cond3A_191 : i32
      scf.if %cond3A_192 {
        %sub3A_558 = arith.constant 13 : i32
        %sub3A_559 = arith.subi %add3A_187, %sub3A_558 : i32
        %dma_wait3A_560 = arith.constant 0 : i32
        %dma_wait3A_561 = tpu.memref_slice %arg6[%sub3A_559, %dma_wait3A_560] : memref<79x128xi32, #tpu.memory_space<vmem>> -> memref<1x128xi32, #tpu.memory_space<vmem>>
        %dma_wait3A_562 = tpu.memref_squeeze %dma_wait3A_561 : memref<1x128xi32, #tpu.memory_space<vmem>> -> memref<128xi32, #tpu.memory_space<vmem>>
        %dma_wait3A_563 = arith.constant 0 : i32
        %dma_wait3A_564 = arith.constant 0 : i32
        %dma_wait3A_565 = tpu.memref_slice %arg21[%dma_wait3A_563, %dma_wait3A_564] : memref<10112x32xf32, #tpu.memory_space<vmem_shared>> -> memref<10112x32xf32, #tpu.memory_space<vmem_shared>>
        tpu.wait_indirect_dma semaphore(%arg37 : memref<!tpu.dma_semaphore, #tpu.memory_space<semaphore_mem>>) src(%arg9 : memref<128x32xf32, #tpu.memory_space<vmem>>) dst(%dma_wait3A_565 : memref<10112x32xf32, #tpu.memory_space<vmem_shared>>)
      } else {
      }
      %dma_start3A_193 = arith.constant 0 : i32
      %dma_start3A_194 = tpu.memref_slice %arg5[%add3A_187, %dma_start3A_193] : memref<79x128xi32, #tpu.memory_space<vmem>> -> memref<1x128xi32, #tpu.memory_space<vmem>>
      %dma_start3A_195 = tpu.memref_squeeze %dma_start3A_194 : memref<1x128xi32, #tpu.memory_space<vmem>> -> memref<128xi32, #tpu.memory_space<vmem>>
      %dma_start3A_196 = arith.constant 0 : i32
      %dma_start3A_197 = arith.constant 0 : i32
      %dma_start3A_198 = tpu.memref_slice %arg2[%dma_start3A_196, %dma_start3A_197] : memref<10000x32xf32, #tpu.memory_space<hbm>> -> memref<10000x32xf32, #tpu.memory_space<hbm>>
      tpu.enqueue_indirect_dma source(%dma_start3A_198 : memref<10000x32xf32, #tpu.memory_space<hbm>>) target(%arg9 : memref<128x32xf32, #tpu.memory_space<vmem>>) offsets(%dma_start3A_195 : memref<128xi32, #tpu.memory_space<vmem>>) semaphore(%arg24 : memref<!tpu.dma_semaphore, #tpu.memory_space<semaphore_mem>>)
      %mul3A_199 = arith.constant 13 : i32
      %mul3A_200 = arith.muli %scan3A_154, %mul3A_199 : i32
      %add3A_201 = arith.constant 3 : i32
      %add3A_202 = arith.addi %mul3A_200, %add3A_201 : i32
      %gt3A_203 = arith.constant 0 : i32
      %gt3A_204 = arith.cmpi sgt, %scan3A_154, %gt3A_203 : i32
      %convert_element_type3A_205 = arith.extui %gt3A_204 : i1 to i32
      %cond3A_206 = arith.constant 0 : i32
      %cond3A_207 = arith.cmpi ne, %convert_element_type3A_205, %cond3A_206 : i32
      scf.if %cond3A_207 {
        %sub3A_558 = arith.constant 13 : i32
        %sub3A_559 = arith.subi %add3A_202, %sub3A_558 : i32
        %dma_wait3A_560 = arith.constant 0 : i32
        %dma_wait3A_561 = tpu.memref_slice %arg6[%sub3A_559, %dma_wait3A_560] : memref<79x128xi32, #tpu.memory_space<vmem>> -> memref<1x128xi32, #tpu.memory_space<vmem>>
        %dma_wait3A_562 = tpu.memref_squeeze %dma_wait3A_561 : memref<1x128xi32, #tpu.memory_space<vmem>> -> memref<128xi32, #tpu.memory_space<vmem>>
        %dma_wait3A_563 = arith.constant 0 : i32
        %dma_wait3A_564 = arith.constant 0 : i32
        %dma_wait3A_565 = tpu.memref_slice %arg21[%dma_wait3A_563, %dma_wait3A_564] : memref<10112x32xf32, #tpu.memory_space<vmem_shared>> -> memref<10112x32xf32, #tpu.memory_space<vmem_shared>>
        tpu.wait_indirect_dma semaphore(%arg38 : memref<!tpu.dma_semaphore, #tpu.memory_space<semaphore_mem>>) src(%arg10 : memref<128x32xf32, #tpu.memory_space<vmem>>) dst(%dma_wait3A_565 : memref<10112x32xf32, #tpu.memory_space<vmem_shared>>)
      } else {
      }
      %dma_start3A_208 = arith.constant 0 : i32
      %dma_start3A_209 = tpu.memref_slice %arg5[%add3A_202, %dma_start3A_208] : memref<79x128xi32, #tpu.memory_space<vmem>> -> memref<1x128xi32, #tpu.memory_space<vmem>>
      %dma_start3A_210 = tpu.memref_squeeze %dma_start3A_209 : memref<1x128xi32, #tpu.memory_space<vmem>> -> memref<128xi32, #tpu.memory_space<vmem>>
      %dma_start3A_211 = arith.constant 0 : i32
      %dma_start3A_212 = arith.constant 0 : i32
      %dma_start3A_213 = tpu.memref_slice %arg2[%dma_start3A_211, %dma_start3A_212] : memref<10000x32xf32, #tpu.memory_space<hbm>> -> memref<10000x32xf32, #tpu.memory_space<hbm>>
      tpu.enqueue_indirect_dma source(%dma_start3A_213 : memref<10000x32xf32, #tpu.memory_space<hbm>>) target(%arg10 : memref<128x32xf32, #tpu.memory_space<vmem>>) offsets(%dma_start3A_210 : memref<128xi32, #tpu.memory_space<vmem>>) semaphore(%arg25 : memref<!tpu.dma_semaphore, #tpu.memory_space<semaphore_mem>>)
      %mul3A_214 = arith.constant 13 : i32
      %mul3A_215 = arith.muli %scan3A_154, %mul3A_214 : i32
      %add3A_216 = arith.constant 4 : i32
      %add3A_217 = arith.addi %mul3A_215, %add3A_216 : i32
      %gt3A_218 = arith.constant 0 : i32
      %gt3A_219 = arith.cmpi sgt, %scan3A_154, %gt3A_218 : i32
      %convert_element_type3A_220 = arith.extui %gt3A_219 : i1 to i32
      %cond3A_221 = arith.constant 0 : i32
      %cond3A_222 = arith.cmpi ne, %convert_element_type3A_220, %cond3A_221 : i32
      scf.if %cond3A_222 {
        %sub3A_558 = arith.constant 13 : i32
        %sub3A_559 = arith.subi %add3A_217, %sub3A_558 : i32
        %dma_wait3A_560 = arith.constant 0 : i32
        %dma_wait3A_561 = tpu.memref_slice %arg6[%sub3A_559, %dma_wait3A_560] : memref<79x128xi32, #tpu.memory_space<vmem>> -> memref<1x128xi32, #tpu.memory_space<vmem>>
        %dma_wait3A_562 = tpu.memref_squeeze %dma_wait3A_561 : memref<1x128xi32, #tpu.memory_space<vmem>> -> memref<128xi32, #tpu.memory_space<vmem>>
        %dma_wait3A_563 = arith.constant 0 : i32
        %dma_wait3A_564 = arith.constant 0 : i32
        %dma_wait3A_565 = tpu.memref_slice %arg21[%dma_wait3A_563, %dma_wait3A_564] : memref<10112x32xf32, #tpu.memory_space<vmem_shared>> -> memref<10112x32xf32, #tpu.memory_space<vmem_shared>>
        tpu.wait_indirect_dma semaphore(%arg39 : memref<!tpu.dma_semaphore, #tpu.memory_space<semaphore_mem>>) src(%arg11 : memref<128x32xf32, #tpu.memory_space<vmem>>) dst(%dma_wait3A_565 : memref<10112x32xf32, #tpu.memory_space<vmem_shared>>)
      } else {
      }
      %dma_start3A_223 = arith.constant 0 : i32
      %dma_start3A_224 = tpu.memref_slice %arg5[%add3A_217, %dma_start3A_223] : memref<79x128xi32, #tpu.memory_space<vmem>> -> memref<1x128xi32, #tpu.memory_space<vmem>>
      %dma_start3A_225 = tpu.memref_squeeze %dma_start3A_224 : memref<1x128xi32, #tpu.memory_space<vmem>> -> memref<128xi32, #tpu.memory_space<vmem>>
      %dma_start3A_226 = arith.constant 0 : i32
      %dma_start3A_227 = arith.constant 0 : i32
      %dma_start3A_228 = tpu.memref_slice %arg2[%dma_start3A_226, %dma_start3A_227] : memref<10000x32xf32, #tpu.memory_space<hbm>> -> memref<10000x32xf32, #tpu.memory_space<hbm>>
      tpu.enqueue_indirect_dma source(%dma_start3A_228 : memref<10000x32xf32, #tpu.memory_space<hbm>>) target(%arg11 : memref<128x32xf32, #tpu.memory_space<vmem>>) offsets(%dma_start3A_225 : memref<128xi32, #tpu.memory_space<vmem>>) semaphore(%arg26 : memref<!tpu.dma_semaphore, #tpu.memory_space<semaphore_mem>>)
      %mul3A_229 = arith.constant 13 : i32
      %mul3A_230 = arith.muli %scan3A_154, %mul3A_229 : i32
      %add3A_231 = arith.constant 5 : i32
      %add3A_232 = arith.addi %mul3A_230, %add3A_231 : i32
      %gt3A_233 = arith.constant 0 : i32
      %gt3A_234 = arith.cmpi sgt, %scan3A_154, %gt3A_233 : i32
      %convert_element_type3A_235 = arith.extui %gt3A_234 : i1 to i32
      %cond3A_236 = arith.constant 0 : i32
      %cond3A_237 = arith.cmpi ne, %convert_element_type3A_235, %cond3A_236 : i32
      scf.if %cond3A_237 {
        %sub3A_558 = arith.constant 13 : i32
        %sub3A_559 = arith.subi %add3A_232, %sub3A_558 : i32
        %dma_wait3A_560 = arith.constant 0 : i32
        %dma_wait3A_561 = tpu.memref_slice %arg6[%sub3A_559, %dma_wait3A_560] : memref<79x128xi32, #tpu.memory_space<vmem>> -> memref<1x128xi32, #tpu.memory_space<vmem>>
        %dma_wait3A_562 = tpu.memref_squeeze %dma_wait3A_561 : memref<1x128xi32, #tpu.memory_space<vmem>> -> memref<128xi32, #tpu.memory_space<vmem>>
        %dma_wait3A_563 = arith.constant 0 : i32
        %dma_wait3A_564 = arith.constant 0 : i32
        %dma_wait3A_565 = tpu.memref_slice %arg21[%dma_wait3A_563, %dma_wait3A_564] : memref<10112x32xf32, #tpu.memory_space<vmem_shared>> -> memref<10112x32xf32, #tpu.memory_space<vmem_shared>>
        tpu.wait_indirect_dma semaphore(%arg40 : memref<!tpu.dma_semaphore, #tpu.memory_space<semaphore_mem>>) src(%arg12 : memref<128x32xf32, #tpu.memory_space<vmem>>) dst(%dma_wait3A_565 : memref<10112x32xf32, #tpu.memory_space<vmem_shared>>)
      } else {
      }
      %dma_start3A_238 = arith.constant 0 : i32
      %dma_start3A_239 = tpu.memref_slice %arg5[%add3A_232, %dma_start3A_238] : memref<79x128xi32, #tpu.memory_space<vmem>> -> memref<1x128xi32, #tpu.memory_space<vmem>>
      %dma_start3A_240 = tpu.memref_squeeze %dma_start3A_239 : memref<1x128xi32, #tpu.memory_space<vmem>> -> memref<128xi32, #tpu.memory_space<vmem>>
      %dma_start3A_241 = arith.constant 0 : i32
      %dma_start3A_242 = arith.constant 0 : i32
      %dma_start3A_243 = tpu.memref_slice %arg2[%dma_start3A_241, %dma_start3A_242] : memref<10000x32xf32, #tpu.memory_space<hbm>> -> memref<10000x32xf32, #tpu.memory_space<hbm>>
      tpu.enqueue_indirect_dma source(%dma_start3A_243 : memref<10000x32xf32, #tpu.memory_space<hbm>>) target(%arg12 : memref<128x32xf32, #tpu.memory_space<vmem>>) offsets(%dma_start3A_240 : memref<128xi32, #tpu.memory_space<vmem>>) semaphore(%arg27 : memref<!tpu.dma_semaphore, #tpu.memory_space<semaphore_mem>>)
      %mul3A_244 = arith.constant 13 : i32
      %mul3A_245 = arith.muli %scan3A_154, %mul3A_244 : i32
      %add3A_246 = arith.constant 6 : i32
      %add3A_247 = arith.addi %mul3A_245, %add3A_246 : i32
      %gt3A_248 = arith.constant 0 : i32
      %gt3A_249 = arith.cmpi sgt, %scan3A_154, %gt3A_248 : i32
      %convert_element_type3A_250 = arith.extui %gt3A_249 : i1 to i32
      %cond3A_251 = arith.constant 0 : i32
      %cond3A_252 = arith.cmpi ne, %convert_element_type3A_250, %cond3A_251 : i32
      scf.if %cond3A_252 {
        %sub3A_558 = arith.constant 13 : i32
        %sub3A_559 = arith.subi %add3A_247, %sub3A_558 : i32
        %dma_wait3A_560 = arith.constant 0 : i32
        %dma_wait3A_561 = tpu.memref_slice %arg6[%sub3A_559, %dma_wait3A_560] : memref<79x128xi32, #tpu.memory_space<vmem>> -> memref<1x128xi32, #tpu.memory_space<vmem>>
        %dma_wait3A_562 = tpu.memref_squeeze %dma_wait3A_561 : memref<1x128xi32, #tpu.memory_space<vmem>> -> memref<128xi32, #tpu.memory_space<vmem>>
        %dma_wait3A_563 = arith.constant 0 : i32
        %dma_wait3A_564 = arith.constant 0 : i32
        %dma_wait3A_565 = tpu.memref_slice %arg21[%dma_wait3A_563, %dma_wait3A_564] : memref<10112x32xf32, #tpu.memory_space<vmem_shared>> -> memref<10112x32xf32, #tpu.memory_space<vmem_shared>>
        tpu.wait_indirect_dma semaphore(%arg41 : memref<!tpu.dma_semaphore, #tpu.memory_space<semaphore_mem>>) src(%arg13 : memref<128x32xf32, #tpu.memory_space<vmem>>) dst(%dma_wait3A_565 : memref<10112x32xf32, #tpu.memory_space<vmem_shared>>)
      } else {
      }
      %dma_start3A_253 = arith.constant 0 : i32
      %dma_start3A_254 = tpu.memref_slice %arg5[%add3A_247, %dma_start3A_253] : memref<79x128xi32, #tpu.memory_space<vmem>> -> memref<1x128xi32, #tpu.memory_space<vmem>>
      %dma_start3A_255 = tpu.memref_squeeze %dma_start3A_254 : memref<1x128xi32, #tpu.memory_space<vmem>> -> memref<128xi32, #tpu.memory_space<vmem>>
      %dma_start3A_256 = arith.constant 0 : i32
      %dma_start3A_257 = arith.constant 0 : i32
      %dma_start3A_258 = tpu.memref_slice %arg2[%dma_start3A_256, %dma_start3A_257] : memref<10000x32xf32, #tpu.memory_space<hbm>> -> memref<10000x32xf32, #tpu.memory_space<hbm>>
      tpu.enqueue_indirect_dma source(%dma_start3A_258 : memref<10000x32xf32, #tpu.memory_space<hbm>>) target(%arg13 : memref<128x32xf32, #tpu.memory_space<vmem>>) offsets(%dma_start3A_255 : memref<128xi32, #tpu.memory_space<vmem>>) semaphore(%arg28 : memref<!tpu.dma_semaphore, #tpu.memory_space<semaphore_mem>>)
      %mul3A_259 = arith.constant 13 : i32
      %mul3A_260 = arith.muli %scan3A_154, %mul3A_259 : i32
      %add3A_261 = arith.constant 7 : i32
      %add3A_262 = arith.addi %mul3A_260, %add3A_261 : i32
      %gt3A_263 = arith.constant 0 : i32
      %gt3A_264 = arith.cmpi sgt, %scan3A_154, %gt3A_263 : i32
      %convert_element_type3A_265 = arith.extui %gt3A_264 : i1 to i32
      %cond3A_266 = arith.constant 0 : i32
      %cond3A_267 = arith.cmpi ne, %convert_element_type3A_265, %cond3A_266 : i32
      scf.if %cond3A_267 {
        %sub3A_558 = arith.constant 13 : i32
        %sub3A_559 = arith.subi %add3A_262, %sub3A_558 : i32
        %dma_wait3A_560 = arith.constant 0 : i32
        %dma_wait3A_561 = tpu.memref_slice %arg6[%sub3A_559, %dma_wait3A_560] : memref<79x128xi32, #tpu.memory_space<vmem>> -> memref<1x128xi32, #tpu.memory_space<vmem>>
        %dma_wait3A_562 = tpu.memref_squeeze %dma_wait3A_561 : memref<1x128xi32, #tpu.memory_space<vmem>> -> memref<128xi32, #tpu.memory_space<vmem>>
        %dma_wait3A_563 = arith.constant 0 : i32
        %dma_wait3A_564 = arith.constant 0 : i32
        %dma_wait3A_565 = tpu.memref_slice %arg21[%dma_wait3A_563, %dma_wait3A_564] : memref<10112x32xf32, #tpu.memory_space<vmem_shared>> -> memref<10112x32xf32, #tpu.memory_space<vmem_shared>>
        tpu.wait_indirect_dma semaphore(%arg42 : memref<!tpu.dma_semaphore, #tpu.memory_space<semaphore_mem>>) src(%arg14 : memref<128x32xf32, #tpu.memory_space<vmem>>) dst(%dma_wait3A_565 : memref<10112x32xf32, #tpu.memory_space<vmem_shared>>)
      } else {
      }
      %dma_start3A_268 = arith.constant 0 : i32
      %dma_start3A_269 = tpu.memref_slice %arg5[%add3A_262, %dma_start3A_268] : memref<79x128xi32, #tpu.memory_space<vmem>> -> memref<1x128xi32, #tpu.memory_space<vmem>>
      %dma_start3A_270 = tpu.memref_squeeze %dma_start3A_269 : memref<1x128xi32, #tpu.memory_space<vmem>> -> memref<128xi32, #tpu.memory_space<vmem>>
      %dma_start3A_271 = arith.constant 0 : i32
      %dma_start3A_272 = arith.constant 0 : i32
      %dma_start3A_273 = tpu.memref_slice %arg2[%dma_start3A_271, %dma_start3A_272] : memref<10000x32xf32, #tpu.memory_space<hbm>> -> memref<10000x32xf32, #tpu.memory_space<hbm>>
      tpu.enqueue_indirect_dma source(%dma_start3A_273 : memref<10000x32xf32, #tpu.memory_space<hbm>>) target(%arg14 : memref<128x32xf32, #tpu.memory_space<vmem>>) offsets(%dma_start3A_270 : memref<128xi32, #tpu.memory_space<vmem>>) semaphore(%arg29 : memref<!tpu.dma_semaphore, #tpu.memory_space<semaphore_mem>>)
      %mul3A_274 = arith.constant 13 : i32
      %mul3A_275 = arith.muli %scan3A_154, %mul3A_274 : i32
      %add3A_276 = arith.constant 8 : i32
      %add3A_277 = arith.addi %mul3A_275, %add3A_276 : i32
      %gt3A_278 = arith.constant 0 : i32
      %gt3A_279 = arith.cmpi sgt, %scan3A_154, %gt3A_278 : i32
      %convert_element_type3A_280 = arith.extui %gt3A_279 : i1 to i32
      %cond3A_281 = arith.constant 0 : i32
      %cond3A_282 = arith.cmpi ne, %convert_element_type3A_280, %cond3A_281 : i32
      scf.if %cond3A_282 {
        %sub3A_558 = arith.constant 13 : i32
        %sub3A_559 = arith.subi %add3A_277, %sub3A_558 : i32
        %dma_wait3A_560 = arith.constant 0 : i32
        %dma_wait3A_561 = tpu.memref_slice %arg6[%sub3A_559, %dma_wait3A_560] : memref<79x128xi32, #tpu.memory_space<vmem>> -> memref<1x128xi32, #tpu.memory_space<vmem>>
        %dma_wait3A_562 = tpu.memref_squeeze %dma_wait3A_561 : memref<1x128xi32, #tpu.memory_space<vmem>> -> memref<128xi32, #tpu.memory_space<vmem>>
        %dma_wait3A_563 = arith.constant 0 : i32
        %dma_wait3A_564 = arith.constant 0 : i32
        %dma_wait3A_565 = tpu.memref_slice %arg21[%dma_wait3A_563, %dma_wait3A_564] : memref<10112x32xf32, #tpu.memory_space<vmem_shared>> -> memref<10112x32xf32, #tpu.memory_space<vmem_shared>>
        tpu.wait_indirect_dma semaphore(%arg43 : memref<!tpu.dma_semaphore, #tpu.memory_space<semaphore_mem>>) src(%arg15 : memref<128x32xf32, #tpu.memory_space<vmem>>) dst(%dma_wait3A_565 : memref<10112x32xf32, #tpu.memory_space<vmem_shared>>)
      } else {
      }
      %dma_start3A_283 = arith.constant 0 : i32
      %dma_start3A_284 = tpu.memref_slice %arg5[%add3A_277, %dma_start3A_283] : memref<79x128xi32, #tpu.memory_space<vmem>> -> memref<1x128xi32, #tpu.memory_space<vmem>>
      %dma_start3A_285 = tpu.memref_squeeze %dma_start3A_284 : memref<1x128xi32, #tpu.memory_space<vmem>> -> memref<128xi32, #tpu.memory_space<vmem>>
      %dma_start3A_286 = arith.constant 0 : i32
      %dma_start3A_287 = arith.constant 0 : i32
      %dma_start3A_288 = tpu.memref_slice %arg2[%dma_start3A_286, %dma_start3A_287] : memref<10000x32xf32, #tpu.memory_space<hbm>> -> memref<10000x32xf32, #tpu.memory_space<hbm>>
      tpu.enqueue_indirect_dma source(%dma_start3A_288 : memref<10000x32xf32, #tpu.memory_space<hbm>>) target(%arg15 : memref<128x32xf32, #tpu.memory_space<vmem>>) offsets(%dma_start3A_285 : memref<128xi32, #tpu.memory_space<vmem>>) semaphore(%arg30 : memref<!tpu.dma_semaphore, #tpu.memory_space<semaphore_mem>>)
      %mul3A_289 = arith.constant 13 : i32
      %mul3A_290 = arith.muli %scan3A_154, %mul3A_289 : i32
      %add3A_291 = arith.constant 9 : i32
      %add3A_292 = arith.addi %mul3A_290, %add3A_291 : i32
      %gt3A_293 = arith.constant 0 : i32
      %gt3A_294 = arith.cmpi sgt, %scan3A_154, %gt3A_293 : i32
      %convert_element_type3A_295 = arith.extui %gt3A_294 : i1 to i32
      %cond3A_296 = arith.constant 0 : i32
      %cond3A_297 = arith.cmpi ne, %convert_element_type3A_295, %cond3A_296 : i32
      scf.if %cond3A_297 {
        %sub3A_558 = arith.constant 13 : i32
        %sub3A_559 = arith.subi %add3A_292, %sub3A_558 : i32
        %dma_wait3A_560 = arith.constant 0 : i32
        %dma_wait3A_561 = tpu.memref_slice %arg6[%sub3A_559, %dma_wait3A_560] : memref<79x128xi32, #tpu.memory_space<vmem>> -> memref<1x128xi32, #tpu.memory_space<vmem>>
        %dma_wait3A_562 = tpu.memref_squeeze %dma_wait3A_561 : memref<1x128xi32, #tpu.memory_space<vmem>> -> memref<128xi32, #tpu.memory_space<vmem>>
        %dma_wait3A_563 = arith.constant 0 : i32
        %dma_wait3A_564 = arith.constant 0 : i32
        %dma_wait3A_565 = tpu.memref_slice %arg21[%dma_wait3A_563, %dma_wait3A_564] : memref<10112x32xf32, #tpu.memory_space<vmem_shared>> -> memref<10112x32xf32, #tpu.memory_space<vmem_shared>>
        tpu.wait_indirect_dma semaphore(%arg44 : memref<!tpu.dma_semaphore, #tpu.memory_space<semaphore_mem>>) src(%arg16 : memref<128x32xf32, #tpu.memory_space<vmem>>) dst(%dma_wait3A_565 : memref<10112x32xf32, #tpu.memory_space<vmem_shared>>)
      } else {
      }
      %dma_start3A_298 = arith.constant 0 : i32
      %dma_start3A_299 = tpu.memref_slice %arg5[%add3A_292, %dma_start3A_298] : memref<79x128xi32, #tpu.memory_space<vmem>> -> memref<1x128xi32, #tpu.memory_space<vmem>>
      %dma_start3A_300 = tpu.memref_squeeze %dma_start3A_299 : memref<1x128xi32, #tpu.memory_space<vmem>> -> memref<128xi32, #tpu.memory_space<vmem>>
      %dma_start3A_301 = arith.constant 0 : i32
      %dma_start3A_302 = arith.constant 0 : i32
      %dma_start3A_303 = tpu.memref_slice %arg2[%dma_start3A_301, %dma_start3A_302] : memref<10000x32xf32, #tpu.memory_space<hbm>> -> memref<10000x32xf32, #tpu.memory_space<hbm>>
      tpu.enqueue_indirect_dma source(%dma_start3A_303 : memref<10000x32xf32, #tpu.memory_space<hbm>>) target(%arg16 : memref<128x32xf32, #tpu.memory_space<vmem>>) offsets(%dma_start3A_300 : memref<128xi32, #tpu.memory_space<vmem>>) semaphore(%arg31 : memref<!tpu.dma_semaphore, #tpu.memory_space<semaphore_mem>>)
      %mul3A_304 = arith.constant 13 : i32
      %mul3A_305 = arith.muli %scan3A_154, %mul3A_304 : i32
      %add3A_306 = arith.constant 10 : i32
      %add3A_307 = arith.addi %mul3A_305, %add3A_306 : i32
      %gt3A_308 = arith.constant 0 : i32
      %gt3A_309 = arith.cmpi sgt, %scan3A_154, %gt3A_308 : i32
      %convert_element_type3A_310 = arith.extui %gt3A_309 : i1 to i32
      %cond3A_311 = arith.constant 0 : i32
      %cond3A_312 = arith.cmpi ne, %convert_element_type3A_310, %cond3A_311 : i32
      scf.if %cond3A_312 {
        %sub3A_558 = arith.constant 13 : i32
        %sub3A_559 = arith.subi %add3A_307, %sub3A_558 : i32
        %dma_wait3A_560 = arith.constant 0 : i32
        %dma_wait3A_561 = tpu.memref_slice %arg6[%sub3A_559, %dma_wait3A_560] : memref<79x128xi32, #tpu.memory_space<vmem>> -> memref<1x128xi32, #tpu.memory_space<vmem>>
        %dma_wait3A_562 = tpu.memref_squeeze %dma_wait3A_561 : memref<1x128xi32, #tpu.memory_space<vmem>> -> memref<128xi32, #tpu.memory_space<vmem>>
        %dma_wait3A_563 = arith.constant 0 : i32
        %dma_wait3A_564 = arith.constant 0 : i32
        %dma_wait3A_565 = tpu.memref_slice %arg21[%dma_wait3A_563, %dma_wait3A_564] : memref<10112x32xf32, #tpu.memory_space<vmem_shared>> -> memref<10112x32xf32, #tpu.memory_space<vmem_shared>>
        tpu.wait_indirect_dma semaphore(%arg45 : memref<!tpu.dma_semaphore, #tpu.memory_space<semaphore_mem>>) src(%arg17 : memref<128x32xf32, #tpu.memory_space<vmem>>) dst(%dma_wait3A_565 : memref<10112x32xf32, #tpu.memory_space<vmem_shared>>)
      } else {
      }
      %dma_start3A_313 = arith.constant 0 : i32
      %dma_start3A_314 = tpu.memref_slice %arg5[%add3A_307, %dma_start3A_313] : memref<79x128xi32, #tpu.memory_space<vmem>> -> memref<1x128xi32, #tpu.memory_space<vmem>>
      %dma_start3A_315 = tpu.memref_squeeze %dma_start3A_314 : memref<1x128xi32, #tpu.memory_space<vmem>> -> memref<128xi32, #tpu.memory_space<vmem>>
      %dma_start3A_316 = arith.constant 0 : i32
      %dma_start3A_317 = arith.constant 0 : i32
      %dma_start3A_318 = tpu.memref_slice %arg2[%dma_start3A_316, %dma_start3A_317] : memref<10000x32xf32, #tpu.memory_space<hbm>> -> memref<10000x32xf32, #tpu.memory_space<hbm>>
      tpu.enqueue_indirect_dma source(%dma_start3A_318 : memref<10000x32xf32, #tpu.memory_space<hbm>>) target(%arg17 : memref<128x32xf32, #tpu.memory_space<vmem>>) offsets(%dma_start3A_315 : memref<128xi32, #tpu.memory_space<vmem>>) semaphore(%arg32 : memref<!tpu.dma_semaphore, #tpu.memory_space<semaphore_mem>>)
      %mul3A_319 = arith.constant 13 : i32
      %mul3A_320 = arith.muli %scan3A_154, %mul3A_319 : i32
      %add3A_321 = arith.constant 11 : i32
      %add3A_322 = arith.addi %mul3A_320, %add3A_321 : i32
      %gt3A_323 = arith.constant 0 : i32
      %gt3A_324 = arith.cmpi sgt, %scan3A_154, %gt3A_323 : i32
      %convert_element_type3A_325 = arith.extui %gt3A_324 : i1 to i32
      %cond3A_326 = arith.constant 0 : i32
      %cond3A_327 = arith.cmpi ne, %convert_element_type3A_325, %cond3A_326 : i32
      scf.if %cond3A_327 {
        %sub3A_558 = arith.constant 13 : i32
        %sub3A_559 = arith.subi %add3A_322, %sub3A_558 : i32
        %dma_wait3A_560 = arith.constant 0 : i32
        %dma_wait3A_561 = tpu.memref_slice %arg6[%sub3A_559, %dma_wait3A_560] : memref<79x128xi32, #tpu.memory_space<vmem>> -> memref<1x128xi32, #tpu.memory_space<vmem>>
        %dma_wait3A_562 = tpu.memref_squeeze %dma_wait3A_561 : memref<1x128xi32, #tpu.memory_space<vmem>> -> memref<128xi32, #tpu.memory_space<vmem>>
        %dma_wait3A_563 = arith.constant 0 : i32
        %dma_wait3A_564 = arith.constant 0 : i32
        %dma_wait3A_565 = tpu.memref_slice %arg21[%dma_wait3A_563, %dma_wait3A_564] : memref<10112x32xf32, #tpu.memory_space<vmem_shared>> -> memref<10112x32xf32, #tpu.memory_space<vmem_shared>>
        tpu.wait_indirect_dma semaphore(%arg46 : memref<!tpu.dma_semaphore, #tpu.memory_space<semaphore_mem>>) src(%arg18 : memref<128x32xf32, #tpu.memory_space<vmem>>) dst(%dma_wait3A_565 : memref<10112x32xf32, #tpu.memory_space<vmem_shared>>)
      } else {
      }
      %dma_start3A_328 = arith.constant 0 : i32
      %dma_start3A_329 = tpu.memref_slice %arg5[%add3A_322, %dma_start3A_328] : memref<79x128xi32, #tpu.memory_space<vmem>> -> memref<1x128xi32, #tpu.memory_space<vmem>>
      %dma_start3A_330 = tpu.memref_squeeze %dma_start3A_329 : memref<1x128xi32, #tpu.memory_space<vmem>> -> memref<128xi32, #tpu.memory_space<vmem>>
      %dma_start3A_331 = arith.constant 0 : i32
      %dma_start3A_332 = arith.constant 0 : i32
      %dma_start3A_333 = tpu.memref_slice %arg2[%dma_start3A_331, %dma_start3A_332] : memref<10000x32xf32, #tpu.memory_space<hbm>> -> memref<10000x32xf32, #tpu.memory_space<hbm>>
      tpu.enqueue_indirect_dma source(%dma_start3A_333 : memref<10000x32xf32, #tpu.memory_space<hbm>>) target(%arg18 : memref<128x32xf32, #tpu.memory_space<vmem>>) offsets(%dma_start3A_330 : memref<128xi32, #tpu.memory_space<vmem>>) semaphore(%arg33 : memref<!tpu.dma_semaphore, #tpu.memory_space<semaphore_mem>>)
      %mul3A_334 = arith.constant 13 : i32
      %mul3A_335 = arith.muli %scan3A_154, %mul3A_334 : i32
      %add3A_336 = arith.constant 12 : i32
      %add3A_337 = arith.addi %mul3A_335, %add3A_336 : i32
      %gt3A_338 = arith.constant 0 : i32
      %gt3A_339 = arith.cmpi sgt, %scan3A_154, %gt3A_338 : i32
      %convert_element_type3A_340 = arith.extui %gt3A_339 : i1 to i32
      %cond3A_341 = arith.constant 0 : i32
      %cond3A_342 = arith.cmpi ne, %convert_element_type3A_340, %cond3A_341 : i32
      scf.if %cond3A_342 {
        %sub3A_558 = arith.constant 13 : i32
        %sub3A_559 = arith.subi %add3A_337, %sub3A_558 : i32
        %dma_wait3A_560 = arith.constant 0 : i32
        %dma_wait3A_561 = tpu.memref_slice %arg6[%sub3A_559, %dma_wait3A_560] : memref<79x128xi32, #tpu.memory_space<vmem>> -> memref<1x128xi32, #tpu.memory_space<vmem>>
        %dma_wait3A_562 = tpu.memref_squeeze %dma_wait3A_561 : memref<1x128xi32, #tpu.memory_space<vmem>> -> memref<128xi32, #tpu.memory_space<vmem>>
        %dma_wait3A_563 = arith.constant 0 : i32
        %dma_wait3A_564 = arith.constant 0 : i32
        %dma_wait3A_565 = tpu.memref_slice %arg21[%dma_wait3A_563, %dma_wait3A_564] : memref<10112x32xf32, #tpu.memory_space<vmem_shared>> -> memref<10112x32xf32, #tpu.memory_space<vmem_shared>>
        tpu.wait_indirect_dma semaphore(%arg47 : memref<!tpu.dma_semaphore, #tpu.memory_space<semaphore_mem>>) src(%arg19 : memref<128x32xf32, #tpu.memory_space<vmem>>) dst(%dma_wait3A_565 : memref<10112x32xf32, #tpu.memory_space<vmem_shared>>)
      } else {
      }
      %dma_start3A_343 = arith.constant 0 : i32
      %dma_start3A_344 = tpu.memref_slice %arg5[%add3A_337, %dma_start3A_343] : memref<79x128xi32, #tpu.memory_space<vmem>> -> memref<1x128xi32, #tpu.memory_space<vmem>>
      %dma_start3A_345 = tpu.memref_squeeze %dma_start3A_344 : memref<1x128xi32, #tpu.memory_space<vmem>> -> memref<128xi32, #tpu.memory_space<vmem>>
      %dma_start3A_346 = arith.constant 0 : i32
      %dma_start3A_347 = arith.constant 0 : i32
      %dma_start3A_348 = tpu.memref_slice %arg2[%dma_start3A_346, %dma_start3A_347] : memref<10000x32xf32, #tpu.memory_space<hbm>> -> memref<10000x32xf32, #tpu.memory_space<hbm>>
      tpu.enqueue_indirect_dma source(%dma_start3A_348 : memref<10000x32xf32, #tpu.memory_space<hbm>>) target(%arg19 : memref<128x32xf32, #tpu.memory_space<vmem>>) offsets(%dma_start3A_345 : memref<128xi32, #tpu.memory_space<vmem>>) semaphore(%arg34 : memref<!tpu.dma_semaphore, #tpu.memory_space<semaphore_mem>>)
      %mul3A_349 = arith.constant 13 : i32
      %mul3A_350 = arith.muli %scan3A_154, %mul3A_349 : i32
      %add3A_351 = arith.constant 0 : i32
      %add3A_352 = arith.addi %mul3A_350, %add3A_351 : i32
      %dma_wait3A_353 = arith.constant 0 : i32
      %dma_wait3A_354 = tpu.memref_slice %arg5[%add3A_352, %dma_wait3A_353] : memref<79x128xi32, #tpu.memory_space<vmem>> -> memref<1x128xi32, #tpu.memory_space<vmem>>
      %dma_wait3A_355 = tpu.memref_squeeze %dma_wait3A_354 : memref<1x128xi32, #tpu.memory_space<vmem>> -> memref<128xi32, #tpu.memory_space<vmem>>
      %dma_wait3A_356 = arith.constant 0 : i32
      %dma_wait3A_357 = arith.constant 0 : i32
      %dma_wait3A_358 = tpu.memref_slice %arg2[%dma_wait3A_356, %dma_wait3A_357] : memref<10000x32xf32, #tpu.memory_space<hbm>> -> memref<10000x32xf32, #tpu.memory_space<hbm>>
      tpu.wait_indirect_dma semaphore(%arg22 : memref<!tpu.dma_semaphore, #tpu.memory_space<semaphore_mem>>) src(%dma_wait3A_358 : memref<10000x32xf32, #tpu.memory_space<hbm>>) dst(%arg7 : memref<128x32xf32, #tpu.memory_space<vmem>>)
      %dma_start3A_359 = arith.constant 0 : i32
      %dma_start3A_360 = tpu.memref_slice %arg6[%add3A_352, %dma_start3A_359] : memref<79x128xi32, #tpu.memory_space<vmem>> -> memref<1x128xi32, #tpu.memory_space<vmem>>
      %dma_start3A_361 = tpu.memref_squeeze %dma_start3A_360 : memref<1x128xi32, #tpu.memory_space<vmem>> -> memref<128xi32, #tpu.memory_space<vmem>>
      %dma_start3A_362 = arith.constant 0 : i32
      %dma_start3A_363 = arith.constant 0 : i32
      %dma_start3A_364 = tpu.memref_slice %arg21[%dma_start3A_362, %dma_start3A_363] : memref<10112x32xf32, #tpu.memory_space<vmem_shared>> -> memref<10112x32xf32, #tpu.memory_space<vmem_shared>>
      tpu.enqueue_indirect_dma source(%arg7 : memref<128x32xf32, #tpu.memory_space<vmem>>) target(%dma_start3A_364 : memref<10112x32xf32, #tpu.memory_space<vmem_shared>>) offsets(%dma_start3A_361 : memref<128xi32, #tpu.memory_space<vmem>>) semaphore(%arg35 : memref<!tpu.dma_semaphore, #tpu.memory_space<semaphore_mem>>) {add = true}
      %mul3A_365 = arith.constant 13 : i32
      %mul3A_366 = arith.muli %scan3A_154, %mul3A_365 : i32
      %add3A_367 = arith.constant 1 : i32
      %add3A_368 = arith.addi %mul3A_366, %add3A_367 : i32
      %dma_wait3A_369 = arith.constant 0 : i32
      %dma_wait3A_370 = tpu.memref_slice %arg5[%add3A_368, %dma_wait3A_369] : memref<79x128xi32, #tpu.memory_space<vmem>> -> memref<1x128xi32, #tpu.memory_space<vmem>>
      %dma_wait3A_371 = tpu.memref_squeeze %dma_wait3A_370 : memref<1x128xi32, #tpu.memory_space<vmem>> -> memref<128xi32, #tpu.memory_space<vmem>>
      %dma_wait3A_372 = arith.constant 0 : i32
      %dma_wait3A_373 = arith.constant 0 : i32
      %dma_wait3A_374 = tpu.memref_slice %arg2[%dma_wait3A_372, %dma_wait3A_373] : memref<10000x32xf32, #tpu.memory_space<hbm>> -> memref<10000x32xf32, #tpu.memory_space<hbm>>
      tpu.wait_indirect_dma semaphore(%arg23 : memref<!tpu.dma_semaphore, #tpu.memory_space<semaphore_mem>>) src(%dma_wait3A_374 : memref<10000x32xf32, #tpu.memory_space<hbm>>) dst(%arg8 : memref<128x32xf32, #tpu.memory_space<vmem>>)
      %dma_start3A_375 = arith.constant 0 : i32
      %dma_start3A_376 = tpu.memref_slice %arg6[%add3A_368, %dma_start3A_375] : memref<79x128xi32, #tpu.memory_space<vmem>> -> memref<1x128xi32, #tpu.memory_space<vmem>>
      %dma_start3A_377 = tpu.memref_squeeze %dma_start3A_376 : memref<1x128xi32, #tpu.memory_space<vmem>> -> memref<128xi32, #tpu.memory_space<vmem>>
      %dma_start3A_378 = arith.constant 0 : i32
      %dma_start3A_379 = arith.constant 0 : i32
      %dma_start3A_380 = tpu.memref_slice %arg21[%dma_start3A_378, %dma_start3A_379] : memref<10112x32xf32, #tpu.memory_space<vmem_shared>> -> memref<10112x32xf32, #tpu.memory_space<vmem_shared>>
      tpu.enqueue_indirect_dma source(%arg8 : memref<128x32xf32, #tpu.memory_space<vmem>>) target(%dma_start3A_380 : memref<10112x32xf32, #tpu.memory_space<vmem_shared>>) offsets(%dma_start3A_377 : memref<128xi32, #tpu.memory_space<vmem>>) semaphore(%arg36 : memref<!tpu.dma_semaphore, #tpu.memory_space<semaphore_mem>>) {add = true}
      %mul3A_381 = arith.constant 13 : i32
      %mul3A_382 = arith.muli %scan3A_154, %mul3A_381 : i32
      %add3A_383 = arith.constant 2 : i32
      %add3A_384 = arith.addi %mul3A_382, %add3A_383 : i32
      %dma_wait3A_385 = arith.constant 0 : i32
      %dma_wait3A_386 = tpu.memref_slice %arg5[%add3A_384, %dma_wait3A_385] : memref<79x128xi32, #tpu.memory_space<vmem>> -> memref<1x128xi32, #tpu.memory_space<vmem>>
      %dma_wait3A_387 = tpu.memref_squeeze %dma_wait3A_386 : memref<1x128xi32, #tpu.memory_space<vmem>> -> memref<128xi32, #tpu.memory_space<vmem>>
      %dma_wait3A_388 = arith.constant 0 : i32
      %dma_wait3A_389 = arith.constant 0 : i32
      %dma_wait3A_390 = tpu.memref_slice %arg2[%dma_wait3A_388, %dma_wait3A_389] : memref<10000x32xf32, #tpu.memory_space<hbm>> -> memref<10000x32xf32, #tpu.memory_space<hbm>>
      tpu.wait_indirect_dma semaphore(%arg24 : memref<!tpu.dma_semaphore, #tpu.memory_space<semaphore_mem>>) src(%dma_wait3A_390 : memref<10000x32xf32, #tpu.memory_space<hbm>>) dst(%arg9 : memref<128x32xf32, #tpu.memory_space<vmem>>)
      %dma_start3A_391 = arith.constant 0 : i32
      %dma_start3A_392 = tpu.memref_slice %arg6[%add3A_384, %dma_start3A_391] : memref<79x128xi32, #tpu.memory_space<vmem>> -> memref<1x128xi32, #tpu.memory_space<vmem>>
      %dma_start3A_393 = tpu.memref_squeeze %dma_start3A_392 : memref<1x128xi32, #tpu.memory_space<vmem>> -> memref<128xi32, #tpu.memory_space<vmem>>
      %dma_start3A_394 = arith.constant 0 : i32
      %dma_start3A_395 = arith.constant 0 : i32
      %dma_start3A_396 = tpu.memref_slice %arg21[%dma_start3A_394, %dma_start3A_395] : memref<10112x32xf32, #tpu.memory_space<vmem_shared>> -> memref<10112x32xf32, #tpu.memory_space<vmem_shared>>
      tpu.enqueue_indirect_dma source(%arg9 : memref<128x32xf32, #tpu.memory_space<vmem>>) target(%dma_start3A_396 : memref<10112x32xf32, #tpu.memory_space<vmem_shared>>) offsets(%dma_start3A_393 : memref<128xi32, #tpu.memory_space<vmem>>) semaphore(%arg37 : memref<!tpu.dma_semaphore, #tpu.memory_space<semaphore_mem>>) {add = true}
      %mul3A_397 = arith.constant 13 : i32
      %mul3A_398 = arith.muli %scan3A_154, %mul3A_397 : i32
      %add3A_399 = arith.constant 3 : i32
      %add3A_400 = arith.addi %mul3A_398, %add3A_399 : i32
      %dma_wait3A_401 = arith.constant 0 : i32
      %dma_wait3A_402 = tpu.memref_slice %arg5[%add3A_400, %dma_wait3A_401] : memref<79x128xi32, #tpu.memory_space<vmem>> -> memref<1x128xi32, #tpu.memory_space<vmem>>
      %dma_wait3A_403 = tpu.memref_squeeze %dma_wait3A_402 : memref<1x128xi32, #tpu.memory_space<vmem>> -> memref<128xi32, #tpu.memory_space<vmem>>
      %dma_wait3A_404 = arith.constant 0 : i32
      %dma_wait3A_405 = arith.constant 0 : i32
      %dma_wait3A_406 = tpu.memref_slice %arg2[%dma_wait3A_404, %dma_wait3A_405] : memref<10000x32xf32, #tpu.memory_space<hbm>> -> memref<10000x32xf32, #tpu.memory_space<hbm>>
      tpu.wait_indirect_dma semaphore(%arg25 : memref<!tpu.dma_semaphore, #tpu.memory_space<semaphore_mem>>) src(%dma_wait3A_406 : memref<10000x32xf32, #tpu.memory_space<hbm>>) dst(%arg10 : memref<128x32xf32, #tpu.memory_space<vmem>>)
      %dma_start3A_407 = arith.constant 0 : i32
      %dma_start3A_408 = tpu.memref_slice %arg6[%add3A_400, %dma_start3A_407] : memref<79x128xi32, #tpu.memory_space<vmem>> -> memref<1x128xi32, #tpu.memory_space<vmem>>
      %dma_start3A_409 = tpu.memref_squeeze %dma_start3A_408 : memref<1x128xi32, #tpu.memory_space<vmem>> -> memref<128xi32, #tpu.memory_space<vmem>>
      %dma_start3A_410 = arith.constant 0 : i32
      %dma_start3A_411 = arith.constant 0 : i32
      %dma_start3A_412 = tpu.memref_slice %arg21[%dma_start3A_410, %dma_start3A_411] : memref<10112x32xf32, #tpu.memory_space<vmem_shared>> -> memref<10112x32xf32, #tpu.memory_space<vmem_shared>>
      tpu.enqueue_indirect_dma source(%arg10 : memref<128x32xf32, #tpu.memory_space<vmem>>) target(%dma_start3A_412 : memref<10112x32xf32, #tpu.memory_space<vmem_shared>>) offsets(%dma_start3A_409 : memref<128xi32, #tpu.memory_space<vmem>>) semaphore(%arg38 : memref<!tpu.dma_semaphore, #tpu.memory_space<semaphore_mem>>) {add = true}
      %mul3A_413 = arith.constant 13 : i32
      %mul3A_414 = arith.muli %scan3A_154, %mul3A_413 : i32
      %add3A_415 = arith.constant 4 : i32
      %add3A_416 = arith.addi %mul3A_414, %add3A_415 : i32
      %dma_wait3A_417 = arith.constant 0 : i32
      %dma_wait3A_418 = tpu.memref_slice %arg5[%add3A_416, %dma_wait3A_417] : memref<79x128xi32, #tpu.memory_space<vmem>> -> memref<1x128xi32, #tpu.memory_space<vmem>>
      %dma_wait3A_419 = tpu.memref_squeeze %dma_wait3A_418 : memref<1x128xi32, #tpu.memory_space<vmem>> -> memref<128xi32, #tpu.memory_space<vmem>>
      %dma_wait3A_420 = arith.constant 0 : i32
      %dma_wait3A_421 = arith.constant 0 : i32
      %dma_wait3A_422 = tpu.memref_slice %arg2[%dma_wait3A_420, %dma_wait3A_421] : memref<10000x32xf32, #tpu.memory_space<hbm>> -> memref<10000x32xf32, #tpu.memory_space<hbm>>
      tpu.wait_indirect_dma semaphore(%arg26 : memref<!tpu.dma_semaphore, #tpu.memory_space<semaphore_mem>>) src(%dma_wait3A_422 : memref<10000x32xf32, #tpu.memory_space<hbm>>) dst(%arg11 : memref<128x32xf32, #tpu.memory_space<vmem>>)
      %dma_start3A_423 = arith.constant 0 : i32
      %dma_start3A_424 = tpu.memref_slice %arg6[%add3A_416, %dma_start3A_423] : memref<79x128xi32, #tpu.memory_space<vmem>> -> memref<1x128xi32, #tpu.memory_space<vmem>>
      %dma_start3A_425 = tpu.memref_squeeze %dma_start3A_424 : memref<1x128xi32, #tpu.memory_space<vmem>> -> memref<128xi32, #tpu.memory_space<vmem>>
      %dma_start3A_426 = arith.constant 0 : i32
      %dma_start3A_427 = arith.constant 0 : i32
      %dma_start3A_428 = tpu.memref_slice %arg21[%dma_start3A_426, %dma_start3A_427] : memref<10112x32xf32, #tpu.memory_space<vmem_shared>> -> memref<10112x32xf32, #tpu.memory_space<vmem_shared>>
      tpu.enqueue_indirect_dma source(%arg11 : memref<128x32xf32, #tpu.memory_space<vmem>>) target(%dma_start3A_428 : memref<10112x32xf32, #tpu.memory_space<vmem_shared>>) offsets(%dma_start3A_425 : memref<128xi32, #tpu.memory_space<vmem>>) semaphore(%arg39 : memref<!tpu.dma_semaphore, #tpu.memory_space<semaphore_mem>>) {add = true}
      %mul3A_429 = arith.constant 13 : i32
      %mul3A_430 = arith.muli %scan3A_154, %mul3A_429 : i32
      %add3A_431 = arith.constant 5 : i32
      %add3A_432 = arith.addi %mul3A_430, %add3A_431 : i32
      %dma_wait3A_433 = arith.constant 0 : i32
      %dma_wait3A_434 = tpu.memref_slice %arg5[%add3A_432, %dma_wait3A_433] : memref<79x128xi32, #tpu.memory_space<vmem>> -> memref<1x128xi32, #tpu.memory_space<vmem>>
      %dma_wait3A_435 = tpu.memref_squeeze %dma_wait3A_434 : memref<1x128xi32, #tpu.memory_space<vmem>> -> memref<128xi32, #tpu.memory_space<vmem>>
      %dma_wait3A_436 = arith.constant 0 : i32
      %dma_wait3A_437 = arith.constant 0 : i32
      %dma_wait3A_438 = tpu.memref_slice %arg2[%dma_wait3A_436, %dma_wait3A_437] : memref<10000x32xf32, #tpu.memory_space<hbm>> -> memref<10000x32xf32, #tpu.memory_space<hbm>>
      tpu.wait_indirect_dma semaphore(%arg27 : memref<!tpu.dma_semaphore, #tpu.memory_space<semaphore_mem>>) src(%dma_wait3A_438 : memref<10000x32xf32, #tpu.memory_space<hbm>>) dst(%arg12 : memref<128x32xf32, #tpu.memory_space<vmem>>)
      %dma_start3A_439 = arith.constant 0 : i32
      %dma_start3A_440 = tpu.memref_slice %arg6[%add3A_432, %dma_start3A_439] : memref<79x128xi32, #tpu.memory_space<vmem>> -> memref<1x128xi32, #tpu.memory_space<vmem>>
      %dma_start3A_441 = tpu.memref_squeeze %dma_start3A_440 : memref<1x128xi32, #tpu.memory_space<vmem>> -> memref<128xi32, #tpu.memory_space<vmem>>
      %dma_start3A_442 = arith.constant 0 : i32
      %dma_start3A_443 = arith.constant 0 : i32
      %dma_start3A_444 = tpu.memref_slice %arg21[%dma_start3A_442, %dma_start3A_443] : memref<10112x32xf32, #tpu.memory_space<vmem_shared>> -> memref<10112x32xf32, #tpu.memory_space<vmem_shared>>
      tpu.enqueue_indirect_dma source(%arg12 : memref<128x32xf32, #tpu.memory_space<vmem>>) target(%dma_start3A_444 : memref<10112x32xf32, #tpu.memory_space<vmem_shared>>) offsets(%dma_start3A_441 : memref<128xi32, #tpu.memory_space<vmem>>) semaphore(%arg40 : memref<!tpu.dma_semaphore, #tpu.memory_space<semaphore_mem>>) {add = true}
      %mul3A_445 = arith.constant 13 : i32
      %mul3A_446 = arith.muli %scan3A_154, %mul3A_445 : i32
      %add3A_447 = arith.constant 6 : i32
      %add3A_448 = arith.addi %mul3A_446, %add3A_447 : i32
      %dma_wait3A_449 = arith.constant 0 : i32
      %dma_wait3A_450 = tpu.memref_slice %arg5[%add3A_448, %dma_wait3A_449] : memref<79x128xi32, #tpu.memory_space<vmem>> -> memref<1x128xi32, #tpu.memory_space<vmem>>
      %dma_wait3A_451 = tpu.memref_squeeze %dma_wait3A_450 : memref<1x128xi32, #tpu.memory_space<vmem>> -> memref<128xi32, #tpu.memory_space<vmem>>
      %dma_wait3A_452 = arith.constant 0 : i32
      %dma_wait3A_453 = arith.constant 0 : i32
      %dma_wait3A_454 = tpu.memref_slice %arg2[%dma_wait3A_452, %dma_wait3A_453] : memref<10000x32xf32, #tpu.memory_space<hbm>> -> memref<10000x32xf32, #tpu.memory_space<hbm>>
      tpu.wait_indirect_dma semaphore(%arg28 : memref<!tpu.dma_semaphore, #tpu.memory_space<semaphore_mem>>) src(%dma_wait3A_454 : memref<10000x32xf32, #tpu.memory_space<hbm>>) dst(%arg13 : memref<128x32xf32, #tpu.memory_space<vmem>>)
      %dma_start3A_455 = arith.constant 0 : i32
      %dma_start3A_456 = tpu.memref_slice %arg6[%add3A_448, %dma_start3A_455] : memref<79x128xi32, #tpu.memory_space<vmem>> -> memref<1x128xi32, #tpu.memory_space<vmem>>
      %dma_start3A_457 = tpu.memref_squeeze %dma_start3A_456 : memref<1x128xi32, #tpu.memory_space<vmem>> -> memref<128xi32, #tpu.memory_space<vmem>>
      %dma_start3A_458 = arith.constant 0 : i32
      %dma_start3A_459 = arith.constant 0 : i32
      %dma_start3A_460 = tpu.memref_slice %arg21[%dma_start3A_458, %dma_start3A_459] : memref<10112x32xf32, #tpu.memory_space<vmem_shared>> -> memref<10112x32xf32, #tpu.memory_space<vmem_shared>>
      tpu.enqueue_indirect_dma source(%arg13 : memref<128x32xf32, #tpu.memory_space<vmem>>) target(%dma_start3A_460 : memref<10112x32xf32, #tpu.memory_space<vmem_shared>>) offsets(%dma_start3A_457 : memref<128xi32, #tpu.memory_space<vmem>>) semaphore(%arg41 : memref<!tpu.dma_semaphore, #tpu.memory_space<semaphore_mem>>) {add = true}
      %mul3A_461 = arith.constant 13 : i32
      %mul3A_462 = arith.muli %scan3A_154, %mul3A_461 : i32
      %add3A_463 = arith.constant 7 : i32
      %add3A_464 = arith.addi %mul3A_462, %add3A_463 : i32
      %dma_wait3A_465 = arith.constant 0 : i32
      %dma_wait3A_466 = tpu.memref_slice %arg5[%add3A_464, %dma_wait3A_465] : memref<79x128xi32, #tpu.memory_space<vmem>> -> memref<1x128xi32, #tpu.memory_space<vmem>>
      %dma_wait3A_467 = tpu.memref_squeeze %dma_wait3A_466 : memref<1x128xi32, #tpu.memory_space<vmem>> -> memref<128xi32, #tpu.memory_space<vmem>>
      %dma_wait3A_468 = arith.constant 0 : i32
      %dma_wait3A_469 = arith.constant 0 : i32
      %dma_wait3A_470 = tpu.memref_slice %arg2[%dma_wait3A_468, %dma_wait3A_469] : memref<10000x32xf32, #tpu.memory_space<hbm>> -> memref<10000x32xf32, #tpu.memory_space<hbm>>
      tpu.wait_indirect_dma semaphore(%arg29 : memref<!tpu.dma_semaphore, #tpu.memory_space<semaphore_mem>>) src(%dma_wait3A_470 : memref<10000x32xf32, #tpu.memory_space<hbm>>) dst(%arg14 : memref<128x32xf32, #tpu.memory_space<vmem>>)
      %dma_start3A_471 = arith.constant 0 : i32
      %dma_start3A_472 = tpu.memref_slice %arg6[%add3A_464, %dma_start3A_471] : memref<79x128xi32, #tpu.memory_space<vmem>> -> memref<1x128xi32, #tpu.memory_space<vmem>>
      %dma_start3A_473 = tpu.memref_squeeze %dma_start3A_472 : memref<1x128xi32, #tpu.memory_space<vmem>> -> memref<128xi32, #tpu.memory_space<vmem>>
      %dma_start3A_474 = arith.constant 0 : i32
      %dma_start3A_475 = arith.constant 0 : i32
      %dma_start3A_476 = tpu.memref_slice %arg21[%dma_start3A_474, %dma_start3A_475] : memref<10112x32xf32, #tpu.memory_space<vmem_shared>> -> memref<10112x32xf32, #tpu.memory_space<vmem_shared>>
      tpu.enqueue_indirect_dma source(%arg14 : memref<128x32xf32, #tpu.memory_space<vmem>>) target(%dma_start3A_476 : memref<10112x32xf32, #tpu.memory_space<vmem_shared>>) offsets(%dma_start3A_473 : memref<128xi32, #tpu.memory_space<vmem>>) semaphore(%arg42 : memref<!tpu.dma_semaphore, #tpu.memory_space<semaphore_mem>>) {add = true}
      %mul3A_477 = arith.constant 13 : i32
      %mul3A_478 = arith.muli %scan3A_154, %mul3A_477 : i32
      %add3A_479 = arith.constant 8 : i32
      %add3A_480 = arith.addi %mul3A_478, %add3A_479 : i32
      %dma_wait3A_481 = arith.constant 0 : i32
      %dma_wait3A_482 = tpu.memref_slice %arg5[%add3A_480, %dma_wait3A_481] : memref<79x128xi32, #tpu.memory_space<vmem>> -> memref<1x128xi32, #tpu.memory_space<vmem>>
      %dma_wait3A_483 = tpu.memref_squeeze %dma_wait3A_482 : memref<1x128xi32, #tpu.memory_space<vmem>> -> memref<128xi32, #tpu.memory_space<vmem>>
      %dma_wait3A_484 = arith.constant 0 : i32
      %dma_wait3A_485 = arith.constant 0 : i32
      %dma_wait3A_486 = tpu.memref_slice %arg2[%dma_wait3A_484, %dma_wait3A_485] : memref<10000x32xf32, #tpu.memory_space<hbm>> -> memref<10000x32xf32, #tpu.memory_space<hbm>>
      tpu.wait_indirect_dma semaphore(%arg30 : memref<!tpu.dma_semaphore, #tpu.memory_space<semaphore_mem>>) src(%dma_wait3A_486 : memref<10000x32xf32, #tpu.memory_space<hbm>>) dst(%arg15 : memref<128x32xf32, #tpu.memory_space<vmem>>)
      %dma_start3A_487 = arith.constant 0 : i32
      %dma_start3A_488 = tpu.memref_slice %arg6[%add3A_480, %dma_start3A_487] : memref<79x128xi32, #tpu.memory_space<vmem>> -> memref<1x128xi32, #tpu.memory_space<vmem>>
      %dma_start3A_489 = tpu.memref_squeeze %dma_start3A_488 : memref<1x128xi32, #tpu.memory_space<vmem>> -> memref<128xi32, #tpu.memory_space<vmem>>
      %dma_start3A_490 = arith.constant 0 : i32
      %dma_start3A_491 = arith.constant 0 : i32
      %dma_start3A_492 = tpu.memref_slice %arg21[%dma_start3A_490, %dma_start3A_491] : memref<10112x32xf32, #tpu.memory_space<vmem_shared>> -> memref<10112x32xf32, #tpu.memory_space<vmem_shared>>
      tpu.enqueue_indirect_dma source(%arg15 : memref<128x32xf32, #tpu.memory_space<vmem>>) target(%dma_start3A_492 : memref<10112x32xf32, #tpu.memory_space<vmem_shared>>) offsets(%dma_start3A_489 : memref<128xi32, #tpu.memory_space<vmem>>) semaphore(%arg43 : memref<!tpu.dma_semaphore, #tpu.memory_space<semaphore_mem>>) {add = true}
      %mul3A_493 = arith.constant 13 : i32
      %mul3A_494 = arith.muli %scan3A_154, %mul3A_493 : i32
      %add3A_495 = arith.constant 9 : i32
      %add3A_496 = arith.addi %mul3A_494, %add3A_495 : i32
      %dma_wait3A_497 = arith.constant 0 : i32
      %dma_wait3A_498 = tpu.memref_slice %arg5[%add3A_496, %dma_wait3A_497] : memref<79x128xi32, #tpu.memory_space<vmem>> -> memref<1x128xi32, #tpu.memory_space<vmem>>
      %dma_wait3A_499 = tpu.memref_squeeze %dma_wait3A_498 : memref<1x128xi32, #tpu.memory_space<vmem>> -> memref<128xi32, #tpu.memory_space<vmem>>
      %dma_wait3A_500 = arith.constant 0 : i32
      %dma_wait3A_501 = arith.constant 0 : i32
      %dma_wait3A_502 = tpu.memref_slice %arg2[%dma_wait3A_500, %dma_wait3A_501] : memref<10000x32xf32, #tpu.memory_space<hbm>> -> memref<10000x32xf32, #tpu.memory_space<hbm>>
      tpu.wait_indirect_dma semaphore(%arg31 : memref<!tpu.dma_semaphore, #tpu.memory_space<semaphore_mem>>) src(%dma_wait3A_502 : memref<10000x32xf32, #tpu.memory_space<hbm>>) dst(%arg16 : memref<128x32xf32, #tpu.memory_space<vmem>>)
      %dma_start3A_503 = arith.constant 0 : i32
      %dma_start3A_504 = tpu.memref_slice %arg6[%add3A_496, %dma_start3A_503] : memref<79x128xi32, #tpu.memory_space<vmem>> -> memref<1x128xi32, #tpu.memory_space<vmem>>
      %dma_start3A_505 = tpu.memref_squeeze %dma_start3A_504 : memref<1x128xi32, #tpu.memory_space<vmem>> -> memref<128xi32, #tpu.memory_space<vmem>>
      %dma_start3A_506 = arith.constant 0 : i32
      %dma_start3A_507 = arith.constant 0 : i32
      %dma_start3A_508 = tpu.memref_slice %arg21[%dma_start3A_506, %dma_start3A_507] : memref<10112x32xf32, #tpu.memory_space<vmem_shared>> -> memref<10112x32xf32, #tpu.memory_space<vmem_shared>>
      tpu.enqueue_indirect_dma source(%arg16 : memref<128x32xf32, #tpu.memory_space<vmem>>) target(%dma_start3A_508 : memref<10112x32xf32, #tpu.memory_space<vmem_shared>>) offsets(%dma_start3A_505 : memref<128xi32, #tpu.memory_space<vmem>>) semaphore(%arg44 : memref<!tpu.dma_semaphore, #tpu.memory_space<semaphore_mem>>) {add = true}
      %mul3A_509 = arith.constant 13 : i32
      %mul3A_510 = arith.muli %scan3A_154, %mul3A_509 : i32
      %add3A_511 = arith.constant 10 : i32
      %add3A_512 = arith.addi %mul3A_510, %add3A_511 : i32
      %dma_wait3A_513 = arith.constant 0 : i32
      %dma_wait3A_514 = tpu.memref_slice %arg5[%add3A_512, %dma_wait3A_513] : memref<79x128xi32, #tpu.memory_space<vmem>> -> memref<1x128xi32, #tpu.memory_space<vmem>>
      %dma_wait3A_515 = tpu.memref_squeeze %dma_wait3A_514 : memref<1x128xi32, #tpu.memory_space<vmem>> -> memref<128xi32, #tpu.memory_space<vmem>>
      %dma_wait3A_516 = arith.constant 0 : i32
      %dma_wait3A_517 = arith.constant 0 : i32
      %dma_wait3A_518 = tpu.memref_slice %arg2[%dma_wait3A_516, %dma_wait3A_517] : memref<10000x32xf32, #tpu.memory_space<hbm>> -> memref<10000x32xf32, #tpu.memory_space<hbm>>
      tpu.wait_indirect_dma semaphore(%arg32 : memref<!tpu.dma_semaphore, #tpu.memory_space<semaphore_mem>>) src(%dma_wait3A_518 : memref<10000x32xf32, #tpu.memory_space<hbm>>) dst(%arg17 : memref<128x32xf32, #tpu.memory_space<vmem>>)
      %dma_start3A_519 = arith.constant 0 : i32
      %dma_start3A_520 = tpu.memref_slice %arg6[%add3A_512, %dma_start3A_519] : memref<79x128xi32, #tpu.memory_space<vmem>> -> memref<1x128xi32, #tpu.memory_space<vmem>>
      %dma_start3A_521 = tpu.memref_squeeze %dma_start3A_520 : memref<1x128xi32, #tpu.memory_space<vmem>> -> memref<128xi32, #tpu.memory_space<vmem>>
      %dma_start3A_522 = arith.constant 0 : i32
      %dma_start3A_523 = arith.constant 0 : i32
      %dma_start3A_524 = tpu.memref_slice %arg21[%dma_start3A_522, %dma_start3A_523] : memref<10112x32xf32, #tpu.memory_space<vmem_shared>> -> memref<10112x32xf32, #tpu.memory_space<vmem_shared>>
      tpu.enqueue_indirect_dma source(%arg17 : memref<128x32xf32, #tpu.memory_space<vmem>>) target(%dma_start3A_524 : memref<10112x32xf32, #tpu.memory_space<vmem_shared>>) offsets(%dma_start3A_521 : memref<128xi32, #tpu.memory_space<vmem>>) semaphore(%arg45 : memref<!tpu.dma_semaphore, #tpu.memory_space<semaphore_mem>>) {add = true}
      %mul3A_525 = arith.constant 13 : i32
      %mul3A_526 = arith.muli %scan3A_154, %mul3A_525 : i32
      %add3A_527 = arith.constant 11 : i32
      %add3A_528 = arith.addi %mul3A_526, %add3A_527 : i32
      %dma_wait3A_529 = arith.constant 0 : i32
      %dma_wait3A_530 = tpu.memref_slice %arg5[%add3A_528, %dma_wait3A_529] : memref<79x128xi32, #tpu.memory_space<vmem>> -> memref<1x128xi32, #tpu.memory_space<vmem>>
      %dma_wait3A_531 = tpu.memref_squeeze %dma_wait3A_530 : memref<1x128xi32, #tpu.memory_space<vmem>> -> memref<128xi32, #tpu.memory_space<vmem>>
      %dma_wait3A_532 = arith.constant 0 : i32
      %dma_wait3A_533 = arith.constant 0 : i32
      %dma_wait3A_534 = tpu.memref_slice %arg2[%dma_wait3A_532, %dma_wait3A_533] : memref<10000x32xf32, #tpu.memory_space<hbm>> -> memref<10000x32xf32, #tpu.memory_space<hbm>>
      tpu.wait_indirect_dma semaphore(%arg33 : memref<!tpu.dma_semaphore, #tpu.memory_space<semaphore_mem>>) src(%dma_wait3A_534 : memref<10000x32xf32, #tpu.memory_space<hbm>>) dst(%arg18 : memref<128x32xf32, #tpu.memory_space<vmem>>)
      %dma_start3A_535 = arith.constant 0 : i32
      %dma_start3A_536 = tpu.memref_slice %arg6[%add3A_528, %dma_start3A_535] : memref<79x128xi32, #tpu.memory_space<vmem>> -> memref<1x128xi32, #tpu.memory_space<vmem>>
      %dma_start3A_537 = tpu.memref_squeeze %dma_start3A_536 : memref<1x128xi32, #tpu.memory_space<vmem>> -> memref<128xi32, #tpu.memory_space<vmem>>
      %dma_start3A_538 = arith.constant 0 : i32
      %dma_start3A_539 = arith.constant 0 : i32
      %dma_start3A_540 = tpu.memref_slice %arg21[%dma_start3A_538, %dma_start3A_539] : memref<10112x32xf32, #tpu.memory_space<vmem_shared>> -> memref<10112x32xf32, #tpu.memory_space<vmem_shared>>
      tpu.enqueue_indirect_dma source(%arg18 : memref<128x32xf32, #tpu.memory_space<vmem>>) target(%dma_start3A_540 : memref<10112x32xf32, #tpu.memory_space<vmem_shared>>) offsets(%dma_start3A_537 : memref<128xi32, #tpu.memory_space<vmem>>) semaphore(%arg46 : memref<!tpu.dma_semaphore, #tpu.memory_space<semaphore_mem>>) {add = true}
      %mul3A_541 = arith.constant 13 : i32
      %mul3A_542 = arith.muli %scan3A_154, %mul3A_541 : i32
      %add3A_543 = arith.constant 12 : i32
      %add3A_544 = arith.addi %mul3A_542, %add3A_543 : i32
      %dma_wait3A_545 = arith.constant 0 : i32
      %dma_wait3A_546 = tpu.memref_slice %arg5[%add3A_544, %dma_wait3A_545] : memref<79x128xi32, #tpu.memory_space<vmem>> -> memref<1x128xi32, #tpu.memory_space<vmem>>
      %dma_wait3A_547 = tpu.memref_squeeze %dma_wait3A_546 : memref<1x128xi32, #tpu.memory_space<vmem>> -> memref<128xi32, #tpu.memory_space<vmem>>
      %dma_wait3A_548 = arith.constant 0 : i32
      %dma_wait3A_549 = arith.constant 0 : i32
      %dma_wait3A_550 = tpu.memref_slice %arg2[%dma_wait3A_548, %dma_wait3A_549] : memref<10000x32xf32, #tpu.memory_space<hbm>> -> memref<10000x32xf32, #tpu.memory_space<hbm>>
      tpu.wait_indirect_dma semaphore(%arg34 : memref<!tpu.dma_semaphore, #tpu.memory_space<semaphore_mem>>) src(%dma_wait3A_550 : memref<10000x32xf32, #tpu.memory_space<hbm>>) dst(%arg19 : memref<128x32xf32, #tpu.memory_space<vmem>>)
      %dma_start3A_551 = arith.constant 0 : i32
      %dma_start3A_552 = tpu.memref_slice %arg6[%add3A_544, %dma_start3A_551] : memref<79x128xi32, #tpu.memory_space<vmem>> -> memref<1x128xi32, #tpu.memory_space<vmem>>
      %dma_start3A_553 = tpu.memref_squeeze %dma_start3A_552 : memref<1x128xi32, #tpu.memory_space<vmem>> -> memref<128xi32, #tpu.memory_space<vmem>>
      %dma_start3A_554 = arith.constant 0 : i32
      %dma_start3A_555 = arith.constant 0 : i32
      %dma_start3A_556 = tpu.memref_slice %arg21[%dma_start3A_554, %dma_start3A_555] : memref<10112x32xf32, #tpu.memory_space<vmem_shared>> -> memref<10112x32xf32, #tpu.memory_space<vmem_shared>>
      tpu.enqueue_indirect_dma source(%arg19 : memref<128x32xf32, #tpu.memory_space<vmem>>) target(%dma_start3A_556 : memref<10112x32xf32, #tpu.memory_space<vmem_shared>>) offsets(%dma_start3A_553 : memref<128xi32, #tpu.memory_space<vmem>>) semaphore(%arg47 : memref<!tpu.dma_semaphore, #tpu.memory_space<semaphore_mem>>) {add = true}
      %scan3A_557 = arith.constant 0 : i32
      scf.yield %scan3A_557 : i32
    }
    %scan3A_23 = arith.constant 6 : i32
    %dma_wait3A = arith.constant 65 : i32
    %dma_wait3A_24 = arith.constant 0 : i32
    %dma_wait3A_25 = tpu.memref_slice %arg6[%dma_wait3A, %dma_wait3A_24] : memref<79x128xi32, #tpu.memory_space<vmem>> -> memref<1x128xi32, #tpu.memory_space<vmem>>
    %dma_wait3A_26 = tpu.memref_squeeze %dma_wait3A_25 : memref<1x128xi32, #tpu.memory_space<vmem>> -> memref<128xi32, #tpu.memory_space<vmem>>
    %dma_wait3A_27 = arith.constant 0 : i32
    %dma_wait3A_28 = arith.constant 0 : i32
    %dma_wait3A_29 = tpu.memref_slice %arg21[%dma_wait3A_27, %dma_wait3A_28] : memref<10112x32xf32, #tpu.memory_space<vmem_shared>> -> memref<10112x32xf32, #tpu.memory_space<vmem_shared>>
    tpu.wait_indirect_dma semaphore(%arg35 : memref<!tpu.dma_semaphore, #tpu.memory_space<semaphore_mem>>) src(%arg7 : memref<128x32xf32, #tpu.memory_space<vmem>>) dst(%dma_wait3A_29 : memref<10112x32xf32, #tpu.memory_space<vmem_shared>>)
    %dma_wait3A_30 = arith.constant 66 : i32
    %dma_wait3A_31 = arith.constant 0 : i32
    %dma_wait3A_32 = tpu.memref_slice %arg6[%dma_wait3A_30, %dma_wait3A_31] : memref<79x128xi32, #tpu.memory_space<vmem>> -> memref<1x128xi32, #tpu.memory_space<vmem>>
    %dma_wait3A_33 = tpu.memref_squeeze %dma_wait3A_32 : memref<1x128xi32, #tpu.memory_space<vmem>> -> memref<128xi32, #tpu.memory_space<vmem>>
    %dma_wait3A_34 = arith.constant 0 : i32
    %dma_wait3A_35 = arith.constant 0 : i32
    %dma_wait3A_36 = tpu.memref_slice %arg21[%dma_wait3A_34, %dma_wait3A_35] : memref<10112x32xf32, #tpu.memory_space<vmem_shared>> -> memref<10112x32xf32, #tpu.memory_space<vmem_shared>>
    tpu.wait_indirect_dma semaphore(%arg36 : memref<!tpu.dma_semaphore, #tpu.memory_space<semaphore_mem>>) src(%arg8 : memref<128x32xf32, #tpu.memory_space<vmem>>) dst(%dma_wait3A_36 : memref<10112x32xf32, #tpu.memory_space<vmem_shared>>)
    %dma_wait3A_37 = arith.constant 67 : i32
    %dma_wait3A_38 = arith.constant 0 : i32
    %dma_wait3A_39 = tpu.memref_slice %arg6[%dma_wait3A_37, %dma_wait3A_38] : memref<79x128xi32, #tpu.memory_space<vmem>> -> memref<1x128xi32, #tpu.memory_space<vmem>>
    %dma_wait3A_40 = tpu.memref_squeeze %dma_wait3A_39 : memref<1x128xi32, #tpu.memory_space<vmem>> -> memref<128xi32, #tpu.memory_space<vmem>>
    %dma_wait3A_41 = arith.constant 0 : i32
    %dma_wait3A_42 = arith.constant 0 : i32
    %dma_wait3A_43 = tpu.memref_slice %arg21[%dma_wait3A_41, %dma_wait3A_42] : memref<10112x32xf32, #tpu.memory_space<vmem_shared>> -> memref<10112x32xf32, #tpu.memory_space<vmem_shared>>
    tpu.wait_indirect_dma semaphore(%arg37 : memref<!tpu.dma_semaphore, #tpu.memory_space<semaphore_mem>>) src(%arg9 : memref<128x32xf32, #tpu.memory_space<vmem>>) dst(%dma_wait3A_43 : memref<10112x32xf32, #tpu.memory_space<vmem_shared>>)
    %dma_wait3A_44 = arith.constant 68 : i32
    %dma_wait3A_45 = arith.constant 0 : i32
    %dma_wait3A_46 = tpu.memref_slice %arg6[%dma_wait3A_44, %dma_wait3A_45] : memref<79x128xi32, #tpu.memory_space<vmem>> -> memref<1x128xi32, #tpu.memory_space<vmem>>
    %dma_wait3A_47 = tpu.memref_squeeze %dma_wait3A_46 : memref<1x128xi32, #tpu.memory_space<vmem>> -> memref<128xi32, #tpu.memory_space<vmem>>
    %dma_wait3A_48 = arith.constant 0 : i32
    %dma_wait3A_49 = arith.constant 0 : i32
    %dma_wait3A_50 = tpu.memref_slice %arg21[%dma_wait3A_48, %dma_wait3A_49] : memref<10112x32xf32, #tpu.memory_space<vmem_shared>> -> memref<10112x32xf32, #tpu.memory_space<vmem_shared>>
    tpu.wait_indirect_dma semaphore(%arg38 : memref<!tpu.dma_semaphore, #tpu.memory_space<semaphore_mem>>) src(%arg10 : memref<128x32xf32, #tpu.memory_space<vmem>>) dst(%dma_wait3A_50 : memref<10112x32xf32, #tpu.memory_space<vmem_shared>>)
    %dma_wait3A_51 = arith.constant 69 : i32
    %dma_wait3A_52 = arith.constant 0 : i32
    %dma_wait3A_53 = tpu.memref_slice %arg6[%dma_wait3A_51, %dma_wait3A_52] : memref<79x128xi32, #tpu.memory_space<vmem>> -> memref<1x128xi32, #tpu.memory_space<vmem>>
    %dma_wait3A_54 = tpu.memref_squeeze %dma_wait3A_53 : memref<1x128xi32, #tpu.memory_space<vmem>> -> memref<128xi32, #tpu.memory_space<vmem>>
    %dma_wait3A_55 = arith.constant 0 : i32
    %dma_wait3A_56 = arith.constant 0 : i32
    %dma_wait3A_57 = tpu.memref_slice %arg21[%dma_wait3A_55, %dma_wait3A_56] : memref<10112x32xf32, #tpu.memory_space<vmem_shared>> -> memref<10112x32xf32, #tpu.memory_space<vmem_shared>>
    tpu.wait_indirect_dma semaphore(%arg39 : memref<!tpu.dma_semaphore, #tpu.memory_space<semaphore_mem>>) src(%arg11 : memref<128x32xf32, #tpu.memory_space<vmem>>) dst(%dma_wait3A_57 : memref<10112x32xf32, #tpu.memory_space<vmem_shared>>)
    %dma_wait3A_58 = arith.constant 70 : i32
    %dma_wait3A_59 = arith.constant 0 : i32
    %dma_wait3A_60 = tpu.memref_slice %arg6[%dma_wait3A_58, %dma_wait3A_59] : memref<79x128xi32, #tpu.memory_space<vmem>> -> memref<1x128xi32, #tpu.memory_space<vmem>>
    %dma_wait3A_61 = tpu.memref_squeeze %dma_wait3A_60 : memref<1x128xi32, #tpu.memory_space<vmem>> -> memref<128xi32, #tpu.memory_space<vmem>>
    %dma_wait3A_62 = arith.constant 0 : i32
    %dma_wait3A_63 = arith.constant 0 : i32
    %dma_wait3A_64 = tpu.memref_slice %arg21[%dma_wait3A_62, %dma_wait3A_63] : memref<10112x32xf32, #tpu.memory_space<vmem_shared>> -> memref<10112x32xf32, #tpu.memory_space<vmem_shared>>
    tpu.wait_indirect_dma semaphore(%arg40 : memref<!tpu.dma_semaphore, #tpu.memory_space<semaphore_mem>>) src(%arg12 : memref<128x32xf32, #tpu.memory_space<vmem>>) dst(%dma_wait3A_64 : memref<10112x32xf32, #tpu.memory_space<vmem_shared>>)
    %dma_wait3A_65 = arith.constant 71 : i32
    %dma_wait3A_66 = arith.constant 0 : i32
    %dma_wait3A_67 = tpu.memref_slice %arg6[%dma_wait3A_65, %dma_wait3A_66] : memref<79x128xi32, #tpu.memory_space<vmem>> -> memref<1x128xi32, #tpu.memory_space<vmem>>
    %dma_wait3A_68 = tpu.memref_squeeze %dma_wait3A_67 : memref<1x128xi32, #tpu.memory_space<vmem>> -> memref<128xi32, #tpu.memory_space<vmem>>
    %dma_wait3A_69 = arith.constant 0 : i32
    %dma_wait3A_70 = arith.constant 0 : i32
    %dma_wait3A_71 = tpu.memref_slice %arg21[%dma_wait3A_69, %dma_wait3A_70] : memref<10112x32xf32, #tpu.memory_space<vmem_shared>> -> memref<10112x32xf32, #tpu.memory_space<vmem_shared>>
    tpu.wait_indirect_dma semaphore(%arg41 : memref<!tpu.dma_semaphore, #tpu.memory_space<semaphore_mem>>) src(%arg13 : memref<128x32xf32, #tpu.memory_space<vmem>>) dst(%dma_wait3A_71 : memref<10112x32xf32, #tpu.memory_space<vmem_shared>>)
    %dma_wait3A_72 = arith.constant 72 : i32
    %dma_wait3A_73 = arith.constant 0 : i32
    %dma_wait3A_74 = tpu.memref_slice %arg6[%dma_wait3A_72, %dma_wait3A_73] : memref<79x128xi32, #tpu.memory_space<vmem>> -> memref<1x128xi32, #tpu.memory_space<vmem>>
    %dma_wait3A_75 = tpu.memref_squeeze %dma_wait3A_74 : memref<1x128xi32, #tpu.memory_space<vmem>> -> memref<128xi32, #tpu.memory_space<vmem>>
    %dma_wait3A_76 = arith.constant 0 : i32
    %dma_wait3A_77 = arith.constant 0 : i32
    %dma_wait3A_78 = tpu.memref_slice %arg21[%dma_wait3A_76, %dma_wait3A_77] : memref<10112x32xf32, #tpu.memory_space<vmem_shared>> -> memref<10112x32xf32, #tpu.memory_space<vmem_shared>>
    tpu.wait_indirect_dma semaphore(%arg42 : memref<!tpu.dma_semaphore, #tpu.memory_space<semaphore_mem>>) src(%arg14 : memref<128x32xf32, #tpu.memory_space<vmem>>) dst(%dma_wait3A_78 : memref<10112x32xf32, #tpu.memory_space<vmem_shared>>)
    %dma_wait3A_79 = arith.constant 73 : i32
    %dma_wait3A_80 = arith.constant 0 : i32
    %dma_wait3A_81 = tpu.memref_slice %arg6[%dma_wait3A_79, %dma_wait3A_80] : memref<79x128xi32, #tpu.memory_space<vmem>> -> memref<1x128xi32, #tpu.memory_space<vmem>>
    %dma_wait3A_82 = tpu.memref_squeeze %dma_wait3A_81 : memref<1x128xi32, #tpu.memory_space<vmem>> -> memref<128xi32, #tpu.memory_space<vmem>>
    %dma_wait3A_83 = arith.constant 0 : i32
    %dma_wait3A_84 = arith.constant 0 : i32
    %dma_wait3A_85 = tpu.memref_slice %arg21[%dma_wait3A_83, %dma_wait3A_84] : memref<10112x32xf32, #tpu.memory_space<vmem_shared>> -> memref<10112x32xf32, #tpu.memory_space<vmem_shared>>
    tpu.wait_indirect_dma semaphore(%arg43 : memref<!tpu.dma_semaphore, #tpu.memory_space<semaphore_mem>>) src(%arg15 : memref<128x32xf32, #tpu.memory_space<vmem>>) dst(%dma_wait3A_85 : memref<10112x32xf32, #tpu.memory_space<vmem_shared>>)
    %dma_wait3A_86 = arith.constant 74 : i32
    %dma_wait3A_87 = arith.constant 0 : i32
    %dma_wait3A_88 = tpu.memref_slice %arg6[%dma_wait3A_86, %dma_wait3A_87] : memref<79x128xi32, #tpu.memory_space<vmem>> -> memref<1x128xi32, #tpu.memory_space<vmem>>
    %dma_wait3A_89 = tpu.memref_squeeze %dma_wait3A_88 : memref<1x128xi32, #tpu.memory_space<vmem>> -> memref<128xi32, #tpu.memory_space<vmem>>
    %dma_wait3A_90 = arith.constant 0 : i32
    %dma_wait3A_91 = arith.constant 0 : i32
    %dma_wait3A_92 = tpu.memref_slice %arg21[%dma_wait3A_90, %dma_wait3A_91] : memref<10112x32xf32, #tpu.memory_space<vmem_shared>> -> memref<10112x32xf32, #tpu.memory_space<vmem_shared>>
    tpu.wait_indirect_dma semaphore(%arg44 : memref<!tpu.dma_semaphore, #tpu.memory_space<semaphore_mem>>) src(%arg16 : memref<128x32xf32, #tpu.memory_space<vmem>>) dst(%dma_wait3A_92 : memref<10112x32xf32, #tpu.memory_space<vmem_shared>>)
    %dma_wait3A_93 = arith.constant 75 : i32
    %dma_wait3A_94 = arith.constant 0 : i32
    %dma_wait3A_95 = tpu.memref_slice %arg6[%dma_wait3A_93, %dma_wait3A_94] : memref<79x128xi32, #tpu.memory_space<vmem>> -> memref<1x128xi32, #tpu.memory_space<vmem>>
    %dma_wait3A_96 = tpu.memref_squeeze %dma_wait3A_95 : memref<1x128xi32, #tpu.memory_space<vmem>> -> memref<128xi32, #tpu.memory_space<vmem>>
    %dma_wait3A_97 = arith.constant 0 : i32
    %dma_wait3A_98 = arith.constant 0 : i32
    %dma_wait3A_99 = tpu.memref_slice %arg21[%dma_wait3A_97, %dma_wait3A_98] : memref<10112x32xf32, #tpu.memory_space<vmem_shared>> -> memref<10112x32xf32, #tpu.memory_space<vmem_shared>>
    tpu.wait_indirect_dma semaphore(%arg45 : memref<!tpu.dma_semaphore, #tpu.memory_space<semaphore_mem>>) src(%arg17 : memref<128x32xf32, #tpu.memory_space<vmem>>) dst(%dma_wait3A_99 : memref<10112x32xf32, #tpu.memory_space<vmem_shared>>)
    %dma_wait3A_100 = arith.constant 76 : i32
    %dma_wait3A_101 = arith.constant 0 : i32
    %dma_wait3A_102 = tpu.memref_slice %arg6[%dma_wait3A_100, %dma_wait3A_101] : memref<79x128xi32, #tpu.memory_space<vmem>> -> memref<1x128xi32, #tpu.memory_space<vmem>>
    %dma_wait3A_103 = tpu.memref_squeeze %dma_wait3A_102 : memref<1x128xi32, #tpu.memory_space<vmem>> -> memref<128xi32, #tpu.memory_space<vmem>>
    %dma_wait3A_104 = arith.constant 0 : i32
    %dma_wait3A_105 = arith.constant 0 : i32
    %dma_wait3A_106 = tpu.memref_slice %arg21[%dma_wait3A_104, %dma_wait3A_105] : memref<10112x32xf32, #tpu.memory_space<vmem_shared>> -> memref<10112x32xf32, #tpu.memory_space<vmem_shared>>
    tpu.wait_indirect_dma semaphore(%arg46 : memref<!tpu.dma_semaphore, #tpu.memory_space<semaphore_mem>>) src(%arg18 : memref<128x32xf32, #tpu.memory_space<vmem>>) dst(%dma_wait3A_106 : memref<10112x32xf32, #tpu.memory_space<vmem_shared>>)
    %dma_wait3A_107 = arith.constant 77 : i32
    %dma_wait3A_108 = arith.constant 0 : i32
    %dma_wait3A_109 = tpu.memref_slice %arg6[%dma_wait3A_107, %dma_wait3A_108] : memref<79x128xi32, #tpu.memory_space<vmem>> -> memref<1x128xi32, #tpu.memory_space<vmem>>
    %dma_wait3A_110 = tpu.memref_squeeze %dma_wait3A_109 : memref<1x128xi32, #tpu.memory_space<vmem>> -> memref<128xi32, #tpu.memory_space<vmem>>
    %dma_wait3A_111 = arith.constant 0 : i32
    %dma_wait3A_112 = arith.constant 0 : i32
    %dma_wait3A_113 = tpu.memref_slice %arg21[%dma_wait3A_111, %dma_wait3A_112] : memref<10112x32xf32, #tpu.memory_space<vmem_shared>> -> memref<10112x32xf32, #tpu.memory_space<vmem_shared>>
    tpu.wait_indirect_dma semaphore(%arg47 : memref<!tpu.dma_semaphore, #tpu.memory_space<semaphore_mem>>) src(%arg19 : memref<128x32xf32, #tpu.memory_space<vmem>>) dst(%dma_wait3A_113 : memref<10112x32xf32, #tpu.memory_space<vmem_shared>>)
    %lt3A = arith.constant 4 : i32
    %lt3A_114 = arith.cmpi slt, %add3A, %lt3A : i32
    %convert_element_type3A = arith.extui %lt3A_114 : i1 to i32
    %cond3A = arith.constant 0 : i32
    %cond3A_115 = arith.cmpi ne, %convert_element_type3A, %cond3A : i32
    scf.if %cond3A_115 {
      %run_scoped3A_154 = arith.constant 78 : i32
      "tpu.region"() ({
        %run_scoped3A_156 = tpu.sem_alloc : memref<!tpu.dma_semaphore, #tpu.memory_space<semaphore_mem>>
        %dma_start3A = arith.constant 0 : i32
        %dma_start3A_157 = tpu.memref_slice %arg5[%run_scoped3A_154, %dma_start3A] : memref<79x128xi32, #tpu.memory_space<vmem>> -> memref<1x128xi32, #tpu.memory_space<vmem>>
        %dma_start3A_158 = tpu.memref_squeeze %dma_start3A_157 : memref<1x128xi32, #tpu.memory_space<vmem>> -> memref<128xi32, #tpu.memory_space<vmem>>
        %dma_start3A_159 = arith.constant 0 : i32
        %dma_start3A_160 = arith.constant 0 : i32
        %dma_start3A_161 = tpu.memref_slice %arg2[%dma_start3A_159, %dma_start3A_160] : memref<10000x32xf32, #tpu.memory_space<hbm>> -> memref<10000x32xf32, #tpu.memory_space<hbm>>
        tpu.enqueue_indirect_dma source(%dma_start3A_161 : memref<10000x32xf32, #tpu.memory_space<hbm>>) target(%arg7 : memref<128x32xf32, #tpu.memory_space<vmem>>) offsets(%dma_start3A_158 : memref<128xi32, #tpu.memory_space<vmem>>) semaphore(%run_scoped3A_156 : memref<!tpu.dma_semaphore, #tpu.memory_space<semaphore_mem>>)
        %dma_wait3A_162 = arith.constant 0 : i32
        %dma_wait3A_163 = tpu.memref_slice %arg5[%run_scoped3A_154, %dma_wait3A_162] : memref<79x128xi32, #tpu.memory_space<vmem>> -> memref<1x128xi32, #tpu.memory_space<vmem>>
        %dma_wait3A_164 = tpu.memref_squeeze %dma_wait3A_163 : memref<1x128xi32, #tpu.memory_space<vmem>> -> memref<128xi32, #tpu.memory_space<vmem>>
        %dma_wait3A_165 = arith.constant 0 : i32
        %dma_wait3A_166 = arith.constant 0 : i32
        %dma_wait3A_167 = tpu.memref_slice %arg2[%dma_wait3A_165, %dma_wait3A_166] : memref<10000x32xf32, #tpu.memory_space<hbm>> -> memref<10000x32xf32, #tpu.memory_space<hbm>>
        tpu.wait_indirect_dma semaphore(%run_scoped3A_156 : memref<!tpu.dma_semaphore, #tpu.memory_space<semaphore_mem>>) src(%dma_wait3A_167 : memref<10000x32xf32, #tpu.memory_space<hbm>>) dst(%arg7 : memref<128x32xf32, #tpu.memory_space<vmem>>)
        tpu.yield
      }) : () -> ()
      %run_scoped3A_155 = arith.constant 78 : i32
      "tpu.region"() ({
        %run_scoped3A_156 = tpu.sem_alloc : memref<!tpu.dma_semaphore, #tpu.memory_space<semaphore_mem>>
        %dma_start3A = arith.constant 0 : i32
        %dma_start3A_157 = tpu.memref_slice %arg6[%run_scoped3A_155, %dma_start3A] : memref<79x128xi32, #tpu.memory_space<vmem>> -> memref<1x128xi32, #tpu.memory_space<vmem>>
        %dma_start3A_158 = tpu.memref_squeeze %dma_start3A_157 : memref<1x128xi32, #tpu.memory_space<vmem>> -> memref<128xi32, #tpu.memory_space<vmem>>
        %dma_start3A_159 = arith.constant 0 : i32
        %dma_start3A_160 = arith.constant 0 : i32
        %dma_start3A_161 = tpu.memref_slice %arg21[%dma_start3A_159, %dma_start3A_160] : memref<10112x32xf32, #tpu.memory_space<vmem_shared>> -> memref<10112x32xf32, #tpu.memory_space<vmem_shared>>
        tpu.enqueue_indirect_dma source(%arg7 : memref<128x32xf32, #tpu.memory_space<vmem>>) target(%dma_start3A_161 : memref<10112x32xf32, #tpu.memory_space<vmem_shared>>) offsets(%dma_start3A_158 : memref<128xi32, #tpu.memory_space<vmem>>) semaphore(%run_scoped3A_156 : memref<!tpu.dma_semaphore, #tpu.memory_space<semaphore_mem>>) {add = true}
        %dma_wait3A_162 = arith.constant 0 : i32
        %dma_wait3A_163 = tpu.memref_slice %arg6[%run_scoped3A_155, %dma_wait3A_162] : memref<79x128xi32, #tpu.memory_space<vmem>> -> memref<1x128xi32, #tpu.memory_space<vmem>>
        %dma_wait3A_164 = tpu.memref_squeeze %dma_wait3A_163 : memref<1x128xi32, #tpu.memory_space<vmem>> -> memref<128xi32, #tpu.memory_space<vmem>>
        %dma_wait3A_165 = arith.constant 0 : i32
        %dma_wait3A_166 = arith.constant 0 : i32
        %dma_wait3A_167 = tpu.memref_slice %arg21[%dma_wait3A_165, %dma_wait3A_166] : memref<10112x32xf32, #tpu.memory_space<vmem_shared>> -> memref<10112x32xf32, #tpu.memory_space<vmem_shared>>
        tpu.wait_indirect_dma semaphore(%run_scoped3A_156 : memref<!tpu.dma_semaphore, #tpu.memory_space<semaphore_mem>>) src(%arg7 : memref<128x32xf32, #tpu.memory_space<vmem>>) dst(%dma_wait3A_167 : memref<10112x32xf32, #tpu.memory_space<vmem_shared>>)
        tpu.yield
      }) : () -> ()
    } else {
    }
    %barrier3A_116 = arith.constant 0 : index
    tpu.barrier barrier_id(%barrier3A_116)
    %jit3A = arith.constant 4 : i32
    %div3A = arith.divsi %arg1, %jit3A : i32
    %sign3A = arith.constant 0 : i32
    %sign3A_117 = arith.cmpi sgt, %arg1, %sign3A : i32
    %sign3A_118 = arith.extui %sign3A_117 : i1 to i32
    %sign3A_119 = arith.constant 0 : i32
    %sign3A_120 = arith.cmpi slt, %arg1, %sign3A_119 : i32
    %sign3A_121 = arith.extui %sign3A_120 : i1 to i32
    %sign3A_122 = arith.subi %sign3A_118, %sign3A_121 : i32
    %sign3A_123 = arith.constant 0 : i32
    %sign3A_124 = arith.cmpi sgt, %jit3A, %sign3A_123 : i32
    %sign3A_125 = arith.extui %sign3A_124 : i1 to i32
    %sign3A_126 = arith.constant 0 : i32
    %sign3A_127 = arith.cmpi slt, %jit3A, %sign3A_126 : i32
    %sign3A_128 = arith.extui %sign3A_127 : i1 to i32
    %sign3A_129 = arith.subi %sign3A_125, %sign3A_128 : i32
    %ne3A = arith.cmpi ne, %sign3A_122, %sign3A_129 : i32
    %rem3A = arith.remsi %arg1, %jit3A : i32
    %ne3A_130 = arith.constant 0 : i32
    %ne3A_131 = arith.cmpi ne, %rem3A, %ne3A_130 : i32
    %and3A = arith.andi %ne3A, %ne3A_131 : i1
    %sub3A = arith.constant 1 : i32
    %sub3A_132 = arith.subi %div3A, %sub3A : i32
    %select_n3A = arith.select %and3A, %sub3A_132, %div3A : i32
    %jit3A_133 = arith.constant 4 : i32
    %eq3A = arith.constant 0 : i32
    %eq3A_134 = arith.cmpi eq, %jit3A_133, %eq3A : i32
    %jit3A_135 = arith.constant 1 : i32
    %select_n3A_136 = arith.select %eq3A_134, %jit3A_135, %jit3A_133 : i32
    %rem3A_137 = arith.remsi %arg1, %select_n3A_136 : i32
    %ne3A_138 = arith.constant 0 : i32
    %ne3A_139 = arith.cmpi ne, %rem3A_137, %ne3A_138 : i32
    %lt3A_140 = arith.constant 0 : i32
    %lt3A_141 = arith.cmpi slt, %rem3A_137, %lt3A_140 : i32
    %lt3A_142 = arith.constant 0 : i32
    %lt3A_143 = arith.cmpi slt, %select_n3A_136, %lt3A_142 : i32
    %ne3A_144 = arith.xori %lt3A_141, %lt3A_143 : i1
    %and3A_145 = arith.andi %ne3A_144, %ne3A_139 : i1
    %add3A_146 = arith.addi %rem3A_137, %select_n3A_136 : i32
    %select_n3A_147 = arith.select %and3A_145, %add3A_146, %rem3A_137 : i32
    %mul3A_148 = arith.constant 632 : i32
    %mul3A_149 = arith.muli %select_n3A_147, %mul3A_148 : i32
    %mul3A_150 = arith.constant 632 : i32
    %mul3A_151 = arith.muli %arg1, %mul3A_150 : i32
    %mul3A_152 = arith.constant 32 : i32
    %mul3A_153 = arith.muli %select_n3A, %mul3A_152 : i32
    "tpu.region"() ({
      %run_scoped3A_154 = tpu.sem_alloc : memref<!tpu.dma_semaphore, #tpu.memory_space<semaphore_mem>>
      %dma_start3A = tpu.memref_slice %arg4[%arg0, %mul3A_149, %mul3A_153] : memref<2x2528x128xf32, #tpu.memory_space<hbm>> -> memref<1x632x32xf32, #tpu.memory_space<hbm>>
      %dma_start3A_155 = tpu.memref_squeeze %dma_start3A : memref<1x632x32xf32, #tpu.memory_space<hbm>> -> memref<632x32xf32, #tpu.memory_space<hbm>>
      %dma_start3A_156 = arith.constant 0 : i32
      %dma_start3A_157 = tpu.memref_slice %arg21[%mul3A_151, %dma_start3A_156] : memref<10112x32xf32, #tpu.memory_space<vmem_shared>> -> memref<632x32xf32, #tpu.memory_space<vmem_shared>>
      tpu.enqueue_dma source(%dma_start3A_157 : memref<632x32xf32, #tpu.memory_space<vmem_shared>>) target(%dma_start3A_155 : memref<632x32xf32, #tpu.memory_space<hbm>>) target_semaphore(%run_scoped3A_154 : memref<!tpu.dma_semaphore, #tpu.memory_space<semaphore_mem>>)
      %dma_wait3A_158 = tpu.memref_slice %arg4[%arg0, %mul3A_149, %mul3A_153] : memref<2x2528x128xf32, #tpu.memory_space<hbm>> -> memref<1x632x32xf32, #tpu.memory_space<hbm>>
      %dma_wait3A_159 = tpu.memref_squeeze %dma_wait3A_158 : memref<1x632x32xf32, #tpu.memory_space<hbm>> -> memref<632x32xf32, #tpu.memory_space<hbm>>
      %dma_wait3A_160 = arith.constant 0 : i32
      %dma_wait3A_161 = tpu.memref_slice %arg21[%mul3A_151, %dma_wait3A_160] : memref<10112x32xf32, #tpu.memory_space<vmem_shared>> -> memref<632x32xf32, #tpu.memory_space<vmem_shared>>
      tpu.wait_dma2 semaphore(%run_scoped3A_154 : memref<!tpu.dma_semaphore, #tpu.memory_space<semaphore_mem>>) src(%dma_wait3A_161 : memref<632x32xf32, #tpu.memory_space<vmem_shared>>) dst(%dma_wait3A_159 : memref<632x32xf32, #tpu.memory_space<hbm>>)
      tpu.yield
    }) : () -> ()
    return
  }
}

#map = affine_map<(d0, d1) -> (0, 0)>
#map1 = affine_map<(d0, d1) -> (0, 0, 0)>
module attributes {stable_mosaic.version = 14 : i64} {
  func.func @scatter_kernel(%arg0: i32, %arg1: i32, %arg2: memref<10000x16xf32, #tpu.memory_space<hbm>>, %arg3: memref<2x2500x128xi32, #tpu.memory_space<hbm>>, %arg4: memref<2x1264x128xf32, #tpu.memory_space<hbm>>, %arg5: memref<79x128xi32, #tpu.memory_space<vmem>>, %arg6: memref<79x128xi32, #tpu.memory_space<vmem>>, %arg7: memref<128x16xf32, #tpu.memory_space<vmem>>, %arg8: memref<128x16xf32, #tpu.memory_space<vmem>>, %arg9: memref<128x16xf32, #tpu.memory_space<vmem>>, %arg10: memref<128x16xf32, #tpu.memory_space<vmem>>, %arg11: memref<128x16xf32, #tpu.memory_space<vmem>>, %arg12: memref<128x16xf32, #tpu.memory_space<vmem>>, %arg13: memref<128x16xf32, #tpu.memory_space<vmem>>, %arg14: memref<128x16xf32, #tpu.memory_space<vmem>>, %arg15: memref<128x16xf32, #tpu.memory_space<vmem>>, %arg16: memref<128x16xf32, #tpu.memory_space<vmem>>, %arg17: memref<128x16xf32, #tpu.memory_space<vmem>>, %arg18: memref<128x16xf32, #tpu.memory_space<vmem>>, %arg19: memref<128x16xf32, #tpu.memory_space<vmem>>, %arg20: memref<632x16xf32, #tpu.memory_space<vmem>>, %arg21: memref<10112x16xf32, #tpu.memory_space<vmem_shared>>, %arg22: memref<!tpu.dma_semaphore, #tpu.memory_space<semaphore_mem>>, %arg23: memref<!tpu.dma_semaphore, #tpu.memory_space<semaphore_mem>>, %arg24: memref<!tpu.dma_semaphore, #tpu.memory_space<semaphore_mem>>, %arg25: memref<!tpu.dma_semaphore, #tpu.memory_space<semaphore_mem>>, %arg26: memref<!tpu.dma_semaphore, #tpu.memory_space<semaphore_mem>>, %arg27: memref<!tpu.dma_semaphore, #tpu.memory_space<semaphore_mem>>, %arg28: memref<!tpu.dma_semaphore, #tpu.memory_space<semaphore_mem>>, %arg29: memref<!tpu.dma_semaphore, #tpu.memory_space<semaphore_mem>>, %arg30: memref<!tpu.dma_semaphore, #tpu.memory_space<semaphore_mem>>, %arg31: memref<!tpu.dma_semaphore, #tpu.memory_space<semaphore_mem>>, %arg32: memref<!tpu.dma_semaphore, #tpu.memory_space<semaphore_mem>>, %arg33: memref<!tpu.dma_semaphore, #tpu.memory_space<semaphore_mem>>, %arg34: memref<!tpu.dma_semaphore, #tpu.memory_space<semaphore_mem>>, %arg35: memref<!tpu.dma_semaphore, #tpu.memory_space<semaphore_mem>>, %arg36: memref<!tpu.dma_semaphore, #tpu.memory_space<semaphore_mem>>, %arg37: memref<!tpu.dma_semaphore, #tpu.memory_space<semaphore_mem>>, %arg38: memref<!tpu.dma_semaphore, #tpu.memory_space<semaphore_mem>>, %arg39: memref<!tpu.dma_semaphore, #tpu.memory_space<semaphore_mem>>, %arg40: memref<!tpu.dma_semaphore, #tpu.memory_space<semaphore_mem>>, %arg41: memref<!tpu.dma_semaphore, #tpu.memory_space<semaphore_mem>>, %arg42: memref<!tpu.dma_semaphore, #tpu.memory_space<semaphore_mem>>, %arg43: memref<!tpu.dma_semaphore, #tpu.memory_space<semaphore_mem>>, %arg44: memref<!tpu.dma_semaphore, #tpu.memory_space<semaphore_mem>>, %arg45: memref<!tpu.dma_semaphore, #tpu.memory_space<semaphore_mem>>, %arg46: memref<!tpu.dma_semaphore, #tpu.memory_space<semaphore_mem>>, %arg47: memref<!tpu.dma_semaphore, #tpu.memory_space<semaphore_mem>>) attributes {dimension_semantics = [#tpu.dimension_semantics<core_parallel>, #tpu.dimension_semantics<subcore_parallel>], iteration_bounds = array<i64: 2, 16>, scalar_prefetch = 0 : i64, scratch_operands = 43 : i64, tpu.core_type = #tpu.core_type<sc_vector_subcore>, window_params = [{transform_indices = #map}, {transform_indices = #map1}, {transform_indices = #map1}]} {
    %mul3A = arith.constant 16 : i32
    %mul3A_0 = arith.muli %arg0, %mul3A : i32
    %add3A = arith.addi %mul3A_0, %arg1 : i32
    %mul3A_1 = arith.constant 78 : i32
    %mul3A_2 = arith.muli %add3A, %mul3A_1 : i32
    %min3A = arith.constant 3 : i32
    %min3A_3 = arith.minsi %add3A, %min3A : i32
    %add3A_4 = arith.constant 2496 : i32
    %add3A_5 = arith.addi %add3A_4, %min3A_3 : i32
    %scan3A = arith.constant 0 : i32
    %scan3A_6 = arith.constant 0 : i32
    %scan3A_7 = arith.constant 632 : i32
    %scan3A_8 = arith.addi %scan3A_6, %scan3A_7 : i32
    %scan3A_9 = arith.constant 1 : i32
    %scan3A_10 = scf.for %scan3A_154 = %scan3A_6 to %scan3A_8 step %scan3A_9 iter_args(%scan3A_155 = %scan3A) -> (i32)  : i32 {
      %broadcast_in_dim3A = arith.constant 0.000000e+00 : f32
      %broadcast_in_dim3A_156 = vector.broadcast %broadcast_in_dim3A : f32 to vector<16xf32>
      %swap3A = arith.index_cast %scan3A_154 : i32 to index
      %swap3A_157 = arith.constant 0 : index
      %swap3A_158 = tpu.vector_load %arg20[%swap3A, %swap3A_157] {strides = array<i32>} : memref<632x16xf32, #tpu.memory_space<vmem>>, vector<1x16xf32>,
      %swap3A_159 = vector.shape_cast %swap3A_158 : vector<1x16xf32> to vector<16xf32>
      %swap3A_160 = vector.shape_cast %broadcast_in_dim3A_156 : vector<16xf32> to vector<1x16xf32>
      tpu.vector_store %arg20[%swap3A, %swap3A_157], %swap3A_160 {strides = array<i32>} : memref<632x16xf32, #tpu.memory_space<vmem>>, vector<1x16xf32>,
      %scan3A_161 = arith.constant 0 : i32
      scf.yield %scan3A_161 : i32
    }
    %scan3A_11 = arith.constant 632 : i32
    %mul3A_12 = arith.constant 632 : i32
    %mul3A_13 = arith.muli %arg1, %mul3A_12 : i32
    "tpu.region"() ({
      %run_scoped3A_154 = tpu.sem_alloc : memref<!tpu.dma_semaphore, #tpu.memory_space<semaphore_mem>>
      %dma_start3A = arith.constant 0 : i32
      %dma_start3A_155 = tpu.memref_slice %arg21[%mul3A_13, %dma_start3A] : memref<10112x16xf32, #tpu.memory_space<vmem_shared>> -> memref<632x16xf32, #tpu.memory_space<vmem_shared>>
      %dma_start3A_156 = arith.constant 0 : i32
      %dma_start3A_157 = tpu.memref_slice %arg21[%mul3A_13, %dma_start3A_156] : memref<10112x16xf32, #tpu.memory_space<vmem_shared>> -> memref<632x16xf32, #tpu.memory_space<vmem_shared>>
      tpu.enqueue_dma source(%arg20 : memref<632x16xf32, #tpu.memory_space<vmem>>) target(%dma_start3A_157 : memref<632x16xf32, #tpu.memory_space<vmem_shared>>) target_semaphore(%run_scoped3A_154 : memref<!tpu.dma_semaphore, #tpu.memory_space<semaphore_mem>>)
      %dma_wait3A_158 = arith.constant 0 : i32
      %dma_wait3A_159 = tpu.memref_slice %arg21[%mul3A_13, %dma_wait3A_158] : memref<10112x16xf32, #tpu.memory_space<vmem_shared>> -> memref<632x16xf32, #tpu.memory_space<vmem_shared>>
      %dma_wait3A_160 = arith.constant 0 : i32
      %dma_wait3A_161 = tpu.memref_slice %arg21[%mul3A_13, %dma_wait3A_160] : memref<10112x16xf32, #tpu.memory_space<vmem_shared>> -> memref<632x16xf32, #tpu.memory_space<vmem_shared>>
      tpu.wait_dma2 semaphore(%run_scoped3A_154 : memref<!tpu.dma_semaphore, #tpu.memory_space<semaphore_mem>>) src(%arg20 : memref<632x16xf32, #tpu.memory_space<vmem>>) dst(%dma_wait3A_161 : memref<632x16xf32, #tpu.memory_space<vmem_shared>>)
      tpu.yield
    }) : () -> ()
    %run_scoped3A = arith.constant 0 : i32
    "tpu.region"() ({
      %run_scoped3A_154 = tpu.sem_alloc : memref<!tpu.dma_semaphore, #tpu.memory_space<semaphore_mem>>
      %dma_start3A = arith.constant 0 : i32
      %dma_start3A_155 = arith.constant 0 : i32
      %dma_start3A_156 = tpu.memref_slice %arg5[%dma_start3A, %dma_start3A_155] : memref<79x128xi32, #tpu.memory_space<vmem>> -> memref<78x128xi32, #tpu.memory_space<vmem>>
      %dma_start3A_157 = arith.constant 0 : i32
      %dma_start3A_158 = tpu.memref_slice %arg3[%run_scoped3A, %mul3A_2, %dma_start3A_157] : memref<2x2500x128xi32, #tpu.memory_space<hbm>> -> memref<1x78x128xi32, #tpu.memory_space<hbm>>
      %dma_start3A_159 = tpu.memref_squeeze %dma_start3A_158 : memref<1x78x128xi32, #tpu.memory_space<hbm>> -> memref<78x128xi32, #tpu.memory_space<hbm>>
      %dma_start3A_160 = arith.constant 0 : i32
      %dma_start3A_161 = arith.constant 0 : i32
      %dma_start3A_162 = tpu.memref_slice %arg5[%dma_start3A_160, %dma_start3A_161] : memref<79x128xi32, #tpu.memory_space<vmem>> -> memref<78x128xi32, #tpu.memory_space<vmem>>
      %dma_start3A_163 = arith.constant 0 : i32
      %dma_start3A_164 = tpu.memref_slice %arg3[%run_scoped3A, %mul3A_2, %dma_start3A_163] : memref<2x2500x128xi32, #tpu.memory_space<hbm>> -> memref<1x78x128xi32, #tpu.memory_space<hbm>>
      %dma_start3A_165 = tpu.memref_squeeze %dma_start3A_164 : memref<1x78x128xi32, #tpu.memory_space<hbm>> -> memref<78x128xi32, #tpu.memory_space<hbm>>
      tpu.enqueue_dma source(%dma_start3A_165 : memref<78x128xi32, #tpu.memory_space<hbm>>) target(%dma_start3A_162 : memref<78x128xi32, #tpu.memory_space<vmem>>) target_semaphore(%run_scoped3A_154 : memref<!tpu.dma_semaphore, #tpu.memory_space<semaphore_mem>>)
      %dma_wait3A_166 = arith.constant 0 : i32
      %dma_wait3A_167 = arith.constant 0 : i32
      %dma_wait3A_168 = tpu.memref_slice %arg5[%dma_wait3A_166, %dma_wait3A_167] : memref<79x128xi32, #tpu.memory_space<vmem>> -> memref<78x128xi32, #tpu.memory_space<vmem>>
      %dma_wait3A_169 = arith.constant 0 : i32
      %dma_wait3A_170 = tpu.memref_slice %arg3[%run_scoped3A, %mul3A_2, %dma_wait3A_169] : memref<2x2500x128xi32, #tpu.memory_space<hbm>> -> memref<1x78x128xi32, #tpu.memory_space<hbm>>
      %dma_wait3A_171 = tpu.memref_squeeze %dma_wait3A_170 : memref<1x78x128xi32, #tpu.memory_space<hbm>> -> memref<78x128xi32, #tpu.memory_space<hbm>>
      %dma_wait3A_172 = arith.constant 0 : i32
      %dma_wait3A_173 = arith.constant 0 : i32
      %dma_wait3A_174 = tpu.memref_slice %arg5[%dma_wait3A_172, %dma_wait3A_173] : memref<79x128xi32, #tpu.memory_space<vmem>> -> memref<78x128xi32, #tpu.memory_space<vmem>>
      %dma_wait3A_175 = arith.constant 0 : i32
      %dma_wait3A_176 = tpu.memref_slice %arg3[%run_scoped3A, %mul3A_2, %dma_wait3A_175] : memref<2x2500x128xi32, #tpu.memory_space<hbm>> -> memref<1x78x128xi32, #tpu.memory_space<hbm>>
      %dma_wait3A_177 = tpu.memref_squeeze %dma_wait3A_176 : memref<1x78x128xi32, #tpu.memory_space<hbm>> -> memref<78x128xi32, #tpu.memory_space<hbm>>
      tpu.wait_dma2 semaphore(%run_scoped3A_154 : memref<!tpu.dma_semaphore, #tpu.memory_space<semaphore_mem>>) src(%dma_wait3A_177 : memref<78x128xi32, #tpu.memory_space<hbm>>) dst(%dma_wait3A_174 : memref<78x128xi32, #tpu.memory_space<vmem>>)
      tpu.yield
    }) : () -> ()
    %run_scoped3A_14 = arith.constant 1 : i32
    "tpu.region"() ({
      %run_scoped3A_154 = tpu.sem_alloc : memref<!tpu.dma_semaphore, #tpu.memory_space<semaphore_mem>>
      %dma_start3A = arith.constant 0 : i32
      %dma_start3A_155 = arith.constant 0 : i32
      %dma_start3A_156 = tpu.memref_slice %arg6[%dma_start3A, %dma_start3A_155] : memref<79x128xi32, #tpu.memory_space<vmem>> -> memref<78x128xi32, #tpu.memory_space<vmem>>
      %dma_start3A_157 = arith.constant 0 : i32
      %dma_start3A_158 = tpu.memref_slice %arg3[%run_scoped3A_14, %mul3A_2, %dma_start3A_157] : memref<2x2500x128xi32, #tpu.memory_space<hbm>> -> memref<1x78x128xi32, #tpu.memory_space<hbm>>
      %dma_start3A_159 = tpu.memref_squeeze %dma_start3A_158 : memref<1x78x128xi32, #tpu.memory_space<hbm>> -> memref<78x128xi32, #tpu.memory_space<hbm>>
      %dma_start3A_160 = arith.constant 0 : i32
      %dma_start3A_161 = arith.constant 0 : i32
      %dma_start3A_162 = tpu.memref_slice %arg6[%dma_start3A_160, %dma_start3A_161] : memref<79x128xi32, #tpu.memory_space<vmem>> -> memref<78x128xi32, #tpu.memory_space<vmem>>
      %dma_start3A_163 = arith.constant 0 : i32
      %dma_start3A_164 = tpu.memref_slice %arg3[%run_scoped3A_14, %mul3A_2, %dma_start3A_163] : memref<2x2500x128xi32, #tpu.memory_space<hbm>> -> memref<1x78x128xi32, #tpu.memory_space<hbm>>
      %dma_start3A_165 = tpu.memref_squeeze %dma_start3A_164 : memref<1x78x128xi32, #tpu.memory_space<hbm>> -> memref<78x128xi32, #tpu.memory_space<hbm>>
      tpu.enqueue_dma source(%dma_start3A_165 : memref<78x128xi32, #tpu.memory_space<hbm>>) target(%dma_start3A_162 : memref<78x128xi32, #tpu.memory_space<vmem>>) target_semaphore(%run_scoped3A_154 : memref<!tpu.dma_semaphore, #tpu.memory_space<semaphore_mem>>)
      %dma_wait3A_166 = arith.constant 0 : i32
      %dma_wait3A_167 = arith.constant 0 : i32
      %dma_wait3A_168 = tpu.memref_slice %arg6[%dma_wait3A_166, %dma_wait3A_167] : memref<79x128xi32, #tpu.memory_space<vmem>> -> memref<78x128xi32, #tpu.memory_space<vmem>>
      %dma_wait3A_169 = arith.constant 0 : i32
      %dma_wait3A_170 = tpu.memref_slice %arg3[%run_scoped3A_14, %mul3A_2, %dma_wait3A_169] : memref<2x2500x128xi32, #tpu.memory_space<hbm>> -> memref<1x78x128xi32, #tpu.memory_space<hbm>>
      %dma_wait3A_171 = tpu.memref_squeeze %dma_wait3A_170 : memref<1x78x128xi32, #tpu.memory_space<hbm>> -> memref<78x128xi32, #tpu.memory_space<hbm>>
      %dma_wait3A_172 = arith.constant 0 : i32
      %dma_wait3A_173 = arith.constant 0 : i32
      %dma_wait3A_174 = tpu.memref_slice %arg6[%dma_wait3A_172, %dma_wait3A_173] : memref<79x128xi32, #tpu.memory_space<vmem>> -> memref<78x128xi32, #tpu.memory_space<vmem>>
      %dma_wait3A_175 = arith.constant 0 : i32
      %dma_wait3A_176 = tpu.memref_slice %arg3[%run_scoped3A_14, %mul3A_2, %dma_wait3A_175] : memref<2x2500x128xi32, #tpu.memory_space<hbm>> -> memref<1x78x128xi32, #tpu.memory_space<hbm>>
      %dma_wait3A_177 = tpu.memref_squeeze %dma_wait3A_176 : memref<1x78x128xi32, #tpu.memory_space<hbm>> -> memref<78x128xi32, #tpu.memory_space<hbm>>
      tpu.wait_dma2 semaphore(%run_scoped3A_154 : memref<!tpu.dma_semaphore, #tpu.memory_space<semaphore_mem>>) src(%dma_wait3A_177 : memref<78x128xi32, #tpu.memory_space<hbm>>) dst(%dma_wait3A_174 : memref<78x128xi32, #tpu.memory_space<vmem>>)
      tpu.yield
    }) : () -> ()
    %run_scoped3A_15 = arith.constant 0 : i32
    "tpu.region"() ({
      %run_scoped3A_154 = tpu.sem_alloc : memref<!tpu.dma_semaphore, #tpu.memory_space<semaphore_mem>>
      %dma_start3A = arith.constant 78 : i32
      %dma_start3A_155 = arith.constant 0 : i32
      %dma_start3A_156 = tpu.memref_slice %arg5[%dma_start3A, %dma_start3A_155] : memref<79x128xi32, #tpu.memory_space<vmem>> -> memref<1x128xi32, #tpu.memory_space<vmem>>
      %dma_start3A_157 = arith.constant 0 : i32
      %dma_start3A_158 = tpu.memref_slice %arg3[%run_scoped3A_15, %add3A_5, %dma_start3A_157] : memref<2x2500x128xi32, #tpu.memory_space<hbm>> -> memref<1x1x128xi32, #tpu.memory_space<hbm>>
      %dma_start3A_159 = tpu.memref_squeeze %dma_start3A_158 : memref<1x1x128xi32, #tpu.memory_space<hbm>> -> memref<1x128xi32, #tpu.memory_space<hbm>>
      %dma_start3A_160 = arith.constant 78 : i32
      %dma_start3A_161 = arith.constant 0 : i32
      %dma_start3A_162 = tpu.memref_slice %arg5[%dma_start3A_160, %dma_start3A_161] : memref<79x128xi32, #tpu.memory_space<vmem>> -> memref<1x128xi32, #tpu.memory_space<vmem>>
      %dma_start3A_163 = arith.constant 0 : i32
      %dma_start3A_164 = tpu.memref_slice %arg3[%run_scoped3A_15, %add3A_5, %dma_start3A_163] : memref<2x2500x128xi32, #tpu.memory_space<hbm>> -> memref<1x1x128xi32, #tpu.memory_space<hbm>>
      %dma_start3A_165 = tpu.memref_squeeze %dma_start3A_164 : memref<1x1x128xi32, #tpu.memory_space<hbm>> -> memref<1x128xi32, #tpu.memory_space<hbm>>
      tpu.enqueue_dma source(%dma_start3A_165 : memref<1x128xi32, #tpu.memory_space<hbm>>) target(%dma_start3A_162 : memref<1x128xi32, #tpu.memory_space<vmem>>) target_semaphore(%run_scoped3A_154 : memref<!tpu.dma_semaphore, #tpu.memory_space<semaphore_mem>>)
      %dma_wait3A_166 = arith.constant 78 : i32
      %dma_wait3A_167 = arith.constant 0 : i32
      %dma_wait3A_168 = tpu.memref_slice %arg5[%dma_wait3A_166, %dma_wait3A_167] : memref<79x128xi32, #tpu.memory_space<vmem>> -> memref<1x128xi32, #tpu.memory_space<vmem>>
      %dma_wait3A_169 = arith.constant 0 : i32
      %dma_wait3A_170 = tpu.memref_slice %arg3[%run_scoped3A_15, %add3A_5, %dma_wait3A_169] : memref<2x2500x128xi32, #tpu.memory_space<hbm>> -> memref<1x1x128xi32, #tpu.memory_space<hbm>>
      %dma_wait3A_171 = tpu.memref_squeeze %dma_wait3A_170 : memref<1x1x128xi32, #tpu.memory_space<hbm>> -> memref<1x128xi32, #tpu.memory_space<hbm>>
      %dma_wait3A_172 = arith.constant 78 : i32
      %dma_wait3A_173 = arith.constant 0 : i32
      %dma_wait3A_174 = tpu.memref_slice %arg5[%dma_wait3A_172, %dma_wait3A_173] : memref<79x128xi32, #tpu.memory_space<vmem>> -> memref<1x128xi32, #tpu.memory_space<vmem>>
      %dma_wait3A_175 = arith.constant 0 : i32
      %dma_wait3A_176 = tpu.memref_slice %arg3[%run_scoped3A_15, %add3A_5, %dma_wait3A_175] : memref<2x2500x128xi32, #tpu.memory_space<hbm>> -> memref<1x1x128xi32, #tpu.memory_space<hbm>>
      %dma_wait3A_177 = tpu.memref_squeeze %dma_wait3A_176 : memref<1x1x128xi32, #tpu.memory_space<hbm>> -> memref<1x128xi32, #tpu.memory_space<hbm>>
      tpu.wait_dma2 semaphore(%run_scoped3A_154 : memref<!tpu.dma_semaphore, #tpu.memory_space<semaphore_mem>>) src(%dma_wait3A_177 : memref<1x128xi32, #tpu.memory_space<hbm>>) dst(%dma_wait3A_174 : memref<1x128xi32, #tpu.memory_space<vmem>>)
      tpu.yield
    }) : () -> ()
    %run_scoped3A_16 = arith.constant 1 : i32
    "tpu.region"() ({
      %run_scoped3A_154 = tpu.sem_alloc : memref<!tpu.dma_semaphore, #tpu.memory_space<semaphore_mem>>
      %dma_start3A = arith.constant 78 : i32
      %dma_start3A_155 = arith.constant 0 : i32
      %dma_start3A_156 = tpu.memref_slice %arg6[%dma_start3A, %dma_start3A_155] : memref<79x128xi32, #tpu.memory_space<vmem>> -> memref<1x128xi32, #tpu.memory_space<vmem>>
      %dma_start3A_157 = arith.constant 0 : i32
      %dma_start3A_158 = tpu.memref_slice %arg3[%run_scoped3A_16, %add3A_5, %dma_start3A_157] : memref<2x2500x128xi32, #tpu.memory_space<hbm>> -> memref<1x1x128xi32, #tpu.memory_space<hbm>>
      %dma_start3A_159 = tpu.memref_squeeze %dma_start3A_158 : memref<1x1x128xi32, #tpu.memory_space<hbm>> -> memref<1x128xi32, #tpu.memory_space<hbm>>
      %dma_start3A_160 = arith.constant 78 : i32
      %dma_start3A_161 = arith.constant 0 : i32
      %dma_start3A_162 = tpu.memref_slice %arg6[%dma_start3A_160, %dma_start3A_161] : memref<79x128xi32, #tpu.memory_space<vmem>> -> memref<1x128xi32, #tpu.memory_space<vmem>>
      %dma_start3A_163 = arith.constant 0 : i32
      %dma_start3A_164 = tpu.memref_slice %arg3[%run_scoped3A_16, %add3A_5, %dma_start3A_163] : memref<2x2500x128xi32, #tpu.memory_space<hbm>> -> memref<1x1x128xi32, #tpu.memory_space<hbm>>
      %dma_start3A_165 = tpu.memref_squeeze %dma_start3A_164 : memref<1x1x128xi32, #tpu.memory_space<hbm>> -> memref<1x128xi32, #tpu.memory_space<hbm>>
      tpu.enqueue_dma source(%dma_start3A_165 : memref<1x128xi32, #tpu.memory_space<hbm>>) target(%dma_start3A_162 : memref<1x128xi32, #tpu.memory_space<vmem>>) target_semaphore(%run_scoped3A_154 : memref<!tpu.dma_semaphore, #tpu.memory_space<semaphore_mem>>)
      %dma_wait3A_166 = arith.constant 78 : i32
      %dma_wait3A_167 = arith.constant 0 : i32
      %dma_wait3A_168 = tpu.memref_slice %arg6[%dma_wait3A_166, %dma_wait3A_167] : memref<79x128xi32, #tpu.memory_space<vmem>> -> memref<1x128xi32, #tpu.memory_space<vmem>>
      %dma_wait3A_169 = arith.constant 0 : i32
      %dma_wait3A_170 = tpu.memref_slice %arg3[%run_scoped3A_16, %add3A_5, %dma_wait3A_169] : memref<2x2500x128xi32, #tpu.memory_space<hbm>> -> memref<1x1x128xi32, #tpu.memory_space<hbm>>
      %dma_wait3A_171 = tpu.memref_squeeze %dma_wait3A_170 : memref<1x1x128xi32, #tpu.memory_space<hbm>> -> memref<1x128xi32, #tpu.memory_space<hbm>>
      %dma_wait3A_172 = arith.constant 78 : i32
      %dma_wait3A_173 = arith.constant 0 : i32
      %dma_wait3A_174 = tpu.memref_slice %arg6[%dma_wait3A_172, %dma_wait3A_173] : memref<79x128xi32, #tpu.memory_space<vmem>> -> memref<1x128xi32, #tpu.memory_space<vmem>>
      %dma_wait3A_175 = arith.constant 0 : i32
      %dma_wait3A_176 = tpu.memref_slice %arg3[%run_scoped3A_16, %add3A_5, %dma_wait3A_175] : memref<2x2500x128xi32, #tpu.memory_space<hbm>> -> memref<1x1x128xi32, #tpu.memory_space<hbm>>
      %dma_wait3A_177 = tpu.memref_squeeze %dma_wait3A_176 : memref<1x1x128xi32, #tpu.memory_space<hbm>> -> memref<1x128xi32, #tpu.memory_space<hbm>>
      tpu.wait_dma2 semaphore(%run_scoped3A_154 : memref<!tpu.dma_semaphore, #tpu.memory_space<semaphore_mem>>) src(%dma_wait3A_177 : memref<1x128xi32, #tpu.memory_space<hbm>>) dst(%dma_wait3A_174 : memref<1x128xi32, #tpu.memory_space<vmem>>)
      tpu.yield
    }) : () -> ()
    %barrier3A = arith.constant 0 : index
    tpu.barrier barrier_id(%barrier3A)
    %scan3A_17 = arith.constant 0 : i32
    %scan3A_18 = arith.constant 0 : i32
    %scan3A_19 = arith.constant 6 : i32
    %scan3A_20 = arith.addi %scan3A_18, %scan3A_19 : i32
    %scan3A_21 = arith.constant 1 : i32
    %scan3A_22 = scf.for %scan3A_154 = %scan3A_18 to %scan3A_20 step %scan3A_21 iter_args(%scan3A_155 = %scan3A_17) -> (i32)  : i32 {
      %mul3A_156 = arith.constant 13 : i32
      %mul3A_157 = arith.muli %scan3A_154, %mul3A_156 : i32
      %add3A_158 = arith.constant 0 : i32
      %add3A_159 = arith.addi %mul3A_157, %add3A_158 : i32
      %gt3A = arith.constant 0 : i32
      %gt3A_160 = arith.cmpi sgt, %scan3A_154, %gt3A : i32
      %convert_element_type3A_161 = arith.extui %gt3A_160 : i1 to i32
      %cond3A_162 = arith.constant 0 : i32
      %cond3A_163 = arith.cmpi ne, %convert_element_type3A_161, %cond3A_162 : i32
      scf.if %cond3A_163 {
        %sub3A_558 = arith.constant 13 : i32
        %sub3A_559 = arith.subi %add3A_159, %sub3A_558 : i32
        %dma_wait3A_560 = arith.constant 0 : i32
        %dma_wait3A_561 = tpu.memref_slice %arg6[%sub3A_559, %dma_wait3A_560] : memref<79x128xi32, #tpu.memory_space<vmem>> -> memref<1x128xi32, #tpu.memory_space<vmem>>
        %dma_wait3A_562 = tpu.memref_squeeze %dma_wait3A_561 : memref<1x128xi32, #tpu.memory_space<vmem>> -> memref<128xi32, #tpu.memory_space<vmem>>
        %dma_wait3A_563 = arith.constant 0 : i32
        %dma_wait3A_564 = arith.constant 0 : i32
        %dma_wait3A_565 = tpu.memref_slice %arg21[%dma_wait3A_563, %dma_wait3A_564] : memref<10112x16xf32, #tpu.memory_space<vmem_shared>> -> memref<10112x16xf32, #tpu.memory_space<vmem_shared>>
        tpu.wait_indirect_dma semaphore(%arg35 : memref<!tpu.dma_semaphore, #tpu.memory_space<semaphore_mem>>) src(%arg7 : memref<128x16xf32, #tpu.memory_space<vmem>>) dst(%dma_wait3A_565 : memref<10112x16xf32, #tpu.memory_space<vmem_shared>>)
      } else {
      }
      %dma_start3A = arith.constant 0 : i32
      %dma_start3A_164 = tpu.memref_slice %arg5[%add3A_159, %dma_start3A] : memref<79x128xi32, #tpu.memory_space<vmem>> -> memref<1x128xi32, #tpu.memory_space<vmem>>
      %dma_start3A_165 = tpu.memref_squeeze %dma_start3A_164 : memref<1x128xi32, #tpu.memory_space<vmem>> -> memref<128xi32, #tpu.memory_space<vmem>>
      %dma_start3A_166 = arith.constant 0 : i32
      %dma_start3A_167 = arith.constant 0 : i32
      %dma_start3A_168 = tpu.memref_slice %arg2[%dma_start3A_166, %dma_start3A_167] : memref<10000x16xf32, #tpu.memory_space<hbm>> -> memref<10000x16xf32, #tpu.memory_space<hbm>>
      tpu.enqueue_indirect_dma source(%dma_start3A_168 : memref<10000x16xf32, #tpu.memory_space<hbm>>) target(%arg7 : memref<128x16xf32, #tpu.memory_space<vmem>>) offsets(%dma_start3A_165 : memref<128xi32, #tpu.memory_space<vmem>>) semaphore(%arg22 : memref<!tpu.dma_semaphore, #tpu.memory_space<semaphore_mem>>)
      %mul3A_169 = arith.constant 13 : i32
      %mul3A_170 = arith.muli %scan3A_154, %mul3A_169 : i32
      %add3A_171 = arith.constant 1 : i32
      %add3A_172 = arith.addi %mul3A_170, %add3A_171 : i32
      %gt3A_173 = arith.constant 0 : i32
      %gt3A_174 = arith.cmpi sgt, %scan3A_154, %gt3A_173 : i32
      %convert_element_type3A_175 = arith.extui %gt3A_174 : i1 to i32
      %cond3A_176 = arith.constant 0 : i32
      %cond3A_177 = arith.cmpi ne, %convert_element_type3A_175, %cond3A_176 : i32
      scf.if %cond3A_177 {
        %sub3A_558 = arith.constant 13 : i32
        %sub3A_559 = arith.subi %add3A_172, %sub3A_558 : i32
        %dma_wait3A_560 = arith.constant 0 : i32
        %dma_wait3A_561 = tpu.memref_slice %arg6[%sub3A_559, %dma_wait3A_560] : memref<79x128xi32, #tpu.memory_space<vmem>> -> memref<1x128xi32, #tpu.memory_space<vmem>>
        %dma_wait3A_562 = tpu.memref_squeeze %dma_wait3A_561 : memref<1x128xi32, #tpu.memory_space<vmem>> -> memref<128xi32, #tpu.memory_space<vmem>>
        %dma_wait3A_563 = arith.constant 0 : i32
        %dma_wait3A_564 = arith.constant 0 : i32
        %dma_wait3A_565 = tpu.memref_slice %arg21[%dma_wait3A_563, %dma_wait3A_564] : memref<10112x16xf32, #tpu.memory_space<vmem_shared>> -> memref<10112x16xf32, #tpu.memory_space<vmem_shared>>
        tpu.wait_indirect_dma semaphore(%arg36 : memref<!tpu.dma_semaphore, #tpu.memory_space<semaphore_mem>>) src(%arg8 : memref<128x16xf32, #tpu.memory_space<vmem>>) dst(%dma_wait3A_565 : memref<10112x16xf32, #tpu.memory_space<vmem_shared>>)
      } else {
      }
      %dma_start3A_178 = arith.constant 0 : i32
      %dma_start3A_179 = tpu.memref_slice %arg5[%add3A_172, %dma_start3A_178] : memref<79x128xi32, #tpu.memory_space<vmem>> -> memref<1x128xi32, #tpu.memory_space<vmem>>
      %dma_start3A_180 = tpu.memref_squeeze %dma_start3A_179 : memref<1x128xi32, #tpu.memory_space<vmem>> -> memref<128xi32, #tpu.memory_space<vmem>>
      %dma_start3A_181 = arith.constant 0 : i32
      %dma_start3A_182 = arith.constant 0 : i32
      %dma_start3A_183 = tpu.memref_slice %arg2[%dma_start3A_181, %dma_start3A_182] : memref<10000x16xf32, #tpu.memory_space<hbm>> -> memref<10000x16xf32, #tpu.memory_space<hbm>>
      tpu.enqueue_indirect_dma source(%dma_start3A_183 : memref<10000x16xf32, #tpu.memory_space<hbm>>) target(%arg8 : memref<128x16xf32, #tpu.memory_space<vmem>>) offsets(%dma_start3A_180 : memref<128xi32, #tpu.memory_space<vmem>>) semaphore(%arg23 : memref<!tpu.dma_semaphore, #tpu.memory_space<semaphore_mem>>)
      %mul3A_184 = arith.constant 13 : i32
      %mul3A_185 = arith.muli %scan3A_154, %mul3A_184 : i32
      %add3A_186 = arith.constant 2 : i32
      %add3A_187 = arith.addi %mul3A_185, %add3A_186 : i32
      %gt3A_188 = arith.constant 0 : i32
      %gt3A_189 = arith.cmpi sgt, %scan3A_154, %gt3A_188 : i32
      %convert_element_type3A_190 = arith.extui %gt3A_189 : i1 to i32
      %cond3A_191 = arith.constant 0 : i32
      %cond3A_192 = arith.cmpi ne, %convert_element_type3A_190, %cond3A_191 : i32
      scf.if %cond3A_192 {
        %sub3A_558 = arith.constant 13 : i32
        %sub3A_559 = arith.subi %add3A_187, %sub3A_558 : i32
        %dma_wait3A_560 = arith.constant 0 : i32
        %dma_wait3A_561 = tpu.memref_slice %arg6[%sub3A_559, %dma_wait3A_560] : memref<79x128xi32, #tpu.memory_space<vmem>> -> memref<1x128xi32, #tpu.memory_space<vmem>>
        %dma_wait3A_562 = tpu.memref_squeeze %dma_wait3A_561 : memref<1x128xi32, #tpu.memory_space<vmem>> -> memref<128xi32, #tpu.memory_space<vmem>>
        %dma_wait3A_563 = arith.constant 0 : i32
        %dma_wait3A_564 = arith.constant 0 : i32
        %dma_wait3A_565 = tpu.memref_slice %arg21[%dma_wait3A_563, %dma_wait3A_564] : memref<10112x16xf32, #tpu.memory_space<vmem_shared>> -> memref<10112x16xf32, #tpu.memory_space<vmem_shared>>
        tpu.wait_indirect_dma semaphore(%arg37 : memref<!tpu.dma_semaphore, #tpu.memory_space<semaphore_mem>>) src(%arg9 : memref<128x16xf32, #tpu.memory_space<vmem>>) dst(%dma_wait3A_565 : memref<10112x16xf32, #tpu.memory_space<vmem_shared>>)
      } else {
      }
      %dma_start3A_193 = arith.constant 0 : i32
      %dma_start3A_194 = tpu.memref_slice %arg5[%add3A_187, %dma_start3A_193] : memref<79x128xi32, #tpu.memory_space<vmem>> -> memref<1x128xi32, #tpu.memory_space<vmem>>
      %dma_start3A_195 = tpu.memref_squeeze %dma_start3A_194 : memref<1x128xi32, #tpu.memory_space<vmem>> -> memref<128xi32, #tpu.memory_space<vmem>>
      %dma_start3A_196 = arith.constant 0 : i32
      %dma_start3A_197 = arith.constant 0 : i32
      %dma_start3A_198 = tpu.memref_slice %arg2[%dma_start3A_196, %dma_start3A_197] : memref<10000x16xf32, #tpu.memory_space<hbm>> -> memref<10000x16xf32, #tpu.memory_space<hbm>>
      tpu.enqueue_indirect_dma source(%dma_start3A_198 : memref<10000x16xf32, #tpu.memory_space<hbm>>) target(%arg9 : memref<128x16xf32, #tpu.memory_space<vmem>>) offsets(%dma_start3A_195 : memref<128xi32, #tpu.memory_space<vmem>>) semaphore(%arg24 : memref<!tpu.dma_semaphore, #tpu.memory_space<semaphore_mem>>)
      %mul3A_199 = arith.constant 13 : i32
      %mul3A_200 = arith.muli %scan3A_154, %mul3A_199 : i32
      %add3A_201 = arith.constant 3 : i32
      %add3A_202 = arith.addi %mul3A_200, %add3A_201 : i32
      %gt3A_203 = arith.constant 0 : i32
      %gt3A_204 = arith.cmpi sgt, %scan3A_154, %gt3A_203 : i32
      %convert_element_type3A_205 = arith.extui %gt3A_204 : i1 to i32
      %cond3A_206 = arith.constant 0 : i32
      %cond3A_207 = arith.cmpi ne, %convert_element_type3A_205, %cond3A_206 : i32
      scf.if %cond3A_207 {
        %sub3A_558 = arith.constant 13 : i32
        %sub3A_559 = arith.subi %add3A_202, %sub3A_558 : i32
        %dma_wait3A_560 = arith.constant 0 : i32
        %dma_wait3A_561 = tpu.memref_slice %arg6[%sub3A_559, %dma_wait3A_560] : memref<79x128xi32, #tpu.memory_space<vmem>> -> memref<1x128xi32, #tpu.memory_space<vmem>>
        %dma_wait3A_562 = tpu.memref_squeeze %dma_wait3A_561 : memref<1x128xi32, #tpu.memory_space<vmem>> -> memref<128xi32, #tpu.memory_space<vmem>>
        %dma_wait3A_563 = arith.constant 0 : i32
        %dma_wait3A_564 = arith.constant 0 : i32
        %dma_wait3A_565 = tpu.memref_slice %arg21[%dma_wait3A_563, %dma_wait3A_564] : memref<10112x16xf32, #tpu.memory_space<vmem_shared>> -> memref<10112x16xf32, #tpu.memory_space<vmem_shared>>
        tpu.wait_indirect_dma semaphore(%arg38 : memref<!tpu.dma_semaphore, #tpu.memory_space<semaphore_mem>>) src(%arg10 : memref<128x16xf32, #tpu.memory_space<vmem>>) dst(%dma_wait3A_565 : memref<10112x16xf32, #tpu.memory_space<vmem_shared>>)
      } else {
      }
      %dma_start3A_208 = arith.constant 0 : i32
      %dma_start3A_209 = tpu.memref_slice %arg5[%add3A_202, %dma_start3A_208] : memref<79x128xi32, #tpu.memory_space<vmem>> -> memref<1x128xi32, #tpu.memory_space<vmem>>
      %dma_start3A_210 = tpu.memref_squeeze %dma_start3A_209 : memref<1x128xi32, #tpu.memory_space<vmem>> -> memref<128xi32, #tpu.memory_space<vmem>>
      %dma_start3A_211 = arith.constant 0 : i32
      %dma_start3A_212 = arith.constant 0 : i32
      %dma_start3A_213 = tpu.memref_slice %arg2[%dma_start3A_211, %dma_start3A_212] : memref<10000x16xf32, #tpu.memory_space<hbm>> -> memref<10000x16xf32, #tpu.memory_space<hbm>>
      tpu.enqueue_indirect_dma source(%dma_start3A_213 : memref<10000x16xf32, #tpu.memory_space<hbm>>) target(%arg10 : memref<128x16xf32, #tpu.memory_space<vmem>>) offsets(%dma_start3A_210 : memref<128xi32, #tpu.memory_space<vmem>>) semaphore(%arg25 : memref<!tpu.dma_semaphore, #tpu.memory_space<semaphore_mem>>)
      %mul3A_214 = arith.constant 13 : i32
      %mul3A_215 = arith.muli %scan3A_154, %mul3A_214 : i32
      %add3A_216 = arith.constant 4 : i32
      %add3A_217 = arith.addi %mul3A_215, %add3A_216 : i32
      %gt3A_218 = arith.constant 0 : i32
      %gt3A_219 = arith.cmpi sgt, %scan3A_154, %gt3A_218 : i32
      %convert_element_type3A_220 = arith.extui %gt3A_219 : i1 to i32
      %cond3A_221 = arith.constant 0 : i32
      %cond3A_222 = arith.cmpi ne, %convert_element_type3A_220, %cond3A_221 : i32
      scf.if %cond3A_222 {
        %sub3A_558 = arith.constant 13 : i32
        %sub3A_559 = arith.subi %add3A_217, %sub3A_558 : i32
        %dma_wait3A_560 = arith.constant 0 : i32
        %dma_wait3A_561 = tpu.memref_slice %arg6[%sub3A_559, %dma_wait3A_560] : memref<79x128xi32, #tpu.memory_space<vmem>> -> memref<1x128xi32, #tpu.memory_space<vmem>>
        %dma_wait3A_562 = tpu.memref_squeeze %dma_wait3A_561 : memref<1x128xi32, #tpu.memory_space<vmem>> -> memref<128xi32, #tpu.memory_space<vmem>>
        %dma_wait3A_563 = arith.constant 0 : i32
        %dma_wait3A_564 = arith.constant 0 : i32
        %dma_wait3A_565 = tpu.memref_slice %arg21[%dma_wait3A_563, %dma_wait3A_564] : memref<10112x16xf32, #tpu.memory_space<vmem_shared>> -> memref<10112x16xf32, #tpu.memory_space<vmem_shared>>
        tpu.wait_indirect_dma semaphore(%arg39 : memref<!tpu.dma_semaphore, #tpu.memory_space<semaphore_mem>>) src(%arg11 : memref<128x16xf32, #tpu.memory_space<vmem>>) dst(%dma_wait3A_565 : memref<10112x16xf32, #tpu.memory_space<vmem_shared>>)
      } else {
      }
      %dma_start3A_223 = arith.constant 0 : i32
      %dma_start3A_224 = tpu.memref_slice %arg5[%add3A_217, %dma_start3A_223] : memref<79x128xi32, #tpu.memory_space<vmem>> -> memref<1x128xi32, #tpu.memory_space<vmem>>
      %dma_start3A_225 = tpu.memref_squeeze %dma_start3A_224 : memref<1x128xi32, #tpu.memory_space<vmem>> -> memref<128xi32, #tpu.memory_space<vmem>>
      %dma_start3A_226 = arith.constant 0 : i32
      %dma_start3A_227 = arith.constant 0 : i32
      %dma_start3A_228 = tpu.memref_slice %arg2[%dma_start3A_226, %dma_start3A_227] : memref<10000x16xf32, #tpu.memory_space<hbm>> -> memref<10000x16xf32, #tpu.memory_space<hbm>>
      tpu.enqueue_indirect_dma source(%dma_start3A_228 : memref<10000x16xf32, #tpu.memory_space<hbm>>) target(%arg11 : memref<128x16xf32, #tpu.memory_space<vmem>>) offsets(%dma_start3A_225 : memref<128xi32, #tpu.memory_space<vmem>>) semaphore(%arg26 : memref<!tpu.dma_semaphore, #tpu.memory_space<semaphore_mem>>)
      %mul3A_229 = arith.constant 13 : i32
      %mul3A_230 = arith.muli %scan3A_154, %mul3A_229 : i32
      %add3A_231 = arith.constant 5 : i32
      %add3A_232 = arith.addi %mul3A_230, %add3A_231 : i32
      %gt3A_233 = arith.constant 0 : i32
      %gt3A_234 = arith.cmpi sgt, %scan3A_154, %gt3A_233 : i32
      %convert_element_type3A_235 = arith.extui %gt3A_234 : i1 to i32
      %cond3A_236 = arith.constant 0 : i32
      %cond3A_237 = arith.cmpi ne, %convert_element_type3A_235, %cond3A_236 : i32
      scf.if %cond3A_237 {
        %sub3A_558 = arith.constant 13 : i32
        %sub3A_559 = arith.subi %add3A_232, %sub3A_558 : i32
        %dma_wait3A_560 = arith.constant 0 : i32
        %dma_wait3A_561 = tpu.memref_slice %arg6[%sub3A_559, %dma_wait3A_560] : memref<79x128xi32, #tpu.memory_space<vmem>> -> memref<1x128xi32, #tpu.memory_space<vmem>>
        %dma_wait3A_562 = tpu.memref_squeeze %dma_wait3A_561 : memref<1x128xi32, #tpu.memory_space<vmem>> -> memref<128xi32, #tpu.memory_space<vmem>>
        %dma_wait3A_563 = arith.constant 0 : i32
        %dma_wait3A_564 = arith.constant 0 : i32
        %dma_wait3A_565 = tpu.memref_slice %arg21[%dma_wait3A_563, %dma_wait3A_564] : memref<10112x16xf32, #tpu.memory_space<vmem_shared>> -> memref<10112x16xf32, #tpu.memory_space<vmem_shared>>
        tpu.wait_indirect_dma semaphore(%arg40 : memref<!tpu.dma_semaphore, #tpu.memory_space<semaphore_mem>>) src(%arg12 : memref<128x16xf32, #tpu.memory_space<vmem>>) dst(%dma_wait3A_565 : memref<10112x16xf32, #tpu.memory_space<vmem_shared>>)
      } else {
      }
      %dma_start3A_238 = arith.constant 0 : i32
      %dma_start3A_239 = tpu.memref_slice %arg5[%add3A_232, %dma_start3A_238] : memref<79x128xi32, #tpu.memory_space<vmem>> -> memref<1x128xi32, #tpu.memory_space<vmem>>
      %dma_start3A_240 = tpu.memref_squeeze %dma_start3A_239 : memref<1x128xi32, #tpu.memory_space<vmem>> -> memref<128xi32, #tpu.memory_space<vmem>>
      %dma_start3A_241 = arith.constant 0 : i32
      %dma_start3A_242 = arith.constant 0 : i32
      %dma_start3A_243 = tpu.memref_slice %arg2[%dma_start3A_241, %dma_start3A_242] : memref<10000x16xf32, #tpu.memory_space<hbm>> -> memref<10000x16xf32, #tpu.memory_space<hbm>>
      tpu.enqueue_indirect_dma source(%dma_start3A_243 : memref<10000x16xf32, #tpu.memory_space<hbm>>) target(%arg12 : memref<128x16xf32, #tpu.memory_space<vmem>>) offsets(%dma_start3A_240 : memref<128xi32, #tpu.memory_space<vmem>>) semaphore(%arg27 : memref<!tpu.dma_semaphore, #tpu.memory_space<semaphore_mem>>)
      %mul3A_244 = arith.constant 13 : i32
      %mul3A_245 = arith.muli %scan3A_154, %mul3A_244 : i32
      %add3A_246 = arith.constant 6 : i32
      %add3A_247 = arith.addi %mul3A_245, %add3A_246 : i32
      %gt3A_248 = arith.constant 0 : i32
      %gt3A_249 = arith.cmpi sgt, %scan3A_154, %gt3A_248 : i32
      %convert_element_type3A_250 = arith.extui %gt3A_249 : i1 to i32
      %cond3A_251 = arith.constant 0 : i32
      %cond3A_252 = arith.cmpi ne, %convert_element_type3A_250, %cond3A_251 : i32
      scf.if %cond3A_252 {
        %sub3A_558 = arith.constant 13 : i32
        %sub3A_559 = arith.subi %add3A_247, %sub3A_558 : i32
        %dma_wait3A_560 = arith.constant 0 : i32
        %dma_wait3A_561 = tpu.memref_slice %arg6[%sub3A_559, %dma_wait3A_560] : memref<79x128xi32, #tpu.memory_space<vmem>> -> memref<1x128xi32, #tpu.memory_space<vmem>>
        %dma_wait3A_562 = tpu.memref_squeeze %dma_wait3A_561 : memref<1x128xi32, #tpu.memory_space<vmem>> -> memref<128xi32, #tpu.memory_space<vmem>>
        %dma_wait3A_563 = arith.constant 0 : i32
        %dma_wait3A_564 = arith.constant 0 : i32
        %dma_wait3A_565 = tpu.memref_slice %arg21[%dma_wait3A_563, %dma_wait3A_564] : memref<10112x16xf32, #tpu.memory_space<vmem_shared>> -> memref<10112x16xf32, #tpu.memory_space<vmem_shared>>
        tpu.wait_indirect_dma semaphore(%arg41 : memref<!tpu.dma_semaphore, #tpu.memory_space<semaphore_mem>>) src(%arg13 : memref<128x16xf32, #tpu.memory_space<vmem>>) dst(%dma_wait3A_565 : memref<10112x16xf32, #tpu.memory_space<vmem_shared>>)
      } else {
      }
      %dma_start3A_253 = arith.constant 0 : i32
      %dma_start3A_254 = tpu.memref_slice %arg5[%add3A_247, %dma_start3A_253] : memref<79x128xi32, #tpu.memory_space<vmem>> -> memref<1x128xi32, #tpu.memory_space<vmem>>
      %dma_start3A_255 = tpu.memref_squeeze %dma_start3A_254 : memref<1x128xi32, #tpu.memory_space<vmem>> -> memref<128xi32, #tpu.memory_space<vmem>>
      %dma_start3A_256 = arith.constant 0 : i32
      %dma_start3A_257 = arith.constant 0 : i32
      %dma_start3A_258 = tpu.memref_slice %arg2[%dma_start3A_256, %dma_start3A_257] : memref<10000x16xf32, #tpu.memory_space<hbm>> -> memref<10000x16xf32, #tpu.memory_space<hbm>>
      tpu.enqueue_indirect_dma source(%dma_start3A_258 : memref<10000x16xf32, #tpu.memory_space<hbm>>) target(%arg13 : memref<128x16xf32, #tpu.memory_space<vmem>>) offsets(%dma_start3A_255 : memref<128xi32, #tpu.memory_space<vmem>>) semaphore(%arg28 : memref<!tpu.dma_semaphore, #tpu.memory_space<semaphore_mem>>)
      %mul3A_259 = arith.constant 13 : i32
      %mul3A_260 = arith.muli %scan3A_154, %mul3A_259 : i32
      %add3A_261 = arith.constant 7 : i32
      %add3A_262 = arith.addi %mul3A_260, %add3A_261 : i32
      %gt3A_263 = arith.constant 0 : i32
      %gt3A_264 = arith.cmpi sgt, %scan3A_154, %gt3A_263 : i32
      %convert_element_type3A_265 = arith.extui %gt3A_264 : i1 to i32
      %cond3A_266 = arith.constant 0 : i32
      %cond3A_267 = arith.cmpi ne, %convert_element_type3A_265, %cond3A_266 : i32
      scf.if %cond3A_267 {
        %sub3A_558 = arith.constant 13 : i32
        %sub3A_559 = arith.subi %add3A_262, %sub3A_558 : i32
        %dma_wait3A_560 = arith.constant 0 : i32
        %dma_wait3A_561 = tpu.memref_slice %arg6[%sub3A_559, %dma_wait3A_560] : memref<79x128xi32, #tpu.memory_space<vmem>> -> memref<1x128xi32, #tpu.memory_space<vmem>>
        %dma_wait3A_562 = tpu.memref_squeeze %dma_wait3A_561 : memref<1x128xi32, #tpu.memory_space<vmem>> -> memref<128xi32, #tpu.memory_space<vmem>>
        %dma_wait3A_563 = arith.constant 0 : i32
        %dma_wait3A_564 = arith.constant 0 : i32
        %dma_wait3A_565 = tpu.memref_slice %arg21[%dma_wait3A_563, %dma_wait3A_564] : memref<10112x16xf32, #tpu.memory_space<vmem_shared>> -> memref<10112x16xf32, #tpu.memory_space<vmem_shared>>
        tpu.wait_indirect_dma semaphore(%arg42 : memref<!tpu.dma_semaphore, #tpu.memory_space<semaphore_mem>>) src(%arg14 : memref<128x16xf32, #tpu.memory_space<vmem>>) dst(%dma_wait3A_565 : memref<10112x16xf32, #tpu.memory_space<vmem_shared>>)
      } else {
      }
      %dma_start3A_268 = arith.constant 0 : i32
      %dma_start3A_269 = tpu.memref_slice %arg5[%add3A_262, %dma_start3A_268] : memref<79x128xi32, #tpu.memory_space<vmem>> -> memref<1x128xi32, #tpu.memory_space<vmem>>
      %dma_start3A_270 = tpu.memref_squeeze %dma_start3A_269 : memref<1x128xi32, #tpu.memory_space<vmem>> -> memref<128xi32, #tpu.memory_space<vmem>>
      %dma_start3A_271 = arith.constant 0 : i32
      %dma_start3A_272 = arith.constant 0 : i32
      %dma_start3A_273 = tpu.memref_slice %arg2[%dma_start3A_271, %dma_start3A_272] : memref<10000x16xf32, #tpu.memory_space<hbm>> -> memref<10000x16xf32, #tpu.memory_space<hbm>>
      tpu.enqueue_indirect_dma source(%dma_start3A_273 : memref<10000x16xf32, #tpu.memory_space<hbm>>) target(%arg14 : memref<128x16xf32, #tpu.memory_space<vmem>>) offsets(%dma_start3A_270 : memref<128xi32, #tpu.memory_space<vmem>>) semaphore(%arg29 : memref<!tpu.dma_semaphore, #tpu.memory_space<semaphore_mem>>)
      %mul3A_274 = arith.constant 13 : i32
      %mul3A_275 = arith.muli %scan3A_154, %mul3A_274 : i32
      %add3A_276 = arith.constant 8 : i32
      %add3A_277 = arith.addi %mul3A_275, %add3A_276 : i32
      %gt3A_278 = arith.constant 0 : i32
      %gt3A_279 = arith.cmpi sgt, %scan3A_154, %gt3A_278 : i32
      %convert_element_type3A_280 = arith.extui %gt3A_279 : i1 to i32
      %cond3A_281 = arith.constant 0 : i32
      %cond3A_282 = arith.cmpi ne, %convert_element_type3A_280, %cond3A_281 : i32
      scf.if %cond3A_282 {
        %sub3A_558 = arith.constant 13 : i32
        %sub3A_559 = arith.subi %add3A_277, %sub3A_558 : i32
        %dma_wait3A_560 = arith.constant 0 : i32
        %dma_wait3A_561 = tpu.memref_slice %arg6[%sub3A_559, %dma_wait3A_560] : memref<79x128xi32, #tpu.memory_space<vmem>> -> memref<1x128xi32, #tpu.memory_space<vmem>>
        %dma_wait3A_562 = tpu.memref_squeeze %dma_wait3A_561 : memref<1x128xi32, #tpu.memory_space<vmem>> -> memref<128xi32, #tpu.memory_space<vmem>>
        %dma_wait3A_563 = arith.constant 0 : i32
        %dma_wait3A_564 = arith.constant 0 : i32
        %dma_wait3A_565 = tpu.memref_slice %arg21[%dma_wait3A_563, %dma_wait3A_564] : memref<10112x16xf32, #tpu.memory_space<vmem_shared>> -> memref<10112x16xf32, #tpu.memory_space<vmem_shared>>
        tpu.wait_indirect_dma semaphore(%arg43 : memref<!tpu.dma_semaphore, #tpu.memory_space<semaphore_mem>>) src(%arg15 : memref<128x16xf32, #tpu.memory_space<vmem>>) dst(%dma_wait3A_565 : memref<10112x16xf32, #tpu.memory_space<vmem_shared>>)
      } else {
      }
      %dma_start3A_283 = arith.constant 0 : i32
      %dma_start3A_284 = tpu.memref_slice %arg5[%add3A_277, %dma_start3A_283] : memref<79x128xi32, #tpu.memory_space<vmem>> -> memref<1x128xi32, #tpu.memory_space<vmem>>
      %dma_start3A_285 = tpu.memref_squeeze %dma_start3A_284 : memref<1x128xi32, #tpu.memory_space<vmem>> -> memref<128xi32, #tpu.memory_space<vmem>>
      %dma_start3A_286 = arith.constant 0 : i32
      %dma_start3A_287 = arith.constant 0 : i32
      %dma_start3A_288 = tpu.memref_slice %arg2[%dma_start3A_286, %dma_start3A_287] : memref<10000x16xf32, #tpu.memory_space<hbm>> -> memref<10000x16xf32, #tpu.memory_space<hbm>>
      tpu.enqueue_indirect_dma source(%dma_start3A_288 : memref<10000x16xf32, #tpu.memory_space<hbm>>) target(%arg15 : memref<128x16xf32, #tpu.memory_space<vmem>>) offsets(%dma_start3A_285 : memref<128xi32, #tpu.memory_space<vmem>>) semaphore(%arg30 : memref<!tpu.dma_semaphore, #tpu.memory_space<semaphore_mem>>)
      %mul3A_289 = arith.constant 13 : i32
      %mul3A_290 = arith.muli %scan3A_154, %mul3A_289 : i32
      %add3A_291 = arith.constant 9 : i32
      %add3A_292 = arith.addi %mul3A_290, %add3A_291 : i32
      %gt3A_293 = arith.constant 0 : i32
      %gt3A_294 = arith.cmpi sgt, %scan3A_154, %gt3A_293 : i32
      %convert_element_type3A_295 = arith.extui %gt3A_294 : i1 to i32
      %cond3A_296 = arith.constant 0 : i32
      %cond3A_297 = arith.cmpi ne, %convert_element_type3A_295, %cond3A_296 : i32
      scf.if %cond3A_297 {
        %sub3A_558 = arith.constant 13 : i32
        %sub3A_559 = arith.subi %add3A_292, %sub3A_558 : i32
        %dma_wait3A_560 = arith.constant 0 : i32
        %dma_wait3A_561 = tpu.memref_slice %arg6[%sub3A_559, %dma_wait3A_560] : memref<79x128xi32, #tpu.memory_space<vmem>> -> memref<1x128xi32, #tpu.memory_space<vmem>>
        %dma_wait3A_562 = tpu.memref_squeeze %dma_wait3A_561 : memref<1x128xi32, #tpu.memory_space<vmem>> -> memref<128xi32, #tpu.memory_space<vmem>>
        %dma_wait3A_563 = arith.constant 0 : i32
        %dma_wait3A_564 = arith.constant 0 : i32
        %dma_wait3A_565 = tpu.memref_slice %arg21[%dma_wait3A_563, %dma_wait3A_564] : memref<10112x16xf32, #tpu.memory_space<vmem_shared>> -> memref<10112x16xf32, #tpu.memory_space<vmem_shared>>
        tpu.wait_indirect_dma semaphore(%arg44 : memref<!tpu.dma_semaphore, #tpu.memory_space<semaphore_mem>>) src(%arg16 : memref<128x16xf32, #tpu.memory_space<vmem>>) dst(%dma_wait3A_565 : memref<10112x16xf32, #tpu.memory_space<vmem_shared>>)
      } else {
      }
      %dma_start3A_298 = arith.constant 0 : i32
      %dma_start3A_299 = tpu.memref_slice %arg5[%add3A_292, %dma_start3A_298] : memref<79x128xi32, #tpu.memory_space<vmem>> -> memref<1x128xi32, #tpu.memory_space<vmem>>
      %dma_start3A_300 = tpu.memref_squeeze %dma_start3A_299 : memref<1x128xi32, #tpu.memory_space<vmem>> -> memref<128xi32, #tpu.memory_space<vmem>>
      %dma_start3A_301 = arith.constant 0 : i32
      %dma_start3A_302 = arith.constant 0 : i32
      %dma_start3A_303 = tpu.memref_slice %arg2[%dma_start3A_301, %dma_start3A_302] : memref<10000x16xf32, #tpu.memory_space<hbm>> -> memref<10000x16xf32, #tpu.memory_space<hbm>>
      tpu.enqueue_indirect_dma source(%dma_start3A_303 : memref<10000x16xf32, #tpu.memory_space<hbm>>) target(%arg16 : memref<128x16xf32, #tpu.memory_space<vmem>>) offsets(%dma_start3A_300 : memref<128xi32, #tpu.memory_space<vmem>>) semaphore(%arg31 : memref<!tpu.dma_semaphore, #tpu.memory_space<semaphore_mem>>)
      %mul3A_304 = arith.constant 13 : i32
      %mul3A_305 = arith.muli %scan3A_154, %mul3A_304 : i32
      %add3A_306 = arith.constant 10 : i32
      %add3A_307 = arith.addi %mul3A_305, %add3A_306 : i32
      %gt3A_308 = arith.constant 0 : i32
      %gt3A_309 = arith.cmpi sgt, %scan3A_154, %gt3A_308 : i32
      %convert_element_type3A_310 = arith.extui %gt3A_309 : i1 to i32
      %cond3A_311 = arith.constant 0 : i32
      %cond3A_312 = arith.cmpi ne, %convert_element_type3A_310, %cond3A_311 : i32
      scf.if %cond3A_312 {
        %sub3A_558 = arith.constant 13 : i32
        %sub3A_559 = arith.subi %add3A_307, %sub3A_558 : i32
        %dma_wait3A_560 = arith.constant 0 : i32
        %dma_wait3A_561 = tpu.memref_slice %arg6[%sub3A_559, %dma_wait3A_560] : memref<79x128xi32, #tpu.memory_space<vmem>> -> memref<1x128xi32, #tpu.memory_space<vmem>>
        %dma_wait3A_562 = tpu.memref_squeeze %dma_wait3A_561 : memref<1x128xi32, #tpu.memory_space<vmem>> -> memref<128xi32, #tpu.memory_space<vmem>>
        %dma_wait3A_563 = arith.constant 0 : i32
        %dma_wait3A_564 = arith.constant 0 : i32
        %dma_wait3A_565 = tpu.memref_slice %arg21[%dma_wait3A_563, %dma_wait3A_564] : memref<10112x16xf32, #tpu.memory_space<vmem_shared>> -> memref<10112x16xf32, #tpu.memory_space<vmem_shared>>
        tpu.wait_indirect_dma semaphore(%arg45 : memref<!tpu.dma_semaphore, #tpu.memory_space<semaphore_mem>>) src(%arg17 : memref<128x16xf32, #tpu.memory_space<vmem>>) dst(%dma_wait3A_565 : memref<10112x16xf32, #tpu.memory_space<vmem_shared>>)
      } else {
      }
      %dma_start3A_313 = arith.constant 0 : i32
      %dma_start3A_314 = tpu.memref_slice %arg5[%add3A_307, %dma_start3A_313] : memref<79x128xi32, #tpu.memory_space<vmem>> -> memref<1x128xi32, #tpu.memory_space<vmem>>
      %dma_start3A_315 = tpu.memref_squeeze %dma_start3A_314 : memref<1x128xi32, #tpu.memory_space<vmem>> -> memref<128xi32, #tpu.memory_space<vmem>>
      %dma_start3A_316 = arith.constant 0 : i32
      %dma_start3A_317 = arith.constant 0 : i32
      %dma_start3A_318 = tpu.memref_slice %arg2[%dma_start3A_316, %dma_start3A_317] : memref<10000x16xf32, #tpu.memory_space<hbm>> -> memref<10000x16xf32, #tpu.memory_space<hbm>>
      tpu.enqueue_indirect_dma source(%dma_start3A_318 : memref<10000x16xf32, #tpu.memory_space<hbm>>) target(%arg17 : memref<128x16xf32, #tpu.memory_space<vmem>>) offsets(%dma_start3A_315 : memref<128xi32, #tpu.memory_space<vmem>>) semaphore(%arg32 : memref<!tpu.dma_semaphore, #tpu.memory_space<semaphore_mem>>)
      %mul3A_319 = arith.constant 13 : i32
      %mul3A_320 = arith.muli %scan3A_154, %mul3A_319 : i32
      %add3A_321 = arith.constant 11 : i32
      %add3A_322 = arith.addi %mul3A_320, %add3A_321 : i32
      %gt3A_323 = arith.constant 0 : i32
      %gt3A_324 = arith.cmpi sgt, %scan3A_154, %gt3A_323 : i32
      %convert_element_type3A_325 = arith.extui %gt3A_324 : i1 to i32
      %cond3A_326 = arith.constant 0 : i32
      %cond3A_327 = arith.cmpi ne, %convert_element_type3A_325, %cond3A_326 : i32
      scf.if %cond3A_327 {
        %sub3A_558 = arith.constant 13 : i32
        %sub3A_559 = arith.subi %add3A_322, %sub3A_558 : i32
        %dma_wait3A_560 = arith.constant 0 : i32
        %dma_wait3A_561 = tpu.memref_slice %arg6[%sub3A_559, %dma_wait3A_560] : memref<79x128xi32, #tpu.memory_space<vmem>> -> memref<1x128xi32, #tpu.memory_space<vmem>>
        %dma_wait3A_562 = tpu.memref_squeeze %dma_wait3A_561 : memref<1x128xi32, #tpu.memory_space<vmem>> -> memref<128xi32, #tpu.memory_space<vmem>>
        %dma_wait3A_563 = arith.constant 0 : i32
        %dma_wait3A_564 = arith.constant 0 : i32
        %dma_wait3A_565 = tpu.memref_slice %arg21[%dma_wait3A_563, %dma_wait3A_564] : memref<10112x16xf32, #tpu.memory_space<vmem_shared>> -> memref<10112x16xf32, #tpu.memory_space<vmem_shared>>
        tpu.wait_indirect_dma semaphore(%arg46 : memref<!tpu.dma_semaphore, #tpu.memory_space<semaphore_mem>>) src(%arg18 : memref<128x16xf32, #tpu.memory_space<vmem>>) dst(%dma_wait3A_565 : memref<10112x16xf32, #tpu.memory_space<vmem_shared>>)
      } else {
      }
      %dma_start3A_328 = arith.constant 0 : i32
      %dma_start3A_329 = tpu.memref_slice %arg5[%add3A_322, %dma_start3A_328] : memref<79x128xi32, #tpu.memory_space<vmem>> -> memref<1x128xi32, #tpu.memory_space<vmem>>
      %dma_start3A_330 = tpu.memref_squeeze %dma_start3A_329 : memref<1x128xi32, #tpu.memory_space<vmem>> -> memref<128xi32, #tpu.memory_space<vmem>>
      %dma_start3A_331 = arith.constant 0 : i32
      %dma_start3A_332 = arith.constant 0 : i32
      %dma_start3A_333 = tpu.memref_slice %arg2[%dma_start3A_331, %dma_start3A_332] : memref<10000x16xf32, #tpu.memory_space<hbm>> -> memref<10000x16xf32, #tpu.memory_space<hbm>>
      tpu.enqueue_indirect_dma source(%dma_start3A_333 : memref<10000x16xf32, #tpu.memory_space<hbm>>) target(%arg18 : memref<128x16xf32, #tpu.memory_space<vmem>>) offsets(%dma_start3A_330 : memref<128xi32, #tpu.memory_space<vmem>>) semaphore(%arg33 : memref<!tpu.dma_semaphore, #tpu.memory_space<semaphore_mem>>)
      %mul3A_334 = arith.constant 13 : i32
      %mul3A_335 = arith.muli %scan3A_154, %mul3A_334 : i32
      %add3A_336 = arith.constant 12 : i32
      %add3A_337 = arith.addi %mul3A_335, %add3A_336 : i32
      %gt3A_338 = arith.constant 0 : i32
      %gt3A_339 = arith.cmpi sgt, %scan3A_154, %gt3A_338 : i32
      %convert_element_type3A_340 = arith.extui %gt3A_339 : i1 to i32
      %cond3A_341 = arith.constant 0 : i32
      %cond3A_342 = arith.cmpi ne, %convert_element_type3A_340, %cond3A_341 : i32
      scf.if %cond3A_342 {
        %sub3A_558 = arith.constant 13 : i32
        %sub3A_559 = arith.subi %add3A_337, %sub3A_558 : i32
        %dma_wait3A_560 = arith.constant 0 : i32
        %dma_wait3A_561 = tpu.memref_slice %arg6[%sub3A_559, %dma_wait3A_560] : memref<79x128xi32, #tpu.memory_space<vmem>> -> memref<1x128xi32, #tpu.memory_space<vmem>>
        %dma_wait3A_562 = tpu.memref_squeeze %dma_wait3A_561 : memref<1x128xi32, #tpu.memory_space<vmem>> -> memref<128xi32, #tpu.memory_space<vmem>>
        %dma_wait3A_563 = arith.constant 0 : i32
        %dma_wait3A_564 = arith.constant 0 : i32
        %dma_wait3A_565 = tpu.memref_slice %arg21[%dma_wait3A_563, %dma_wait3A_564] : memref<10112x16xf32, #tpu.memory_space<vmem_shared>> -> memref<10112x16xf32, #tpu.memory_space<vmem_shared>>
        tpu.wait_indirect_dma semaphore(%arg47 : memref<!tpu.dma_semaphore, #tpu.memory_space<semaphore_mem>>) src(%arg19 : memref<128x16xf32, #tpu.memory_space<vmem>>) dst(%dma_wait3A_565 : memref<10112x16xf32, #tpu.memory_space<vmem_shared>>)
      } else {
      }
      %dma_start3A_343 = arith.constant 0 : i32
      %dma_start3A_344 = tpu.memref_slice %arg5[%add3A_337, %dma_start3A_343] : memref<79x128xi32, #tpu.memory_space<vmem>> -> memref<1x128xi32, #tpu.memory_space<vmem>>
      %dma_start3A_345 = tpu.memref_squeeze %dma_start3A_344 : memref<1x128xi32, #tpu.memory_space<vmem>> -> memref<128xi32, #tpu.memory_space<vmem>>
      %dma_start3A_346 = arith.constant 0 : i32
      %dma_start3A_347 = arith.constant 0 : i32
      %dma_start3A_348 = tpu.memref_slice %arg2[%dma_start3A_346, %dma_start3A_347] : memref<10000x16xf32, #tpu.memory_space<hbm>> -> memref<10000x16xf32, #tpu.memory_space<hbm>>
      tpu.enqueue_indirect_dma source(%dma_start3A_348 : memref<10000x16xf32, #tpu.memory_space<hbm>>) target(%arg19 : memref<128x16xf32, #tpu.memory_space<vmem>>) offsets(%dma_start3A_345 : memref<128xi32, #tpu.memory_space<vmem>>) semaphore(%arg34 : memref<!tpu.dma_semaphore, #tpu.memory_space<semaphore_mem>>)
      %mul3A_349 = arith.constant 13 : i32
      %mul3A_350 = arith.muli %scan3A_154, %mul3A_349 : i32
      %add3A_351 = arith.constant 0 : i32
      %add3A_352 = arith.addi %mul3A_350, %add3A_351 : i32
      %dma_wait3A_353 = arith.constant 0 : i32
      %dma_wait3A_354 = tpu.memref_slice %arg5[%add3A_352, %dma_wait3A_353] : memref<79x128xi32, #tpu.memory_space<vmem>> -> memref<1x128xi32, #tpu.memory_space<vmem>>
      %dma_wait3A_355 = tpu.memref_squeeze %dma_wait3A_354 : memref<1x128xi32, #tpu.memory_space<vmem>> -> memref<128xi32, #tpu.memory_space<vmem>>
      %dma_wait3A_356 = arith.constant 0 : i32
      %dma_wait3A_357 = arith.constant 0 : i32
      %dma_wait3A_358 = tpu.memref_slice %arg2[%dma_wait3A_356, %dma_wait3A_357] : memref<10000x16xf32, #tpu.memory_space<hbm>> -> memref<10000x16xf32, #tpu.memory_space<hbm>>
      tpu.wait_indirect_dma semaphore(%arg22 : memref<!tpu.dma_semaphore, #tpu.memory_space<semaphore_mem>>) src(%dma_wait3A_358 : memref<10000x16xf32, #tpu.memory_space<hbm>>) dst(%arg7 : memref<128x16xf32, #tpu.memory_space<vmem>>)
      %dma_start3A_359 = arith.constant 0 : i32
      %dma_start3A_360 = tpu.memref_slice %arg6[%add3A_352, %dma_start3A_359] : memref<79x128xi32, #tpu.memory_space<vmem>> -> memref<1x128xi32, #tpu.memory_space<vmem>>
      %dma_start3A_361 = tpu.memref_squeeze %dma_start3A_360 : memref<1x128xi32, #tpu.memory_space<vmem>> -> memref<128xi32, #tpu.memory_space<vmem>>
      %dma_start3A_362 = arith.constant 0 : i32
      %dma_start3A_363 = arith.constant 0 : i32
      %dma_start3A_364 = tpu.memref_slice %arg21[%dma_start3A_362, %dma_start3A_363] : memref<10112x16xf32, #tpu.memory_space<vmem_shared>> -> memref<10112x16xf32, #tpu.memory_space<vmem_shared>>
      tpu.enqueue_indirect_dma source(%arg7 : memref<128x16xf32, #tpu.memory_space<vmem>>) target(%dma_start3A_364 : memref<10112x16xf32, #tpu.memory_space<vmem_shared>>) offsets(%dma_start3A_361 : memref<128xi32, #tpu.memory_space<vmem>>) semaphore(%arg35 : memref<!tpu.dma_semaphore, #tpu.memory_space<semaphore_mem>>) {add = true}
      %mul3A_365 = arith.constant 13 : i32
      %mul3A_366 = arith.muli %scan3A_154, %mul3A_365 : i32
      %add3A_367 = arith.constant 1 : i32
      %add3A_368 = arith.addi %mul3A_366, %add3A_367 : i32
      %dma_wait3A_369 = arith.constant 0 : i32
      %dma_wait3A_370 = tpu.memref_slice %arg5[%add3A_368, %dma_wait3A_369] : memref<79x128xi32, #tpu.memory_space<vmem>> -> memref<1x128xi32, #tpu.memory_space<vmem>>
      %dma_wait3A_371 = tpu.memref_squeeze %dma_wait3A_370 : memref<1x128xi32, #tpu.memory_space<vmem>> -> memref<128xi32, #tpu.memory_space<vmem>>
      %dma_wait3A_372 = arith.constant 0 : i32
      %dma_wait3A_373 = arith.constant 0 : i32
      %dma_wait3A_374 = tpu.memref_slice %arg2[%dma_wait3A_372, %dma_wait3A_373] : memref<10000x16xf32, #tpu.memory_space<hbm>> -> memref<10000x16xf32, #tpu.memory_space<hbm>>
      tpu.wait_indirect_dma semaphore(%arg23 : memref<!tpu.dma_semaphore, #tpu.memory_space<semaphore_mem>>) src(%dma_wait3A_374 : memref<10000x16xf32, #tpu.memory_space<hbm>>) dst(%arg8 : memref<128x16xf32, #tpu.memory_space<vmem>>)
      %dma_start3A_375 = arith.constant 0 : i32
      %dma_start3A_376 = tpu.memref_slice %arg6[%add3A_368, %dma_start3A_375] : memref<79x128xi32, #tpu.memory_space<vmem>> -> memref<1x128xi32, #tpu.memory_space<vmem>>
      %dma_start3A_377 = tpu.memref_squeeze %dma_start3A_376 : memref<1x128xi32, #tpu.memory_space<vmem>> -> memref<128xi32, #tpu.memory_space<vmem>>
      %dma_start3A_378 = arith.constant 0 : i32
      %dma_start3A_379 = arith.constant 0 : i32
      %dma_start3A_380 = tpu.memref_slice %arg21[%dma_start3A_378, %dma_start3A_379] : memref<10112x16xf32, #tpu.memory_space<vmem_shared>> -> memref<10112x16xf32, #tpu.memory_space<vmem_shared>>
      tpu.enqueue_indirect_dma source(%arg8 : memref<128x16xf32, #tpu.memory_space<vmem>>) target(%dma_start3A_380 : memref<10112x16xf32, #tpu.memory_space<vmem_shared>>) offsets(%dma_start3A_377 : memref<128xi32, #tpu.memory_space<vmem>>) semaphore(%arg36 : memref<!tpu.dma_semaphore, #tpu.memory_space<semaphore_mem>>) {add = true}
      %mul3A_381 = arith.constant 13 : i32
      %mul3A_382 = arith.muli %scan3A_154, %mul3A_381 : i32
      %add3A_383 = arith.constant 2 : i32
      %add3A_384 = arith.addi %mul3A_382, %add3A_383 : i32
      %dma_wait3A_385 = arith.constant 0 : i32
      %dma_wait3A_386 = tpu.memref_slice %arg5[%add3A_384, %dma_wait3A_385] : memref<79x128xi32, #tpu.memory_space<vmem>> -> memref<1x128xi32, #tpu.memory_space<vmem>>
      %dma_wait3A_387 = tpu.memref_squeeze %dma_wait3A_386 : memref<1x128xi32, #tpu.memory_space<vmem>> -> memref<128xi32, #tpu.memory_space<vmem>>
      %dma_wait3A_388 = arith.constant 0 : i32
      %dma_wait3A_389 = arith.constant 0 : i32
      %dma_wait3A_390 = tpu.memref_slice %arg2[%dma_wait3A_388, %dma_wait3A_389] : memref<10000x16xf32, #tpu.memory_space<hbm>> -> memref<10000x16xf32, #tpu.memory_space<hbm>>
      tpu.wait_indirect_dma semaphore(%arg24 : memref<!tpu.dma_semaphore, #tpu.memory_space<semaphore_mem>>) src(%dma_wait3A_390 : memref<10000x16xf32, #tpu.memory_space<hbm>>) dst(%arg9 : memref<128x16xf32, #tpu.memory_space<vmem>>)
      %dma_start3A_391 = arith.constant 0 : i32
      %dma_start3A_392 = tpu.memref_slice %arg6[%add3A_384, %dma_start3A_391] : memref<79x128xi32, #tpu.memory_space<vmem>> -> memref<1x128xi32, #tpu.memory_space<vmem>>
      %dma_start3A_393 = tpu.memref_squeeze %dma_start3A_392 : memref<1x128xi32, #tpu.memory_space<vmem>> -> memref<128xi32, #tpu.memory_space<vmem>>
      %dma_start3A_394 = arith.constant 0 : i32
      %dma_start3A_395 = arith.constant 0 : i32
      %dma_start3A_396 = tpu.memref_slice %arg21[%dma_start3A_394, %dma_start3A_395] : memref<10112x16xf32, #tpu.memory_space<vmem_shared>> -> memref<10112x16xf32, #tpu.memory_space<vmem_shared>>
      tpu.enqueue_indirect_dma source(%arg9 : memref<128x16xf32, #tpu.memory_space<vmem>>) target(%dma_start3A_396 : memref<10112x16xf32, #tpu.memory_space<vmem_shared>>) offsets(%dma_start3A_393 : memref<128xi32, #tpu.memory_space<vmem>>) semaphore(%arg37 : memref<!tpu.dma_semaphore, #tpu.memory_space<semaphore_mem>>) {add = true}
      %mul3A_397 = arith.constant 13 : i32
      %mul3A_398 = arith.muli %scan3A_154, %mul3A_397 : i32
      %add3A_399 = arith.constant 3 : i32
      %add3A_400 = arith.addi %mul3A_398, %add3A_399 : i32
      %dma_wait3A_401 = arith.constant 0 : i32
      %dma_wait3A_402 = tpu.memref_slice %arg5[%add3A_400, %dma_wait3A_401] : memref<79x128xi32, #tpu.memory_space<vmem>> -> memref<1x128xi32, #tpu.memory_space<vmem>>
      %dma_wait3A_403 = tpu.memref_squeeze %dma_wait3A_402 : memref<1x128xi32, #tpu.memory_space<vmem>> -> memref<128xi32, #tpu.memory_space<vmem>>
      %dma_wait3A_404 = arith.constant 0 : i32
      %dma_wait3A_405 = arith.constant 0 : i32
      %dma_wait3A_406 = tpu.memref_slice %arg2[%dma_wait3A_404, %dma_wait3A_405] : memref<10000x16xf32, #tpu.memory_space<hbm>> -> memref<10000x16xf32, #tpu.memory_space<hbm>>
      tpu.wait_indirect_dma semaphore(%arg25 : memref<!tpu.dma_semaphore, #tpu.memory_space<semaphore_mem>>) src(%dma_wait3A_406 : memref<10000x16xf32, #tpu.memory_space<hbm>>) dst(%arg10 : memref<128x16xf32, #tpu.memory_space<vmem>>)
      %dma_start3A_407 = arith.constant 0 : i32
      %dma_start3A_408 = tpu.memref_slice %arg6[%add3A_400, %dma_start3A_407] : memref<79x128xi32, #tpu.memory_space<vmem>> -> memref<1x128xi32, #tpu.memory_space<vmem>>
      %dma_start3A_409 = tpu.memref_squeeze %dma_start3A_408 : memref<1x128xi32, #tpu.memory_space<vmem>> -> memref<128xi32, #tpu.memory_space<vmem>>
      %dma_start3A_410 = arith.constant 0 : i32
      %dma_start3A_411 = arith.constant 0 : i32
      %dma_start3A_412 = tpu.memref_slice %arg21[%dma_start3A_410, %dma_start3A_411] : memref<10112x16xf32, #tpu.memory_space<vmem_shared>> -> memref<10112x16xf32, #tpu.memory_space<vmem_shared>>
      tpu.enqueue_indirect_dma source(%arg10 : memref<128x16xf32, #tpu.memory_space<vmem>>) target(%dma_start3A_412 : memref<10112x16xf32, #tpu.memory_space<vmem_shared>>) offsets(%dma_start3A_409 : memref<128xi32, #tpu.memory_space<vmem>>) semaphore(%arg38 : memref<!tpu.dma_semaphore, #tpu.memory_space<semaphore_mem>>) {add = true}
      %mul3A_413 = arith.constant 13 : i32
      %mul3A_414 = arith.muli %scan3A_154, %mul3A_413 : i32
      %add3A_415 = arith.constant 4 : i32
      %add3A_416 = arith.addi %mul3A_414, %add3A_415 : i32
      %dma_wait3A_417 = arith.constant 0 : i32
      %dma_wait3A_418 = tpu.memref_slice %arg5[%add3A_416, %dma_wait3A_417] : memref<79x128xi32, #tpu.memory_space<vmem>> -> memref<1x128xi32, #tpu.memory_space<vmem>>
      %dma_wait3A_419 = tpu.memref_squeeze %dma_wait3A_418 : memref<1x128xi32, #tpu.memory_space<vmem>> -> memref<128xi32, #tpu.memory_space<vmem>>
      %dma_wait3A_420 = arith.constant 0 : i32
      %dma_wait3A_421 = arith.constant 0 : i32
      %dma_wait3A_422 = tpu.memref_slice %arg2[%dma_wait3A_420, %dma_wait3A_421] : memref<10000x16xf32, #tpu.memory_space<hbm>> -> memref<10000x16xf32, #tpu.memory_space<hbm>>
      tpu.wait_indirect_dma semaphore(%arg26 : memref<!tpu.dma_semaphore, #tpu.memory_space<semaphore_mem>>) src(%dma_wait3A_422 : memref<10000x16xf32, #tpu.memory_space<hbm>>) dst(%arg11 : memref<128x16xf32, #tpu.memory_space<vmem>>)
      %dma_start3A_423 = arith.constant 0 : i32
      %dma_start3A_424 = tpu.memref_slice %arg6[%add3A_416, %dma_start3A_423] : memref<79x128xi32, #tpu.memory_space<vmem>> -> memref<1x128xi32, #tpu.memory_space<vmem>>
      %dma_start3A_425 = tpu.memref_squeeze %dma_start3A_424 : memref<1x128xi32, #tpu.memory_space<vmem>> -> memref<128xi32, #tpu.memory_space<vmem>>
      %dma_start3A_426 = arith.constant 0 : i32
      %dma_start3A_427 = arith.constant 0 : i32
      %dma_start3A_428 = tpu.memref_slice %arg21[%dma_start3A_426, %dma_start3A_427] : memref<10112x16xf32, #tpu.memory_space<vmem_shared>> -> memref<10112x16xf32, #tpu.memory_space<vmem_shared>>
      tpu.enqueue_indirect_dma source(%arg11 : memref<128x16xf32, #tpu.memory_space<vmem>>) target(%dma_start3A_428 : memref<10112x16xf32, #tpu.memory_space<vmem_shared>>) offsets(%dma_start3A_425 : memref<128xi32, #tpu.memory_space<vmem>>) semaphore(%arg39 : memref<!tpu.dma_semaphore, #tpu.memory_space<semaphore_mem>>) {add = true}
      %mul3A_429 = arith.constant 13 : i32
      %mul3A_430 = arith.muli %scan3A_154, %mul3A_429 : i32
      %add3A_431 = arith.constant 5 : i32
      %add3A_432 = arith.addi %mul3A_430, %add3A_431 : i32
      %dma_wait3A_433 = arith.constant 0 : i32
      %dma_wait3A_434 = tpu.memref_slice %arg5[%add3A_432, %dma_wait3A_433] : memref<79x128xi32, #tpu.memory_space<vmem>> -> memref<1x128xi32, #tpu.memory_space<vmem>>
      %dma_wait3A_435 = tpu.memref_squeeze %dma_wait3A_434 : memref<1x128xi32, #tpu.memory_space<vmem>> -> memref<128xi32, #tpu.memory_space<vmem>>
      %dma_wait3A_436 = arith.constant 0 : i32
      %dma_wait3A_437 = arith.constant 0 : i32
      %dma_wait3A_438 = tpu.memref_slice %arg2[%dma_wait3A_436, %dma_wait3A_437] : memref<10000x16xf32, #tpu.memory_space<hbm>> -> memref<10000x16xf32, #tpu.memory_space<hbm>>
      tpu.wait_indirect_dma semaphore(%arg27 : memref<!tpu.dma_semaphore, #tpu.memory_space<semaphore_mem>>) src(%dma_wait3A_438 : memref<10000x16xf32, #tpu.memory_space<hbm>>) dst(%arg12 : memref<128x16xf32, #tpu.memory_space<vmem>>)
      %dma_start3A_439 = arith.constant 0 : i32
      %dma_start3A_440 = tpu.memref_slice %arg6[%add3A_432, %dma_start3A_439] : memref<79x128xi32, #tpu.memory_space<vmem>> -> memref<1x128xi32, #tpu.memory_space<vmem>>
      %dma_start3A_441 = tpu.memref_squeeze %dma_start3A_440 : memref<1x128xi32, #tpu.memory_space<vmem>> -> memref<128xi32, #tpu.memory_space<vmem>>
      %dma_start3A_442 = arith.constant 0 : i32
      %dma_start3A_443 = arith.constant 0 : i32
      %dma_start3A_444 = tpu.memref_slice %arg21[%dma_start3A_442, %dma_start3A_443] : memref<10112x16xf32, #tpu.memory_space<vmem_shared>> -> memref<10112x16xf32, #tpu.memory_space<vmem_shared>>
      tpu.enqueue_indirect_dma source(%arg12 : memref<128x16xf32, #tpu.memory_space<vmem>>) target(%dma_start3A_444 : memref<10112x16xf32, #tpu.memory_space<vmem_shared>>) offsets(%dma_start3A_441 : memref<128xi32, #tpu.memory_space<vmem>>) semaphore(%arg40 : memref<!tpu.dma_semaphore, #tpu.memory_space<semaphore_mem>>) {add = true}
      %mul3A_445 = arith.constant 13 : i32
      %mul3A_446 = arith.muli %scan3A_154, %mul3A_445 : i32
      %add3A_447 = arith.constant 6 : i32
      %add3A_448 = arith.addi %mul3A_446, %add3A_447 : i32
      %dma_wait3A_449 = arith.constant 0 : i32
      %dma_wait3A_450 = tpu.memref_slice %arg5[%add3A_448, %dma_wait3A_449] : memref<79x128xi32, #tpu.memory_space<vmem>> -> memref<1x128xi32, #tpu.memory_space<vmem>>
      %dma_wait3A_451 = tpu.memref_squeeze %dma_wait3A_450 : memref<1x128xi32, #tpu.memory_space<vmem>> -> memref<128xi32, #tpu.memory_space<vmem>>
      %dma_wait3A_452 = arith.constant 0 : i32
      %dma_wait3A_453 = arith.constant 0 : i32
      %dma_wait3A_454 = tpu.memref_slice %arg2[%dma_wait3A_452, %dma_wait3A_453] : memref<10000x16xf32, #tpu.memory_space<hbm>> -> memref<10000x16xf32, #tpu.memory_space<hbm>>
      tpu.wait_indirect_dma semaphore(%arg28 : memref<!tpu.dma_semaphore, #tpu.memory_space<semaphore_mem>>) src(%dma_wait3A_454 : memref<10000x16xf32, #tpu.memory_space<hbm>>) dst(%arg13 : memref<128x16xf32, #tpu.memory_space<vmem>>)
      %dma_start3A_455 = arith.constant 0 : i32
      %dma_start3A_456 = tpu.memref_slice %arg6[%add3A_448, %dma_start3A_455] : memref<79x128xi32, #tpu.memory_space<vmem>> -> memref<1x128xi32, #tpu.memory_space<vmem>>
      %dma_start3A_457 = tpu.memref_squeeze %dma_start3A_456 : memref<1x128xi32, #tpu.memory_space<vmem>> -> memref<128xi32, #tpu.memory_space<vmem>>
      %dma_start3A_458 = arith.constant 0 : i32
      %dma_start3A_459 = arith.constant 0 : i32
      %dma_start3A_460 = tpu.memref_slice %arg21[%dma_start3A_458, %dma_start3A_459] : memref<10112x16xf32, #tpu.memory_space<vmem_shared>> -> memref<10112x16xf32, #tpu.memory_space<vmem_shared>>
      tpu.enqueue_indirect_dma source(%arg13 : memref<128x16xf32, #tpu.memory_space<vmem>>) target(%dma_start3A_460 : memref<10112x16xf32, #tpu.memory_space<vmem_shared>>) offsets(%dma_start3A_457 : memref<128xi32, #tpu.memory_space<vmem>>) semaphore(%arg41 : memref<!tpu.dma_semaphore, #tpu.memory_space<semaphore_mem>>) {add = true}
      %mul3A_461 = arith.constant 13 : i32
      %mul3A_462 = arith.muli %scan3A_154, %mul3A_461 : i32
      %add3A_463 = arith.constant 7 : i32
      %add3A_464 = arith.addi %mul3A_462, %add3A_463 : i32
      %dma_wait3A_465 = arith.constant 0 : i32
      %dma_wait3A_466 = tpu.memref_slice %arg5[%add3A_464, %dma_wait3A_465] : memref<79x128xi32, #tpu.memory_space<vmem>> -> memref<1x128xi32, #tpu.memory_space<vmem>>
      %dma_wait3A_467 = tpu.memref_squeeze %dma_wait3A_466 : memref<1x128xi32, #tpu.memory_space<vmem>> -> memref<128xi32, #tpu.memory_space<vmem>>
      %dma_wait3A_468 = arith.constant 0 : i32
      %dma_wait3A_469 = arith.constant 0 : i32
      %dma_wait3A_470 = tpu.memref_slice %arg2[%dma_wait3A_468, %dma_wait3A_469] : memref<10000x16xf32, #tpu.memory_space<hbm>> -> memref<10000x16xf32, #tpu.memory_space<hbm>>
      tpu.wait_indirect_dma semaphore(%arg29 : memref<!tpu.dma_semaphore, #tpu.memory_space<semaphore_mem>>) src(%dma_wait3A_470 : memref<10000x16xf32, #tpu.memory_space<hbm>>) dst(%arg14 : memref<128x16xf32, #tpu.memory_space<vmem>>)
      %dma_start3A_471 = arith.constant 0 : i32
      %dma_start3A_472 = tpu.memref_slice %arg6[%add3A_464, %dma_start3A_471] : memref<79x128xi32, #tpu.memory_space<vmem>> -> memref<1x128xi32, #tpu.memory_space<vmem>>
      %dma_start3A_473 = tpu.memref_squeeze %dma_start3A_472 : memref<1x128xi32, #tpu.memory_space<vmem>> -> memref<128xi32, #tpu.memory_space<vmem>>
      %dma_start3A_474 = arith.constant 0 : i32
      %dma_start3A_475 = arith.constant 0 : i32
      %dma_start3A_476 = tpu.memref_slice %arg21[%dma_start3A_474, %dma_start3A_475] : memref<10112x16xf32, #tpu.memory_space<vmem_shared>> -> memref<10112x16xf32, #tpu.memory_space<vmem_shared>>
      tpu.enqueue_indirect_dma source(%arg14 : memref<128x16xf32, #tpu.memory_space<vmem>>) target(%dma_start3A_476 : memref<10112x16xf32, #tpu.memory_space<vmem_shared>>) offsets(%dma_start3A_473 : memref<128xi32, #tpu.memory_space<vmem>>) semaphore(%arg42 : memref<!tpu.dma_semaphore, #tpu.memory_space<semaphore_mem>>) {add = true}
      %mul3A_477 = arith.constant 13 : i32
      %mul3A_478 = arith.muli %scan3A_154, %mul3A_477 : i32
      %add3A_479 = arith.constant 8 : i32
      %add3A_480 = arith.addi %mul3A_478, %add3A_479 : i32
      %dma_wait3A_481 = arith.constant 0 : i32
      %dma_wait3A_482 = tpu.memref_slice %arg5[%add3A_480, %dma_wait3A_481] : memref<79x128xi32, #tpu.memory_space<vmem>> -> memref<1x128xi32, #tpu.memory_space<vmem>>
      %dma_wait3A_483 = tpu.memref_squeeze %dma_wait3A_482 : memref<1x128xi32, #tpu.memory_space<vmem>> -> memref<128xi32, #tpu.memory_space<vmem>>
      %dma_wait3A_484 = arith.constant 0 : i32
      %dma_wait3A_485 = arith.constant 0 : i32
      %dma_wait3A_486 = tpu.memref_slice %arg2[%dma_wait3A_484, %dma_wait3A_485] : memref<10000x16xf32, #tpu.memory_space<hbm>> -> memref<10000x16xf32, #tpu.memory_space<hbm>>
      tpu.wait_indirect_dma semaphore(%arg30 : memref<!tpu.dma_semaphore, #tpu.memory_space<semaphore_mem>>) src(%dma_wait3A_486 : memref<10000x16xf32, #tpu.memory_space<hbm>>) dst(%arg15 : memref<128x16xf32, #tpu.memory_space<vmem>>)
      %dma_start3A_487 = arith.constant 0 : i32
      %dma_start3A_488 = tpu.memref_slice %arg6[%add3A_480, %dma_start3A_487] : memref<79x128xi32, #tpu.memory_space<vmem>> -> memref<1x128xi32, #tpu.memory_space<vmem>>
      %dma_start3A_489 = tpu.memref_squeeze %dma_start3A_488 : memref<1x128xi32, #tpu.memory_space<vmem>> -> memref<128xi32, #tpu.memory_space<vmem>>
      %dma_start3A_490 = arith.constant 0 : i32
      %dma_start3A_491 = arith.constant 0 : i32
      %dma_start3A_492 = tpu.memref_slice %arg21[%dma_start3A_490, %dma_start3A_491] : memref<10112x16xf32, #tpu.memory_space<vmem_shared>> -> memref<10112x16xf32, #tpu.memory_space<vmem_shared>>
      tpu.enqueue_indirect_dma source(%arg15 : memref<128x16xf32, #tpu.memory_space<vmem>>) target(%dma_start3A_492 : memref<10112x16xf32, #tpu.memory_space<vmem_shared>>) offsets(%dma_start3A_489 : memref<128xi32, #tpu.memory_space<vmem>>) semaphore(%arg43 : memref<!tpu.dma_semaphore, #tpu.memory_space<semaphore_mem>>) {add = true}
      %mul3A_493 = arith.constant 13 : i32
      %mul3A_494 = arith.muli %scan3A_154, %mul3A_493 : i32
      %add3A_495 = arith.constant 9 : i32
      %add3A_496 = arith.addi %mul3A_494, %add3A_495 : i32
      %dma_wait3A_497 = arith.constant 0 : i32
      %dma_wait3A_498 = tpu.memref_slice %arg5[%add3A_496, %dma_wait3A_497] : memref<79x128xi32, #tpu.memory_space<vmem>> -> memref<1x128xi32, #tpu.memory_space<vmem>>
      %dma_wait3A_499 = tpu.memref_squeeze %dma_wait3A_498 : memref<1x128xi32, #tpu.memory_space<vmem>> -> memref<128xi32, #tpu.memory_space<vmem>>
      %dma_wait3A_500 = arith.constant 0 : i32
      %dma_wait3A_501 = arith.constant 0 : i32
      %dma_wait3A_502 = tpu.memref_slice %arg2[%dma_wait3A_500, %dma_wait3A_501] : memref<10000x16xf32, #tpu.memory_space<hbm>> -> memref<10000x16xf32, #tpu.memory_space<hbm>>
      tpu.wait_indirect_dma semaphore(%arg31 : memref<!tpu.dma_semaphore, #tpu.memory_space<semaphore_mem>>) src(%dma_wait3A_502 : memref<10000x16xf32, #tpu.memory_space<hbm>>) dst(%arg16 : memref<128x16xf32, #tpu.memory_space<vmem>>)
      %dma_start3A_503 = arith.constant 0 : i32
      %dma_start3A_504 = tpu.memref_slice %arg6[%add3A_496, %dma_start3A_503] : memref<79x128xi32, #tpu.memory_space<vmem>> -> memref<1x128xi32, #tpu.memory_space<vmem>>
      %dma_start3A_505 = tpu.memref_squeeze %dma_start3A_504 : memref<1x128xi32, #tpu.memory_space<vmem>> -> memref<128xi32, #tpu.memory_space<vmem>>
      %dma_start3A_506 = arith.constant 0 : i32
      %dma_start3A_507 = arith.constant 0 : i32
      %dma_start3A_508 = tpu.memref_slice %arg21[%dma_start3A_506, %dma_start3A_507] : memref<10112x16xf32, #tpu.memory_space<vmem_shared>> -> memref<10112x16xf32, #tpu.memory_space<vmem_shared>>
      tpu.enqueue_indirect_dma source(%arg16 : memref<128x16xf32, #tpu.memory_space<vmem>>) target(%dma_start3A_508 : memref<10112x16xf32, #tpu.memory_space<vmem_shared>>) offsets(%dma_start3A_505 : memref<128xi32, #tpu.memory_space<vmem>>) semaphore(%arg44 : memref<!tpu.dma_semaphore, #tpu.memory_space<semaphore_mem>>) {add = true}
      %mul3A_509 = arith.constant 13 : i32
      %mul3A_510 = arith.muli %scan3A_154, %mul3A_509 : i32
      %add3A_511 = arith.constant 10 : i32
      %add3A_512 = arith.addi %mul3A_510, %add3A_511 : i32
      %dma_wait3A_513 = arith.constant 0 : i32
      %dma_wait3A_514 = tpu.memref_slice %arg5[%add3A_512, %dma_wait3A_513] : memref<79x128xi32, #tpu.memory_space<vmem>> -> memref<1x128xi32, #tpu.memory_space<vmem>>
      %dma_wait3A_515 = tpu.memref_squeeze %dma_wait3A_514 : memref<1x128xi32, #tpu.memory_space<vmem>> -> memref<128xi32, #tpu.memory_space<vmem>>
      %dma_wait3A_516 = arith.constant 0 : i32
      %dma_wait3A_517 = arith.constant 0 : i32
      %dma_wait3A_518 = tpu.memref_slice %arg2[%dma_wait3A_516, %dma_wait3A_517] : memref<10000x16xf32, #tpu.memory_space<hbm>> -> memref<10000x16xf32, #tpu.memory_space<hbm>>
      tpu.wait_indirect_dma semaphore(%arg32 : memref<!tpu.dma_semaphore, #tpu.memory_space<semaphore_mem>>) src(%dma_wait3A_518 : memref<10000x16xf32, #tpu.memory_space<hbm>>) dst(%arg17 : memref<128x16xf32, #tpu.memory_space<vmem>>)
      %dma_start3A_519 = arith.constant 0 : i32
      %dma_start3A_520 = tpu.memref_slice %arg6[%add3A_512, %dma_start3A_519] : memref<79x128xi32, #tpu.memory_space<vmem>> -> memref<1x128xi32, #tpu.memory_space<vmem>>
      %dma_start3A_521 = tpu.memref_squeeze %dma_start3A_520 : memref<1x128xi32, #tpu.memory_space<vmem>> -> memref<128xi32, #tpu.memory_space<vmem>>
      %dma_start3A_522 = arith.constant 0 : i32
      %dma_start3A_523 = arith.constant 0 : i32
      %dma_start3A_524 = tpu.memref_slice %arg21[%dma_start3A_522, %dma_start3A_523] : memref<10112x16xf32, #tpu.memory_space<vmem_shared>> -> memref<10112x16xf32, #tpu.memory_space<vmem_shared>>
      tpu.enqueue_indirect_dma source(%arg17 : memref<128x16xf32, #tpu.memory_space<vmem>>) target(%dma_start3A_524 : memref<10112x16xf32, #tpu.memory_space<vmem_shared>>) offsets(%dma_start3A_521 : memref<128xi32, #tpu.memory_space<vmem>>) semaphore(%arg45 : memref<!tpu.dma_semaphore, #tpu.memory_space<semaphore_mem>>) {add = true}
      %mul3A_525 = arith.constant 13 : i32
      %mul3A_526 = arith.muli %scan3A_154, %mul3A_525 : i32
      %add3A_527 = arith.constant 11 : i32
      %add3A_528 = arith.addi %mul3A_526, %add3A_527 : i32
      %dma_wait3A_529 = arith.constant 0 : i32
      %dma_wait3A_530 = tpu.memref_slice %arg5[%add3A_528, %dma_wait3A_529] : memref<79x128xi32, #tpu.memory_space<vmem>> -> memref<1x128xi32, #tpu.memory_space<vmem>>
      %dma_wait3A_531 = tpu.memref_squeeze %dma_wait3A_530 : memref<1x128xi32, #tpu.memory_space<vmem>> -> memref<128xi32, #tpu.memory_space<vmem>>
      %dma_wait3A_532 = arith.constant 0 : i32
      %dma_wait3A_533 = arith.constant 0 : i32
      %dma_wait3A_534 = tpu.memref_slice %arg2[%dma_wait3A_532, %dma_wait3A_533] : memref<10000x16xf32, #tpu.memory_space<hbm>> -> memref<10000x16xf32, #tpu.memory_space<hbm>>
      tpu.wait_indirect_dma semaphore(%arg33 : memref<!tpu.dma_semaphore, #tpu.memory_space<semaphore_mem>>) src(%dma_wait3A_534 : memref<10000x16xf32, #tpu.memory_space<hbm>>) dst(%arg18 : memref<128x16xf32, #tpu.memory_space<vmem>>)
      %dma_start3A_535 = arith.constant 0 : i32
      %dma_start3A_536 = tpu.memref_slice %arg6[%add3A_528, %dma_start3A_535] : memref<79x128xi32, #tpu.memory_space<vmem>> -> memref<1x128xi32, #tpu.memory_space<vmem>>
      %dma_start3A_537 = tpu.memref_squeeze %dma_start3A_536 : memref<1x128xi32, #tpu.memory_space<vmem>> -> memref<128xi32, #tpu.memory_space<vmem>>
      %dma_start3A_538 = arith.constant 0 : i32
      %dma_start3A_539 = arith.constant 0 : i32
      %dma_start3A_540 = tpu.memref_slice %arg21[%dma_start3A_538, %dma_start3A_539] : memref<10112x16xf32, #tpu.memory_space<vmem_shared>> -> memref<10112x16xf32, #tpu.memory_space<vmem_shared>>
      tpu.enqueue_indirect_dma source(%arg18 : memref<128x16xf32, #tpu.memory_space<vmem>>) target(%dma_start3A_540 : memref<10112x16xf32, #tpu.memory_space<vmem_shared>>) offsets(%dma_start3A_537 : memref<128xi32, #tpu.memory_space<vmem>>) semaphore(%arg46 : memref<!tpu.dma_semaphore, #tpu.memory_space<semaphore_mem>>) {add = true}
      %mul3A_541 = arith.constant 13 : i32
      %mul3A_542 = arith.muli %scan3A_154, %mul3A_541 : i32
      %add3A_543 = arith.constant 12 : i32
      %add3A_544 = arith.addi %mul3A_542, %add3A_543 : i32
      %dma_wait3A_545 = arith.constant 0 : i32
      %dma_wait3A_546 = tpu.memref_slice %arg5[%add3A_544, %dma_wait3A_545] : memref<79x128xi32, #tpu.memory_space<vmem>> -> memref<1x128xi32, #tpu.memory_space<vmem>>
      %dma_wait3A_547 = tpu.memref_squeeze %dma_wait3A_546 : memref<1x128xi32, #tpu.memory_space<vmem>> -> memref<128xi32, #tpu.memory_space<vmem>>
      %dma_wait3A_548 = arith.constant 0 : i32
      %dma_wait3A_549 = arith.constant 0 : i32
      %dma_wait3A_550 = tpu.memref_slice %arg2[%dma_wait3A_548, %dma_wait3A_549] : memref<10000x16xf32, #tpu.memory_space<hbm>> -> memref<10000x16xf32, #tpu.memory_space<hbm>>
      tpu.wait_indirect_dma semaphore(%arg34 : memref<!tpu.dma_semaphore, #tpu.memory_space<semaphore_mem>>) src(%dma_wait3A_550 : memref<10000x16xf32, #tpu.memory_space<hbm>>) dst(%arg19 : memref<128x16xf32, #tpu.memory_space<vmem>>)
      %dma_start3A_551 = arith.constant 0 : i32
      %dma_start3A_552 = tpu.memref_slice %arg6[%add3A_544, %dma_start3A_551] : memref<79x128xi32, #tpu.memory_space<vmem>> -> memref<1x128xi32, #tpu.memory_space<vmem>>
      %dma_start3A_553 = tpu.memref_squeeze %dma_start3A_552 : memref<1x128xi32, #tpu.memory_space<vmem>> -> memref<128xi32, #tpu.memory_space<vmem>>
      %dma_start3A_554 = arith.constant 0 : i32
      %dma_start3A_555 = arith.constant 0 : i32
      %dma_start3A_556 = tpu.memref_slice %arg21[%dma_start3A_554, %dma_start3A_555] : memref<10112x16xf32, #tpu.memory_space<vmem_shared>> -> memref<10112x16xf32, #tpu.memory_space<vmem_shared>>
      tpu.enqueue_indirect_dma source(%arg19 : memref<128x16xf32, #tpu.memory_space<vmem>>) target(%dma_start3A_556 : memref<10112x16xf32, #tpu.memory_space<vmem_shared>>) offsets(%dma_start3A_553 : memref<128xi32, #tpu.memory_space<vmem>>) semaphore(%arg47 : memref<!tpu.dma_semaphore, #tpu.memory_space<semaphore_mem>>) {add = true}
      %scan3A_557 = arith.constant 0 : i32
      scf.yield %scan3A_557 : i32
    }
    %scan3A_23 = arith.constant 6 : i32
    %dma_wait3A = arith.constant 65 : i32
    %dma_wait3A_24 = arith.constant 0 : i32
    %dma_wait3A_25 = tpu.memref_slice %arg6[%dma_wait3A, %dma_wait3A_24] : memref<79x128xi32, #tpu.memory_space<vmem>> -> memref<1x128xi32, #tpu.memory_space<vmem>>
    %dma_wait3A_26 = tpu.memref_squeeze %dma_wait3A_25 : memref<1x128xi32, #tpu.memory_space<vmem>> -> memref<128xi32, #tpu.memory_space<vmem>>
    %dma_wait3A_27 = arith.constant 0 : i32
    %dma_wait3A_28 = arith.constant 0 : i32
    %dma_wait3A_29 = tpu.memref_slice %arg21[%dma_wait3A_27, %dma_wait3A_28] : memref<10112x16xf32, #tpu.memory_space<vmem_shared>> -> memref<10112x16xf32, #tpu.memory_space<vmem_shared>>
    tpu.wait_indirect_dma semaphore(%arg35 : memref<!tpu.dma_semaphore, #tpu.memory_space<semaphore_mem>>) src(%arg7 : memref<128x16xf32, #tpu.memory_space<vmem>>) dst(%dma_wait3A_29 : memref<10112x16xf32, #tpu.memory_space<vmem_shared>>)
    %dma_wait3A_30 = arith.constant 66 : i32
    %dma_wait3A_31 = arith.constant 0 : i32
    %dma_wait3A_32 = tpu.memref_slice %arg6[%dma_wait3A_30, %dma_wait3A_31] : memref<79x128xi32, #tpu.memory_space<vmem>> -> memref<1x128xi32, #tpu.memory_space<vmem>>
    %dma_wait3A_33 = tpu.memref_squeeze %dma_wait3A_32 : memref<1x128xi32, #tpu.memory_space<vmem>> -> memref<128xi32, #tpu.memory_space<vmem>>
    %dma_wait3A_34 = arith.constant 0 : i32
    %dma_wait3A_35 = arith.constant 0 : i32
    %dma_wait3A_36 = tpu.memref_slice %arg21[%dma_wait3A_34, %dma_wait3A_35] : memref<10112x16xf32, #tpu.memory_space<vmem_shared>> -> memref<10112x16xf32, #tpu.memory_space<vmem_shared>>
    tpu.wait_indirect_dma semaphore(%arg36 : memref<!tpu.dma_semaphore, #tpu.memory_space<semaphore_mem>>) src(%arg8 : memref<128x16xf32, #tpu.memory_space<vmem>>) dst(%dma_wait3A_36 : memref<10112x16xf32, #tpu.memory_space<vmem_shared>>)
    %dma_wait3A_37 = arith.constant 67 : i32
    %dma_wait3A_38 = arith.constant 0 : i32
    %dma_wait3A_39 = tpu.memref_slice %arg6[%dma_wait3A_37, %dma_wait3A_38] : memref<79x128xi32, #tpu.memory_space<vmem>> -> memref<1x128xi32, #tpu.memory_space<vmem>>
    %dma_wait3A_40 = tpu.memref_squeeze %dma_wait3A_39 : memref<1x128xi32, #tpu.memory_space<vmem>> -> memref<128xi32, #tpu.memory_space<vmem>>
    %dma_wait3A_41 = arith.constant 0 : i32
    %dma_wait3A_42 = arith.constant 0 : i32
    %dma_wait3A_43 = tpu.memref_slice %arg21[%dma_wait3A_41, %dma_wait3A_42] : memref<10112x16xf32, #tpu.memory_space<vmem_shared>> -> memref<10112x16xf32, #tpu.memory_space<vmem_shared>>
    tpu.wait_indirect_dma semaphore(%arg37 : memref<!tpu.dma_semaphore, #tpu.memory_space<semaphore_mem>>) src(%arg9 : memref<128x16xf32, #tpu.memory_space<vmem>>) dst(%dma_wait3A_43 : memref<10112x16xf32, #tpu.memory_space<vmem_shared>>)
    %dma_wait3A_44 = arith.constant 68 : i32
    %dma_wait3A_45 = arith.constant 0 : i32
    %dma_wait3A_46 = tpu.memref_slice %arg6[%dma_wait3A_44, %dma_wait3A_45] : memref<79x128xi32, #tpu.memory_space<vmem>> -> memref<1x128xi32, #tpu.memory_space<vmem>>
    %dma_wait3A_47 = tpu.memref_squeeze %dma_wait3A_46 : memref<1x128xi32, #tpu.memory_space<vmem>> -> memref<128xi32, #tpu.memory_space<vmem>>
    %dma_wait3A_48 = arith.constant 0 : i32
    %dma_wait3A_49 = arith.constant 0 : i32
    %dma_wait3A_50 = tpu.memref_slice %arg21[%dma_wait3A_48, %dma_wait3A_49] : memref<10112x16xf32, #tpu.memory_space<vmem_shared>> -> memref<10112x16xf32, #tpu.memory_space<vmem_shared>>
    tpu.wait_indirect_dma semaphore(%arg38 : memref<!tpu.dma_semaphore, #tpu.memory_space<semaphore_mem>>) src(%arg10 : memref<128x16xf32, #tpu.memory_space<vmem>>) dst(%dma_wait3A_50 : memref<10112x16xf32, #tpu.memory_space<vmem_shared>>)
    %dma_wait3A_51 = arith.constant 69 : i32
    %dma_wait3A_52 = arith.constant 0 : i32
    %dma_wait3A_53 = tpu.memref_slice %arg6[%dma_wait3A_51, %dma_wait3A_52] : memref<79x128xi32, #tpu.memory_space<vmem>> -> memref<1x128xi32, #tpu.memory_space<vmem>>
    %dma_wait3A_54 = tpu.memref_squeeze %dma_wait3A_53 : memref<1x128xi32, #tpu.memory_space<vmem>> -> memref<128xi32, #tpu.memory_space<vmem>>
    %dma_wait3A_55 = arith.constant 0 : i32
    %dma_wait3A_56 = arith.constant 0 : i32
    %dma_wait3A_57 = tpu.memref_slice %arg21[%dma_wait3A_55, %dma_wait3A_56] : memref<10112x16xf32, #tpu.memory_space<vmem_shared>> -> memref<10112x16xf32, #tpu.memory_space<vmem_shared>>
    tpu.wait_indirect_dma semaphore(%arg39 : memref<!tpu.dma_semaphore, #tpu.memory_space<semaphore_mem>>) src(%arg11 : memref<128x16xf32, #tpu.memory_space<vmem>>) dst(%dma_wait3A_57 : memref<10112x16xf32, #tpu.memory_space<vmem_shared>>)
    %dma_wait3A_58 = arith.constant 70 : i32
    %dma_wait3A_59 = arith.constant 0 : i32
    %dma_wait3A_60 = tpu.memref_slice %arg6[%dma_wait3A_58, %dma_wait3A_59] : memref<79x128xi32, #tpu.memory_space<vmem>> -> memref<1x128xi32, #tpu.memory_space<vmem>>
    %dma_wait3A_61 = tpu.memref_squeeze %dma_wait3A_60 : memref<1x128xi32, #tpu.memory_space<vmem>> -> memref<128xi32, #tpu.memory_space<vmem>>
    %dma_wait3A_62 = arith.constant 0 : i32
    %dma_wait3A_63 = arith.constant 0 : i32
    %dma_wait3A_64 = tpu.memref_slice %arg21[%dma_wait3A_62, %dma_wait3A_63] : memref<10112x16xf32, #tpu.memory_space<vmem_shared>> -> memref<10112x16xf32, #tpu.memory_space<vmem_shared>>
    tpu.wait_indirect_dma semaphore(%arg40 : memref<!tpu.dma_semaphore, #tpu.memory_space<semaphore_mem>>) src(%arg12 : memref<128x16xf32, #tpu.memory_space<vmem>>) dst(%dma_wait3A_64 : memref<10112x16xf32, #tpu.memory_space<vmem_shared>>)
    %dma_wait3A_65 = arith.constant 71 : i32
    %dma_wait3A_66 = arith.constant 0 : i32
    %dma_wait3A_67 = tpu.memref_slice %arg6[%dma_wait3A_65, %dma_wait3A_66] : memref<79x128xi32, #tpu.memory_space<vmem>> -> memref<1x128xi32, #tpu.memory_space<vmem>>
    %dma_wait3A_68 = tpu.memref_squeeze %dma_wait3A_67 : memref<1x128xi32, #tpu.memory_space<vmem>> -> memref<128xi32, #tpu.memory_space<vmem>>
    %dma_wait3A_69 = arith.constant 0 : i32
    %dma_wait3A_70 = arith.constant 0 : i32
    %dma_wait3A_71 = tpu.memref_slice %arg21[%dma_wait3A_69, %dma_wait3A_70] : memref<10112x16xf32, #tpu.memory_space<vmem_shared>> -> memref<10112x16xf32, #tpu.memory_space<vmem_shared>>
    tpu.wait_indirect_dma semaphore(%arg41 : memref<!tpu.dma_semaphore, #tpu.memory_space<semaphore_mem>>) src(%arg13 : memref<128x16xf32, #tpu.memory_space<vmem>>) dst(%dma_wait3A_71 : memref<10112x16xf32, #tpu.memory_space<vmem_shared>>)
    %dma_wait3A_72 = arith.constant 72 : i32
    %dma_wait3A_73 = arith.constant 0 : i32
    %dma_wait3A_74 = tpu.memref_slice %arg6[%dma_wait3A_72, %dma_wait3A_73] : memref<79x128xi32, #tpu.memory_space<vmem>> -> memref<1x128xi32, #tpu.memory_space<vmem>>
    %dma_wait3A_75 = tpu.memref_squeeze %dma_wait3A_74 : memref<1x128xi32, #tpu.memory_space<vmem>> -> memref<128xi32, #tpu.memory_space<vmem>>
    %dma_wait3A_76 = arith.constant 0 : i32
    %dma_wait3A_77 = arith.constant 0 : i32
    %dma_wait3A_78 = tpu.memref_slice %arg21[%dma_wait3A_76, %dma_wait3A_77] : memref<10112x16xf32, #tpu.memory_space<vmem_shared>> -> memref<10112x16xf32, #tpu.memory_space<vmem_shared>>
    tpu.wait_indirect_dma semaphore(%arg42 : memref<!tpu.dma_semaphore, #tpu.memory_space<semaphore_mem>>) src(%arg14 : memref<128x16xf32, #tpu.memory_space<vmem>>) dst(%dma_wait3A_78 : memref<10112x16xf32, #tpu.memory_space<vmem_shared>>)
    %dma_wait3A_79 = arith.constant 73 : i32
    %dma_wait3A_80 = arith.constant 0 : i32
    %dma_wait3A_81 = tpu.memref_slice %arg6[%dma_wait3A_79, %dma_wait3A_80] : memref<79x128xi32, #tpu.memory_space<vmem>> -> memref<1x128xi32, #tpu.memory_space<vmem>>
    %dma_wait3A_82 = tpu.memref_squeeze %dma_wait3A_81 : memref<1x128xi32, #tpu.memory_space<vmem>> -> memref<128xi32, #tpu.memory_space<vmem>>
    %dma_wait3A_83 = arith.constant 0 : i32
    %dma_wait3A_84 = arith.constant 0 : i32
    %dma_wait3A_85 = tpu.memref_slice %arg21[%dma_wait3A_83, %dma_wait3A_84] : memref<10112x16xf32, #tpu.memory_space<vmem_shared>> -> memref<10112x16xf32, #tpu.memory_space<vmem_shared>>
    tpu.wait_indirect_dma semaphore(%arg43 : memref<!tpu.dma_semaphore, #tpu.memory_space<semaphore_mem>>) src(%arg15 : memref<128x16xf32, #tpu.memory_space<vmem>>) dst(%dma_wait3A_85 : memref<10112x16xf32, #tpu.memory_space<vmem_shared>>)
    %dma_wait3A_86 = arith.constant 74 : i32
    %dma_wait3A_87 = arith.constant 0 : i32
    %dma_wait3A_88 = tpu.memref_slice %arg6[%dma_wait3A_86, %dma_wait3A_87] : memref<79x128xi32, #tpu.memory_space<vmem>> -> memref<1x128xi32, #tpu.memory_space<vmem>>
    %dma_wait3A_89 = tpu.memref_squeeze %dma_wait3A_88 : memref<1x128xi32, #tpu.memory_space<vmem>> -> memref<128xi32, #tpu.memory_space<vmem>>
    %dma_wait3A_90 = arith.constant 0 : i32
    %dma_wait3A_91 = arith.constant 0 : i32
    %dma_wait3A_92 = tpu.memref_slice %arg21[%dma_wait3A_90, %dma_wait3A_91] : memref<10112x16xf32, #tpu.memory_space<vmem_shared>> -> memref<10112x16xf32, #tpu.memory_space<vmem_shared>>
    tpu.wait_indirect_dma semaphore(%arg44 : memref<!tpu.dma_semaphore, #tpu.memory_space<semaphore_mem>>) src(%arg16 : memref<128x16xf32, #tpu.memory_space<vmem>>) dst(%dma_wait3A_92 : memref<10112x16xf32, #tpu.memory_space<vmem_shared>>)
    %dma_wait3A_93 = arith.constant 75 : i32
    %dma_wait3A_94 = arith.constant 0 : i32
    %dma_wait3A_95 = tpu.memref_slice %arg6[%dma_wait3A_93, %dma_wait3A_94] : memref<79x128xi32, #tpu.memory_space<vmem>> -> memref<1x128xi32, #tpu.memory_space<vmem>>
    %dma_wait3A_96 = tpu.memref_squeeze %dma_wait3A_95 : memref<1x128xi32, #tpu.memory_space<vmem>> -> memref<128xi32, #tpu.memory_space<vmem>>
    %dma_wait3A_97 = arith.constant 0 : i32
    %dma_wait3A_98 = arith.constant 0 : i32
    %dma_wait3A_99 = tpu.memref_slice %arg21[%dma_wait3A_97, %dma_wait3A_98] : memref<10112x16xf32, #tpu.memory_space<vmem_shared>> -> memref<10112x16xf32, #tpu.memory_space<vmem_shared>>
    tpu.wait_indirect_dma semaphore(%arg45 : memref<!tpu.dma_semaphore, #tpu.memory_space<semaphore_mem>>) src(%arg17 : memref<128x16xf32, #tpu.memory_space<vmem>>) dst(%dma_wait3A_99 : memref<10112x16xf32, #tpu.memory_space<vmem_shared>>)
    %dma_wait3A_100 = arith.constant 76 : i32
    %dma_wait3A_101 = arith.constant 0 : i32
    %dma_wait3A_102 = tpu.memref_slice %arg6[%dma_wait3A_100, %dma_wait3A_101] : memref<79x128xi32, #tpu.memory_space<vmem>> -> memref<1x128xi32, #tpu.memory_space<vmem>>
    %dma_wait3A_103 = tpu.memref_squeeze %dma_wait3A_102 : memref<1x128xi32, #tpu.memory_space<vmem>> -> memref<128xi32, #tpu.memory_space<vmem>>
    %dma_wait3A_104 = arith.constant 0 : i32
    %dma_wait3A_105 = arith.constant 0 : i32
    %dma_wait3A_106 = tpu.memref_slice %arg21[%dma_wait3A_104, %dma_wait3A_105] : memref<10112x16xf32, #tpu.memory_space<vmem_shared>> -> memref<10112x16xf32, #tpu.memory_space<vmem_shared>>
    tpu.wait_indirect_dma semaphore(%arg46 : memref<!tpu.dma_semaphore, #tpu.memory_space<semaphore_mem>>) src(%arg18 : memref<128x16xf32, #tpu.memory_space<vmem>>) dst(%dma_wait3A_106 : memref<10112x16xf32, #tpu.memory_space<vmem_shared>>)
    %dma_wait3A_107 = arith.constant 77 : i32
    %dma_wait3A_108 = arith.constant 0 : i32
    %dma_wait3A_109 = tpu.memref_slice %arg6[%dma_wait3A_107, %dma_wait3A_108] : memref<79x128xi32, #tpu.memory_space<vmem>> -> memref<1x128xi32, #tpu.memory_space<vmem>>
    %dma_wait3A_110 = tpu.memref_squeeze %dma_wait3A_109 : memref<1x128xi32, #tpu.memory_space<vmem>> -> memref<128xi32, #tpu.memory_space<vmem>>
    %dma_wait3A_111 = arith.constant 0 : i32
    %dma_wait3A_112 = arith.constant 0 : i32
    %dma_wait3A_113 = tpu.memref_slice %arg21[%dma_wait3A_111, %dma_wait3A_112] : memref<10112x16xf32, #tpu.memory_space<vmem_shared>> -> memref<10112x16xf32, #tpu.memory_space<vmem_shared>>
    tpu.wait_indirect_dma semaphore(%arg47 : memref<!tpu.dma_semaphore, #tpu.memory_space<semaphore_mem>>) src(%arg19 : memref<128x16xf32, #tpu.memory_space<vmem>>) dst(%dma_wait3A_113 : memref<10112x16xf32, #tpu.memory_space<vmem_shared>>)
    %lt3A = arith.constant 4 : i32
    %lt3A_114 = arith.cmpi slt, %add3A, %lt3A : i32
    %convert_element_type3A = arith.extui %lt3A_114 : i1 to i32
    %cond3A = arith.constant 0 : i32
    %cond3A_115 = arith.cmpi ne, %convert_element_type3A, %cond3A : i32
    scf.if %cond3A_115 {
      %run_scoped3A_154 = arith.constant 78 : i32
      "tpu.region"() ({
        %run_scoped3A_156 = tpu.sem_alloc : memref<!tpu.dma_semaphore, #tpu.memory_space<semaphore_mem>>
        %dma_start3A = arith.constant 0 : i32
        %dma_start3A_157 = tpu.memref_slice %arg5[%run_scoped3A_154, %dma_start3A] : memref<79x128xi32, #tpu.memory_space<vmem>> -> memref<1x128xi32, #tpu.memory_space<vmem>>
        %dma_start3A_158 = tpu.memref_squeeze %dma_start3A_157 : memref<1x128xi32, #tpu.memory_space<vmem>> -> memref<128xi32, #tpu.memory_space<vmem>>
        %dma_start3A_159 = arith.constant 0 : i32
        %dma_start3A_160 = arith.constant 0 : i32
        %dma_start3A_161 = tpu.memref_slice %arg2[%dma_start3A_159, %dma_start3A_160] : memref<10000x16xf32, #tpu.memory_space<hbm>> -> memref<10000x16xf32, #tpu.memory_space<hbm>>
        tpu.enqueue_indirect_dma source(%dma_start3A_161 : memref<10000x16xf32, #tpu.memory_space<hbm>>) target(%arg7 : memref<128x16xf32, #tpu.memory_space<vmem>>) offsets(%dma_start3A_158 : memref<128xi32, #tpu.memory_space<vmem>>) semaphore(%run_scoped3A_156 : memref<!tpu.dma_semaphore, #tpu.memory_space<semaphore_mem>>)
        %dma_wait3A_162 = arith.constant 0 : i32
        %dma_wait3A_163 = tpu.memref_slice %arg5[%run_scoped3A_154, %dma_wait3A_162] : memref<79x128xi32, #tpu.memory_space<vmem>> -> memref<1x128xi32, #tpu.memory_space<vmem>>
        %dma_wait3A_164 = tpu.memref_squeeze %dma_wait3A_163 : memref<1x128xi32, #tpu.memory_space<vmem>> -> memref<128xi32, #tpu.memory_space<vmem>>
        %dma_wait3A_165 = arith.constant 0 : i32
        %dma_wait3A_166 = arith.constant 0 : i32
        %dma_wait3A_167 = tpu.memref_slice %arg2[%dma_wait3A_165, %dma_wait3A_166] : memref<10000x16xf32, #tpu.memory_space<hbm>> -> memref<10000x16xf32, #tpu.memory_space<hbm>>
        tpu.wait_indirect_dma semaphore(%run_scoped3A_156 : memref<!tpu.dma_semaphore, #tpu.memory_space<semaphore_mem>>) src(%dma_wait3A_167 : memref<10000x16xf32, #tpu.memory_space<hbm>>) dst(%arg7 : memref<128x16xf32, #tpu.memory_space<vmem>>)
        tpu.yield
      }) : () -> ()
      %run_scoped3A_155 = arith.constant 78 : i32
      "tpu.region"() ({
        %run_scoped3A_156 = tpu.sem_alloc : memref<!tpu.dma_semaphore, #tpu.memory_space<semaphore_mem>>
        %dma_start3A = arith.constant 0 : i32
        %dma_start3A_157 = tpu.memref_slice %arg6[%run_scoped3A_155, %dma_start3A] : memref<79x128xi32, #tpu.memory_space<vmem>> -> memref<1x128xi32, #tpu.memory_space<vmem>>
        %dma_start3A_158 = tpu.memref_squeeze %dma_start3A_157 : memref<1x128xi32, #tpu.memory_space<vmem>> -> memref<128xi32, #tpu.memory_space<vmem>>
        %dma_start3A_159 = arith.constant 0 : i32
        %dma_start3A_160 = arith.constant 0 : i32
        %dma_start3A_161 = tpu.memref_slice %arg21[%dma_start3A_159, %dma_start3A_160] : memref<10112x16xf32, #tpu.memory_space<vmem_shared>> -> memref<10112x16xf32, #tpu.memory_space<vmem_shared>>
        tpu.enqueue_indirect_dma source(%arg7 : memref<128x16xf32, #tpu.memory_space<vmem>>) target(%dma_start3A_161 : memref<10112x16xf32, #tpu.memory_space<vmem_shared>>) offsets(%dma_start3A_158 : memref<128xi32, #tpu.memory_space<vmem>>) semaphore(%run_scoped3A_156 : memref<!tpu.dma_semaphore, #tpu.memory_space<semaphore_mem>>) {add = true}
        %dma_wait3A_162 = arith.constant 0 : i32
        %dma_wait3A_163 = tpu.memref_slice %arg6[%run_scoped3A_155, %dma_wait3A_162] : memref<79x128xi32, #tpu.memory_space<vmem>> -> memref<1x128xi32, #tpu.memory_space<vmem>>
        %dma_wait3A_164 = tpu.memref_squeeze %dma_wait3A_163 : memref<1x128xi32, #tpu.memory_space<vmem>> -> memref<128xi32, #tpu.memory_space<vmem>>
        %dma_wait3A_165 = arith.constant 0 : i32
        %dma_wait3A_166 = arith.constant 0 : i32
        %dma_wait3A_167 = tpu.memref_slice %arg21[%dma_wait3A_165, %dma_wait3A_166] : memref<10112x16xf32, #tpu.memory_space<vmem_shared>> -> memref<10112x16xf32, #tpu.memory_space<vmem_shared>>
        tpu.wait_indirect_dma semaphore(%run_scoped3A_156 : memref<!tpu.dma_semaphore, #tpu.memory_space<semaphore_mem>>) src(%arg7 : memref<128x16xf32, #tpu.memory_space<vmem>>) dst(%dma_wait3A_167 : memref<10112x16xf32, #tpu.memory_space<vmem_shared>>)
        tpu.yield
      }) : () -> ()
    } else {
    }
    %barrier3A_116 = arith.constant 0 : index
    tpu.barrier barrier_id(%barrier3A_116)
    %jit3A = arith.constant 2 : i32
    %div3A = arith.divsi %arg1, %jit3A : i32
    %sign3A = arith.constant 0 : i32
    %sign3A_117 = arith.cmpi sgt, %arg1, %sign3A : i32
    %sign3A_118 = arith.extui %sign3A_117 : i1 to i32
    %sign3A_119 = arith.constant 0 : i32
    %sign3A_120 = arith.cmpi slt, %arg1, %sign3A_119 : i32
    %sign3A_121 = arith.extui %sign3A_120 : i1 to i32
    %sign3A_122 = arith.subi %sign3A_118, %sign3A_121 : i32
    %sign3A_123 = arith.constant 0 : i32
    %sign3A_124 = arith.cmpi sgt, %jit3A, %sign3A_123 : i32
    %sign3A_125 = arith.extui %sign3A_124 : i1 to i32
    %sign3A_126 = arith.constant 0 : i32
    %sign3A_127 = arith.cmpi slt, %jit3A, %sign3A_126 : i32
    %sign3A_128 = arith.extui %sign3A_127 : i1 to i32
    %sign3A_129 = arith.subi %sign3A_125, %sign3A_128 : i32
    %ne3A = arith.cmpi ne, %sign3A_122, %sign3A_129 : i32
    %rem3A = arith.remsi %arg1, %jit3A : i32
    %ne3A_130 = arith.constant 0 : i32
    %ne3A_131 = arith.cmpi ne, %rem3A, %ne3A_130 : i32
    %and3A = arith.andi %ne3A, %ne3A_131 : i1
    %sub3A = arith.constant 1 : i32
    %sub3A_132 = arith.subi %div3A, %sub3A : i32
    %select_n3A = arith.select %and3A, %sub3A_132, %div3A : i32
    %jit3A_133 = arith.constant 2 : i32
    %eq3A = arith.constant 0 : i32
    %eq3A_134 = arith.cmpi eq, %jit3A_133, %eq3A : i32
    %jit3A_135 = arith.constant 1 : i32
    %select_n3A_136 = arith.select %eq3A_134, %jit3A_135, %jit3A_133 : i32
    %rem3A_137 = arith.remsi %arg1, %select_n3A_136 : i32
    %ne3A_138 = arith.constant 0 : i32
    %ne3A_139 = arith.cmpi ne, %rem3A_137, %ne3A_138 : i32
    %lt3A_140 = arith.constant 0 : i32
    %lt3A_141 = arith.cmpi slt, %rem3A_137, %lt3A_140 : i32
    %lt3A_142 = arith.constant 0 : i32
    %lt3A_143 = arith.cmpi slt, %select_n3A_136, %lt3A_142 : i32
    %ne3A_144 = arith.xori %lt3A_141, %lt3A_143 : i1
    %and3A_145 = arith.andi %ne3A_144, %ne3A_139 : i1
    %add3A_146 = arith.addi %rem3A_137, %select_n3A_136 : i32
    %select_n3A_147 = arith.select %and3A_145, %add3A_146, %rem3A_137 : i32
    %mul3A_148 = arith.constant 632 : i32
    %mul3A_149 = arith.muli %select_n3A_147, %mul3A_148 : i32
    %mul3A_150 = arith.constant 632 : i32
    %mul3A_151 = arith.muli %arg1, %mul3A_150 : i32
    %mul3A_152 = arith.constant 16 : i32
    %mul3A_153 = arith.muli %select_n3A, %mul3A_152 : i32
    "tpu.region"() ({
      %run_scoped3A_154 = tpu.sem_alloc : memref<!tpu.dma_semaphore, #tpu.memory_space<semaphore_mem>>
      %dma_start3A = tpu.memref_slice %arg4[%arg0, %mul3A_149, %mul3A_153] : memref<2x1264x128xf32, #tpu.memory_space<hbm>> -> memref<1x632x16xf32, #tpu.memory_space<hbm>>
      %dma_start3A_155 = tpu.memref_squeeze %dma_start3A : memref<1x632x16xf32, #tpu.memory_space<hbm>> -> memref<632x16xf32, #tpu.memory_space<hbm>>
      %dma_start3A_156 = arith.constant 0 : i32
      %dma_start3A_157 = tpu.memref_slice %arg21[%mul3A_151, %dma_start3A_156] : memref<10112x16xf32, #tpu.memory_space<vmem_shared>> -> memref<632x16xf32, #tpu.memory_space<vmem_shared>>
      tpu.enqueue_dma source(%dma_start3A_157 : memref<632x16xf32, #tpu.memory_space<vmem_shared>>) target(%dma_start3A_155 : memref<632x16xf32, #tpu.memory_space<hbm>>) target_semaphore(%run_scoped3A_154 : memref<!tpu.dma_semaphore, #tpu.memory_space<semaphore_mem>>)
      %dma_wait3A_158 = tpu.memref_slice %arg4[%arg0, %mul3A_149, %mul3A_153] : memref<2x1264x128xf32, #tpu.memory_space<hbm>> -> memref<1x632x16xf32, #tpu.memory_space<hbm>>
      %dma_wait3A_159 = tpu.memref_squeeze %dma_wait3A_158 : memref<1x632x16xf32, #tpu.memory_space<hbm>> -> memref<632x16xf32, #tpu.memory_space<hbm>>
      %dma_wait3A_160 = arith.constant 0 : i32
      %dma_wait3A_161 = tpu.memref_slice %arg21[%mul3A_151, %dma_wait3A_160] : memref<10112x16xf32, #tpu.memory_space<vmem_shared>> -> memref<632x16xf32, #tpu.memory_space<vmem_shared>>
      tpu.wait_dma2 semaphore(%run_scoped3A_154 : memref<!tpu.dma_semaphore, #tpu.memory_space<semaphore_mem>>) src(%dma_wait3A_161 : memref<632x16xf32, #tpu.memory_space<vmem_shared>>) dst(%dma_wait3A_159 : memref<632x16xf32, #tpu.memory_space<hbm>>)
      tpu.yield
    }) : () -> ()
    return
  }
}

#map = affine_map<(d0, d1) -> (0, 0, 0)>
module attributes {stable_mosaic.version = 14 : i64} {
  func.func @deg_kernel(%arg0: i32, %arg1: i32, %arg2: memref<2x2500x128xi32, #tpu.memory_space<hbm>>, %arg3: memref<2x1264x128xf32, #tpu.memory_space<hbm>>, %arg4: memref<79x128xi32, #tpu.memory_space<vmem>>, %arg5: memref<128x16xf32, #tpu.memory_space<vmem>>, %arg6: memref<632x16xf32, #tpu.memory_space<vmem>>, %arg7: memref<10112x16xf32, #tpu.memory_space<vmem_shared>>, %arg8: memref<!tpu.dma_semaphore, #tpu.memory_space<semaphore_mem>>, %arg9: memref<!tpu.dma_semaphore, #tpu.memory_space<semaphore_mem>>, %arg10: memref<!tpu.dma_semaphore, #tpu.memory_space<semaphore_mem>>, %arg11: memref<!tpu.dma_semaphore, #tpu.memory_space<semaphore_mem>>, %arg12: memref<!tpu.dma_semaphore, #tpu.memory_space<semaphore_mem>>, %arg13: memref<!tpu.dma_semaphore, #tpu.memory_space<semaphore_mem>>, %arg14: memref<!tpu.dma_semaphore, #tpu.memory_space<semaphore_mem>>, %arg15: memref<!tpu.dma_semaphore, #tpu.memory_space<semaphore_mem>>, %arg16: memref<!tpu.dma_semaphore, #tpu.memory_space<semaphore_mem>>, %arg17: memref<!tpu.dma_semaphore, #tpu.memory_space<semaphore_mem>>, %arg18: memref<!tpu.dma_semaphore, #tpu.memory_space<semaphore_mem>>, %arg19: memref<!tpu.dma_semaphore, #tpu.memory_space<semaphore_mem>>, %arg20: memref<!tpu.dma_semaphore, #tpu.memory_space<semaphore_mem>>) attributes {dimension_semantics = [#tpu.dimension_semantics<core_parallel>, #tpu.dimension_semantics<subcore_parallel>], iteration_bounds = array<i64: 2, 16>, scalar_prefetch = 0 : i64, scratch_operands = 17 : i64, tpu.core_type = #tpu.core_type<sc_vector_subcore>, window_params = [{transform_indices = #map}, {transform_indices = #map}]} {
    %mul3A = arith.constant 16 : i32
    %mul3A_0 = arith.muli %arg0, %mul3A : i32
    %add3A = arith.addi %mul3A_0, %arg1 : i32
    %mul3A_1 = arith.constant 78 : i32
    %mul3A_2 = arith.muli %add3A, %mul3A_1 : i32
    %min3A = arith.constant 3 : i32
    %min3A_3 = arith.minsi %add3A, %min3A : i32
    %add3A_4 = arith.constant 2496 : i32
    %add3A_5 = arith.addi %add3A_4, %min3A_3 : i32
    %scan3A = arith.constant 0 : i32
    %scan3A_6 = arith.constant 0 : i32
    %scan3A_7 = arith.constant 128 : i32
    %scan3A_8 = arith.addi %scan3A_6, %scan3A_7 : i32
    %scan3A_9 = arith.constant 1 : i32
    %scan3A_10 = scf.for %scan3A_159 = %scan3A_6 to %scan3A_8 step %scan3A_9 iter_args(%scan3A_160 = %scan3A) -> (i32)  : i32 {
      %broadcast_in_dim3A = arith.constant 1.000000e+00 : f32
      %broadcast_in_dim3A_161 = vector.broadcast %broadcast_in_dim3A : f32 to vector<16xf32>
      %swap3A = arith.index_cast %scan3A_159 : i32 to index
      %swap3A_162 = arith.constant 0 : index
      %swap3A_163 = tpu.vector_load %arg5[%swap3A, %swap3A_162] {strides = array<i32>} : memref<128x16xf32, #tpu.memory_space<vmem>>, vector<1x16xf32>,
      %swap3A_164 = vector.shape_cast %swap3A_163 : vector<1x16xf32> to vector<16xf32>
      %swap3A_165 = vector.shape_cast %broadcast_in_dim3A_161 : vector<16xf32> to vector<1x16xf32>
      tpu.vector_store %arg5[%swap3A, %swap3A_162], %swap3A_165 {strides = array<i32>} : memref<128x16xf32, #tpu.memory_space<vmem>>, vector<1x16xf32>,
      %scan3A_166 = arith.constant 0 : i32
      scf.yield %scan3A_166 : i32
    }
    %scan3A_11 = arith.constant 128 : i32
    %scan3A_12 = arith.constant 0 : i32
    %scan3A_13 = arith.constant 0 : i32
    %scan3A_14 = arith.constant 632 : i32
    %scan3A_15 = arith.addi %scan3A_13, %scan3A_14 : i32
    %scan3A_16 = arith.constant 1 : i32
    %scan3A_17 = scf.for %scan3A_159 = %scan3A_13 to %scan3A_15 step %scan3A_16 iter_args(%scan3A_160 = %scan3A_12) -> (i32)  : i32 {
      %broadcast_in_dim3A = arith.constant 0.000000e+00 : f32
      %broadcast_in_dim3A_161 = vector.broadcast %broadcast_in_dim3A : f32 to vector<16xf32>
      %swap3A = arith.index_cast %scan3A_159 : i32 to index
      %swap3A_162 = arith.constant 0 : index
      %swap3A_163 = tpu.vector_load %arg6[%swap3A, %swap3A_162] {strides = array<i32>} : memref<632x16xf32, #tpu.memory_space<vmem>>, vector<1x16xf32>,
      %swap3A_164 = vector.shape_cast %swap3A_163 : vector<1x16xf32> to vector<16xf32>
      %swap3A_165 = vector.shape_cast %broadcast_in_dim3A_161 : vector<16xf32> to vector<1x16xf32>
      tpu.vector_store %arg6[%swap3A, %swap3A_162], %swap3A_165 {strides = array<i32>} : memref<632x16xf32, #tpu.memory_space<vmem>>, vector<1x16xf32>,
      %scan3A_166 = arith.constant 0 : i32
      scf.yield %scan3A_166 : i32
    }
    %scan3A_18 = arith.constant 632 : i32
    %mul3A_19 = arith.constant 632 : i32
    %mul3A_20 = arith.muli %arg1, %mul3A_19 : i32
    "tpu.region"() ({
      %run_scoped3A_159 = tpu.sem_alloc : memref<!tpu.dma_semaphore, #tpu.memory_space<semaphore_mem>>
      %dma_start3A = arith.constant 0 : i32
      %dma_start3A_160 = tpu.memref_slice %arg7[%mul3A_20, %dma_start3A] : memref<10112x16xf32, #tpu.memory_space<vmem_shared>> -> memref<632x16xf32, #tpu.memory_space<vmem_shared>>
      %dma_start3A_161 = arith.constant 0 : i32
      %dma_start3A_162 = tpu.memref_slice %arg7[%mul3A_20, %dma_start3A_161] : memref<10112x16xf32, #tpu.memory_space<vmem_shared>> -> memref<632x16xf32, #tpu.memory_space<vmem_shared>>
      tpu.enqueue_dma source(%arg6 : memref<632x16xf32, #tpu.memory_space<vmem>>) target(%dma_start3A_162 : memref<632x16xf32, #tpu.memory_space<vmem_shared>>) target_semaphore(%run_scoped3A_159 : memref<!tpu.dma_semaphore, #tpu.memory_space<semaphore_mem>>)
      %dma_wait3A_163 = arith.constant 0 : i32
      %dma_wait3A_164 = tpu.memref_slice %arg7[%mul3A_20, %dma_wait3A_163] : memref<10112x16xf32, #tpu.memory_space<vmem_shared>> -> memref<632x16xf32, #tpu.memory_space<vmem_shared>>
      %dma_wait3A_165 = arith.constant 0 : i32
      %dma_wait3A_166 = tpu.memref_slice %arg7[%mul3A_20, %dma_wait3A_165] : memref<10112x16xf32, #tpu.memory_space<vmem_shared>> -> memref<632x16xf32, #tpu.memory_space<vmem_shared>>
      tpu.wait_dma2 semaphore(%run_scoped3A_159 : memref<!tpu.dma_semaphore, #tpu.memory_space<semaphore_mem>>) src(%arg6 : memref<632x16xf32, #tpu.memory_space<vmem>>) dst(%dma_wait3A_166 : memref<632x16xf32, #tpu.memory_space<vmem_shared>>)
      tpu.yield
    }) : () -> ()
    %run_scoped3A = arith.constant 1 : i32
    "tpu.region"() ({
      %run_scoped3A_159 = tpu.sem_alloc : memref<!tpu.dma_semaphore, #tpu.memory_space<semaphore_mem>>
      %dma_start3A = arith.constant 0 : i32
      %dma_start3A_160 = arith.constant 0 : i32
      %dma_start3A_161 = tpu.memref_slice %arg4[%dma_start3A, %dma_start3A_160] : memref<79x128xi32, #tpu.memory_space<vmem>> -> memref<78x128xi32, #tpu.memory_space<vmem>>
      %dma_start3A_162 = arith.constant 0 : i32
      %dma_start3A_163 = tpu.memref_slice %arg2[%run_scoped3A, %mul3A_2, %dma_start3A_162] : memref<2x2500x128xi32, #tpu.memory_space<hbm>> -> memref<1x78x128xi32, #tpu.memory_space<hbm>>
      %dma_start3A_164 = tpu.memref_squeeze %dma_start3A_163 : memref<1x78x128xi32, #tpu.memory_space<hbm>> -> memref<78x128xi32, #tpu.memory_space<hbm>>
      %dma_start3A_165 = arith.constant 0 : i32
      %dma_start3A_166 = arith.constant 0 : i32
      %dma_start3A_167 = tpu.memref_slice %arg4[%dma_start3A_165, %dma_start3A_166] : memref<79x128xi32, #tpu.memory_space<vmem>> -> memref<78x128xi32, #tpu.memory_space<vmem>>
      %dma_start3A_168 = arith.constant 0 : i32
      %dma_start3A_169 = tpu.memref_slice %arg2[%run_scoped3A, %mul3A_2, %dma_start3A_168] : memref<2x2500x128xi32, #tpu.memory_space<hbm>> -> memref<1x78x128xi32, #tpu.memory_space<hbm>>
      %dma_start3A_170 = tpu.memref_squeeze %dma_start3A_169 : memref<1x78x128xi32, #tpu.memory_space<hbm>> -> memref<78x128xi32, #tpu.memory_space<hbm>>
      tpu.enqueue_dma source(%dma_start3A_170 : memref<78x128xi32, #tpu.memory_space<hbm>>) target(%dma_start3A_167 : memref<78x128xi32, #tpu.memory_space<vmem>>) target_semaphore(%run_scoped3A_159 : memref<!tpu.dma_semaphore, #tpu.memory_space<semaphore_mem>>)
      %dma_wait3A_171 = arith.constant 0 : i32
      %dma_wait3A_172 = arith.constant 0 : i32
      %dma_wait3A_173 = tpu.memref_slice %arg4[%dma_wait3A_171, %dma_wait3A_172] : memref<79x128xi32, #tpu.memory_space<vmem>> -> memref<78x128xi32, #tpu.memory_space<vmem>>
      %dma_wait3A_174 = arith.constant 0 : i32
      %dma_wait3A_175 = tpu.memref_slice %arg2[%run_scoped3A, %mul3A_2, %dma_wait3A_174] : memref<2x2500x128xi32, #tpu.memory_space<hbm>> -> memref<1x78x128xi32, #tpu.memory_space<hbm>>
      %dma_wait3A_176 = tpu.memref_squeeze %dma_wait3A_175 : memref<1x78x128xi32, #tpu.memory_space<hbm>> -> memref<78x128xi32, #tpu.memory_space<hbm>>
      %dma_wait3A_177 = arith.constant 0 : i32
      %dma_wait3A_178 = arith.constant 0 : i32
      %dma_wait3A_179 = tpu.memref_slice %arg4[%dma_wait3A_177, %dma_wait3A_178] : memref<79x128xi32, #tpu.memory_space<vmem>> -> memref<78x128xi32, #tpu.memory_space<vmem>>
      %dma_wait3A_180 = arith.constant 0 : i32
      %dma_wait3A_181 = tpu.memref_slice %arg2[%run_scoped3A, %mul3A_2, %dma_wait3A_180] : memref<2x2500x128xi32, #tpu.memory_space<hbm>> -> memref<1x78x128xi32, #tpu.memory_space<hbm>>
      %dma_wait3A_182 = tpu.memref_squeeze %dma_wait3A_181 : memref<1x78x128xi32, #tpu.memory_space<hbm>> -> memref<78x128xi32, #tpu.memory_space<hbm>>
      tpu.wait_dma2 semaphore(%run_scoped3A_159 : memref<!tpu.dma_semaphore, #tpu.memory_space<semaphore_mem>>) src(%dma_wait3A_182 : memref<78x128xi32, #tpu.memory_space<hbm>>) dst(%dma_wait3A_179 : memref<78x128xi32, #tpu.memory_space<vmem>>)
      tpu.yield
    }) : () -> ()
    %run_scoped3A_21 = arith.constant 1 : i32
    "tpu.region"() ({
      %run_scoped3A_159 = tpu.sem_alloc : memref<!tpu.dma_semaphore, #tpu.memory_space<semaphore_mem>>
      %dma_start3A = arith.constant 78 : i32
      %dma_start3A_160 = arith.constant 0 : i32
      %dma_start3A_161 = tpu.memref_slice %arg4[%dma_start3A, %dma_start3A_160] : memref<79x128xi32, #tpu.memory_space<vmem>> -> memref<1x128xi32, #tpu.memory_space<vmem>>
      %dma_start3A_162 = arith.constant 0 : i32
      %dma_start3A_163 = tpu.memref_slice %arg2[%run_scoped3A_21, %add3A_5, %dma_start3A_162] : memref<2x2500x128xi32, #tpu.memory_space<hbm>> -> memref<1x1x128xi32, #tpu.memory_space<hbm>>
      %dma_start3A_164 = tpu.memref_squeeze %dma_start3A_163 : memref<1x1x128xi32, #tpu.memory_space<hbm>> -> memref<1x128xi32, #tpu.memory_space<hbm>>
      %dma_start3A_165 = arith.constant 78 : i32
      %dma_start3A_166 = arith.constant 0 : i32
      %dma_start3A_167 = tpu.memref_slice %arg4[%dma_start3A_165, %dma_start3A_166] : memref<79x128xi32, #tpu.memory_space<vmem>> -> memref<1x128xi32, #tpu.memory_space<vmem>>
      %dma_start3A_168 = arith.constant 0 : i32
      %dma_start3A_169 = tpu.memref_slice %arg2[%run_scoped3A_21, %add3A_5, %dma_start3A_168] : memref<2x2500x128xi32, #tpu.memory_space<hbm>> -> memref<1x1x128xi32, #tpu.memory_space<hbm>>
      %dma_start3A_170 = tpu.memref_squeeze %dma_start3A_169 : memref<1x1x128xi32, #tpu.memory_space<hbm>> -> memref<1x128xi32, #tpu.memory_space<hbm>>
      tpu.enqueue_dma source(%dma_start3A_170 : memref<1x128xi32, #tpu.memory_space<hbm>>) target(%dma_start3A_167 : memref<1x128xi32, #tpu.memory_space<vmem>>) target_semaphore(%run_scoped3A_159 : memref<!tpu.dma_semaphore, #tpu.memory_space<semaphore_mem>>)
      %dma_wait3A_171 = arith.constant 78 : i32
      %dma_wait3A_172 = arith.constant 0 : i32
      %dma_wait3A_173 = tpu.memref_slice %arg4[%dma_wait3A_171, %dma_wait3A_172] : memref<79x128xi32, #tpu.memory_space<vmem>> -> memref<1x128xi32, #tpu.memory_space<vmem>>
      %dma_wait3A_174 = arith.constant 0 : i32
      %dma_wait3A_175 = tpu.memref_slice %arg2[%run_scoped3A_21, %add3A_5, %dma_wait3A_174] : memref<2x2500x128xi32, #tpu.memory_space<hbm>> -> memref<1x1x128xi32, #tpu.memory_space<hbm>>
      %dma_wait3A_176 = tpu.memref_squeeze %dma_wait3A_175 : memref<1x1x128xi32, #tpu.memory_space<hbm>> -> memref<1x128xi32, #tpu.memory_space<hbm>>
      %dma_wait3A_177 = arith.constant 78 : i32
      %dma_wait3A_178 = arith.constant 0 : i32
      %dma_wait3A_179 = tpu.memref_slice %arg4[%dma_wait3A_177, %dma_wait3A_178] : memref<79x128xi32, #tpu.memory_space<vmem>> -> memref<1x128xi32, #tpu.memory_space<vmem>>
      %dma_wait3A_180 = arith.constant 0 : i32
      %dma_wait3A_181 = tpu.memref_slice %arg2[%run_scoped3A_21, %add3A_5, %dma_wait3A_180] : memref<2x2500x128xi32, #tpu.memory_space<hbm>> -> memref<1x1x128xi32, #tpu.memory_space<hbm>>
      %dma_wait3A_182 = tpu.memref_squeeze %dma_wait3A_181 : memref<1x1x128xi32, #tpu.memory_space<hbm>> -> memref<1x128xi32, #tpu.memory_space<hbm>>
      tpu.wait_dma2 semaphore(%run_scoped3A_159 : memref<!tpu.dma_semaphore, #tpu.memory_space<semaphore_mem>>) src(%dma_wait3A_182 : memref<1x128xi32, #tpu.memory_space<hbm>>) dst(%dma_wait3A_179 : memref<1x128xi32, #tpu.memory_space<vmem>>)
      tpu.yield
    }) : () -> ()
    %barrier3A = arith.constant 0 : index
    tpu.barrier barrier_id(%barrier3A)
    %scan3A_22 = arith.constant 0 : i32
    %scan3A_23 = arith.constant 0 : i32
    %scan3A_24 = arith.constant 6 : i32
    %scan3A_25 = arith.addi %scan3A_23, %scan3A_24 : i32
    %scan3A_26 = arith.constant 1 : i32
    %scan3A_27 = scf.for %scan3A_159 = %scan3A_23 to %scan3A_25 step %scan3A_26 iter_args(%scan3A_160 = %scan3A_22) -> (i32)  : i32 {
      %mul3A_161 = arith.constant 13 : i32
      %mul3A_162 = arith.muli %scan3A_159, %mul3A_161 : i32
      %add3A_163 = arith.constant 0 : i32
      %add3A_164 = arith.addi %mul3A_162, %add3A_163 : i32
      %gt3A = arith.constant 0 : i32
      %gt3A_165 = arith.cmpi sgt, %scan3A_159, %gt3A : i32
      %convert_element_type3A_166 = arith.extui %gt3A_165 : i1 to i32
      %cond3A_167 = arith.constant 0 : i32
      %cond3A_168 = arith.cmpi ne, %convert_element_type3A_166, %cond3A_167 : i32
      scf.if %cond3A_168 {
        %sub3A_355 = arith.constant 13 : i32
        %sub3A_356 = arith.subi %add3A_164, %sub3A_355 : i32
        %dma_wait3A_357 = arith.constant 0 : i32
        %dma_wait3A_358 = tpu.memref_slice %arg4[%sub3A_356, %dma_wait3A_357] : memref<79x128xi32, #tpu.memory_space<vmem>> -> memref<1x128xi32, #tpu.memory_space<vmem>>
        %dma_wait3A_359 = tpu.memref_squeeze %dma_wait3A_358 : memref<1x128xi32, #tpu.memory_space<vmem>> -> memref<128xi32, #tpu.memory_space<vmem>>
        %dma_wait3A_360 = arith.constant 0 : i32
        %dma_wait3A_361 = arith.constant 0 : i32
        %dma_wait3A_362 = tpu.memref_slice %arg7[%dma_wait3A_360, %dma_wait3A_361] : memref<10112x16xf32, #tpu.memory_space<vmem_shared>> -> memref<10112x16xf32, #tpu.memory_space<vmem_shared>>
        tpu.wait_indirect_dma semaphore(%arg8 : memref<!tpu.dma_semaphore, #tpu.memory_space<semaphore_mem>>) src(%arg5 : memref<128x16xf32, #tpu.memory_space<vmem>>) dst(%dma_wait3A_362 : memref<10112x16xf32, #tpu.memory_space<vmem_shared>>)
      } else {
      }
      %dma_start3A = arith.constant 0 : i32
      %dma_start3A_169 = tpu.memref_slice %arg4[%add3A_164, %dma_start3A] : memref<79x128xi32, #tpu.memory_space<vmem>> -> memref<1x128xi32, #tpu.memory_space<vmem>>
      %dma_start3A_170 = tpu.memref_squeeze %dma_start3A_169 : memref<1x128xi32, #tpu.memory_space<vmem>> -> memref<128xi32, #tpu.memory_space<vmem>>
      %dma_start3A_171 = arith.constant 0 : i32
      %dma_start3A_172 = arith.constant 0 : i32
      %dma_start3A_173 = tpu.memref_slice %arg7[%dma_start3A_171, %dma_start3A_172] : memref<10112x16xf32, #tpu.memory_space<vmem_shared>> -> memref<10112x16xf32, #tpu.memory_space<vmem_shared>>
      tpu.enqueue_indirect_dma source(%arg5 : memref<128x16xf32, #tpu.memory_space<vmem>>) target(%dma_start3A_173 : memref<10112x16xf32, #tpu.memory_space<vmem_shared>>) offsets(%dma_start3A_170 : memref<128xi32, #tpu.memory_space<vmem>>) semaphore(%arg8 : memref<!tpu.dma_semaphore, #tpu.memory_space<semaphore_mem>>) {add = true}
      %mul3A_174 = arith.constant 13 : i32
      %mul3A_175 = arith.muli %scan3A_159, %mul3A_174 : i32
      %add3A_176 = arith.constant 1 : i32
      %add3A_177 = arith.addi %mul3A_175, %add3A_176 : i32
      %gt3A_178 = arith.constant 0 : i32
      %gt3A_179 = arith.cmpi sgt, %scan3A_159, %gt3A_178 : i32
      %convert_element_type3A_180 = arith.extui %gt3A_179 : i1 to i32
      %cond3A_181 = arith.constant 0 : i32
      %cond3A_182 = arith.cmpi ne, %convert_element_type3A_180, %cond3A_181 : i32
      scf.if %cond3A_182 {
        %sub3A_355 = arith.constant 13 : i32
        %sub3A_356 = arith.subi %add3A_177, %sub3A_355 : i32
        %dma_wait3A_357 = arith.constant 0 : i32
        %dma_wait3A_358 = tpu.memref_slice %arg4[%sub3A_356, %dma_wait3A_357] : memref<79x128xi32, #tpu.memory_space<vmem>> -> memref<1x128xi32, #tpu.memory_space<vmem>>
        %dma_wait3A_359 = tpu.memref_squeeze %dma_wait3A_358 : memref<1x128xi32, #tpu.memory_space<vmem>> -> memref<128xi32, #tpu.memory_space<vmem>>
        %dma_wait3A_360 = arith.constant 0 : i32
        %dma_wait3A_361 = arith.constant 0 : i32
        %dma_wait3A_362 = tpu.memref_slice %arg7[%dma_wait3A_360, %dma_wait3A_361] : memref<10112x16xf32, #tpu.memory_space<vmem_shared>> -> memref<10112x16xf32, #tpu.memory_space<vmem_shared>>
        tpu.wait_indirect_dma semaphore(%arg9 : memref<!tpu.dma_semaphore, #tpu.memory_space<semaphore_mem>>) src(%arg5 : memref<128x16xf32, #tpu.memory_space<vmem>>) dst(%dma_wait3A_362 : memref<10112x16xf32, #tpu.memory_space<vmem_shared>>)
      } else {
      }
      %dma_start3A_183 = arith.constant 0 : i32
      %dma_start3A_184 = tpu.memref_slice %arg4[%add3A_177, %dma_start3A_183] : memref<79x128xi32, #tpu.memory_space<vmem>> -> memref<1x128xi32, #tpu.memory_space<vmem>>
      %dma_start3A_185 = tpu.memref_squeeze %dma_start3A_184 : memref<1x128xi32, #tpu.memory_space<vmem>> -> memref<128xi32, #tpu.memory_space<vmem>>
      %dma_start3A_186 = arith.constant 0 : i32
      %dma_start3A_187 = arith.constant 0 : i32
      %dma_start3A_188 = tpu.memref_slice %arg7[%dma_start3A_186, %dma_start3A_187] : memref<10112x16xf32, #tpu.memory_space<vmem_shared>> -> memref<10112x16xf32, #tpu.memory_space<vmem_shared>>
      tpu.enqueue_indirect_dma source(%arg5 : memref<128x16xf32, #tpu.memory_space<vmem>>) target(%dma_start3A_188 : memref<10112x16xf32, #tpu.memory_space<vmem_shared>>) offsets(%dma_start3A_185 : memref<128xi32, #tpu.memory_space<vmem>>) semaphore(%arg9 : memref<!tpu.dma_semaphore, #tpu.memory_space<semaphore_mem>>) {add = true}
      %mul3A_189 = arith.constant 13 : i32
      %mul3A_190 = arith.muli %scan3A_159, %mul3A_189 : i32
      %add3A_191 = arith.constant 2 : i32
      %add3A_192 = arith.addi %mul3A_190, %add3A_191 : i32
      %gt3A_193 = arith.constant 0 : i32
      %gt3A_194 = arith.cmpi sgt, %scan3A_159, %gt3A_193 : i32
      %convert_element_type3A_195 = arith.extui %gt3A_194 : i1 to i32
      %cond3A_196 = arith.constant 0 : i32
      %cond3A_197 = arith.cmpi ne, %convert_element_type3A_195, %cond3A_196 : i32
      scf.if %cond3A_197 {
        %sub3A_355 = arith.constant 13 : i32
        %sub3A_356 = arith.subi %add3A_192, %sub3A_355 : i32
        %dma_wait3A_357 = arith.constant 0 : i32
        %dma_wait3A_358 = tpu.memref_slice %arg4[%sub3A_356, %dma_wait3A_357] : memref<79x128xi32, #tpu.memory_space<vmem>> -> memref<1x128xi32, #tpu.memory_space<vmem>>
        %dma_wait3A_359 = tpu.memref_squeeze %dma_wait3A_358 : memref<1x128xi32, #tpu.memory_space<vmem>> -> memref<128xi32, #tpu.memory_space<vmem>>
        %dma_wait3A_360 = arith.constant 0 : i32
        %dma_wait3A_361 = arith.constant 0 : i32
        %dma_wait3A_362 = tpu.memref_slice %arg7[%dma_wait3A_360, %dma_wait3A_361] : memref<10112x16xf32, #tpu.memory_space<vmem_shared>> -> memref<10112x16xf32, #tpu.memory_space<vmem_shared>>
        tpu.wait_indirect_dma semaphore(%arg10 : memref<!tpu.dma_semaphore, #tpu.memory_space<semaphore_mem>>) src(%arg5 : memref<128x16xf32, #tpu.memory_space<vmem>>) dst(%dma_wait3A_362 : memref<10112x16xf32, #tpu.memory_space<vmem_shared>>)
      } else {
      }
      %dma_start3A_198 = arith.constant 0 : i32
      %dma_start3A_199 = tpu.memref_slice %arg4[%add3A_192, %dma_start3A_198] : memref<79x128xi32, #tpu.memory_space<vmem>> -> memref<1x128xi32, #tpu.memory_space<vmem>>
      %dma_start3A_200 = tpu.memref_squeeze %dma_start3A_199 : memref<1x128xi32, #tpu.memory_space<vmem>> -> memref<128xi32, #tpu.memory_space<vmem>>
      %dma_start3A_201 = arith.constant 0 : i32
      %dma_start3A_202 = arith.constant 0 : i32
      %dma_start3A_203 = tpu.memref_slice %arg7[%dma_start3A_201, %dma_start3A_202] : memref<10112x16xf32, #tpu.memory_space<vmem_shared>> -> memref<10112x16xf32, #tpu.memory_space<vmem_shared>>
      tpu.enqueue_indirect_dma source(%arg5 : memref<128x16xf32, #tpu.memory_space<vmem>>) target(%dma_start3A_203 : memref<10112x16xf32, #tpu.memory_space<vmem_shared>>) offsets(%dma_start3A_200 : memref<128xi32, #tpu.memory_space<vmem>>) semaphore(%arg10 : memref<!tpu.dma_semaphore, #tpu.memory_space<semaphore_mem>>) {add = true}
      %mul3A_204 = arith.constant 13 : i32
      %mul3A_205 = arith.muli %scan3A_159, %mul3A_204 : i32
      %add3A_206 = arith.constant 3 : i32
      %add3A_207 = arith.addi %mul3A_205, %add3A_206 : i32
      %gt3A_208 = arith.constant 0 : i32
      %gt3A_209 = arith.cmpi sgt, %scan3A_159, %gt3A_208 : i32
      %convert_element_type3A_210 = arith.extui %gt3A_209 : i1 to i32
      %cond3A_211 = arith.constant 0 : i32
      %cond3A_212 = arith.cmpi ne, %convert_element_type3A_210, %cond3A_211 : i32
      scf.if %cond3A_212 {
        %sub3A_355 = arith.constant 13 : i32
        %sub3A_356 = arith.subi %add3A_207, %sub3A_355 : i32
        %dma_wait3A_357 = arith.constant 0 : i32
        %dma_wait3A_358 = tpu.memref_slice %arg4[%sub3A_356, %dma_wait3A_357] : memref<79x128xi32, #tpu.memory_space<vmem>> -> memref<1x128xi32, #tpu.memory_space<vmem>>
        %dma_wait3A_359 = tpu.memref_squeeze %dma_wait3A_358 : memref<1x128xi32, #tpu.memory_space<vmem>> -> memref<128xi32, #tpu.memory_space<vmem>>
        %dma_wait3A_360 = arith.constant 0 : i32
        %dma_wait3A_361 = arith.constant 0 : i32
        %dma_wait3A_362 = tpu.memref_slice %arg7[%dma_wait3A_360, %dma_wait3A_361] : memref<10112x16xf32, #tpu.memory_space<vmem_shared>> -> memref<10112x16xf32, #tpu.memory_space<vmem_shared>>
        tpu.wait_indirect_dma semaphore(%arg11 : memref<!tpu.dma_semaphore, #tpu.memory_space<semaphore_mem>>) src(%arg5 : memref<128x16xf32, #tpu.memory_space<vmem>>) dst(%dma_wait3A_362 : memref<10112x16xf32, #tpu.memory_space<vmem_shared>>)
      } else {
      }
      %dma_start3A_213 = arith.constant 0 : i32
      %dma_start3A_214 = tpu.memref_slice %arg4[%add3A_207, %dma_start3A_213] : memref<79x128xi32, #tpu.memory_space<vmem>> -> memref<1x128xi32, #tpu.memory_space<vmem>>
      %dma_start3A_215 = tpu.memref_squeeze %dma_start3A_214 : memref<1x128xi32, #tpu.memory_space<vmem>> -> memref<128xi32, #tpu.memory_space<vmem>>
      %dma_start3A_216 = arith.constant 0 : i32
      %dma_start3A_217 = arith.constant 0 : i32
      %dma_start3A_218 = tpu.memref_slice %arg7[%dma_start3A_216, %dma_start3A_217] : memref<10112x16xf32, #tpu.memory_space<vmem_shared>> -> memref<10112x16xf32, #tpu.memory_space<vmem_shared>>
      tpu.enqueue_indirect_dma source(%arg5 : memref<128x16xf32, #tpu.memory_space<vmem>>) target(%dma_start3A_218 : memref<10112x16xf32, #tpu.memory_space<vmem_shared>>) offsets(%dma_start3A_215 : memref<128xi32, #tpu.memory_space<vmem>>) semaphore(%arg11 : memref<!tpu.dma_semaphore, #tpu.memory_space<semaphore_mem>>) {add = true}
      %mul3A_219 = arith.constant 13 : i32
      %mul3A_220 = arith.muli %scan3A_159, %mul3A_219 : i32
      %add3A_221 = arith.constant 4 : i32
      %add3A_222 = arith.addi %mul3A_220, %add3A_221 : i32
      %gt3A_223 = arith.constant 0 : i32
      %gt3A_224 = arith.cmpi sgt, %scan3A_159, %gt3A_223 : i32
      %convert_element_type3A_225 = arith.extui %gt3A_224 : i1 to i32
      %cond3A_226 = arith.constant 0 : i32
      %cond3A_227 = arith.cmpi ne, %convert_element_type3A_225, %cond3A_226 : i32
      scf.if %cond3A_227 {
        %sub3A_355 = arith.constant 13 : i32
        %sub3A_356 = arith.subi %add3A_222, %sub3A_355 : i32
        %dma_wait3A_357 = arith.constant 0 : i32
        %dma_wait3A_358 = tpu.memref_slice %arg4[%sub3A_356, %dma_wait3A_357] : memref<79x128xi32, #tpu.memory_space<vmem>> -> memref<1x128xi32, #tpu.memory_space<vmem>>
        %dma_wait3A_359 = tpu.memref_squeeze %dma_wait3A_358 : memref<1x128xi32, #tpu.memory_space<vmem>> -> memref<128xi32, #tpu.memory_space<vmem>>
        %dma_wait3A_360 = arith.constant 0 : i32
        %dma_wait3A_361 = arith.constant 0 : i32
        %dma_wait3A_362 = tpu.memref_slice %arg7[%dma_wait3A_360, %dma_wait3A_361] : memref<10112x16xf32, #tpu.memory_space<vmem_shared>> -> memref<10112x16xf32, #tpu.memory_space<vmem_shared>>
        tpu.wait_indirect_dma semaphore(%arg12 : memref<!tpu.dma_semaphore, #tpu.memory_space<semaphore_mem>>) src(%arg5 : memref<128x16xf32, #tpu.memory_space<vmem>>) dst(%dma_wait3A_362 : memref<10112x16xf32, #tpu.memory_space<vmem_shared>>)
      } else {
      }
      %dma_start3A_228 = arith.constant 0 : i32
      %dma_start3A_229 = tpu.memref_slice %arg4[%add3A_222, %dma_start3A_228] : memref<79x128xi32, #tpu.memory_space<vmem>> -> memref<1x128xi32, #tpu.memory_space<vmem>>
      %dma_start3A_230 = tpu.memref_squeeze %dma_start3A_229 : memref<1x128xi32, #tpu.memory_space<vmem>> -> memref<128xi32, #tpu.memory_space<vmem>>
      %dma_start3A_231 = arith.constant 0 : i32
      %dma_start3A_232 = arith.constant 0 : i32
      %dma_start3A_233 = tpu.memref_slice %arg7[%dma_start3A_231, %dma_start3A_232] : memref<10112x16xf32, #tpu.memory_space<vmem_shared>> -> memref<10112x16xf32, #tpu.memory_space<vmem_shared>>
      tpu.enqueue_indirect_dma source(%arg5 : memref<128x16xf32, #tpu.memory_space<vmem>>) target(%dma_start3A_233 : memref<10112x16xf32, #tpu.memory_space<vmem_shared>>) offsets(%dma_start3A_230 : memref<128xi32, #tpu.memory_space<vmem>>) semaphore(%arg12 : memref<!tpu.dma_semaphore, #tpu.memory_space<semaphore_mem>>) {add = true}
      %mul3A_234 = arith.constant 13 : i32
      %mul3A_235 = arith.muli %scan3A_159, %mul3A_234 : i32
      %add3A_236 = arith.constant 5 : i32
      %add3A_237 = arith.addi %mul3A_235, %add3A_236 : i32
      %gt3A_238 = arith.constant 0 : i32
      %gt3A_239 = arith.cmpi sgt, %scan3A_159, %gt3A_238 : i32
      %convert_element_type3A_240 = arith.extui %gt3A_239 : i1 to i32
      %cond3A_241 = arith.constant 0 : i32
      %cond3A_242 = arith.cmpi ne, %convert_element_type3A_240, %cond3A_241 : i32
      scf.if %cond3A_242 {
        %sub3A_355 = arith.constant 13 : i32
        %sub3A_356 = arith.subi %add3A_237, %sub3A_355 : i32
        %dma_wait3A_357 = arith.constant 0 : i32
        %dma_wait3A_358 = tpu.memref_slice %arg4[%sub3A_356, %dma_wait3A_357] : memref<79x128xi32, #tpu.memory_space<vmem>> -> memref<1x128xi32, #tpu.memory_space<vmem>>
        %dma_wait3A_359 = tpu.memref_squeeze %dma_wait3A_358 : memref<1x128xi32, #tpu.memory_space<vmem>> -> memref<128xi32, #tpu.memory_space<vmem>>
        %dma_wait3A_360 = arith.constant 0 : i32
        %dma_wait3A_361 = arith.constant 0 : i32
        %dma_wait3A_362 = tpu.memref_slice %arg7[%dma_wait3A_360, %dma_wait3A_361] : memref<10112x16xf32, #tpu.memory_space<vmem_shared>> -> memref<10112x16xf32, #tpu.memory_space<vmem_shared>>
        tpu.wait_indirect_dma semaphore(%arg13 : memref<!tpu.dma_semaphore, #tpu.memory_space<semaphore_mem>>) src(%arg5 : memref<128x16xf32, #tpu.memory_space<vmem>>) dst(%dma_wait3A_362 : memref<10112x16xf32, #tpu.memory_space<vmem_shared>>)
      } else {
      }
      %dma_start3A_243 = arith.constant 0 : i32
      %dma_start3A_244 = tpu.memref_slice %arg4[%add3A_237, %dma_start3A_243] : memref<79x128xi32, #tpu.memory_space<vmem>> -> memref<1x128xi32, #tpu.memory_space<vmem>>
      %dma_start3A_245 = tpu.memref_squeeze %dma_start3A_244 : memref<1x128xi32, #tpu.memory_space<vmem>> -> memref<128xi32, #tpu.memory_space<vmem>>
      %dma_start3A_246 = arith.constant 0 : i32
      %dma_start3A_247 = arith.constant 0 : i32
      %dma_start3A_248 = tpu.memref_slice %arg7[%dma_start3A_246, %dma_start3A_247] : memref<10112x16xf32, #tpu.memory_space<vmem_shared>> -> memref<10112x16xf32, #tpu.memory_space<vmem_shared>>
      tpu.enqueue_indirect_dma source(%arg5 : memref<128x16xf32, #tpu.memory_space<vmem>>) target(%dma_start3A_248 : memref<10112x16xf32, #tpu.memory_space<vmem_shared>>) offsets(%dma_start3A_245 : memref<128xi32, #tpu.memory_space<vmem>>) semaphore(%arg13 : memref<!tpu.dma_semaphore, #tpu.memory_space<semaphore_mem>>) {add = true}
      %mul3A_249 = arith.constant 13 : i32
      %mul3A_250 = arith.muli %scan3A_159, %mul3A_249 : i32
      %add3A_251 = arith.constant 6 : i32
      %add3A_252 = arith.addi %mul3A_250, %add3A_251 : i32
      %gt3A_253 = arith.constant 0 : i32
      %gt3A_254 = arith.cmpi sgt, %scan3A_159, %gt3A_253 : i32
      %convert_element_type3A_255 = arith.extui %gt3A_254 : i1 to i32
      %cond3A_256 = arith.constant 0 : i32
      %cond3A_257 = arith.cmpi ne, %convert_element_type3A_255, %cond3A_256 : i32
      scf.if %cond3A_257 {
        %sub3A_355 = arith.constant 13 : i32
        %sub3A_356 = arith.subi %add3A_252, %sub3A_355 : i32
        %dma_wait3A_357 = arith.constant 0 : i32
        %dma_wait3A_358 = tpu.memref_slice %arg4[%sub3A_356, %dma_wait3A_357] : memref<79x128xi32, #tpu.memory_space<vmem>> -> memref<1x128xi32, #tpu.memory_space<vmem>>
        %dma_wait3A_359 = tpu.memref_squeeze %dma_wait3A_358 : memref<1x128xi32, #tpu.memory_space<vmem>> -> memref<128xi32, #tpu.memory_space<vmem>>
        %dma_wait3A_360 = arith.constant 0 : i32
        %dma_wait3A_361 = arith.constant 0 : i32
        %dma_wait3A_362 = tpu.memref_slice %arg7[%dma_wait3A_360, %dma_wait3A_361] : memref<10112x16xf32, #tpu.memory_space<vmem_shared>> -> memref<10112x16xf32, #tpu.memory_space<vmem_shared>>
        tpu.wait_indirect_dma semaphore(%arg14 : memref<!tpu.dma_semaphore, #tpu.memory_space<semaphore_mem>>) src(%arg5 : memref<128x16xf32, #tpu.memory_space<vmem>>) dst(%dma_wait3A_362 : memref<10112x16xf32, #tpu.memory_space<vmem_shared>>)
      } else {
      }
      %dma_start3A_258 = arith.constant 0 : i32
      %dma_start3A_259 = tpu.memref_slice %arg4[%add3A_252, %dma_start3A_258] : memref<79x128xi32, #tpu.memory_space<vmem>> -> memref<1x128xi32, #tpu.memory_space<vmem>>
      %dma_start3A_260 = tpu.memref_squeeze %dma_start3A_259 : memref<1x128xi32, #tpu.memory_space<vmem>> -> memref<128xi32, #tpu.memory_space<vmem>>
      %dma_start3A_261 = arith.constant 0 : i32
      %dma_start3A_262 = arith.constant 0 : i32
      %dma_start3A_263 = tpu.memref_slice %arg7[%dma_start3A_261, %dma_start3A_262] : memref<10112x16xf32, #tpu.memory_space<vmem_shared>> -> memref<10112x16xf32, #tpu.memory_space<vmem_shared>>
      tpu.enqueue_indirect_dma source(%arg5 : memref<128x16xf32, #tpu.memory_space<vmem>>) target(%dma_start3A_263 : memref<10112x16xf32, #tpu.memory_space<vmem_shared>>) offsets(%dma_start3A_260 : memref<128xi32, #tpu.memory_space<vmem>>) semaphore(%arg14 : memref<!tpu.dma_semaphore, #tpu.memory_space<semaphore_mem>>) {add = true}
      %mul3A_264 = arith.constant 13 : i32
      %mul3A_265 = arith.muli %scan3A_159, %mul3A_264 : i32
      %add3A_266 = arith.constant 7 : i32
      %add3A_267 = arith.addi %mul3A_265, %add3A_266 : i32
      %gt3A_268 = arith.constant 0 : i32
      %gt3A_269 = arith.cmpi sgt, %scan3A_159, %gt3A_268 : i32
      %convert_element_type3A_270 = arith.extui %gt3A_269 : i1 to i32
      %cond3A_271 = arith.constant 0 : i32
      %cond3A_272 = arith.cmpi ne, %convert_element_type3A_270, %cond3A_271 : i32
      scf.if %cond3A_272 {
        %sub3A_355 = arith.constant 13 : i32
        %sub3A_356 = arith.subi %add3A_267, %sub3A_355 : i32
        %dma_wait3A_357 = arith.constant 0 : i32
        %dma_wait3A_358 = tpu.memref_slice %arg4[%sub3A_356, %dma_wait3A_357] : memref<79x128xi32, #tpu.memory_space<vmem>> -> memref<1x128xi32, #tpu.memory_space<vmem>>
        %dma_wait3A_359 = tpu.memref_squeeze %dma_wait3A_358 : memref<1x128xi32, #tpu.memory_space<vmem>> -> memref<128xi32, #tpu.memory_space<vmem>>
        %dma_wait3A_360 = arith.constant 0 : i32
        %dma_wait3A_361 = arith.constant 0 : i32
        %dma_wait3A_362 = tpu.memref_slice %arg7[%dma_wait3A_360, %dma_wait3A_361] : memref<10112x16xf32, #tpu.memory_space<vmem_shared>> -> memref<10112x16xf32, #tpu.memory_space<vmem_shared>>
        tpu.wait_indirect_dma semaphore(%arg15 : memref<!tpu.dma_semaphore, #tpu.memory_space<semaphore_mem>>) src(%arg5 : memref<128x16xf32, #tpu.memory_space<vmem>>) dst(%dma_wait3A_362 : memref<10112x16xf32, #tpu.memory_space<vmem_shared>>)
      } else {
      }
      %dma_start3A_273 = arith.constant 0 : i32
      %dma_start3A_274 = tpu.memref_slice %arg4[%add3A_267, %dma_start3A_273] : memref<79x128xi32, #tpu.memory_space<vmem>> -> memref<1x128xi32, #tpu.memory_space<vmem>>
      %dma_start3A_275 = tpu.memref_squeeze %dma_start3A_274 : memref<1x128xi32, #tpu.memory_space<vmem>> -> memref<128xi32, #tpu.memory_space<vmem>>
      %dma_start3A_276 = arith.constant 0 : i32
      %dma_start3A_277 = arith.constant 0 : i32
      %dma_start3A_278 = tpu.memref_slice %arg7[%dma_start3A_276, %dma_start3A_277] : memref<10112x16xf32, #tpu.memory_space<vmem_shared>> -> memref<10112x16xf32, #tpu.memory_space<vmem_shared>>
      tpu.enqueue_indirect_dma source(%arg5 : memref<128x16xf32, #tpu.memory_space<vmem>>) target(%dma_start3A_278 : memref<10112x16xf32, #tpu.memory_space<vmem_shared>>) offsets(%dma_start3A_275 : memref<128xi32, #tpu.memory_space<vmem>>) semaphore(%arg15 : memref<!tpu.dma_semaphore, #tpu.memory_space<semaphore_mem>>) {add = true}
      %mul3A_279 = arith.constant 13 : i32
      %mul3A_280 = arith.muli %scan3A_159, %mul3A_279 : i32
      %add3A_281 = arith.constant 8 : i32
      %add3A_282 = arith.addi %mul3A_280, %add3A_281 : i32
      %gt3A_283 = arith.constant 0 : i32
      %gt3A_284 = arith.cmpi sgt, %scan3A_159, %gt3A_283 : i32
      %convert_element_type3A_285 = arith.extui %gt3A_284 : i1 to i32
      %cond3A_286 = arith.constant 0 : i32
      %cond3A_287 = arith.cmpi ne, %convert_element_type3A_285, %cond3A_286 : i32
      scf.if %cond3A_287 {
        %sub3A_355 = arith.constant 13 : i32
        %sub3A_356 = arith.subi %add3A_282, %sub3A_355 : i32
        %dma_wait3A_357 = arith.constant 0 : i32
        %dma_wait3A_358 = tpu.memref_slice %arg4[%sub3A_356, %dma_wait3A_357] : memref<79x128xi32, #tpu.memory_space<vmem>> -> memref<1x128xi32, #tpu.memory_space<vmem>>
        %dma_wait3A_359 = tpu.memref_squeeze %dma_wait3A_358 : memref<1x128xi32, #tpu.memory_space<vmem>> -> memref<128xi32, #tpu.memory_space<vmem>>
        %dma_wait3A_360 = arith.constant 0 : i32
        %dma_wait3A_361 = arith.constant 0 : i32
        %dma_wait3A_362 = tpu.memref_slice %arg7[%dma_wait3A_360, %dma_wait3A_361] : memref<10112x16xf32, #tpu.memory_space<vmem_shared>> -> memref<10112x16xf32, #tpu.memory_space<vmem_shared>>
        tpu.wait_indirect_dma semaphore(%arg16 : memref<!tpu.dma_semaphore, #tpu.memory_space<semaphore_mem>>) src(%arg5 : memref<128x16xf32, #tpu.memory_space<vmem>>) dst(%dma_wait3A_362 : memref<10112x16xf32, #tpu.memory_space<vmem_shared>>)
      } else {
      }
      %dma_start3A_288 = arith.constant 0 : i32
      %dma_start3A_289 = tpu.memref_slice %arg4[%add3A_282, %dma_start3A_288] : memref<79x128xi32, #tpu.memory_space<vmem>> -> memref<1x128xi32, #tpu.memory_space<vmem>>
      %dma_start3A_290 = tpu.memref_squeeze %dma_start3A_289 : memref<1x128xi32, #tpu.memory_space<vmem>> -> memref<128xi32, #tpu.memory_space<vmem>>
      %dma_start3A_291 = arith.constant 0 : i32
      %dma_start3A_292 = arith.constant 0 : i32
      %dma_start3A_293 = tpu.memref_slice %arg7[%dma_start3A_291, %dma_start3A_292] : memref<10112x16xf32, #tpu.memory_space<vmem_shared>> -> memref<10112x16xf32, #tpu.memory_space<vmem_shared>>
      tpu.enqueue_indirect_dma source(%arg5 : memref<128x16xf32, #tpu.memory_space<vmem>>) target(%dma_start3A_293 : memref<10112x16xf32, #tpu.memory_space<vmem_shared>>) offsets(%dma_start3A_290 : memref<128xi32, #tpu.memory_space<vmem>>) semaphore(%arg16 : memref<!tpu.dma_semaphore, #tpu.memory_space<semaphore_mem>>) {add = true}
      %mul3A_294 = arith.constant 13 : i32
      %mul3A_295 = arith.muli %scan3A_159, %mul3A_294 : i32
      %add3A_296 = arith.constant 9 : i32
      %add3A_297 = arith.addi %mul3A_295, %add3A_296 : i32
      %gt3A_298 = arith.constant 0 : i32
      %gt3A_299 = arith.cmpi sgt, %scan3A_159, %gt3A_298 : i32
      %convert_element_type3A_300 = arith.extui %gt3A_299 : i1 to i32
      %cond3A_301 = arith.constant 0 : i32
      %cond3A_302 = arith.cmpi ne, %convert_element_type3A_300, %cond3A_301 : i32
      scf.if %cond3A_302 {
        %sub3A_355 = arith.constant 13 : i32
        %sub3A_356 = arith.subi %add3A_297, %sub3A_355 : i32
        %dma_wait3A_357 = arith.constant 0 : i32
        %dma_wait3A_358 = tpu.memref_slice %arg4[%sub3A_356, %dma_wait3A_357] : memref<79x128xi32, #tpu.memory_space<vmem>> -> memref<1x128xi32, #tpu.memory_space<vmem>>
        %dma_wait3A_359 = tpu.memref_squeeze %dma_wait3A_358 : memref<1x128xi32, #tpu.memory_space<vmem>> -> memref<128xi32, #tpu.memory_space<vmem>>
        %dma_wait3A_360 = arith.constant 0 : i32
        %dma_wait3A_361 = arith.constant 0 : i32
        %dma_wait3A_362 = tpu.memref_slice %arg7[%dma_wait3A_360, %dma_wait3A_361] : memref<10112x16xf32, #tpu.memory_space<vmem_shared>> -> memref<10112x16xf32, #tpu.memory_space<vmem_shared>>
        tpu.wait_indirect_dma semaphore(%arg17 : memref<!tpu.dma_semaphore, #tpu.memory_space<semaphore_mem>>) src(%arg5 : memref<128x16xf32, #tpu.memory_space<vmem>>) dst(%dma_wait3A_362 : memref<10112x16xf32, #tpu.memory_space<vmem_shared>>)
      } else {
      }
      %dma_start3A_303 = arith.constant 0 : i32
      %dma_start3A_304 = tpu.memref_slice %arg4[%add3A_297, %dma_start3A_303] : memref<79x128xi32, #tpu.memory_space<vmem>> -> memref<1x128xi32, #tpu.memory_space<vmem>>
      %dma_start3A_305 = tpu.memref_squeeze %dma_start3A_304 : memref<1x128xi32, #tpu.memory_space<vmem>> -> memref<128xi32, #tpu.memory_space<vmem>>
      %dma_start3A_306 = arith.constant 0 : i32
      %dma_start3A_307 = arith.constant 0 : i32
      %dma_start3A_308 = tpu.memref_slice %arg7[%dma_start3A_306, %dma_start3A_307] : memref<10112x16xf32, #tpu.memory_space<vmem_shared>> -> memref<10112x16xf32, #tpu.memory_space<vmem_shared>>
      tpu.enqueue_indirect_dma source(%arg5 : memref<128x16xf32, #tpu.memory_space<vmem>>) target(%dma_start3A_308 : memref<10112x16xf32, #tpu.memory_space<vmem_shared>>) offsets(%dma_start3A_305 : memref<128xi32, #tpu.memory_space<vmem>>) semaphore(%arg17 : memref<!tpu.dma_semaphore, #tpu.memory_space<semaphore_mem>>) {add = true}
      %mul3A_309 = arith.constant 13 : i32
      %mul3A_310 = arith.muli %scan3A_159, %mul3A_309 : i32
      %add3A_311 = arith.constant 10 : i32
      %add3A_312 = arith.addi %mul3A_310, %add3A_311 : i32
      %gt3A_313 = arith.constant 0 : i32
      %gt3A_314 = arith.cmpi sgt, %scan3A_159, %gt3A_313 : i32
      %convert_element_type3A_315 = arith.extui %gt3A_314 : i1 to i32
      %cond3A_316 = arith.constant 0 : i32
      %cond3A_317 = arith.cmpi ne, %convert_element_type3A_315, %cond3A_316 : i32
      scf.if %cond3A_317 {
        %sub3A_355 = arith.constant 13 : i32
        %sub3A_356 = arith.subi %add3A_312, %sub3A_355 : i32
        %dma_wait3A_357 = arith.constant 0 : i32
        %dma_wait3A_358 = tpu.memref_slice %arg4[%sub3A_356, %dma_wait3A_357] : memref<79x128xi32, #tpu.memory_space<vmem>> -> memref<1x128xi32, #tpu.memory_space<vmem>>
        %dma_wait3A_359 = tpu.memref_squeeze %dma_wait3A_358 : memref<1x128xi32, #tpu.memory_space<vmem>> -> memref<128xi32, #tpu.memory_space<vmem>>
        %dma_wait3A_360 = arith.constant 0 : i32
        %dma_wait3A_361 = arith.constant 0 : i32
        %dma_wait3A_362 = tpu.memref_slice %arg7[%dma_wait3A_360, %dma_wait3A_361] : memref<10112x16xf32, #tpu.memory_space<vmem_shared>> -> memref<10112x16xf32, #tpu.memory_space<vmem_shared>>
        tpu.wait_indirect_dma semaphore(%arg18 : memref<!tpu.dma_semaphore, #tpu.memory_space<semaphore_mem>>) src(%arg5 : memref<128x16xf32, #tpu.memory_space<vmem>>) dst(%dma_wait3A_362 : memref<10112x16xf32, #tpu.memory_space<vmem_shared>>)
      } else {
      }
      %dma_start3A_318 = arith.constant 0 : i32
      %dma_start3A_319 = tpu.memref_slice %arg4[%add3A_312, %dma_start3A_318] : memref<79x128xi32, #tpu.memory_space<vmem>> -> memref<1x128xi32, #tpu.memory_space<vmem>>
      %dma_start3A_320 = tpu.memref_squeeze %dma_start3A_319 : memref<1x128xi32, #tpu.memory_space<vmem>> -> memref<128xi32, #tpu.memory_space<vmem>>
      %dma_start3A_321 = arith.constant 0 : i32
      %dma_start3A_322 = arith.constant 0 : i32
      %dma_start3A_323 = tpu.memref_slice %arg7[%dma_start3A_321, %dma_start3A_322] : memref<10112x16xf32, #tpu.memory_space<vmem_shared>> -> memref<10112x16xf32, #tpu.memory_space<vmem_shared>>
      tpu.enqueue_indirect_dma source(%arg5 : memref<128x16xf32, #tpu.memory_space<vmem>>) target(%dma_start3A_323 : memref<10112x16xf32, #tpu.memory_space<vmem_shared>>) offsets(%dma_start3A_320 : memref<128xi32, #tpu.memory_space<vmem>>) semaphore(%arg18 : memref<!tpu.dma_semaphore, #tpu.memory_space<semaphore_mem>>) {add = true}
      %mul3A_324 = arith.constant 13 : i32
      %mul3A_325 = arith.muli %scan3A_159, %mul3A_324 : i32
      %add3A_326 = arith.constant 11 : i32
      %add3A_327 = arith.addi %mul3A_325, %add3A_326 : i32
      %gt3A_328 = arith.constant 0 : i32
      %gt3A_329 = arith.cmpi sgt, %scan3A_159, %gt3A_328 : i32
      %convert_element_type3A_330 = arith.extui %gt3A_329 : i1 to i32
      %cond3A_331 = arith.constant 0 : i32
      %cond3A_332 = arith.cmpi ne, %convert_element_type3A_330, %cond3A_331 : i32
      scf.if %cond3A_332 {
        %sub3A_355 = arith.constant 13 : i32
        %sub3A_356 = arith.subi %add3A_327, %sub3A_355 : i32
        %dma_wait3A_357 = arith.constant 0 : i32
        %dma_wait3A_358 = tpu.memref_slice %arg4[%sub3A_356, %dma_wait3A_357] : memref<79x128xi32, #tpu.memory_space<vmem>> -> memref<1x128xi32, #tpu.memory_space<vmem>>
        %dma_wait3A_359 = tpu.memref_squeeze %dma_wait3A_358 : memref<1x128xi32, #tpu.memory_space<vmem>> -> memref<128xi32, #tpu.memory_space<vmem>>
        %dma_wait3A_360 = arith.constant 0 : i32
        %dma_wait3A_361 = arith.constant 0 : i32
        %dma_wait3A_362 = tpu.memref_slice %arg7[%dma_wait3A_360, %dma_wait3A_361] : memref<10112x16xf32, #tpu.memory_space<vmem_shared>> -> memref<10112x16xf32, #tpu.memory_space<vmem_shared>>
        tpu.wait_indirect_dma semaphore(%arg19 : memref<!tpu.dma_semaphore, #tpu.memory_space<semaphore_mem>>) src(%arg5 : memref<128x16xf32, #tpu.memory_space<vmem>>) dst(%dma_wait3A_362 : memref<10112x16xf32, #tpu.memory_space<vmem_shared>>)
      } else {
      }
      %dma_start3A_333 = arith.constant 0 : i32
      %dma_start3A_334 = tpu.memref_slice %arg4[%add3A_327, %dma_start3A_333] : memref<79x128xi32, #tpu.memory_space<vmem>> -> memref<1x128xi32, #tpu.memory_space<vmem>>
      %dma_start3A_335 = tpu.memref_squeeze %dma_start3A_334 : memref<1x128xi32, #tpu.memory_space<vmem>> -> memref<128xi32, #tpu.memory_space<vmem>>
      %dma_start3A_336 = arith.constant 0 : i32
      %dma_start3A_337 = arith.constant 0 : i32
      %dma_start3A_338 = tpu.memref_slice %arg7[%dma_start3A_336, %dma_start3A_337] : memref<10112x16xf32, #tpu.memory_space<vmem_shared>> -> memref<10112x16xf32, #tpu.memory_space<vmem_shared>>
      tpu.enqueue_indirect_dma source(%arg5 : memref<128x16xf32, #tpu.memory_space<vmem>>) target(%dma_start3A_338 : memref<10112x16xf32, #tpu.memory_space<vmem_shared>>) offsets(%dma_start3A_335 : memref<128xi32, #tpu.memory_space<vmem>>) semaphore(%arg19 : memref<!tpu.dma_semaphore, #tpu.memory_space<semaphore_mem>>) {add = true}
      %mul3A_339 = arith.constant 13 : i32
      %mul3A_340 = arith.muli %scan3A_159, %mul3A_339 : i32
      %add3A_341 = arith.constant 12 : i32
      %add3A_342 = arith.addi %mul3A_340, %add3A_341 : i32
      %gt3A_343 = arith.constant 0 : i32
      %gt3A_344 = arith.cmpi sgt, %scan3A_159, %gt3A_343 : i32
      %convert_element_type3A_345 = arith.extui %gt3A_344 : i1 to i32
      %cond3A_346 = arith.constant 0 : i32
      %cond3A_347 = arith.cmpi ne, %convert_element_type3A_345, %cond3A_346 : i32
      scf.if %cond3A_347 {
        %sub3A_355 = arith.constant 13 : i32
        %sub3A_356 = arith.subi %add3A_342, %sub3A_355 : i32
        %dma_wait3A_357 = arith.constant 0 : i32
        %dma_wait3A_358 = tpu.memref_slice %arg4[%sub3A_356, %dma_wait3A_357] : memref<79x128xi32, #tpu.memory_space<vmem>> -> memref<1x128xi32, #tpu.memory_space<vmem>>
        %dma_wait3A_359 = tpu.memref_squeeze %dma_wait3A_358 : memref<1x128xi32, #tpu.memory_space<vmem>> -> memref<128xi32, #tpu.memory_space<vmem>>
        %dma_wait3A_360 = arith.constant 0 : i32
        %dma_wait3A_361 = arith.constant 0 : i32
        %dma_wait3A_362 = tpu.memref_slice %arg7[%dma_wait3A_360, %dma_wait3A_361] : memref<10112x16xf32, #tpu.memory_space<vmem_shared>> -> memref<10112x16xf32, #tpu.memory_space<vmem_shared>>
        tpu.wait_indirect_dma semaphore(%arg20 : memref<!tpu.dma_semaphore, #tpu.memory_space<semaphore_mem>>) src(%arg5 : memref<128x16xf32, #tpu.memory_space<vmem>>) dst(%dma_wait3A_362 : memref<10112x16xf32, #tpu.memory_space<vmem_shared>>)
      } else {
      }
      %dma_start3A_348 = arith.constant 0 : i32
      %dma_start3A_349 = tpu.memref_slice %arg4[%add3A_342, %dma_start3A_348] : memref<79x128xi32, #tpu.memory_space<vmem>> -> memref<1x128xi32, #tpu.memory_space<vmem>>
      %dma_start3A_350 = tpu.memref_squeeze %dma_start3A_349 : memref<1x128xi32, #tpu.memory_space<vmem>> -> memref<128xi32, #tpu.memory_space<vmem>>
      %dma_start3A_351 = arith.constant 0 : i32
      %dma_start3A_352 = arith.constant 0 : i32
      %dma_start3A_353 = tpu.memref_slice %arg7[%dma_start3A_351, %dma_start3A_352] : memref<10112x16xf32, #tpu.memory_space<vmem_shared>> -> memref<10112x16xf32, #tpu.memory_space<vmem_shared>>
      tpu.enqueue_indirect_dma source(%arg5 : memref<128x16xf32, #tpu.memory_space<vmem>>) target(%dma_start3A_353 : memref<10112x16xf32, #tpu.memory_space<vmem_shared>>) offsets(%dma_start3A_350 : memref<128xi32, #tpu.memory_space<vmem>>) semaphore(%arg20 : memref<!tpu.dma_semaphore, #tpu.memory_space<semaphore_mem>>) {add = true}
      %scan3A_354 = arith.constant 0 : i32
      scf.yield %scan3A_354 : i32
    }
    %scan3A_28 = arith.constant 6 : i32
    %dma_wait3A = arith.constant 65 : i32
    %dma_wait3A_29 = arith.constant 0 : i32
    %dma_wait3A_30 = tpu.memref_slice %arg4[%dma_wait3A, %dma_wait3A_29] : memref<79x128xi32, #tpu.memory_space<vmem>> -> memref<1x128xi32, #tpu.memory_space<vmem>>
    %dma_wait3A_31 = tpu.memref_squeeze %dma_wait3A_30 : memref<1x128xi32, #tpu.memory_space<vmem>> -> memref<128xi32, #tpu.memory_space<vmem>>
    %dma_wait3A_32 = arith.constant 0 : i32
    %dma_wait3A_33 = arith.constant 0 : i32
    %dma_wait3A_34 = tpu.memref_slice %arg7[%dma_wait3A_32, %dma_wait3A_33] : memref<10112x16xf32, #tpu.memory_space<vmem_shared>> -> memref<10112x16xf32, #tpu.memory_space<vmem_shared>>
    tpu.wait_indirect_dma semaphore(%arg8 : memref<!tpu.dma_semaphore, #tpu.memory_space<semaphore_mem>>) src(%arg5 : memref<128x16xf32, #tpu.memory_space<vmem>>) dst(%dma_wait3A_34 : memref<10112x16xf32, #tpu.memory_space<vmem_shared>>)
    %dma_wait3A_35 = arith.constant 66 : i32
    %dma_wait3A_36 = arith.constant 0 : i32
    %dma_wait3A_37 = tpu.memref_slice %arg4[%dma_wait3A_35, %dma_wait3A_36] : memref<79x128xi32, #tpu.memory_space<vmem>> -> memref<1x128xi32, #tpu.memory_space<vmem>>
    %dma_wait3A_38 = tpu.memref_squeeze %dma_wait3A_37 : memref<1x128xi32, #tpu.memory_space<vmem>> -> memref<128xi32, #tpu.memory_space<vmem>>
    %dma_wait3A_39 = arith.constant 0 : i32
    %dma_wait3A_40 = arith.constant 0 : i32
    %dma_wait3A_41 = tpu.memref_slice %arg7[%dma_wait3A_39, %dma_wait3A_40] : memref<10112x16xf32, #tpu.memory_space<vmem_shared>> -> memref<10112x16xf32, #tpu.memory_space<vmem_shared>>
    tpu.wait_indirect_dma semaphore(%arg9 : memref<!tpu.dma_semaphore, #tpu.memory_space<semaphore_mem>>) src(%arg5 : memref<128x16xf32, #tpu.memory_space<vmem>>) dst(%dma_wait3A_41 : memref<10112x16xf32, #tpu.memory_space<vmem_shared>>)
    %dma_wait3A_42 = arith.constant 67 : i32
    %dma_wait3A_43 = arith.constant 0 : i32
    %dma_wait3A_44 = tpu.memref_slice %arg4[%dma_wait3A_42, %dma_wait3A_43] : memref<79x128xi32, #tpu.memory_space<vmem>> -> memref<1x128xi32, #tpu.memory_space<vmem>>
    %dma_wait3A_45 = tpu.memref_squeeze %dma_wait3A_44 : memref<1x128xi32, #tpu.memory_space<vmem>> -> memref<128xi32, #tpu.memory_space<vmem>>
    %dma_wait3A_46 = arith.constant 0 : i32
    %dma_wait3A_47 = arith.constant 0 : i32
    %dma_wait3A_48 = tpu.memref_slice %arg7[%dma_wait3A_46, %dma_wait3A_47] : memref<10112x16xf32, #tpu.memory_space<vmem_shared>> -> memref<10112x16xf32, #tpu.memory_space<vmem_shared>>
    tpu.wait_indirect_dma semaphore(%arg10 : memref<!tpu.dma_semaphore, #tpu.memory_space<semaphore_mem>>) src(%arg5 : memref<128x16xf32, #tpu.memory_space<vmem>>) dst(%dma_wait3A_48 : memref<10112x16xf32, #tpu.memory_space<vmem_shared>>)
    %dma_wait3A_49 = arith.constant 68 : i32
    %dma_wait3A_50 = arith.constant 0 : i32
    %dma_wait3A_51 = tpu.memref_slice %arg4[%dma_wait3A_49, %dma_wait3A_50] : memref<79x128xi32, #tpu.memory_space<vmem>> -> memref<1x128xi32, #tpu.memory_space<vmem>>
    %dma_wait3A_52 = tpu.memref_squeeze %dma_wait3A_51 : memref<1x128xi32, #tpu.memory_space<vmem>> -> memref<128xi32, #tpu.memory_space<vmem>>
    %dma_wait3A_53 = arith.constant 0 : i32
    %dma_wait3A_54 = arith.constant 0 : i32
    %dma_wait3A_55 = tpu.memref_slice %arg7[%dma_wait3A_53, %dma_wait3A_54] : memref<10112x16xf32, #tpu.memory_space<vmem_shared>> -> memref<10112x16xf32, #tpu.memory_space<vmem_shared>>
    tpu.wait_indirect_dma semaphore(%arg11 : memref<!tpu.dma_semaphore, #tpu.memory_space<semaphore_mem>>) src(%arg5 : memref<128x16xf32, #tpu.memory_space<vmem>>) dst(%dma_wait3A_55 : memref<10112x16xf32, #tpu.memory_space<vmem_shared>>)
    %dma_wait3A_56 = arith.constant 69 : i32
    %dma_wait3A_57 = arith.constant 0 : i32
    %dma_wait3A_58 = tpu.memref_slice %arg4[%dma_wait3A_56, %dma_wait3A_57] : memref<79x128xi32, #tpu.memory_space<vmem>> -> memref<1x128xi32, #tpu.memory_space<vmem>>
    %dma_wait3A_59 = tpu.memref_squeeze %dma_wait3A_58 : memref<1x128xi32, #tpu.memory_space<vmem>> -> memref<128xi32, #tpu.memory_space<vmem>>
    %dma_wait3A_60 = arith.constant 0 : i32
    %dma_wait3A_61 = arith.constant 0 : i32
    %dma_wait3A_62 = tpu.memref_slice %arg7[%dma_wait3A_60, %dma_wait3A_61] : memref<10112x16xf32, #tpu.memory_space<vmem_shared>> -> memref<10112x16xf32, #tpu.memory_space<vmem_shared>>
    tpu.wait_indirect_dma semaphore(%arg12 : memref<!tpu.dma_semaphore, #tpu.memory_space<semaphore_mem>>) src(%arg5 : memref<128x16xf32, #tpu.memory_space<vmem>>) dst(%dma_wait3A_62 : memref<10112x16xf32, #tpu.memory_space<vmem_shared>>)
    %dma_wait3A_63 = arith.constant 70 : i32
    %dma_wait3A_64 = arith.constant 0 : i32
    %dma_wait3A_65 = tpu.memref_slice %arg4[%dma_wait3A_63, %dma_wait3A_64] : memref<79x128xi32, #tpu.memory_space<vmem>> -> memref<1x128xi32, #tpu.memory_space<vmem>>
    %dma_wait3A_66 = tpu.memref_squeeze %dma_wait3A_65 : memref<1x128xi32, #tpu.memory_space<vmem>> -> memref<128xi32, #tpu.memory_space<vmem>>
    %dma_wait3A_67 = arith.constant 0 : i32
    %dma_wait3A_68 = arith.constant 0 : i32
    %dma_wait3A_69 = tpu.memref_slice %arg7[%dma_wait3A_67, %dma_wait3A_68] : memref<10112x16xf32, #tpu.memory_space<vmem_shared>> -> memref<10112x16xf32, #tpu.memory_space<vmem_shared>>
    tpu.wait_indirect_dma semaphore(%arg13 : memref<!tpu.dma_semaphore, #tpu.memory_space<semaphore_mem>>) src(%arg5 : memref<128x16xf32, #tpu.memory_space<vmem>>) dst(%dma_wait3A_69 : memref<10112x16xf32, #tpu.memory_space<vmem_shared>>)
    %dma_wait3A_70 = arith.constant 71 : i32
    %dma_wait3A_71 = arith.constant 0 : i32
    %dma_wait3A_72 = tpu.memref_slice %arg4[%dma_wait3A_70, %dma_wait3A_71] : memref<79x128xi32, #tpu.memory_space<vmem>> -> memref<1x128xi32, #tpu.memory_space<vmem>>
    %dma_wait3A_73 = tpu.memref_squeeze %dma_wait3A_72 : memref<1x128xi32, #tpu.memory_space<vmem>> -> memref<128xi32, #tpu.memory_space<vmem>>
    %dma_wait3A_74 = arith.constant 0 : i32
    %dma_wait3A_75 = arith.constant 0 : i32
    %dma_wait3A_76 = tpu.memref_slice %arg7[%dma_wait3A_74, %dma_wait3A_75] : memref<10112x16xf32, #tpu.memory_space<vmem_shared>> -> memref<10112x16xf32, #tpu.memory_space<vmem_shared>>
    tpu.wait_indirect_dma semaphore(%arg14 : memref<!tpu.dma_semaphore, #tpu.memory_space<semaphore_mem>>) src(%arg5 : memref<128x16xf32, #tpu.memory_space<vmem>>) dst(%dma_wait3A_76 : memref<10112x16xf32, #tpu.memory_space<vmem_shared>>)
    %dma_wait3A_77 = arith.constant 72 : i32
    %dma_wait3A_78 = arith.constant 0 : i32
    %dma_wait3A_79 = tpu.memref_slice %arg4[%dma_wait3A_77, %dma_wait3A_78] : memref<79x128xi32, #tpu.memory_space<vmem>> -> memref<1x128xi32, #tpu.memory_space<vmem>>
    %dma_wait3A_80 = tpu.memref_squeeze %dma_wait3A_79 : memref<1x128xi32, #tpu.memory_space<vmem>> -> memref<128xi32, #tpu.memory_space<vmem>>
    %dma_wait3A_81 = arith.constant 0 : i32
    %dma_wait3A_82 = arith.constant 0 : i32
    %dma_wait3A_83 = tpu.memref_slice %arg7[%dma_wait3A_81, %dma_wait3A_82] : memref<10112x16xf32, #tpu.memory_space<vmem_shared>> -> memref<10112x16xf32, #tpu.memory_space<vmem_shared>>
    tpu.wait_indirect_dma semaphore(%arg15 : memref<!tpu.dma_semaphore, #tpu.memory_space<semaphore_mem>>) src(%arg5 : memref<128x16xf32, #tpu.memory_space<vmem>>) dst(%dma_wait3A_83 : memref<10112x16xf32, #tpu.memory_space<vmem_shared>>)
    %dma_wait3A_84 = arith.constant 73 : i32
    %dma_wait3A_85 = arith.constant 0 : i32
    %dma_wait3A_86 = tpu.memref_slice %arg4[%dma_wait3A_84, %dma_wait3A_85] : memref<79x128xi32, #tpu.memory_space<vmem>> -> memref<1x128xi32, #tpu.memory_space<vmem>>
    %dma_wait3A_87 = tpu.memref_squeeze %dma_wait3A_86 : memref<1x128xi32, #tpu.memory_space<vmem>> -> memref<128xi32, #tpu.memory_space<vmem>>
    %dma_wait3A_88 = arith.constant 0 : i32
    %dma_wait3A_89 = arith.constant 0 : i32
    %dma_wait3A_90 = tpu.memref_slice %arg7[%dma_wait3A_88, %dma_wait3A_89] : memref<10112x16xf32, #tpu.memory_space<vmem_shared>> -> memref<10112x16xf32, #tpu.memory_space<vmem_shared>>
    tpu.wait_indirect_dma semaphore(%arg16 : memref<!tpu.dma_semaphore, #tpu.memory_space<semaphore_mem>>) src(%arg5 : memref<128x16xf32, #tpu.memory_space<vmem>>) dst(%dma_wait3A_90 : memref<10112x16xf32, #tpu.memory_space<vmem_shared>>)
    %dma_wait3A_91 = arith.constant 74 : i32
    %dma_wait3A_92 = arith.constant 0 : i32
    %dma_wait3A_93 = tpu.memref_slice %arg4[%dma_wait3A_91, %dma_wait3A_92] : memref<79x128xi32, #tpu.memory_space<vmem>> -> memref<1x128xi32, #tpu.memory_space<vmem>>
    %dma_wait3A_94 = tpu.memref_squeeze %dma_wait3A_93 : memref<1x128xi32, #tpu.memory_space<vmem>> -> memref<128xi32, #tpu.memory_space<vmem>>
    %dma_wait3A_95 = arith.constant 0 : i32
    %dma_wait3A_96 = arith.constant 0 : i32
    %dma_wait3A_97 = tpu.memref_slice %arg7[%dma_wait3A_95, %dma_wait3A_96] : memref<10112x16xf32, #tpu.memory_space<vmem_shared>> -> memref<10112x16xf32, #tpu.memory_space<vmem_shared>>
    tpu.wait_indirect_dma semaphore(%arg17 : memref<!tpu.dma_semaphore, #tpu.memory_space<semaphore_mem>>) src(%arg5 : memref<128x16xf32, #tpu.memory_space<vmem>>) dst(%dma_wait3A_97 : memref<10112x16xf32, #tpu.memory_space<vmem_shared>>)
    %dma_wait3A_98 = arith.constant 75 : i32
    %dma_wait3A_99 = arith.constant 0 : i32
    %dma_wait3A_100 = tpu.memref_slice %arg4[%dma_wait3A_98, %dma_wait3A_99] : memref<79x128xi32, #tpu.memory_space<vmem>> -> memref<1x128xi32, #tpu.memory_space<vmem>>
    %dma_wait3A_101 = tpu.memref_squeeze %dma_wait3A_100 : memref<1x128xi32, #tpu.memory_space<vmem>> -> memref<128xi32, #tpu.memory_space<vmem>>
    %dma_wait3A_102 = arith.constant 0 : i32
    %dma_wait3A_103 = arith.constant 0 : i32
    %dma_wait3A_104 = tpu.memref_slice %arg7[%dma_wait3A_102, %dma_wait3A_103] : memref<10112x16xf32, #tpu.memory_space<vmem_shared>> -> memref<10112x16xf32, #tpu.memory_space<vmem_shared>>
    tpu.wait_indirect_dma semaphore(%arg18 : memref<!tpu.dma_semaphore, #tpu.memory_space<semaphore_mem>>) src(%arg5 : memref<128x16xf32, #tpu.memory_space<vmem>>) dst(%dma_wait3A_104 : memref<10112x16xf32, #tpu.memory_space<vmem_shared>>)
    %dma_wait3A_105 = arith.constant 76 : i32
    %dma_wait3A_106 = arith.constant 0 : i32
    %dma_wait3A_107 = tpu.memref_slice %arg4[%dma_wait3A_105, %dma_wait3A_106] : memref<79x128xi32, #tpu.memory_space<vmem>> -> memref<1x128xi32, #tpu.memory_space<vmem>>
    %dma_wait3A_108 = tpu.memref_squeeze %dma_wait3A_107 : memref<1x128xi32, #tpu.memory_space<vmem>> -> memref<128xi32, #tpu.memory_space<vmem>>
    %dma_wait3A_109 = arith.constant 0 : i32
    %dma_wait3A_110 = arith.constant 0 : i32
    %dma_wait3A_111 = tpu.memref_slice %arg7[%dma_wait3A_109, %dma_wait3A_110] : memref<10112x16xf32, #tpu.memory_space<vmem_shared>> -> memref<10112x16xf32, #tpu.memory_space<vmem_shared>>
    tpu.wait_indirect_dma semaphore(%arg19 : memref<!tpu.dma_semaphore, #tpu.memory_space<semaphore_mem>>) src(%arg5 : memref<128x16xf32, #tpu.memory_space<vmem>>) dst(%dma_wait3A_111 : memref<10112x16xf32, #tpu.memory_space<vmem_shared>>)
    %dma_wait3A_112 = arith.constant 77 : i32
    %dma_wait3A_113 = arith.constant 0 : i32
    %dma_wait3A_114 = tpu.memref_slice %arg4[%dma_wait3A_112, %dma_wait3A_113] : memref<79x128xi32, #tpu.memory_space<vmem>> -> memref<1x128xi32, #tpu.memory_space<vmem>>
    %dma_wait3A_115 = tpu.memref_squeeze %dma_wait3A_114 : memref<1x128xi32, #tpu.memory_space<vmem>> -> memref<128xi32, #tpu.memory_space<vmem>>
    %dma_wait3A_116 = arith.constant 0 : i32
    %dma_wait3A_117 = arith.constant 0 : i32
    %dma_wait3A_118 = tpu.memref_slice %arg7[%dma_wait3A_116, %dma_wait3A_117] : memref<10112x16xf32, #tpu.memory_space<vmem_shared>> -> memref<10112x16xf32, #tpu.memory_space<vmem_shared>>
    tpu.wait_indirect_dma semaphore(%arg20 : memref<!tpu.dma_semaphore, #tpu.memory_space<semaphore_mem>>) src(%arg5 : memref<128x16xf32, #tpu.memory_space<vmem>>) dst(%dma_wait3A_118 : memref<10112x16xf32, #tpu.memory_space<vmem_shared>>)
    %lt3A = arith.constant 4 : i32
    %lt3A_119 = arith.cmpi slt, %add3A, %lt3A : i32
    %convert_element_type3A = arith.extui %lt3A_119 : i1 to i32
    %cond3A = arith.constant 0 : i32
    %cond3A_120 = arith.cmpi ne, %convert_element_type3A, %cond3A : i32
    scf.if %cond3A_120 {
      %run_scoped3A_159 = arith.constant 78 : i32
      "tpu.region"() ({
        %run_scoped3A_160 = tpu.sem_alloc : memref<!tpu.dma_semaphore, #tpu.memory_space<semaphore_mem>>
        %dma_start3A = arith.constant 0 : i32
        %dma_start3A_161 = tpu.memref_slice %arg4[%run_scoped3A_159, %dma_start3A] : memref<79x128xi32, #tpu.memory_space<vmem>> -> memref<1x128xi32, #tpu.memory_space<vmem>>
        %dma_start3A_162 = tpu.memref_squeeze %dma_start3A_161 : memref<1x128xi32, #tpu.memory_space<vmem>> -> memref<128xi32, #tpu.memory_space<vmem>>
        %dma_start3A_163 = arith.constant 0 : i32
        %dma_start3A_164 = arith.constant 0 : i32
        %dma_start3A_165 = tpu.memref_slice %arg7[%dma_start3A_163, %dma_start3A_164] : memref<10112x16xf32, #tpu.memory_space<vmem_shared>> -> memref<10112x16xf32, #tpu.memory_space<vmem_shared>>
        tpu.enqueue_indirect_dma source(%arg5 : memref<128x16xf32, #tpu.memory_space<vmem>>) target(%dma_start3A_165 : memref<10112x16xf32, #tpu.memory_space<vmem_shared>>) offsets(%dma_start3A_162 : memref<128xi32, #tpu.memory_space<vmem>>) semaphore(%run_scoped3A_160 : memref<!tpu.dma_semaphore, #tpu.memory_space<semaphore_mem>>) {add = true}
        %dma_wait3A_166 = arith.constant 0 : i32
        %dma_wait3A_167 = tpu.memref_slice %arg4[%run_scoped3A_159, %dma_wait3A_166] : memref<79x128xi32, #tpu.memory_space<vmem>> -> memref<1x128xi32, #tpu.memory_space<vmem>>
        %dma_wait3A_168 = tpu.memref_squeeze %dma_wait3A_167 : memref<1x128xi32, #tpu.memory_space<vmem>> -> memref<128xi32, #tpu.memory_space<vmem>>
        %dma_wait3A_169 = arith.constant 0 : i32
        %dma_wait3A_170 = arith.constant 0 : i32
        %dma_wait3A_171 = tpu.memref_slice %arg7[%dma_wait3A_169, %dma_wait3A_170] : memref<10112x16xf32, #tpu.memory_space<vmem_shared>> -> memref<10112x16xf32, #tpu.memory_space<vmem_shared>>
        tpu.wait_indirect_dma semaphore(%run_scoped3A_160 : memref<!tpu.dma_semaphore, #tpu.memory_space<semaphore_mem>>) src(%arg5 : memref<128x16xf32, #tpu.memory_space<vmem>>) dst(%dma_wait3A_171 : memref<10112x16xf32, #tpu.memory_space<vmem_shared>>)
        tpu.yield
      }) : () -> ()
    } else {
    }
    %barrier3A_121 = arith.constant 0 : index
    tpu.barrier barrier_id(%barrier3A_121)
    %jit3A = arith.constant 2 : i32
    %div3A = arith.divsi %arg1, %jit3A : i32
    %sign3A = arith.constant 0 : i32
    %sign3A_122 = arith.cmpi sgt, %arg1, %sign3A : i32
    %sign3A_123 = arith.extui %sign3A_122 : i1 to i32
    %sign3A_124 = arith.constant 0 : i32
    %sign3A_125 = arith.cmpi slt, %arg1, %sign3A_124 : i32
    %sign3A_126 = arith.extui %sign3A_125 : i1 to i32
    %sign3A_127 = arith.subi %sign3A_123, %sign3A_126 : i32
    %sign3A_128 = arith.constant 0 : i32
    %sign3A_129 = arith.cmpi sgt, %jit3A, %sign3A_128 : i32
    %sign3A_130 = arith.extui %sign3A_129 : i1 to i32
    %sign3A_131 = arith.constant 0 : i32
    %sign3A_132 = arith.cmpi slt, %jit3A, %sign3A_131 : i32
    %sign3A_133 = arith.extui %sign3A_132 : i1 to i32
    %sign3A_134 = arith.subi %sign3A_130, %sign3A_133 : i32
    %ne3A = arith.cmpi ne, %sign3A_127, %sign3A_134 : i32
    %rem3A = arith.remsi %arg1, %jit3A : i32
    %ne3A_135 = arith.constant 0 : i32
    %ne3A_136 = arith.cmpi ne, %rem3A, %ne3A_135 : i32
    %and3A = arith.andi %ne3A, %ne3A_136 : i1
    %sub3A = arith.constant 1 : i32
    %sub3A_137 = arith.subi %div3A, %sub3A : i32
    %select_n3A = arith.select %and3A, %sub3A_137, %div3A : i32
    %jit3A_138 = arith.constant 2 : i32
    %eq3A = arith.constant 0 : i32
    %eq3A_139 = arith.cmpi eq, %jit3A_138, %eq3A : i32
    %jit3A_140 = arith.constant 1 : i32
    %select_n3A_141 = arith.select %eq3A_139, %jit3A_140, %jit3A_138 : i32
    %rem3A_142 = arith.remsi %arg1, %select_n3A_141 : i32
    %ne3A_143 = arith.constant 0 : i32
    %ne3A_144 = arith.cmpi ne, %rem3A_142, %ne3A_143 : i32
    %lt3A_145 = arith.constant 0 : i32
    %lt3A_146 = arith.cmpi slt, %rem3A_142, %lt3A_145 : i32
    %lt3A_147 = arith.constant 0 : i32
    %lt3A_148 = arith.cmpi slt, %select_n3A_141, %lt3A_147 : i32
    %ne3A_149 = arith.xori %lt3A_146, %lt3A_148 : i1
    %and3A_150 = arith.andi %ne3A_149, %ne3A_144 : i1
    %add3A_151 = arith.addi %rem3A_142, %select_n3A_141 : i32
    %select_n3A_152 = arith.select %and3A_150, %add3A_151, %rem3A_142 : i32
    %mul3A_153 = arith.constant 632 : i32
    %mul3A_154 = arith.muli %select_n3A_152, %mul3A_153 : i32
    %mul3A_155 = arith.constant 632 : i32
    %mul3A_156 = arith.muli %arg1, %mul3A_155 : i32
    %mul3A_157 = arith.constant 16 : i32
    %mul3A_158 = arith.muli %select_n3A, %mul3A_157 : i32
    "tpu.region"() ({
      %run_scoped3A_159 = tpu.sem_alloc : memref<!tpu.dma_semaphore, #tpu.memory_space<semaphore_mem>>
      %dma_start3A = tpu.memref_slice %arg3[%arg0, %mul3A_154, %mul3A_158] : memref<2x1264x128xf32, #tpu.memory_space<hbm>> -> memref<1x632x16xf32, #tpu.memory_space<hbm>>
      %dma_start3A_160 = tpu.memref_squeeze %dma_start3A : memref<1x632x16xf32, #tpu.memory_space<hbm>> -> memref<632x16xf32, #tpu.memory_space<hbm>>
      %dma_start3A_161 = arith.constant 0 : i32
      %dma_start3A_162 = tpu.memref_slice %arg7[%mul3A_156, %dma_start3A_161] : memref<10112x16xf32, #tpu.memory_space<vmem_shared>> -> memref<632x16xf32, #tpu.memory_space<vmem_shared>>
      tpu.enqueue_dma source(%dma_start3A_162 : memref<632x16xf32, #tpu.memory_space<vmem_shared>>) target(%dma_start3A_160 : memref<632x16xf32, #tpu.memory_space<hbm>>) target_semaphore(%run_scoped3A_159 : memref<!tpu.dma_semaphore, #tpu.memory_space<semaphore_mem>>)
      %dma_wait3A_163 = tpu.memref_slice %arg3[%arg0, %mul3A_154, %mul3A_158] : memref<2x1264x128xf32, #tpu.memory_space<hbm>> -> memref<1x632x16xf32, #tpu.memory_space<hbm>>
      %dma_wait3A_164 = tpu.memref_squeeze %dma_wait3A_163 : memref<1x632x16xf32, #tpu.memory_space<hbm>> -> memref<632x16xf32, #tpu.memory_space<hbm>>
      %dma_wait3A_165 = arith.constant 0 : i32
      %dma_wait3A_166 = tpu.memref_slice %arg7[%mul3A_156, %dma_wait3A_165] : memref<10112x16xf32, #tpu.memory_space<vmem_shared>> -> memref<632x16xf32, #tpu.memory_space<vmem_shared>>
      tpu.wait_dma2 semaphore(%run_scoped3A_159 : memref<!tpu.dma_semaphore, #tpu.memory_space<semaphore_mem>>) src(%dma_wait3A_166 : memref<632x16xf32, #tpu.memory_space<vmem_shared>>) dst(%dma_wait3A_164 : memref<632x16xf32, #tpu.memory_space<hbm>>)
      tpu.yield
    }) : () -> ()
    return
  }
}

module attributes {stable_mosaic.version = 14 : i64} {
  func.func @_scale1_body(%arg0: memref<10000x32xf32, #tpu.memory_space<vmem>>, %arg1: memref<2x1264x128xf32, #tpu.memory_space<vmem>>, %arg2: memref<10000x32xf32, #tpu.memory_space<vmem>>, %arg3: memref<10000x1xf32, #tpu.memory_space<vmem>>) attributes {dimension_semantics = [], scalar_prefetch = 0 : i64, scratch_operands = 0 : i64, tpu.core_type = #tpu.core_type<tc>} {
    %get3A = arith.constant 0 : index
    %get3A_0 = arith.constant 0 : index
    %get3A_1 = arith.constant 0 : index
    %get3A_2 = vector.load %arg1[%get3A, %get3A_0, %get3A_1] : memref<2x1264x128xf32, #tpu.memory_space<vmem>>, vector<2x1264x128xf32>
    %slice3A = vector.extract_strided_slice %get3A_2 {offsets = [0, 0, 0], sizes = [2, 1264, 16], strides = [1, 1, 1]} : vector<2x1264x128xf32> to vector<2x1264x16xf32>
    %slice3A_3 = vector.extract_strided_slice %get3A_2 {offsets = [0, 0, 16], sizes = [2, 1264, 16], strides = [1, 1, 1]} : vector<2x1264x128xf32> to vector<2x1264x16xf32>
    %slice3A_4 = vector.extract_strided_slice %get3A_2 {offsets = [0, 0, 32], sizes = [2, 1264, 16], strides = [1, 1, 1]} : vector<2x1264x128xf32> to vector<2x1264x16xf32>
    %slice3A_5 = vector.extract_strided_slice %get3A_2 {offsets = [0, 0, 48], sizes = [2, 1264, 16], strides = [1, 1, 1]} : vector<2x1264x128xf32> to vector<2x1264x16xf32>
    %slice3A_6 = vector.extract_strided_slice %get3A_2 {offsets = [0, 0, 64], sizes = [2, 1264, 16], strides = [1, 1, 1]} : vector<2x1264x128xf32> to vector<2x1264x16xf32>
    %slice3A_7 = vector.extract_strided_slice %get3A_2 {offsets = [0, 0, 80], sizes = [2, 1264, 16], strides = [1, 1, 1]} : vector<2x1264x128xf32> to vector<2x1264x16xf32>
    %slice3A_8 = vector.extract_strided_slice %get3A_2 {offsets = [0, 0, 96], sizes = [2, 1264, 16], strides = [1, 1, 1]} : vector<2x1264x128xf32> to vector<2x1264x16xf32>
    %slice3A_9 = vector.extract_strided_slice %get3A_2 {offsets = [0, 0, 112], sizes = [2, 1264, 16], strides = [1, 1, 1]} : vector<2x1264x128xf32> to vector<2x1264x16xf32>
    %concatenate3A = tpu.concatenate %slice3A, %slice3A_3, %slice3A_4, %slice3A_5, %slice3A_6, %slice3A_7, %slice3A_8, %slice3A_9 in 1 : vector<2x1264x16xf32>, vector<2x1264x16xf32>, vector<2x1264x16xf32>, vector<2x1264x16xf32>, vector<2x1264x16xf32>, vector<2x1264x16xf32>, vector<2x1264x16xf32>, vector<2x1264x16xf32> -> vector<2x10112x16xf32>
    %slice3A_10 = vector.extract_strided_slice %concatenate3A {offsets = [0, 0, 0], sizes = [2, 10000, 16], strides = [1, 1, 1]} : vector<2x10112x16xf32> to vector<2x10000x16xf32>
    %slice3A_11 = vector.extract_strided_slice %slice3A_10 {offsets = [0, 0, 0], sizes = [1, 10000, 1], strides = [1, 1, 1]} : vector<2x10000x16xf32> to vector<1x10000x1xf32>
    %squeeze3A = vector.shape_cast %slice3A_11 : vector<1x10000x1xf32> to vector<10000x1xf32>
    %add3A = arith.constant 1.000000e+00 : f32
    %add3A_12 = vector.broadcast %add3A : f32 to vector<10000x1xf32>
    %add3A_13 = arith.addf %add3A_12, %squeeze3A : vector<10000x1xf32>
    %slice3A_14 = vector.extract_strided_slice %slice3A_10 {offsets = [1, 0, 0], sizes = [1, 10000, 1], strides = [1, 1, 1]} : vector<2x10000x16xf32> to vector<1x10000x1xf32>
    %squeeze3A_15 = vector.shape_cast %slice3A_14 : vector<1x10000x1xf32> to vector<10000x1xf32>
    %add3A_16 = arith.addf %add3A_13, %squeeze3A_15 : vector<10000x1xf32>
    %rsqrt3A = math.rsqrt %add3A_16 : vector<10000x1xf32>
    %swap3A = arith.constant 0 : index
    %swap3A_17 = arith.constant 0 : index
    %swap3A_18 = vector.load %arg3[%swap3A, %swap3A_17] : memref<10000x1xf32, #tpu.memory_space<vmem>>, vector<10000x1xf32>
    tpu.vector_store %arg3[%swap3A, %swap3A_17], %rsqrt3A {strides = array<i32>} : memref<10000x1xf32, #tpu.memory_space<vmem>>, vector<10000x1xf32>,
    %get3A_19 = arith.constant 0 : index
    %get3A_20 = arith.constant 0 : index
    %get3A_21 = vector.load %arg0[%get3A_19, %get3A_20] : memref<10000x32xf32, #tpu.memory_space<vmem>>, vector<10000x32xf32>
    %mul3A = vector.broadcast %rsqrt3A : vector<10000x1xf32> to vector<10000x32xf32>
    %mul3A_22 = arith.mulf %get3A_21, %mul3A : vector<10000x32xf32>
    %swap3A_23 = arith.constant 0 : index
    %swap3A_24 = arith.constant 0 : index
    %swap3A_25 = vector.load %arg2[%swap3A_23, %swap3A_24] : memref<10000x32xf32, #tpu.memory_space<vmem>>, vector<10000x32xf32>
    tpu.vector_store %arg2[%swap3A_23, %swap3A_24], %mul3A_22 {strides = array<i32>} : memref<10000x32xf32, #tpu.memory_space<vmem>>, vector<10000x32xf32>,
    return
  }
}

module attributes {stable_mosaic.version = 14 : i64} {
  func.func @_mm1_body(%arg0: i32, %arg1: memref<2000x128xf32, #tpu.memory_space<vmem>>, %arg2: memref<128x32xf32, #tpu.memory_space<vmem>>, %arg3: memref<2000x32xf32, #tpu.memory_space<vmem>>) attributes {dimension_semantics = [#tpu.dimension_semantics<arbitrary>], iteration_bounds = array<i64: 5>, scalar_prefetch = 0 : i64, scratch_operands = 0 : i64, tpu.core_type = #tpu.core_type<tc>, window_params = [{transform_indices = @transform_0, window_bounds = array<i64: 2000, 128>}, {pipeline_mode = #tpu.pipeline_mode<synchronous>, transform_indices = @transform_1, window_bounds = array<i64: 128, 32>}, {transform_indices = @transform_2, window_bounds = array<i64: 2000, 32>}]} {
    %get3A = arith.constant 0 : index
    %get3A_0 = arith.constant 0 : index
    %get3A_1 = vector.load %arg1[%get3A, %get3A_0] : memref<2000x128xf32, #tpu.memory_space<vmem>>, vector<2000x128xf32>
    %get3A_2 = arith.constant 0 : index
    %get3A_3 = arith.constant 0 : index
    %get3A_4 = vector.load %arg2[%get3A_2, %get3A_3] : memref<128x32xf32, #tpu.memory_space<vmem>>, vector<128x32xf32>
    %dot_general3A = arith.constant dense<0.000000e+00> : vector<2000x32xf32>
    %dot_general3A_5 = tpu.matmul %get3A_1, %get3A_4, %dot_general3A {dimension_numbers = #tpu.dot_dimension_numbers<[1], [0], [0], [1], [0, 0, 1, 1], [], []>, transpose_lhs_hint = false} : vector<2000x128xf32>, vector<128x32xf32>, vector<2000x32xf32> -> vector<2000x32xf32>
    %swap3A = arith.constant 0 : index
    %swap3A_6 = arith.constant 0 : index
    %swap3A_7 = vector.load %arg3[%swap3A, %swap3A_6] : memref<2000x32xf32, #tpu.memory_space<vmem>>, vector<2000x32xf32>
    tpu.vector_store %arg3[%swap3A, %swap3A_6], %dot_general3A_5 {strides = array<i32>} : memref<2000x32xf32, #tpu.memory_space<vmem>>, vector<2000x32xf32>,
    return
  }
  func.func @transform_0(%arg0: i32) -> (i32, i32) {
    %c0_i32 = arith.constant 0 : i32
    %c0_i32_0 = arith.constant 0 : i32
    return %arg0, %c0_i32 : i32, i32
  }
  func.func @transform_1(%arg0: i32) -> (i32, i32) {
    %c0_i32 = arith.constant 0 : i32
    %c0_i32_0 = arith.constant 0 : i32
    %c0_i32_1 = arith.constant 0 : i32
    return %c0_i32, %c0_i32_0 : i32, i32
  }
  func.func @transform_2(%arg0: i32) -> (i32, i32) {
    %c0_i32 = arith.constant 0 : i32
    %c0_i32_0 = arith.constant 0 : i32
    return %arg0, %c0_i32 : i32, i32
  }
}

module attributes {stable_mosaic.version = 14 : i64} {
  func.func @_mid_body(%arg0: memref<2x2528x128xf32, #tpu.memory_space<vmem>>, %arg1: memref<10000x32xf32, #tpu.memory_space<vmem>>, %arg2: memref<10000x1xf32, #tpu.memory_space<vmem>>, %arg3: memref<1x32xf32, #tpu.memory_space<vmem>>, %arg4: memref<32x16xf32, #tpu.memory_space<vmem>>, %arg5: memref<10000x16xf32, #tpu.memory_space<vmem>>) attributes {dimension_semantics = [], scalar_prefetch = 0 : i64, scratch_operands = 0 : i64, tpu.core_type = #tpu.core_type<tc>} {
    %get3A = arith.constant 0 : index
    %get3A_0 = arith.constant 0 : index
    %get3A_1 = arith.constant 0 : index
    %get3A_2 = vector.load %arg0[%get3A, %get3A_0, %get3A_1] : memref<2x2528x128xf32, #tpu.memory_space<vmem>>, vector<2x2528x128xf32>
    %slice3A = vector.extract_strided_slice %get3A_2 {offsets = [0, 0, 0], sizes = [2, 2528, 32], strides = [1, 1, 1]} : vector<2x2528x128xf32> to vector<2x2528x32xf32>
    %slice3A_3 = vector.extract_strided_slice %get3A_2 {offsets = [0, 0, 32], sizes = [2, 2528, 32], strides = [1, 1, 1]} : vector<2x2528x128xf32> to vector<2x2528x32xf32>
    %slice3A_4 = vector.extract_strided_slice %get3A_2 {offsets = [0, 0, 64], sizes = [2, 2528, 32], strides = [1, 1, 1]} : vector<2x2528x128xf32> to vector<2x2528x32xf32>
    %slice3A_5 = vector.extract_strided_slice %get3A_2 {offsets = [0, 0, 96], sizes = [2, 2528, 32], strides = [1, 1, 1]} : vector<2x2528x128xf32> to vector<2x2528x32xf32>
    %concatenate3A = tpu.concatenate %slice3A, %slice3A_3, %slice3A_4, %slice3A_5 in 1 : vector<2x2528x32xf32>, vector<2x2528x32xf32>, vector<2x2528x32xf32>, vector<2x2528x32xf32> -> vector<2x10112x32xf32>
    %slice3A_6 = vector.extract_strided_slice %concatenate3A {offsets = [0, 0, 0], sizes = [2, 10000, 32], strides = [1, 1, 1]} : vector<2x10112x32xf32> to vector<2x10000x32xf32>
    %get3A_7 = arith.constant 0 : index
    %get3A_8 = arith.constant 0 : index
    %get3A_9 = vector.load %arg1[%get3A_7, %get3A_8] : memref<10000x32xf32, #tpu.memory_space<vmem>>, vector<10000x32xf32>
    %slice3A_10 = vector.extract_strided_slice %slice3A_6 {offsets = [0, 0, 0], sizes = [1, 10000, 32], strides = [1, 1, 1]} : vector<2x10000x32xf32> to vector<1x10000x32xf32>
    %squeeze3A = vector.shape_cast %slice3A_10 : vector<1x10000x32xf32> to vector<10000x32xf32>
    %add3A = arith.addf %get3A_9, %squeeze3A : vector<10000x32xf32>
    %slice3A_11 = vector.extract_strided_slice %slice3A_6 {offsets = [1, 0, 0], sizes = [1, 10000, 32], strides = [1, 1, 1]} : vector<2x10000x32xf32> to vector<1x10000x32xf32>
    %squeeze3A_12 = vector.shape_cast %slice3A_11 : vector<1x10000x32xf32> to vector<10000x32xf32>
    %add3A_13 = arith.addf %add3A, %squeeze3A_12 : vector<10000x32xf32>
    %get3A_14 = arith.constant 0 : index
    %get3A_15 = arith.constant 0 : index
    %get3A_16 = vector.load %arg2[%get3A_14, %get3A_15] : memref<10000x1xf32, #tpu.memory_space<vmem>>, vector<10000x1xf32>
    %mul3A = vector.broadcast %get3A_16 : vector<10000x1xf32> to vector<10000x32xf32>
    %mul3A_17 = arith.mulf %add3A_13, %mul3A : vector<10000x32xf32>
    %get3A_18 = arith.constant 0 : index
    %get3A_19 = arith.constant 0 : index
    %get3A_20 = vector.load %arg3[%get3A_18, %get3A_19] : memref<1x32xf32, #tpu.memory_space<vmem>>, vector<1x32xf32>
    %add3A_21 = vector.broadcast %get3A_20 : vector<1x32xf32> to vector<10000x32xf32>
    %add3A_22 = arith.addf %mul3A_17, %add3A_21 : vector<10000x32xf32>
    %max3A = arith.constant 0.000000e+00 : f32
    %max3A_23 = vector.broadcast %max3A : f32 to vector<10000x32xf32>
    %max3A_24 = arith.maximumf %add3A_22, %max3A_23 : vector<10000x32xf32>
    %get3A_25 = arith.constant 0 : index
    %get3A_26 = arith.constant 0 : index
    %get3A_27 = vector.load %arg4[%get3A_25, %get3A_26] : memref<32x16xf32, #tpu.memory_space<vmem>>, vector<32x16xf32>
    %dot_general3A = arith.constant dense<0.000000e+00> : vector<10000x16xf32>
    %dot_general3A_28 = tpu.matmul %max3A_24, %get3A_27, %dot_general3A {dimension_numbers = #tpu.dot_dimension_numbers<[1], [0], [0], [1], [0, 0, 1, 1], [], []>, transpose_lhs_hint = false} : vector<10000x32xf32>, vector<32x16xf32>, vector<10000x16xf32> -> vector<10000x16xf32>
    %mul3A_29 = vector.broadcast %get3A_16 : vector<10000x1xf32> to vector<10000x16xf32>
    %mul3A_30 = arith.mulf %dot_general3A_28, %mul3A_29 : vector<10000x16xf32>
    %swap3A = arith.constant 0 : index
    %swap3A_31 = arith.constant 0 : index
    %swap3A_32 = vector.load %arg5[%swap3A, %swap3A_31] : memref<10000x16xf32, #tpu.memory_space<vmem>>, vector<10000x16xf32>
    tpu.vector_store %arg5[%swap3A, %swap3A_31], %mul3A_30 {strides = array<i32>} : memref<10000x16xf32, #tpu.memory_space<vmem>>, vector<10000x16xf32>,
    return
  }
}

module attributes {stable_mosaic.version = 14 : i64} {
  func.func @_out_body(%arg0: memref<2x1264x128xf32, #tpu.memory_space<vmem>>, %arg1: memref<10000x16xf32, #tpu.memory_space<vmem>>, %arg2: memref<10000x1xf32, #tpu.memory_space<vmem>>, %arg3: memref<1x16xf32, #tpu.memory_space<vmem>>, %arg4: memref<16x2xf32, #tpu.memory_space<vmem>>, %arg5: memref<1x2xf32, #tpu.memory_space<vmem>>, %arg6: memref<10000x2xf32, #tpu.memory_space<vmem>>) attributes {dimension_semantics = [], scalar_prefetch = 0 : i64, scratch_operands = 0 : i64, tpu.core_type = #tpu.core_type<tc>} {
    %get3A = arith.constant 0 : index
    %get3A_0 = arith.constant 0 : index
    %get3A_1 = arith.constant 0 : index
    %get3A_2 = vector.load %arg0[%get3A, %get3A_0, %get3A_1] : memref<2x1264x128xf32, #tpu.memory_space<vmem>>, vector<2x1264x128xf32>
    %slice3A = vector.extract_strided_slice %get3A_2 {offsets = [0, 0, 0], sizes = [2, 1264, 16], strides = [1, 1, 1]} : vector<2x1264x128xf32> to vector<2x1264x16xf32>
    %slice3A_3 = vector.extract_strided_slice %get3A_2 {offsets = [0, 0, 16], sizes = [2, 1264, 16], strides = [1, 1, 1]} : vector<2x1264x128xf32> to vector<2x1264x16xf32>
    %slice3A_4 = vector.extract_strided_slice %get3A_2 {offsets = [0, 0, 32], sizes = [2, 1264, 16], strides = [1, 1, 1]} : vector<2x1264x128xf32> to vector<2x1264x16xf32>
    %slice3A_5 = vector.extract_strided_slice %get3A_2 {offsets = [0, 0, 48], sizes = [2, 1264, 16], strides = [1, 1, 1]} : vector<2x1264x128xf32> to vector<2x1264x16xf32>
    %slice3A_6 = vector.extract_strided_slice %get3A_2 {offsets = [0, 0, 64], sizes = [2, 1264, 16], strides = [1, 1, 1]} : vector<2x1264x128xf32> to vector<2x1264x16xf32>
    %slice3A_7 = vector.extract_strided_slice %get3A_2 {offsets = [0, 0, 80], sizes = [2, 1264, 16], strides = [1, 1, 1]} : vector<2x1264x128xf32> to vector<2x1264x16xf32>
    %slice3A_8 = vector.extract_strided_slice %get3A_2 {offsets = [0, 0, 96], sizes = [2, 1264, 16], strides = [1, 1, 1]} : vector<2x1264x128xf32> to vector<2x1264x16xf32>
    %slice3A_9 = vector.extract_strided_slice %get3A_2 {offsets = [0, 0, 112], sizes = [2, 1264, 16], strides = [1, 1, 1]} : vector<2x1264x128xf32> to vector<2x1264x16xf32>
    %concatenate3A = tpu.concatenate %slice3A, %slice3A_3, %slice3A_4, %slice3A_5, %slice3A_6, %slice3A_7, %slice3A_8, %slice3A_9 in 1 : vector<2x1264x16xf32>, vector<2x1264x16xf32>, vector<2x1264x16xf32>, vector<2x1264x16xf32>, vector<2x1264x16xf32>, vector<2x1264x16xf32>, vector<2x1264x16xf32>, vector<2x1264x16xf32> -> vector<2x10112x16xf32>
    %slice3A_10 = vector.extract_strided_slice %concatenate3A {offsets = [0, 0, 0], sizes = [2, 10000, 16], strides = [1, 1, 1]} : vector<2x10112x16xf32> to vector<2x10000x16xf32>
    %get3A_11 = arith.constant 0 : index
    %get3A_12 = arith.constant 0 : index
    %get3A_13 = vector.load %arg1[%get3A_11, %get3A_12] : memref<10000x16xf32, #tpu.memory_space<vmem>>, vector<10000x16xf32>
    %slice3A_14 = vector.extract_strided_slice %slice3A_10 {offsets = [0, 0, 0], sizes = [1, 10000, 16], strides = [1, 1, 1]} : vector<2x10000x16xf32> to vector<1x10000x16xf32>
    %squeeze3A = vector.shape_cast %slice3A_14 : vector<1x10000x16xf32> to vector<10000x16xf32>
    %add3A = arith.addf %get3A_13, %squeeze3A : vector<10000x16xf32>
    %slice3A_15 = vector.extract_strided_slice %slice3A_10 {offsets = [1, 0, 0], sizes = [1, 10000, 16], strides = [1, 1, 1]} : vector<2x10000x16xf32> to vector<1x10000x16xf32>
    %squeeze3A_16 = vector.shape_cast %slice3A_15 : vector<1x10000x16xf32> to vector<10000x16xf32>
    %add3A_17 = arith.addf %add3A, %squeeze3A_16 : vector<10000x16xf32>
    %get3A_18 = arith.constant 0 : index
    %get3A_19 = arith.constant 0 : index
    %get3A_20 = vector.load %arg2[%get3A_18, %get3A_19] : memref<10000x1xf32, #tpu.memory_space<vmem>>, vector<10000x1xf32>
    %mul3A = vector.broadcast %get3A_20 : vector<10000x1xf32> to vector<10000x16xf32>
    %mul3A_21 = arith.mulf %add3A_17, %mul3A : vector<10000x16xf32>
    %get3A_22 = arith.constant 0 : index
    %get3A_23 = arith.constant 0 : index
    %get3A_24 = vector.load %arg3[%get3A_22, %get3A_23] : memref<1x16xf32, #tpu.memory_space<vmem>>, vector<1x16xf32>
    %add3A_25 = vector.broadcast %get3A_24 : vector<1x16xf32> to vector<10000x16xf32>
    %add3A_26 = arith.addf %mul3A_21, %add3A_25 : vector<10000x16xf32>
    %max3A = arith.constant 0.000000e+00 : f32
    %max3A_27 = vector.broadcast %max3A : f32 to vector<10000x16xf32>
    %max3A_28 = arith.maximumf %add3A_26, %max3A_27 : vector<10000x16xf32>
    %get3A_29 = arith.constant 0 : index
    %get3A_30 = arith.constant 0 : index
    %get3A_31 = vector.load %arg4[%get3A_29, %get3A_30] : memref<16x2xf32, #tpu.memory_space<vmem>>, vector<16x2xf32>
    %dot_general3A = arith.constant dense<0.000000e+00> : vector<10000x2xf32>
    %dot_general3A_32 = tpu.matmul %max3A_28, %get3A_31, %dot_general3A {dimension_numbers = #tpu.dot_dimension_numbers<[1], [0], [0], [1], [0, 0, 1, 1], [], []>, transpose_lhs_hint = false} : vector<10000x16xf32>, vector<16x2xf32>, vector<10000x2xf32> -> vector<10000x2xf32>
    %get3A_33 = arith.constant 0 : index
    %get3A_34 = arith.constant 0 : index
    %get3A_35 = vector.load %arg5[%get3A_33, %get3A_34] : memref<1x2xf32, #tpu.memory_space<vmem>>, vector<1x2xf32>
    %add3A_36 = vector.broadcast %get3A_35 : vector<1x2xf32> to vector<10000x2xf32>
    %add3A_37 = arith.addf %dot_general3A_32, %add3A_36 : vector<10000x2xf32>
    %reduce_max3A = arith.constant dense<0xFF800000> : vector<10000xf32>
    %reduce_max3A_38 = vector.multi_reduction <maximumf>, %add3A_37, %reduce_max3A [1] : vector<10000x2xf32> to vector<10000xf32>
    %broadcast_in_dim3A = vector.shape_cast %reduce_max3A_38 : vector<10000xf32> to vector<10000x1xf32>
    %sub3A = vector.broadcast %broadcast_in_dim3A : vector<10000x1xf32> to vector<10000x2xf32>
    %sub3A_39 = arith.subf %add3A_37, %sub3A : vector<10000x2xf32>
    %exp3A = math.exp %sub3A_39 : vector<10000x2xf32>
    %reduce_sum3A = arith.constant dense<0.000000e+00> : vector<10000xf32>
    %reduce_sum3A_40 = vector.multi_reduction <add>, %exp3A, %reduce_sum3A [1] : vector<10000x2xf32> to vector<10000xf32>
    %broadcast_in_dim3A_41 = vector.shape_cast %reduce_sum3A_40 : vector<10000xf32> to vector<10000x1xf32>
    %log3A = math.log %broadcast_in_dim3A_41 : vector<10000x1xf32>
    %add3A_42 = arith.addf %broadcast_in_dim3A, %log3A : vector<10000x1xf32>
    %sub3A_43 = vector.broadcast %add3A_42 : vector<10000x1xf32> to vector<10000x2xf32>
    %sub3A_44 = arith.subf %add3A_37, %sub3A_43 : vector<10000x2xf32>
    %swap3A = arith.constant 0 : index
    %swap3A_45 = arith.constant 0 : index
    %swap3A_46 = vector.load %arg6[%swap3A, %swap3A_45] : memref<10000x2xf32, #tpu.memory_space<vmem>>, vector<10000x2xf32>
    tpu.vector_store %arg6[%swap3A, %swap3A_45], %sub3A_44 {strides = array<i32>} : memref<10000x2xf32, #tpu.memory_space<vmem>>, vector<10000x2xf32>,
    return
  }
}

</mosaic_0001>

<sc_bundles>
// kernel: kernel.12.cloned.1.call-start
scs
__scs_entry_jumppad:
0x0: {  	(pc) =	sbr.rel $0x88, $3  }
0x1: {  	(tag) =	ssettag $0x0;
	lr =	simm.s32 $0x1  }
0x2: {  	[smem:$0x3F99] =	sst lr;
	_ =	strace $0xD0000000  }
0x3: {  	_ = 	snop  }
0x4: {  	_ = 	snop  }
0x5: {  	_ = 	snop  }
0x6: {  	_ = 	snop  }
0x7: {  	_ = 	snop  }
__scs_overlays_trampoline_lowered:
0x8: {  	[smem:$0x3FA8] =	sst s0  }
0x9: {  	[smem:$0x3FA9] =	sst s1  }
0xa: {  	[smem:$0x3FAA] =	sst s2  }
0xb: {  	[smem:$0x3FAB] =	sst s3  }
0xc: {  	[smem:$0x3FAC] =	sst s4  }
0xd: {  	[smem:$0x3FAD] =	sst s5  }
0xe: {  	[smem:$0x3FAE] =	sst s6  }
0xf: {  	[smem:$0x3FAF] =	sst s7  }
0x10: {  	[smem:$0x3FB0] =	sst s8  }
0x11: {  	[smem:$0x3FB1] =	sst s9;
	s0 =	simm.s32 @!p0 $0x0  }
0x12: {  	s1 =	sld [smem:$0x3F97];
	s0 =	simm.s32 @p0 $0x1  }
0x13: {  	[smem:$0x3FB2] =	sst s0;
	s0 =	simm.s32 @!p1 $0x0  }
0x14: {  	s2 =	sld [smem:$0x3F96];
	s0 =	simm.s32 @p1 $0x1  }
0x15: {  	[smem:$0x3FB3] =	sst s0;
	s0 =	simm.s32 @!p2 $0x0  }
0x16: {  	s3 =	sld [smem:$0x3FDB];
	s0 =	simm.s32 @p2 $0x1  }
0x17: {  	s4 =	simm.s32 $0x1BF5;
	[smem:$0x3FB5] =	sst s0  }
0x18: {  	s0 =	sld [smem:$0x3F98];
	_ =	swait.ge [sflag:s4], $0x0  }
0x19: {  	s7 =	sld [smem:$0x3F99]  }
0x1a: {  	s8 =	sadd.s32 $0xFFFFE003, lr  }
0x1b: {  	s9 =	sadd.s32 $0xFFFFFEF7, lr;
	s5 =	simm.s32 $0xFFFFFFFF;
	p2 =	slt.u32 s8, $0xFFFFF086  }
0x1c: {  	p1 =	slt.u32 s9, $0xF7A;
	s5 =	simm.s32 @!p2 $0x0  }
0x1d: {  	s5 =	simm.s32 @p1 $0x1;
	p0 =	seq.s32 s7, s2  }
0x1e: {  	s7 =	smul.u32 @!p0 $0xF7A, s2;
	p2 =	seq.s32 @!p0 s5, $0x0  }
0x1f: {  	s9 =	smul.u32 $0xF7A, s1;
	s8 =	simm.s32 @!p0 $0x1BF5;
	p2 =	por !p2, p0  }
0x20: {  	[sflag:s8] =	ssyncset.s32 @!p0 $0xFFFFF086;
	s6 =	sadd.s32 @!p0 s3, s7;
	s7 =	simm.s32 @!p0 $0x108  }
0x21: {  	s3 =	sadd.s32 s3, s9;
	s6 =	sadd.s32 @!p0 $0x88, s6;
	s7 =	simm.s32 @p2 $0x1082  }
0x22: {  	[simem:s7], [sflag:s8] =	dma.local @!p0 [hbm:s6], $0xF7A  }
0x23: {  	s9 =	sor.u32 $0xD0000000, s2;
	s6 =	simm.s32 $0x108;
	_ =	swait.ge @!p0 [sflag:s8], $0x0  }
0x24: {  	s3 =	sadd.s32 $0x88, s3;
	s6 =	simm.s32 @!p1 $0x1082;
	[sflag:s4] =	ssyncset.s32 $0xFFFFF086  }
0x25: {  	[simem:s6], [sflag:s4] =	dma.local [hbm:s3], $0xF7A  }
0x26: {  	[smem:$0x3F99] =	sst s1;
	(tag) =	ssettag s2;
	_ =	strace s9  }
0x27: {  	s1 =	sld [smem:$0x3FA9]  }
0x28: {  	s2 =	sld [smem:$0x3FAA]  }
0x29: {  	s4 =	sld [smem:$0x3FAC]  }
0x2a: {  	p0 =	seq.s32 s5, $0x0;
	s5 =	sld [smem:$0x3FAD]  }
0x2b: {  	s6 =	sld [smem:$0x3FAE]  }
0x2c: {  	s7 =	sld [smem:$0x3FAF]  }
0x2d: {  	s3 =	simm.s32 $0x108;
	s8 =	sld [smem:$0x3FB0]  }
0x2e: {  	s3 =	simm.s32 @!p0 $0x1082;
	s9 =	sld [smem:$0x3FB1]  }
0x2f: {  	lr =	sadd.s32 s0, s3;
	s0 =	sld [smem:$0x3FA8]  }
0x30: {  	s3 =	sld [smem:$0x3FAB]  }
0x31: {  	[smem:$0x3FB4] =	sst s10  }
0x32: {  	s10 =	sld [smem:$0x3FB2];
	_ =	sdelay $0x3  }
0x33: {  	p0 =	seq.s32 s10, $0x1;
	s10 =	sld [smem:$0x3FB4];
	_ =	sdelay $0x3  }
0x34: {  	[smem:$0x3FB4] =	sst s10  }
0x35: {  	s10 =	sld [smem:$0x3FB3];
	_ =	sdelay $0x3  }
0x36: {  	p1 =	seq.s32 s10, $0x1;
	s10 =	sld [smem:$0x3FB4];
	_ =	sdelay $0x3  }
0x37: {  	[smem:$0x3FB4] =	sst s10  }
0x38: {  	s10 =	sld [smem:$0x3FB5]  }
0x39: {  	_ = 	snop;
	(pc) =	sbr.ind lr, $3  }
0x3a: {  	_ = 	snop  }
0x3b: {  	_ = 	snop  }
0x3c: {  	p2 =	seq.s32 s10, $0x1;
	s10 =	sld [smem:$0x3FB4]  }
0x3d: {  	_ =	shalt  }
0x3e: {  	_ =	shalt  }
0x3f: {  	_ =	shalt  }
0x40: {  	_ =	shalt  }
0x41: {  	_ =	shalt  }
0x42: {  	_ =	shalt  }
0x43: {  	_ =	shalt  }
0x44: {  	_ =	shalt  }
0x45: {  	_ =	shalt  }
0x46: {  	_ =	shalt  }
0x47: {  	_ =	shalt  }
0x48: {  	_ =	shalt  }
0x49: {  	_ =	shalt  }
0x4a: {  	_ =	shalt  }
0x4b: {  	_ =	shalt  }
0x4c: {  	_ =	shalt  }
0x4d: {  	_ =	shalt  }
0x4e: {  	_ =	shalt  }
0x4f: {  	_ =	shalt  }
0x50: {  	_ =	shalt  }
0x51: {  	_ =	shalt  }
0x52: {  	_ =	shalt  }
0x53: {  	_ =	shalt  }
0x54: {  	_ =	shalt  }
0x55: {  	_ =	shalt  }
0x56: {  	_ =	shalt  }
0x57: {  	_ =	shalt  }
0x58: {  	_ =	shalt  }
0x59: {  	_ =	shalt  }
0x5a: {  	_ =	shalt  }
0x5b: {  	_ =	shalt  }
0x5c: {  	_ =	shalt  }
0x5d: {  	_ =	shalt  }
0x5e: {  	_ =	shalt  }
0x5f: {  	_ =	shalt  }
0x60: {  	_ =	shalt  }
0x61: {  	_ =	shalt  }
0x62: {  	_ =	shalt  }
0x63: {  	_ =	shalt  }
0x64: {  	_ =	shalt  }
0x65: {  	_ =	shalt  }
0x66: {  	_ =	shalt  }
0x67: {  	_ =	shalt  }
0x68: {  	_ =	shalt  }
0x69: {  	_ =	shalt  }
0x6a: {  	_ =	shalt  }
0x6b: {  	_ =	shalt  }
0x6c: {  	_ =	shalt  }
0x6d: {  	_ =	shalt  }
0x6e: {  	_ =	shalt  }
0x6f: {  	_ =	shalt  }
0x70: {  	_ =	shalt  }
0x71: {  	_ =	shalt  }
0x72: {  	_ =	shalt  }
0x73: {  	_ =	shalt  }
0x74: {  	_ =	shalt  }
0x75: {  	_ =	shalt  }
0x76: {  	_ =	shalt  }
0x77: {  	_ =	shalt  }
0x78: {  	_ =	shalt  }
0x79: {  	_ =	shalt  }
0x7a: {  	_ =	shalt  }
0x7b: {  	_ =	shalt  }
0x7c: {  	_ =	shalt  }
0x7d: {  	_ =	shalt  }
0x7e: {  	_ =	shalt  }
0x7f: {  	_ =	shalt  }
0x80: {  	_ =	shalt  }
0x81: {  	_ =	shalt  }
0x82: {  	_ =	shalt  }
0x83: {  	_ =	shalt  }
0x84: {  	_ =	shalt  }
0x85: {  	_ =	shalt  }
0x86: {  	_ =	shalt  }
0x87: {  	_ =	shalt  }
.Lfunc_end0:
.L_simem_size_0:
called_computation.1_lowered:
.L_overlay_start_0:
0x88: {  	s2 =	sld [smem:$0x3FD9]  }
0x89: {  	s3 =	sld [smem:$0x3FFE];
	_ =	sdelay $0x1  }
0x8a: {  	s1 =	srdreg.scid  }
0x8b: {  	s0 =	sand.u32 $0x1, s1  }
0x8c: {  	s16 =	sshll.u32 s0, $0xA;
	s2 =	sadd.s32 s3, s2  }
0x8d: {  	s2 =	sadd.s32 s2, s16  }
0x8e: {  	[smem:$0x3FC0] =	sst s2  }
0x8f: {  	_ = 	snop  }
0x90: {  	(tm) =	ssettm $0x1  }
0x91: {  	s17 =	sld [smem:$0x3FFB];
	_ =	sdelay $0x3  }
0x92: {  	_ =	strace s17  }
0x93: {  	s2 =	sld [smem:$0x3FFC];
	_ =	sdelay $0x3  }
0x94: {  	_ =	strace s2  }
0x95: {  	s2 =	sld [smem:$0x3FFD];
	_ =	sdelay $0x3  }
0x96: {  	_ =	strace s2  }
0x97: {  	_ =	strace $0x8FFFFFFF  }
0x98: {  	s18 =	sld [smem:$0x3FDB];
	_ =	sdelay $0x1  }
0x99: {  	s19 =	simm.s32 $_scs_section_size  }
0x9a: {  	s4 =	simm.s32 $_size__tile_overlayer_lowered;
	s5 =	simm.s32 $_tile_overlayer_lowered  }
0x9b: {  	s22 =	simm.s32 $0x1BFF;
	s21 =	sshll.u32 s5, $0x1;
	s2 =	sadd.s32 s19, s18  }
0x9c: {  	s6 =	simm.s32 $0x0;
	s20 =	sshll.u32 s4, $0x1;
	s4 =	sadd.s32 s21, s2  }
0x9d: {  	[timem:s6], [sflag:s22] =	dma.local [hbm:s4], s20  }
0x9e: {  	_ =	swait.ge [sflag:s22], s20  }
0x9f: {  	s3 =	ssub.s32 $0x0, s20;
	[sflag:s22] =	ssyncset.done $0x0  }
0xa0: {  	[sflag:s22] =	ssyncadd.s32 s3;
	_ =	sdelay $0x1  }
0xa1: {  	s23 =	simm.s32 $0x1B8B  }
0xa2: {  	_ =	swait.ge [sflag:s23], $0x1  }
0xa3: {  	[sflag:s23] =	ssyncset.done $0x0  }
0xa4: {  	s25 =	simm.s32 $0x1B8E;
	s24 =	sld [smem:$0x3FFE];
	[sflag:s23] =	ssyncadd.s32 $0xFFFFFFFF  }
0xa5: {  	s26 =	simm.s32 $execute0_lowered;
	[smem:$0x3FD2] =	sst s25  }
0xa6: {  	s4 =	sshll.u32 s26, $0x1;
	_ =	strace $0x80000049;
	[dreg:$0x1] =	wrdreg $0xFFFFFFFF  }
0xa7: {  	s28 =	simm.s32 $_size_execute0_lowered;
	s2 =	sadd.s32 s2, s4;
	[dreg:$0x0] =	wrdreg $0x0  }
0xa8: {  	s4 =	sshll.u32 s28, $0x1;
	[dreg:$0x2] =	wrdreg s2  }
0xa9: {  	[dreg:$0x3] =	wrdreg s4  }
0xaa: {  	[dreg:$0x4] =	wrdreg $0xC0  }
0xab: {  	_ =	task [dreg:s6], $0x5FFFF  }
0xac: {  	[dreg:$0x1] =	wrdreg $0xFFFFFFFF  }
0xad: {  	[dreg:$0x0] =	wrdreg $0x60  }
0xae: {  	[dreg:$0x2] =	wrdreg s24  }
0xaf: {  	[dreg:$0x3] =	wrdreg $0x16E000  }
0xb0: {  	[dreg:$0x4] =	wrdreg $0x9  }
0xb1: {  	_ =	task.clear_ibuf [dreg:s6], $0x5FFFF;
	_ =	strace $0x90000049  }
0xb2: {  	s29 =	simm.s32 $0x9;
	_ =	strace $0x8000004B  }
0xb3: {  	_ =	swait.ge [sflag:s29], $0x1  }
0xb4: {  	[sflag:s29] =	ssyncadd.s32 $0xFFFFFFFF  }
0xb5: {  	_ =	strace $0x9000004B  }
0xb6: {  	_ =	sfence  }
0xb7: {  	s30 =	sld [smem:$0x0];
	_ =	sdelay $0x2  }
0xb8: {  	s31 =	sshll.u32 s1, $0xD;
	s1 =	sshrl.u32 s1, $0x2  }
0xb9: {  	s3 =	sand.u32 $0x4000, s31;
	s1 =	sadd.s32 s1, s30  }
0xba: {  	s0 =	sor.u32 s3, s0;
	s1 =	sshll.u32 s1, $0x11  }
0xbb: {  	s0 =	sor.u32 s1, s0  }
0xbc: {  	s0 =	sadd.s32 $0x8F2B, s0  }
0xbd: {  	[sflag:s0] =	ssyncadd.remote.s32 $0x1  }
0xbe: {  	_ =	sfence.sel $0xFFFF  }
0xbf: {  	[dreg:$0x0] =	wrdreg $0xFFFFFFFF;
	(pc) =	sbr.abs _section_cstart, $3  }
0xc0: {  	[dreg:$0x1] =	wrdreg $0xFFFFFFFF  }
0xc1: {  	_ =	task.clear_ibuf [dreg:s6], $0x2FFFF;
	_ =	strace $0x9FFFFFFF  }
0xc2: {  	(tm) =	ssettm $0x7FFFFFFF  }
0xc3: {  	_ =	shalt  }
tec
execute0_lowered:
.L_overlay_start_1:
0x0: {  	(tag) =	ssettag $0x1  }
0x1: {  	s0 =	rddreg [dreg:$0x0]  }
0x2: {  	s2 =	rddreg [dreg:$0x1]  }
0x3: {  	s1 =	srdreg.scid;
	s8 =	stileid.u32;
	s5 =	simm.s32 $0x0  }
0x4: {  	s19 =	simm.s32 $0x1B;
	s20 =	simm.s32 $0x4F00;
	s12 =	simm.s32 $0x5F00  }
0x5: {  	s14 =	simm.s32 $0x6F00;
	s16 =	simm.s32 $0x8F00;
	s15 =	simm.s32 $0xBF00  }
0x6: {  	s9 =	simm.s32 $0xDF00;
	s10 =	simm.s32 $0xEF00;
	s11 =	simm.s32 $0xFF00  }
0x7: {  	s30 =	simm.s32 $0x80;
	s1 =	sand.u32 $0x1, s1;
	s4 =	sand.u32 $0x3, s8  }
0x8: {  	[smem:$0x7FF] =	sst s5;
	s6 =	sshll.u32 s8, $0x3;
	s3 =	smul.u32 $0x4F000, s1  }
0x9: {  	s7 =	sadd.s32 $0x2800, s0;
	s22 =	smul.u32 $0x13C00, s4;
	_ =	strace $0x8000004A  }
0xa: {  	s4 =	sadd.s32 $0x16200, s0;
	s23 =	sand.u32 $0x60, s6;
	s24 =	sshll.u32 s1, $0x4  }
0xb: {  	s1 =	ssub.s32 $0x2, s1;
	s25 =	sor.u32 s8, s24;
	s8 =	smul.u32 $0x13C00, s8  }
0xc: {  	s26 =	sshrl.u32 s1, $0x1;
	s3 =	sadd.s32 s3, s22;
	s6 =	smul.u32 $0x2700, s25  }
0xd: {  	s1 =	ssub.s32 s1, s26;
	s28 =	smin.u32 s25, $0x3;
	p0 =	sgt.u32 s25, $0x3  }
0xe: {  	s3 =	sor.u32 s23, s3;
	s8 =	sshrl.u32 s8, $0x2;
	s31 =	smax.u32 s1, $0x1  }
0xf: {  	s1 =	simm.s32 $0x9F00;
	s3 =	sshrl.u32 s3, $0x3;
	s6 =	sshrl.u32 s6, $0x3  }
0x10: {  	s18 =	sadd.s32 s8, s2;
	[dreg:$0x9] =	wrdreg s31;
	s0 =	sadd.s32 s3, s0  }
0x11: {  	s6 =	sadd.s32 s7, s6;
	s3 =	sshll.u32 s28, $0x4;
	[dreg:$0x4] =	wrdreg s18  }
.Ltmp0:
0x12: {  	[dreg:$0x3] =	wrdreg s6;
	s6 =	sadd.s32 $0x9C40, s6;
	(pc) =	sbr.rel .LBB2_1-.Ltmp0, $4  }
0x13: {  	s3 =	sadd.s32 s3, s7;
	s0 =	sadd.s32 $0x20000, s0;
	[dreg:$0x5] =	wrdreg s6  }
0x14: {  	s8 =	simm.s32 $0xCF00;
	s29 =	sadd.s32 $0x9C00, s3;
	[dreg:$0x8] =	wrdreg s0  }
0x15: {  	s7 =	simm.s32 $0xAF00;
	s3 =	sadd.s32 $0x13840, s3;
	[dreg:$0x6] =	wrdreg s29  }
0x16: {  	v0 =	vimm.f32 $0.0e+00;
	s0 =	simm.s32 $0x7F00;
	[dreg:$0x7] =	wrdreg s3;
	s3 =	simm.s32 $0x0  }
.LBB2_8:
0x17: {  	s3 =	simm.s32 $0xE  }
0x18: {  	_ =	swait.ge [sflag:s3], $0x1000  }
0x19: {  	[sflag:s3] =	ssyncset.done $0x0  }
0x1a: {  	s25 =	simm.s32 $0xF;
	[sflag:s3] =	ssyncadd.s32 $0xFFFFF000  }
0x1b: {  	_ =	swait.ge [sflag:s25], $0x1000  }
0x1c: {  	[sflag:s25] =	ssyncset.done $0x0  }
0x1d: {  	s5 =	simm.s32 $0x10;
	[sflag:s25] =	ssyncadd.s32 $0xFFFFF000  }
0x1e: {  	_ =	swait.ge [sflag:s5], $0x1000  }
0x1f: {  	[sflag:s5] =	ssyncset.done $0x0  }
0x20: {  	s26 =	simm.s32 $0x11;
	[sflag:s5] =	ssyncadd.s32 $0xFFFFF000  }
0x21: {  	_ =	swait.ge [sflag:s26], $0x1000  }
0x22: {  	[sflag:s26] =	ssyncset.done $0x0  }
0x23: {  	s29 =	simm.s32 $0x12;
	[sflag:s26] =	ssyncadd.s32 $0xFFFFF000  }
0x24: {  	_ =	swait.ge [sflag:s29], $0x1000  }
0x25: {  	[sflag:s29] =	ssyncset.done $0x0  }
0x26: {  	s31 =	simm.s32 $0x13;
	[sflag:s29] =	ssyncadd.s32 $0xFFFFF000  }
0x27: {  	_ =	swait.ge [sflag:s31], $0x1000  }
0x28: {  	[sflag:s31] =	ssyncset.done $0x0  }
0x29: {  	s6 =	simm.s32 $0x14;
	[sflag:s31] =	ssyncadd.s32 $0xFFFFF000  }
0x2a: {  	_ =	swait.ge [sflag:s6], $0x1000  }
0x2b: {  	[sflag:s6] =	ssyncset.done $0x0  }
0x2c: {  	s13 =	simm.s32 $0x15;
	[sflag:s6] =	ssyncadd.s32 $0xFFFFF000  }
0x2d: {  	_ =	swait.ge [sflag:s13], $0x1000  }
0x2e: {  	[sflag:s13] =	ssyncset.done $0x0  }
0x2f: {  	s17 =	simm.s32 $0x16;
	[sflag:s13] =	ssyncadd.s32 $0xFFFFF000  }
0x30: {  	_ =	swait.ge [sflag:s17], $0x1000  }
0x31: {  	[sflag:s17] =	ssyncset.done $0x0  }
0x32: {  	s18 =	simm.s32 $0x17;
	[sflag:s17] =	ssyncadd.s32 $0xFFFFF000  }
0x33: {  	_ =	swait.ge [sflag:s18], $0x1000  }
0x34: {  	[sflag:s18] =	ssyncset.done $0x0  }
0x35: {  	s19 =	simm.s32 $0x18;
	[sflag:s18] =	ssyncadd.s32 $0xFFFFF000  }
0x36: {  	_ =	swait.ge [sflag:s19], $0x1000  }
0x37: {  	[sflag:s19] =	ssyncset.done $0x0  }
0x38: {  	s21 =	simm.s32 $0x19;
	[sflag:s19] =	ssyncadd.s32 $0xFFFFF000  }
0x39: {  	_ =	swait.ge [sflag:s21], $0x1000  }
0x3a: {  	[sflag:s21] =	ssyncset.done $0x0  }
0x3b: {  	s22 =	simm.s32 $0x1A;
	[sflag:s21] =	ssyncadd.s32 $0xFFFFF000  }
0x3c: {  	_ =	swait.ge [sflag:s22], $0x1000  }
0x3d: {  	s6 =	simm.s32 @!p0 $0x80;
	[sflag:s22] =	ssyncset.done $0x0  }
0x3e: {  	s13 =	simm.s32 @!p0 $0x2700;
	s17 =	simm.s32 @!p0 $0x4F00;
	[sflag:s22] =	ssyncadd.s32 $0xFFFFF000  }
0x3f: {  	[tilespmem:s17], [sflag:$0x1B] =	stream.indirect.gather @!p0 [hbm4b:s4+s6], $0x20, s13, s6, $0xb8;
	[tilespmem:$0x1BD00] =	vst v63  }
0x40: {  	s13 =	simm.s32 @!p0 $0x1B  }
0x41: {  	_ =	swait.ge @!p0 [sflag:s13], $0x1000  }
0x42: {  	[sflag:s13] =	ssyncset.done @!p0 $0x0  }
0x43: {  	s18 =	simm.s32 @!p0 $0x4E80;
	[sflag:s13] =	ssyncadd.s32 @!p0 $0xFFFFF000  }
0x44: {  	[spmem:s2] =	stream.indirect.scatter.add.f32 @!p0 [tilespmem:s17], [sflag:$0x1B], $0x20, s18, s6, $0xb8;
	[tilespmem:$0x1BD00] =	vst v63  }
0x45: {  	_ =	swait.ge @!p0 [sflag:s13], $0x1000  }
0x46: {  	[sflag:s13] =	ssyncset.done @!p0 $0x0  }
0x47: {  	[sflag:s13] =	ssyncadd.s32 @!p0 $0xFFFFF000  }
0x48: {  	s23 =	stileid.u32;
	s26 =	simm.s32 $0x1;
	[bflag:$0x0] =	sbarrier.arrive $0xFFFF  }
0x49: {  	s19 =	simm.s32 $0x1B;
	s6 =	sshll.u32 s23, $0x6;
	s18 =	rddreg [dreg:$0x4]  }
0x4a: {  	s6 =	sor.u32 $0x1C1B, s6;
	s25 =	rddreg [dreg:$0x8];
	s24 =	sshrl.u32 s18, $0x3  }
0x4b: {  	[hbm:s25@s5], [sflag:s6] =	dma.strided [spmem:s24@s28], $0x9E0, s26, $0x4   }
0x4c: {  	_ =	swait.ge [sflag:s19], $0x9E0  }
0x4d: {  	s29 =	rddreg [dreg:$0xa]  }
0x4e: {  	s31 =	rddreg [dreg:$0x9];
	s3 =	sadd.s32 $0x1, s29  }
0x4f: {  	p1 =	sne.s32 s3, s31  }
.Ltmp1:
0x50: {  	_ = 	snop;
	(pc) =	sbr.rel @!p1 .LBB2_9-.Ltmp1, $3  }
0x51: {  	_ =	sdelay $0x1  }
0x52: {  	[sflag:s19] =	ssyncset.done $0x0  }
0x53: {  	[sflag:s19] =	ssyncadd.s32 $0xFFFFF620  }
.LBB2_1:
0x54: {  	s6 =	simm.s32 $0x80;
	s13 =	simm.s32 $0x0  }
.LBB2_2:
0x55: {  	p1 =	sne.s32 s6, $0x13B80;
	[tilespmem:s13+$0x11F00] =	vst v0;
	s17 =	smov.u32 s6;
	s6 =	sadd.s32 $0x80, s6  }
.Ltmp2:
0x56: {  	[tilespmem:s13+$0x11F10] =	vst v0;
	(pc) =	sbr.rel @p1 .LBB2_2-.Ltmp2, $2  }
0x57: {  	_ =	sdelay $0x2  }
0x58: {  	s13 =	sshra.s32 s17, $0x2  }
0x59: {  	[tilespmem:s13+$0x11F00] =	vst v0  }
0x5a: {  	[dreg:$0xa] =	wrdreg s3;
	[tilespmem:s13+$0x11F10] =	vst v0;
	s6 =	simm.s32 $0x11F00  }
0x5b: {  	[spmem:s18] =	stream.linear.scatter [tilespmem:s6], [sflag:$0x1B], $0x4F00, $0x38;
	[tilespmem:$0x1BD00] =	vst v63  }
0x5c: {  	_ =	swait.ge [sflag:s19], $0x4F00  }
0x5d: {  	[sflag:s19] =	ssyncset.done $0x0  }
0x5e: {  	s23 =	simm.s32 $0x0;
	s24 =	rddreg [dreg:$0x3];
	[sflag:s19] =	ssyncadd.s32 $0xFFFFB100  }
0x5f: {  	[tilespmem:s23], [sflag:$0x1B] =	stream.linear.gather [hbm4b:s24+s23], $0x2700, $0x38;
	[tilespmem:$0x1BD00] =	vst v63  }
0x60: {  	_ =	swait.ge [sflag:s19], $0x2700  }
0x61: {  	[sflag:s19] =	ssyncset.done $0x0  }
0x62: {  	s17 =	simm.s32 $0x2780;
	s25 =	rddreg [dreg:$0x5];
	[sflag:s19] =	ssyncadd.s32 $0xFFFFD900  }
0x63: {  	[tilespmem:s17], [sflag:$0x1B] =	stream.linear.gather [hbm4b:s25+s23], $0x2700, $0x38;
	[tilespmem:$0x1BD00] =	vst v63  }
0x64: {  	_ =	swait.ge [sflag:s19], $0x2700  }
0x65: {  	[sflag:s19] =	ssyncset.done $0x0  }
0x66: {  	s28 =	simm.s32 $0x2700;
	s26 =	rddreg [dreg:$0x6];
	[sflag:s19] =	ssyncadd.s32 $0xFFFFD900  }
0x67: {  	[tilespmem:s28], [sflag:$0x1B] =	stream.linear.gather [hbm4b:s26+s23], $0x80, $0x38;
	[tilespmem:$0x1BD00] =	vst v63  }
0x68: {  	_ =	swait.ge [sflag:s19], $0x80  }
0x69: {  	[sflag:s19] =	ssyncset.done $0x0  }
0x6a: {  	s31 =	simm.s32 $0x4E80;
	s29 =	rddreg [dreg:$0x7];
	[sflag:s19] =	ssyncadd.s32 $0xFFFFFF80  }
0x6b: {  	[tilespmem:s31], [sflag:$0x1B] =	stream.linear.gather [hbm4b:s29+s23], $0x80, $0x38;
	[tilespmem:$0x1BD00] =	vst v63  }
.Ltmp3:
0x6c: {  	_ =	swait.ge [sflag:s19], $0x80;
	(pc) =	sbr.rel .LBB2_4-.Ltmp3, $4  }
0x6d: {  	[sflag:s19] =	ssyncset.done $0x0  }
0x6e: {  	[sflag:s19] =	ssyncadd.s32 $0xFFFFFF80  }
0x6f: {  	[bflag:$0x0] =	sbarrier.arrive $0xFFFF  }
0x70: {  	s13 =	simm.s32 $0x580;
	s6 =	simm.s32 $0x580  }
.LBB2_6:
0x71: {  	s3 =	simm.s32 $0xE  }
0x72: {  	_ =	swait.ge [sflag:s3], $0x1000  }
0x73: {  	[sflag:s3] =	ssyncset.done $0x0  }
0x74: {  	s17 =	sadd.s32 $0xFFFFFA80, s6;
	s19 =	simm.s32 $0xF;
	[sflag:s3] =	ssyncadd.s32 $0xFFFFF000  }
0x75: {  	[tilespmem:s20], [sflag:$0x1] =	stream.indirect.gather [hbm4b:s4+s30], $0x20, s17, s30, $0xb8;
	[tilespmem:$0x1BD00] =	vst v63  }
0x76: {  	_ =	swait.ge [sflag:s19], $0x1000  }
0x77: {  	[sflag:s19] =	ssyncset.done $0x0  }
0x78: {  	s21 =	simm.s32 $0x10;
	s20 =	sadd.s32 $0xFFFFFB00, s6;
	[sflag:s19] =	ssyncadd.s32 $0xFFFFF000  }
0x79: {  	[tilespmem:s12], [sflag:$0x2] =	stream.indirect.gather [hbm4b:s4+s30], $0x20, s20, s30, $0xb8;
	[tilespmem:$0x1BD00] =	vst v63  }
0x7a: {  	_ =	swait.ge [sflag:s21], $0x1000  }
0x7b: {  	[sflag:s21] =	ssyncset.done $0x0  }
0x7c: {  	s22 =	sadd.s32 $0xFFFFFB80, s6;
	s23 =	simm.s32 $0x11;
	[sflag:s21] =	ssyncadd.s32 $0xFFFFF000  }
0x7d: {  	[tilespmem:s14], [sflag:$0x3] =	stream.indirect.gather [hbm4b:s4+s30], $0x20, s22, s30, $0xb8;
	[tilespmem:$0x1BD00] =	vst v63  }
0x7e: {  	_ =	swait.ge [sflag:s23], $0x1000  }
0x7f: {  	[sflag:s23] =	ssyncset.done $0x0  }
0x80: {  	s24 =	sadd.s32 $0xFFFFFC00, s6;
	s25 =	simm.s32 $0x12;
	[sflag:s23] =	ssyncadd.s32 $0xFFFFF000  }
0x81: {  	[tilespmem:s0], [sflag:$0x4] =	stream.indirect.gather [hbm4b:s4+s30], $0x20, s24, s30, $0xb8;
	[tilespmem:$0x1BD00] =	vst v63  }
0x82: {  	_ =	swait.ge [sflag:s25], $0x1000  }
0x83: {  	[sflag:s25] =	ssyncset.done $0x0  }
0x84: {  	s26 =	sadd.s32 $0xFFFFFC80, s6;
	s31 =	simm.s32 $0x13;
	[sflag:s25] =	ssyncadd.s32 $0xFFFFF000  }
0x85: {  	[tilespmem:s16], [sflag:$0x5] =	stream.indirect.gather [hbm4b:s4+s30], $0x20, s26, s30, $0xb8;
	[tilespmem:$0x1BD00] =	vst v63  }
0x86: {  	_ =	swait.ge [sflag:s31], $0x1000  }
0x87: {  	[sflag:s31] =	ssyncset.done $0x0  }
0x88: {  	s5 =	simm.s32 $0x14;
	s3 =	sadd.s32 $0xFFFFFD00, s6;
	[sflag:s31] =	ssyncadd.s32 $0xFFFFF000  }
0x89: {  	[tilespmem:s1], [sflag:$0x6] =	stream.indirect.gather [hbm4b:s4+s30], $0x20, s3, s30, $0xb8;
	[tilespmem:$0x1BD00] =	vst v63  }
0x8a: {  	_ =	swait.ge [sflag:s5], $0x1000  }
0x8b: {  	[sflag:s5] =	ssyncset.done $0x0  }
0x8c: {  	s12 =	sadd.s32 $0xFFFFFD80, s6;
	s14 =	simm.s32 $0x15;
	[sflag:s5] =	ssyncadd.s32 $0xFFFFF000  }
0x8d: {  	[tilespmem:s7], [sflag:$0x7] =	stream.indirect.gather [hbm4b:s4+s30], $0x20, s12, s30, $0xb8;
	[tilespmem:$0x1BD00] =	vst v63  }
0x8e: {  	_ =	swait.ge [sflag:s14], $0x1000  }
0x8f: {  	s18 =	simm.s32 $0x16;
	[sflag:s14] =	ssyncset.done $0x0  }
0x90: {  	s28 =	sadd.s32 $0xFFFFFB00, s13;
	s16 =	sadd.s32 $0xFFFFFE00, s6;
	[sflag:s14] =	ssyncadd.s32 $0xFFFFF000  }
0x91: {  	[tilespmem:s15], [sflag:$0x8] =	stream.indirect.gather [hbm4b:s4+s30], $0x20, s16, s30, $0xb8;
	[tilespmem:$0x1BD00] =	vst v63  }
0x92: {  	s29 =	sadd.s32 $0xFFFFFB80, s13;
	s17 =	sadd.s32 $0xFFFFFA80, s13;
	_ =	swait.ge [sflag:s18], $0x1000  }
0x93: {  	s19 =	sadd.s32 $0xFFFFFE80, s6;
	s20 =	simm.s32 $0x17;
	[sflag:s18] =	ssyncset.done $0x0  }
0x94: {  	s21 =	sadd.s32 $0xFFFFFF00, s6;
	s22 =	simm.s32 $0x18;
	[sflag:s18] =	ssyncadd.s32 $0xFFFFF000  }
0x95: {  	[tilespmem:s8], [sflag:$0x9] =	stream.indirect.gather [hbm4b:s4+s30], $0x20, s19, s30, $0xb8;
	[tilespmem:$0x1BD00] =	vst v63  }
0x96: {  	s23 =	sadd.s32 $0xFFFFFF80, s6;
	s24 =	simm.s32 $0x19;
	_ =	swait.ge [sflag:s20], $0x1000  }
0x97: {  	s0 =	simm.s32 $0x6F00;
	s25 =	sadd.s32 $0xFFFFFC80, s13;
	[sflag:s20] =	ssyncset.done $0x0  }
0x98: {  	s26 =	sadd.s32 $0xFFFFFC00, s13;
	s31 =	simm.s32 $0x1A;
	[sflag:s20] =	ssyncadd.s32 $0xFFFFF000  }
0x99: {  	[tilespmem:s9], [sflag:$0xA] =	stream.indirect.gather [hbm4b:s4+s30], $0x20, s21, s30, $0xb8;
	[tilespmem:$0x1BD00] =	vst v63  }
0x9a: {  	s1 =	simm.s32 $0x8F00;
	s5 =	simm.s32 $0xFF00;
	_ =	swait.ge [sflag:s22], $0x1000  }
0x9b: {  	s7 =	simm.s32 $0x9F00;
	s12 =	simm.s32 $0x4F00;
	[sflag:s22] =	ssyncset.done $0x0  }
0x9c: {  	s14 =	simm.s32 $0x5F00;
	s15 =	simm.s32 $0xAF00;
	[sflag:s22] =	ssyncadd.s32 $0xFFFFF000  }
0x9d: {  	[tilespmem:s10], [sflag:$0xB] =	stream.indirect.gather [hbm4b:s4+s30], $0x20, s23, s30, $0xb8;
	[tilespmem:$0x1BD00] =	vst v63  }
0x9e: {  	s16 =	simm.s32 $0x7F00;
	s18 =	smov.u32 s13;
	_ =	swait.ge [sflag:s24], $0x1000  }
0x9f: {  	s19 =	sadd.s32 $0xFFFFFF80, s13;
	s8 =	simm.s32 $0xBF00;
	[sflag:s24] =	ssyncset.done $0x0  }
0xa0: {  	s20 =	sadd.s32 $0xFFFFFF00, s13;
	s21 =	sadd.s32 $0xFFFFFE80, s13;
	[sflag:s24] =	ssyncadd.s32 $0xFFFFF000  }
0xa1: {  	[tilespmem:s11], [sflag:$0xC] =	stream.indirect.gather [hbm4b:s4+s30], $0x20, s6, s30, $0xb8;
	[tilespmem:$0x1BD00] =	vst v63  }
0xa2: {  	s9 =	simm.s32 $0xCF00;
	s22 =	sadd.s32 $0xFFFFFE00, s13;
	_ =	swait.ge [sflag:s31], $0x1000  }
0xa3: {  	s23 =	sadd.s32 $0xFFFFFD80, s13;
	s10 =	simm.s32 $0xDF00;
	[sflag:s31] =	ssyncset.done $0x0  }
0xa4: {  	s24 =	sadd.s32 $0xFFFFFD00, s13;
	s11 =	simm.s32 $0xEF00;
	[sflag:s31] =	ssyncadd.s32 $0xFFFFF000  }
.LBB2_7:
0xa5: {  	s31 =	sadd.s32 $0x600, s17;
	s3 =	simm.s32 $0x10F00  }
0xa6: {  	[tilespmem:s3], [sflag:$0xD] =	stream.indirect.gather [hbm4b:s4+s30], $0x20, s31, s30, $0xb8;
	[tilespmem:$0x1BD00] =	vst v63  }
0xa7: {  	s31 =	simm.s32 $0x1  }
0xa8: {  	_ =	swait.ge [sflag:s31], $0x1000  }
0xa9: {  	[sflag:s31] =	ssyncset.done $0x0  }
0xaa: {  	[sflag:s31] =	ssyncadd.s32 $0xFFFFF000;
	s31 =	sadd.s32 $0x2780, s17  }
0xab: {  	[spmem:s2] =	stream.indirect.scatter.add.f32 [tilespmem:s12], [sflag:$0xE], $0x20, s31, s30, $0xb8;
	[tilespmem:$0x1BD00] =	vst v63  }
0xac: {  	s31 =	simm.s32 $0x2  }
0xad: {  	_ =	swait.ge [sflag:s31], $0x1000  }
0xae: {  	[sflag:s31] =	ssyncset.done $0x0  }
0xaf: {  	s28 =	sadd.s32 $0x2780, s28;
	[sflag:s31] =	ssyncadd.s32 $0xFFFFF000  }
0xb0: {  	[spmem:s2] =	stream.indirect.scatter.add.f32 [tilespmem:s14], [sflag:$0xF], $0x20, s28, s30, $0xb8;
	[tilespmem:$0x1BD00] =	vst v63  }
0xb1: {  	s14 =	simm.s32 $0x3  }
0xb2: {  	_ =	swait.ge [sflag:s14], $0x1000  }
0xb3: {  	[sflag:s14] =	ssyncset.done $0x0  }
0xb4: {  	s28 =	sadd.s32 $0x2780, s29;
	s29 =	simm.s32 $0x4;
	[sflag:s14] =	ssyncadd.s32 $0xFFFFF000  }
0xb5: {  	[spmem:s2] =	stream.indirect.scatter.add.f32 [tilespmem:s0], [sflag:$0x10], $0x20, s28, s30, $0xb8;
	[tilespmem:$0x1BD00] =	vst v63  }
0xb6: {  	_ =	swait.ge [sflag:s29], $0x1000  }
0xb7: {  	[sflag:s29] =	ssyncset.done $0x0  }
0xb8: {  	s26 =	sadd.s32 $0x2780, s26;
	s31 =	simm.s32 $0x5;
	[sflag:s29] =	ssyncadd.s32 $0xFFFFF000  }
0xb9: {  	[spmem:s2] =	stream.indirect.scatter.add.f32 [tilespmem:s16], [sflag:$0x11], $0x20, s26, s30, $0xb8;
	[tilespmem:$0x1BD00] =	vst v63  }
0xba: {  	_ =	swait.ge [sflag:s31], $0x1000  }
0xbb: {  	[sflag:s31] =	ssyncset.done $0x0  }
0xbc: {  	s25 =	sadd.s32 $0x2780, s25;
	s12 =	simm.s32 $0x6;
	[sflag:s31] =	ssyncadd.s32 $0xFFFFF000  }
0xbd: {  	[spmem:s2] =	stream.indirect.scatter.add.f32 [tilespmem:s1], [sflag:$0x12], $0x20, s25, s30, $0xb8;
	[tilespmem:$0x1BD00] =	vst v63  }
0xbe: {  	_ =	swait.ge [sflag:s12], $0x1000  }
0xbf: {  	[sflag:s12] =	ssyncset.done $0x0  }
0xc0: {  	s24 =	sadd.s32 $0x2780, s24;
	s14 =	simm.s32 $0x7;
	[sflag:s12] =	ssyncadd.s32 $0xFFFFF000  }
0xc1: {  	[spmem:s2] =	stream.indirect.scatter.add.f32 [tilespmem:s7], [sflag:$0x13], $0x20, s24, s30, $0xb8;
	[tilespmem:$0x1BD00] =	vst v63  }
0xc2: {  	_ =	swait.ge [sflag:s14], $0x1000  }
0xc3: {  	[sflag:s14] =	ssyncset.done $0x0  }
0xc4: {  	s23 =	sadd.s32 $0x2780, s23;
	s16 =	simm.s32 $0x8;
	[sflag:s14] =	ssyncadd.s32 $0xFFFFF000  }
0xc5: {  	[spmem:s2] =	stream.indirect.scatter.add.f32 [tilespmem:s15], [sflag:$0x14], $0x20, s23, s30, $0xb8;
	[tilespmem:$0x1BD00] =	vst v63  }
0xc6: {  	_ =	swait.ge [sflag:s16], $0x1000  }
0xc7: {  	[sflag:s16] =	ssyncset.done $0x0  }
0xc8: {  	s22 =	sadd.s32 $0x2780, s22;
	s23 =	simm.s32 $0x9;
	[sflag:s16] =	ssyncadd.s32 $0xFFFFF000  }
0xc9: {  	[spmem:s2] =	stream.indirect.scatter.add.f32 [tilespmem:s8], [sflag:$0x15], $0x20, s22, s30, $0xb8;
	[tilespmem:$0x1BD00] =	vst v63  }
0xca: {  	_ =	swait.ge [sflag:s23], $0x1000  }
0xcb: {  	[sflag:s23] =	ssyncset.done $0x0  }
0xcc: {  	s21 =	sadd.s32 $0x2780, s21;
	s24 =	simm.s32 $0xA;
	[sflag:s23] =	ssyncadd.s32 $0xFFFFF000  }
0xcd: {  	[spmem:s2] =	stream.indirect.scatter.add.f32 [tilespmem:s9], [sflag:$0x16], $0x20, s21, s30, $0xb8;
	[tilespmem:$0x1BD00] =	vst v63  }
0xce: {  	_ =	swait.ge [sflag:s24], $0x1000  }
0xcf: {  	s20 =	sadd.s32 $0x2780, s20;
	[sflag:s24] =	ssyncset.done $0x0  }
0xd0: {  	s19 =	sadd.s32 $0x2780, s19;
	s25 =	simm.s32 $0xB;
	[sflag:s24] =	ssyncadd.s32 $0xFFFFF000  }
0xd1: {  	[spmem:s2] =	stream.indirect.scatter.add.f32 [tilespmem:s10], [sflag:$0x17], $0x20, s20, s30, $0xb8;
	[tilespmem:$0x1BD00] =	vst v63  }
0xd2: {  	s18 =	sadd.s32 $0x2780, s18;
	s13 =	sadd.s32 $0x680, s13;
	_ =	swait.ge [sflag:s25], $0x1000  }
0xd3: {  	s6 =	sadd.s32 $0x680, s6;
	p1 =	sne.s32 s13, $0x2C80;
	[sflag:s25] =	ssyncset.done $0x0  }
0xd4: {  	s28 =	simm.s32 $0x4;
	s26 =	simm.s32 $0xC;
	[sflag:s25] =	ssyncadd.s32 $0xFFFFF000  }
0xd5: {  	[spmem:s2] =	stream.indirect.scatter.add.f32 [tilespmem:s11], [sflag:$0x18], $0x20, s19, s30, $0xb8;
	[tilespmem:$0x1BD00] =	vst v63  }
0xd6: {  	s0 =	simm.s32 $0x7F00;
	s29 =	simm.s32 $0xD;
	_ =	swait.ge [sflag:s26], $0x1000  }
0xd7: {  	s31 =	sadd.s32 $0x2D80, s17;
	s1 =	simm.s32 $0x9F00;
	[sflag:s26] =	ssyncset.done $0x0  }
0xd8: {  	s12 =	simm.s32 $0x5F00;
	s7 =	simm.s32 $0xAF00;
	[sflag:s26] =	ssyncadd.s32 $0xFFFFF000  }
0xd9: {  	[spmem:s2] =	stream.indirect.scatter.add.f32 [tilespmem:s5], [sflag:$0x19], $0x20, s18, s30, $0xb8;
	[tilespmem:$0x1BD00] =	vst v63  }
.Ltmp4:
0xda: {  	s14 =	simm.s32 $0x6F00;
	s15 =	simm.s32 $0xBF00;
	(pc) =	sbr.rel @!p1 .LBB2_8-.Ltmp4, $4  }
0xdb: {  	s16 =	simm.s32 $0x8F00;
	s8 =	simm.s32 $0xCF00;
	_ =	swait.ge [sflag:s29], $0x1000  }
0xdc: {  	s9 =	simm.s32 $0xDF00;
	s20 =	simm.s32 $0x4F00;
	[sflag:s29] =	ssyncset.done $0x0  }
0xdd: {  	s10 =	simm.s32 $0xEF00;
	s11 =	simm.s32 $0xFF00;
	[sflag:s29] =	ssyncadd.s32 $0xFFFFF000  }
0xde: {  	[spmem:s2] =	stream.indirect.scatter.add.f32 [tilespmem:s3], [sflag:$0x1A], $0x20, s31, s30, $0xb8;
	[tilespmem:$0x1BD00] =	vst v63  }
.LBB2_4:
0xdf: {  	p1 =	sne.s32 s13, $0x580  }
.Ltmp5:
0xe0: {  	_ = 	snop;
	(pc) =	sbr.rel @p1 .LBB2_6-.Ltmp5, $1  }
0xe1: {  	_ =	sdelay $0x3  }
0xe2: {  	s28 =	simm.s32 $0x80;
	s17 =	simm.s32 $0x0  }
0xe3: {  	[tilespmem:s20], [sflag:$0x1] =	stream.indirect.gather [hbm4b:s4+s28], $0x20, s17, s28, $0xb8;
	[tilespmem:$0x1BD00] =	vst v63  }
0xe4: {  	_ = 	snop  }
0xe5: {  	[tilespmem:s12], [sflag:$0x2] =	stream.indirect.gather [hbm4b:s4+s28], $0x20, s28, s28, $0xb8;
	[tilespmem:$0x1BD00] =	vst v63  }
0xe6: {  	s29 =	simm.s32 $0x100  }
0xe7: {  	[tilespmem:s14], [sflag:$0x3] =	stream.indirect.gather [hbm4b:s4+s28], $0x20, s29, s28, $0xb8;
	[tilespmem:$0x1BD00] =	vst v63  }
0xe8: {  	s26 =	simm.s32 $0x180  }
0xe9: {  	[tilespmem:s0], [sflag:$0x4] =	stream.indirect.gather [hbm4b:s4+s28], $0x20, s26, s28, $0xb8;
	[tilespmem:$0x1BD00] =	vst v63  }
0xea: {  	s25 =	simm.s32 $0x200  }
0xeb: {  	[tilespmem:s16], [sflag:$0x5] =	stream.indirect.gather [hbm4b:s4+s28], $0x20, s25, s28, $0xb8;
	[tilespmem:$0x1BD00] =	vst v63  }
0xec: {  	s24 =	simm.s32 $0x280  }
0xed: {  	[tilespmem:s1], [sflag:$0x6] =	stream.indirect.gather [hbm4b:s4+s28], $0x20, s24, s28, $0xb8;
	[tilespmem:$0x1BD00] =	vst v63  }
0xee: {  	s23 =	simm.s32 $0x300  }
0xef: {  	[tilespmem:s7], [sflag:$0x7] =	stream.indirect.gather [hbm4b:s4+s28], $0x20, s23, s28, $0xb8;
	[tilespmem:$0x1BD00] =	vst v63  }
0xf0: {  	s22 =	simm.s32 $0x380;
	s21 =	simm.s32 $0x400;
	s19 =	simm.s32 $0x500  }
0xf1: {  	[tilespmem:s15], [sflag:$0x8] =	stream.indirect.gather [hbm4b:s4+s28], $0x20, s22, s28, $0xb8;
	[tilespmem:$0x1BD00] =	vst v63  }
0xf2: {  	s18 =	simm.s32 $0x580;
	s5 =	simm.s32 $0xFF00;
	s20 =	simm.s32 $0x480  }
0xf3: {  	[tilespmem:s8], [sflag:$0x9] =	stream.indirect.gather [hbm4b:s4+s28], $0x20, s21, s28, $0xb8;
	[tilespmem:$0x1BD00] =	vst v63  }
0xf4: {  	s12 =	simm.s32 $0x4F00;
	s14 =	simm.s32 $0x5F00;
	s0 =	simm.s32 $0x6F00  }
0xf5: {  	[tilespmem:s9], [sflag:$0xA] =	stream.indirect.gather [hbm4b:s4+s28], $0x20, s20, s28, $0xb8;
	[tilespmem:$0x1BD00] =	vst v63  }
.Ltmp6:
0xf6: {  	s16 =	simm.s32 $0x7F00;
	s1 =	simm.s32 $0x8F00;
	(pc) =	sbr.rel .LBB2_7-.Ltmp6, $4  }
0xf7: {  	[tilespmem:s10], [sflag:$0xB] =	stream.indirect.gather [hbm4b:s4+s28], $0x20, s19, s28, $0xb8;
	[tilespmem:$0x1BD00] =	vst v63  }
0xf8: {  	s7 =	simm.s32 $0x9F00;
	s15 =	simm.s32 $0xAF00;
	s8 =	simm.s32 $0xBF00  }
0xf9: {  	[tilespmem:s11], [sflag:$0xC] =	stream.indirect.gather [hbm4b:s4+s28], $0x20, s18, s28, $0xb8;
	[tilespmem:$0x1BD00] =	vst v63  }
0xfa: {  	s9 =	simm.s32 $0xCF00;
	s10 =	simm.s32 $0xDF00;
	s11 =	simm.s32 $0xEF00  }
.LBB2_9:
0xfb: {  	_ =	sfence.sel $0x180000  }
0xfc: {  	[bflag:$0x0] =	sbarrier.arrive $0xFFFF  }
0xfd: {  	_ =	strace $0x9000004A  }
0xfe: {  	s0 =	stileid.u32;
	[bflag:$0x2] =	sbarrier.arrive $0xFFFF  }
0xff: {  	p0 =	sne.s32 s0, $0x0;
	s0 =	rddreg [dreg:$0x2]  }
0x100: {  	s0 =	sadd.s32 @!p0 $0x100000, s0  }
0x101: {  	[sflag:s0] =	ssyncadd.tile.s32 @!p0 $0x1;
	_ =	shalt  }
.Lfunc_end2:
_tile_overlayer_lowered:
.L_overlay_start_2:
0x102: {  	(tag) =	ssettag $0x2  }
0x103: {  	s0 =	rddreg [dreg:$0x0];
	s2 =	stileid.u32  }
0x104: {  	s1 =	rddreg [dreg:$0x1];
	p0 =	sne.s32 s2, $0x0  }
0x105: {  	s3 =	rddreg [dreg:$0x2];
	[bflag:$0x3] =	sbarrier.arrive $0xFFFF;
	s2 =	simm.s32 @!p0 $0x1C1B  }
0x106: {  	[timem:s3], [sflag:s2] =	dma.local @!p0 [hbm:s0], s1  }
0x107: {  	s0 =	simm.s32 @!p0 $0x1B  }
0x108: {  	_ =	swait.ge @!p0 [sflag:s0], s1  }
0x109: {  	s1 =	ssub.s32 @!p0 $0x0, s1;
	[sflag:s0] =	ssyncset.done @!p0 $0x0  }
0x10a: {  	[sflag:s0] =	ssyncadd.s32 @!p0 s1  }
0x10b: {  	[bflag:$0x3] =	sbarrier.arrive $0xFFFF  }
0x10c: {  	_ =	shalt  }

// kernel: kernel.15.cloned.1.call-start
scs
__scs_entry_jumppad:
0x0: {  	(pc) =	sbr.rel $0x88, $3  }
0x1: {  	(tag) =	ssettag $0x0;
	lr =	simm.s32 $0x1  }
0x2: {  	[smem:$0x3F99] =	sst lr;
	_ =	strace $0xD0000000  }
0x3: {  	_ = 	snop  }
0x4: {  	_ = 	snop  }
0x5: {  	_ = 	snop  }
0x6: {  	_ = 	snop  }
0x7: {  	_ = 	snop  }
__scs_overlays_trampoline_lowered:
0x8: {  	[smem:$0x3FA8] =	sst s0  }
0x9: {  	[smem:$0x3FA9] =	sst s1  }
0xa: {  	[smem:$0x3FAA] =	sst s2  }
0xb: {  	[smem:$0x3FAB] =	sst s3  }
0xc: {  	[smem:$0x3FAC] =	sst s4  }
0xd: {  	[smem:$0x3FAD] =	sst s5  }
0xe: {  	[smem:$0x3FAE] =	sst s6  }
0xf: {  	[smem:$0x3FAF] =	sst s7  }
0x10: {  	[smem:$0x3FB0] =	sst s8  }
0x11: {  	[smem:$0x3FB1] =	sst s9;
	s0 =	simm.s32 @!p0 $0x0  }
0x12: {  	s1 =	sld [smem:$0x3F97];
	s0 =	simm.s32 @p0 $0x1  }
0x13: {  	[smem:$0x3FB2] =	sst s0;
	s0 =	simm.s32 @!p1 $0x0  }
0x14: {  	s2 =	sld [smem:$0x3F96];
	s0 =	simm.s32 @p1 $0x1  }
0x15: {  	[smem:$0x3FB3] =	sst s0;
	s0 =	simm.s32 @!p2 $0x0  }
0x16: {  	s3 =	sld [smem:$0x3FDB];
	s0 =	simm.s32 @p2 $0x1  }
0x17: {  	s4 =	simm.s32 $0x1BF5;
	[smem:$0x3FB5] =	sst s0  }
0x18: {  	s0 =	sld [smem:$0x3F98];
	_ =	swait.ge [sflag:s4], $0x0  }
0x19: {  	s7 =	sld [smem:$0x3F99]  }
0x1a: {  	s8 =	sadd.s32 $0xFFFFE003, lr  }
0x1b: {  	s9 =	sadd.s32 $0xFFFFFEF7, lr;
	s5 =	simm.s32 $0xFFFFFFFF;
	p2 =	slt.u32 s8, $0xFFFFF086  }
0x1c: {  	p1 =	slt.u32 s9, $0xF7A;
	s5 =	simm.s32 @!p2 $0x0  }
0x1d: {  	s5 =	simm.s32 @p1 $0x1;
	p0 =	seq.s32 s7, s2  }
0x1e: {  	s7 =	smul.u32 @!p0 $0xF7A, s2;
	p2 =	seq.s32 @!p0 s5, $0x0  }
0x1f: {  	s9 =	smul.u32 $0xF7A, s1;
	s8 =	simm.s32 @!p0 $0x1BF5;
	p2 =	por !p2, p0  }
0x20: {  	[sflag:s8] =	ssyncset.s32 @!p0 $0xFFFFF086;
	s6 =	sadd.s32 @!p0 s3, s7;
	s7 =	simm.s32 @!p0 $0x108  }
0x21: {  	s3 =	sadd.s32 s3, s9;
	s6 =	sadd.s32 @!p0 $0x88, s6;
	s7 =	simm.s32 @p2 $0x1082  }
0x22: {  	[simem:s7], [sflag:s8] =	dma.local @!p0 [hbm:s6], $0xF7A  }
0x23: {  	s9 =	sor.u32 $0xD0000000, s2;
	s6 =	simm.s32 $0x108;
	_ =	swait.ge @!p0 [sflag:s8], $0x0  }
0x24: {  	s3 =	sadd.s32 $0x88, s3;
	s6 =	simm.s32 @!p1 $0x1082;
	[sflag:s4] =	ssyncset.s32 $0xFFFFF086  }
0x25: {  	[simem:s6], [sflag:s4] =	dma.local [hbm:s3], $0xF7A  }
0x26: {  	[smem:$0x3F99] =	sst s1;
	(tag) =	ssettag s2;
	_ =	strace s9  }
0x27: {  	s1 =	sld [smem:$0x3FA9]  }
0x28: {  	s2 =	sld [smem:$0x3FAA]  }
0x29: {  	s4 =	sld [smem:$0x3FAC]  }
0x2a: {  	p0 =	seq.s32 s5, $0x0;
	s5 =	sld [smem:$0x3FAD]  }
0x2b: {  	s6 =	sld [smem:$0x3FAE]  }
0x2c: {  	s7 =	sld [smem:$0x3FAF]  }
0x2d: {  	s3 =	simm.s32 $0x108;
	s8 =	sld [smem:$0x3FB0]  }
0x2e: {  	s3 =	simm.s32 @!p0 $0x1082;
	s9 =	sld [smem:$0x3FB1]  }
0x2f: {  	lr =	sadd.s32 s0, s3;
	s0 =	sld [smem:$0x3FA8]  }
0x30: {  	s3 =	sld [smem:$0x3FAB]  }
0x31: {  	[smem:$0x3FB4] =	sst s10  }
0x32: {  	s10 =	sld [smem:$0x3FB2];
	_ =	sdelay $0x3  }
0x33: {  	p0 =	seq.s32 s10, $0x1;
	s10 =	sld [smem:$0x3FB4];
	_ =	sdelay $0x3  }
0x34: {  	[smem:$0x3FB4] =	sst s10  }
0x35: {  	s10 =	sld [smem:$0x3FB3];
	_ =	sdelay $0x3  }
0x36: {  	p1 =	seq.s32 s10, $0x1;
	s10 =	sld [smem:$0x3FB4];
	_ =	sdelay $0x3  }
0x37: {  	[smem:$0x3FB4] =	sst s10  }
0x38: {  	s10 =	sld [smem:$0x3FB5]  }
0x39: {  	_ = 	snop;
	(pc) =	sbr.ind lr, $3  }
0x3a: {  	_ = 	snop  }
0x3b: {  	_ = 	snop  }
0x3c: {  	p2 =	seq.s32 s10, $0x1;
	s10 =	sld [smem:$0x3FB4]  }
0x3d: {  	_ =	shalt  }
0x3e: {  	_ =	shalt  }
0x3f: {  	_ =	shalt  }
0x40: {  	_ =	shalt  }
0x41: {  	_ =	shalt  }
0x42: {  	_ =	shalt  }
0x43: {  	_ =	shalt  }
0x44: {  	_ =	shalt  }
0x45: {  	_ =	shalt  }
0x46: {  	_ =	shalt  }
0x47: {  	_ =	shalt  }
0x48: {  	_ =	shalt  }
0x49: {  	_ =	shalt  }
0x4a: {  	_ =	shalt  }
0x4b: {  	_ =	shalt  }
0x4c: {  	_ =	shalt  }
0x4d: {  	_ =	shalt  }
0x4e: {  	_ =	shalt  }
0x4f: {  	_ =	shalt  }
0x50: {  	_ =	shalt  }
0x51: {  	_ =	shalt  }
0x52: {  	_ =	shalt  }
0x53: {  	_ =	shalt  }
0x54: {  	_ =	shalt  }
0x55: {  	_ =	shalt  }
0x56: {  	_ =	shalt  }
0x57: {  	_ =	shalt  }
0x58: {  	_ =	shalt  }
0x59: {  	_ =	shalt  }
0x5a: {  	_ =	shalt  }
0x5b: {  	_ =	shalt  }
0x5c: {  	_ =	shalt  }
0x5d: {  	_ =	shalt  }
0x5e: {  	_ =	shalt  }
0x5f: {  	_ =	shalt  }
0x60: {  	_ =	shalt  }
0x61: {  	_ =	shalt  }
0x62: {  	_ =	shalt  }
0x63: {  	_ =	shalt  }
0x64: {  	_ =	shalt  }
0x65: {  	_ =	shalt  }
0x66: {  	_ =	shalt  }
0x67: {  	_ =	shalt  }
0x68: {  	_ =	shalt  }
0x69: {  	_ =	shalt  }
0x6a: {  	_ =	shalt  }
0x6b: {  	_ =	shalt  }
0x6c: {  	_ =	shalt  }
0x6d: {  	_ =	shalt  }
0x6e: {  	_ =	shalt  }
0x6f: {  	_ =	shalt  }
0x70: {  	_ =	shalt  }
0x71: {  	_ =	shalt  }
0x72: {  	_ =	shalt  }
0x73: {  	_ =	shalt  }
0x74: {  	_ =	shalt  }
0x75: {  	_ =	shalt  }
0x76: {  	_ =	shalt  }
0x77: {  	_ =	shalt  }
0x78: {  	_ =	shalt  }
0x79: {  	_ =	shalt  }
0x7a: {  	_ =	shalt  }
0x7b: {  	_ =	shalt  }
0x7c: {  	_ =	shalt  }
0x7d: {  	_ =	shalt  }
0x7e: {  	_ =	shalt  }
0x7f: {  	_ =	shalt  }
0x80: {  	_ =	shalt  }
0x81: {  	_ =	shalt  }
0x82: {  	_ =	shalt  }
0x83: {  	_ =	shalt  }
0x84: {  	_ =	shalt  }
0x85: {  	_ =	shalt  }
0x86: {  	_ =	shalt  }
0x87: {  	_ =	shalt  }
.Lfunc_end0:
.L_simem_size_0:
called_computation.2_lowered:
.L_overlay_start_0:
0x88: {  	s2 =	sld [smem:$0x3FD9]  }
0x89: {  	s3 =	sld [smem:$0x3FFE];
	_ =	sdelay $0x1  }
0x8a: {  	s1 =	srdreg.scid  }
0x8b: {  	s0 =	sand.u32 $0x1, s1  }
0x8c: {  	s16 =	sshll.u32 s0, $0xA;
	s2 =	sadd.s32 s3, s2  }
0x8d: {  	s2 =	sadd.s32 s2, s16  }
0x8e: {  	[smem:$0x3FC0] =	sst s2  }
0x8f: {  	_ = 	snop  }
0x90: {  	(tm) =	ssettm $0x1  }
0x91: {  	s17 =	sld [smem:$0x3FFB];
	_ =	sdelay $0x3  }
0x92: {  	_ =	strace s17  }
0x93: {  	s2 =	sld [smem:$0x3FFC];
	_ =	sdelay $0x3  }
0x94: {  	_ =	strace s2  }
0x95: {  	s2 =	sld [smem:$0x3FFD];
	_ =	sdelay $0x3  }
0x96: {  	_ =	strace s2  }
0x97: {  	_ =	strace $0x8FFFFFFF  }
0x98: {  	s18 =	sld [smem:$0x3FDB];
	_ =	sdelay $0x1  }
0x99: {  	s19 =	simm.s32 $_scs_section_size  }
0x9a: {  	s4 =	simm.s32 $_size__tile_overlayer_lowered;
	s5 =	simm.s32 $_tile_overlayer_lowered  }
0x9b: {  	s22 =	simm.s32 $0x1BFF;
	s21 =	sshll.u32 s5, $0x1;
	s2 =	sadd.s32 s19, s18  }
0x9c: {  	s6 =	simm.s32 $0x0;
	s20 =	sshll.u32 s4, $0x1;
	s4 =	sadd.s32 s21, s2  }
0x9d: {  	[timem:s6], [sflag:s22] =	dma.local [hbm:s4], s20  }
0x9e: {  	_ =	swait.ge [sflag:s22], s20  }
0x9f: {  	s3 =	ssub.s32 $0x0, s20;
	[sflag:s22] =	ssyncset.done $0x0  }
0xa0: {  	[sflag:s22] =	ssyncadd.s32 s3;
	_ =	sdelay $0x1  }
0xa1: {  	s23 =	simm.s32 $0x1B8B  }
0xa2: {  	_ =	swait.ge [sflag:s23], $0x1  }
0xa3: {  	[sflag:s23] =	ssyncset.done $0x0  }
0xa4: {  	s25 =	simm.s32 $0x1B8E;
	s24 =	sld [smem:$0x3FFE];
	[sflag:s23] =	ssyncadd.s32 $0xFFFFFFFF  }
0xa5: {  	s26 =	simm.s32 $execute0_lowered;
	[smem:$0x3FD2] =	sst s25  }
0xa6: {  	s4 =	sshll.u32 s26, $0x1;
	_ =	strace $0x8000004C;
	[dreg:$0x1] =	wrdreg $0xFFFFFFFF  }
0xa7: {  	s28 =	simm.s32 $_size_execute0_lowered;
	s2 =	sadd.s32 s2, s4;
	[dreg:$0x0] =	wrdreg $0x0  }
0xa8: {  	s4 =	sshll.u32 s28, $0x1;
	[dreg:$0x2] =	wrdreg s2  }
0xa9: {  	[dreg:$0x3] =	wrdreg s4  }
0xaa: {  	[dreg:$0x4] =	wrdreg $0xC0  }
0xab: {  	_ =	task [dreg:s6], $0x5FFFF  }
0xac: {  	[dreg:$0x1] =	wrdreg $0xFFFFFFFF  }
0xad: {  	[dreg:$0x0] =	wrdreg $0x60  }
0xae: {  	[dreg:$0x2] =	wrdreg s24  }
0xaf: {  	[dreg:$0x3] =	wrdreg $0xDE800  }
0xb0: {  	[dreg:$0x4] =	wrdreg $0x9  }
0xb1: {  	_ =	task.clear_ibuf [dreg:s6], $0x5FFFF;
	_ =	strace $0x9000004C  }
0xb2: {  	s29 =	simm.s32 $0x9;
	_ =	strace $0x8000004E  }
0xb3: {  	_ =	swait.ge [sflag:s29], $0x1  }
0xb4: {  	[sflag:s29] =	ssyncadd.s32 $0xFFFFFFFF  }
0xb5: {  	_ =	strace $0x9000004E  }
0xb6: {  	_ =	sfence  }
0xb7: {  	s30 =	sld [smem:$0x0];
	_ =	sdelay $0x2  }
0xb8: {  	s31 =	sshll.u32 s1, $0xD;
	s1 =	sshrl.u32 s1, $0x2  }
0xb9: {  	s3 =	sand.u32 $0x4000, s31;
	s1 =	sadd.s32 s1, s30  }
0xba: {  	s0 =	sor.u32 s3, s0;
	s1 =	sshll.u32 s1, $0x11  }
0xbb: {  	s0 =	sor.u32 s1, s0  }
0xbc: {  	s0 =	sadd.s32 $0x8F2B, s0  }
0xbd: {  	[sflag:s0] =	ssyncadd.remote.s32 $0x1  }
0xbe: {  	_ =	sfence.sel $0xFFFF  }
0xbf: {  	[dreg:$0x0] =	wrdreg $0xFFFFFFFF;
	(pc) =	sbr.abs _section_cstart, $3  }
0xc0: {  	[dreg:$0x1] =	wrdreg $0xFFFFFFFF  }
0xc1: {  	_ =	task.clear_ibuf [dreg:s6], $0x2FFFF;
	_ =	strace $0x9FFFFFFF  }
0xc2: {  	(tm) =	ssettm $0x7FFFFFFF  }
0xc3: {  	_ =	shalt  }
tec
execute0_lowered:
.L_overlay_start_1:
0x0: {  	(tag) =	ssettag $0x1  }
0x1: {  	s0 =	rddreg [dreg:$0x0]  }
0x2: {  	s1 =	rddreg [dreg:$0x1];
	s2 =	simm.s32 $0x0;
	s22 =	srdreg.scid  }
0x3: {  	s8 =	stileid.u32;
	s18 =	simm.s32 $0x1B;
	s19 =	simm.s32 $0x4F00  }
0x4: {  	s14 =	simm.s32 $0x5700;
	s15 =	simm.s32 $0x5F00;
	s16 =	simm.s32 $0x6F00  }
0x5: {  	s12 =	simm.s32 $0x7700;
	s9 =	simm.s32 $0x9700;
	s10 =	simm.s32 $0x9F00  }
0x6: {  	s11 =	simm.s32 $0xA700;
	s30 =	simm.s32 $0x80;
	[smem:$0x7FF] =	sst s2  }
0x7: {  	s2 =	sand.u32 $0x1, s22;
	s3 =	sand.u32 $0x1, s8;
	s4 =	sadd.s32 $0x16200, s0  }
0x8: {  	s6 =	sshll.u32 s8, $0x3;
	s7 =	sadd.s32 $0x2800, s0;
	_ =	strace $0x8000004D  }
0x9: {  	s5 =	smul.u32 $0x27800, s2;
	p0 =	seq.s32 s3, $0x1;
	s3 =	simm.s32 $0x13C00  }
0xa: {  	s23 =	sand.u32 $0x70, s6;
	s24 =	sshll.u32 s2, $0x4;
	s2 =	ssub.s32 $0x2, s2  }
0xb: {  	s3 =	simm.s32 @!p0 $0x0;
	s25 =	sor.u32 s8, s24;
	s8 =	smul.u32 $0x9E00, s8  }
0xc: {  	s26 =	sshrl.u32 s2, $0x1;
	s3 =	sadd.s32 s5, s3;
	s6 =	smul.u32 $0x2700, s25  }
0xd: {  	s2 =	ssub.s32 s2, s26;
	s28 =	smin.u32 s25, $0x3;
	p0 =	sgt.u32 s25, $0x3  }
0xe: {  	s3 =	sor.u32 s23, s3;
	s8 =	sshrl.u32 s8, $0x2;
	s31 =	smax.u32 s2, $0x1  }
0xf: {  	s2 =	simm.s32 $0x7F00;
	s3 =	sshrl.u32 s3, $0x3;
	s6 =	sshrl.u32 s6, $0x3  }
0x10: {  	s17 =	sadd.s32 s8, s1;
	[dreg:$0x9] =	wrdreg s31;
	s0 =	sadd.s32 s3, s0  }
0x11: {  	s6 =	sadd.s32 s7, s6;
	s3 =	sshll.u32 s28, $0x4;
	[dreg:$0x4] =	wrdreg s17  }
.Ltmp0:
0x12: {  	[dreg:$0x3] =	wrdreg s6;
	s6 =	sadd.s32 $0x9C40, s6;
	(pc) =	sbr.rel .LBB2_1-.Ltmp0, $4  }
0x13: {  	s3 =	sadd.s32 s3, s7;
	s0 =	sadd.s32 $0x1B200, s0;
	[dreg:$0x5] =	wrdreg s6  }
0x14: {  	s8 =	simm.s32 $0x8F00;
	s29 =	sadd.s32 $0x9C00, s3;
	[dreg:$0x8] =	wrdreg s0  }
0x15: {  	s7 =	simm.s32 $0x8700;
	s3 =	sadd.s32 $0x13840, s3;
	[dreg:$0x6] =	wrdreg s29  }
0x16: {  	v0 =	vimm.f32 $0.0e+00;
	s0 =	simm.s32 $0x6700;
	[dreg:$0x7] =	wrdreg s3;
	s3 =	simm.s32 $0x0  }
.LBB2_8:
0x17: {  	s3 =	simm.s32 $0xE  }
0x18: {  	_ =	swait.ge [sflag:s3], $0x800  }
0x19: {  	[sflag:s3] =	ssyncset.done $0x0  }
0x1a: {  	s26 =	simm.s32 $0xF;
	[sflag:s3] =	ssyncadd.s32 $0xFFFFF800  }
0x1b: {  	_ =	swait.ge [sflag:s26], $0x800  }
0x1c: {  	[sflag:s26] =	ssyncset.done $0x0  }
0x1d: {  	s5 =	simm.s32 $0x10;
	[sflag:s26] =	ssyncadd.s32 $0xFFFFF800  }
0x1e: {  	_ =	swait.ge [sflag:s5], $0x800  }
0x1f: {  	[sflag:s5] =	ssyncset.done $0x0  }
0x20: {  	s28 =	simm.s32 $0x11;
	[sflag:s5] =	ssyncadd.s32 $0xFFFFF800  }
0x21: {  	_ =	swait.ge [sflag:s28], $0x800  }
0x22: {  	[sflag:s28] =	ssyncset.done $0x0  }
0x23: {  	s29 =	simm.s32 $0x12;
	[sflag:s28] =	ssyncadd.s32 $0xFFFFF800  }
0x24: {  	_ =	swait.ge [sflag:s29], $0x800  }
0x25: {  	[sflag:s29] =	ssyncset.done $0x0  }
0x26: {  	s6 =	simm.s32 $0x13;
	[sflag:s29] =	ssyncadd.s32 $0xFFFFF800  }
0x27: {  	_ =	swait.ge [sflag:s6], $0x800  }
0x28: {  	[sflag:s6] =	ssyncset.done $0x0  }
0x29: {  	s13 =	simm.s32 $0x14;
	[sflag:s6] =	ssyncadd.s32 $0xFFFFF800  }
0x2a: {  	_ =	swait.ge [sflag:s13], $0x800  }
0x2b: {  	[sflag:s13] =	ssyncset.done $0x0  }
0x2c: {  	s17 =	simm.s32 $0x15;
	[sflag:s13] =	ssyncadd.s32 $0xFFFFF800  }
0x2d: {  	_ =	swait.ge [sflag:s17], $0x800  }
0x2e: {  	[sflag:s17] =	ssyncset.done $0x0  }
0x2f: {  	s18 =	simm.s32 $0x16;
	[sflag:s17] =	ssyncadd.s32 $0xFFFFF800  }
0x30: {  	_ =	swait.ge [sflag:s18], $0x800  }
0x31: {  	[sflag:s18] =	ssyncset.done $0x0  }
0x32: {  	s20 =	simm.s32 $0x17;
	[sflag:s18] =	ssyncadd.s32 $0xFFFFF800  }
0x33: {  	_ =	swait.ge [sflag:s20], $0x800  }
0x34: {  	[sflag:s20] =	ssyncset.done $0x0  }
0x35: {  	s21 =	simm.s32 $0x18;
	[sflag:s20] =	ssyncadd.s32 $0xFFFFF800  }
0x36: {  	_ =	swait.ge [sflag:s21], $0x800  }
0x37: {  	[sflag:s21] =	ssyncset.done $0x0  }
0x38: {  	s22 =	simm.s32 $0x19;
	[sflag:s21] =	ssyncadd.s32 $0xFFFFF800  }
0x39: {  	_ =	swait.ge [sflag:s22], $0x800  }
0x3a: {  	[sflag:s22] =	ssyncset.done $0x0  }
0x3b: {  	s23 =	simm.s32 $0x1A;
	[sflag:s22] =	ssyncadd.s32 $0xFFFFF800  }
0x3c: {  	_ =	swait.ge [sflag:s23], $0x800  }
0x3d: {  	s6 =	simm.s32 @!p0 $0x80;
	[sflag:s23] =	ssyncset.done $0x0  }
0x3e: {  	s13 =	simm.s32 @!p0 $0x2700;
	s17 =	simm.s32 @!p0 $0x4F00;
	[sflag:s23] =	ssyncadd.s32 $0xFFFFF800  }
0x3f: {  	[tilespmem:s17], [sflag:$0x1B] =	stream.indirect.gather @!p0 [hbm4b:s4+s6], $0x10, s13, s6, $0xb8;
	[tilespmem:$0x10600] =	vst v63  }
0x40: {  	s13 =	simm.s32 @!p0 $0x1B  }
0x41: {  	_ =	swait.ge @!p0 [sflag:s13], $0x800  }
0x42: {  	[sflag:s13] =	ssyncset.done @!p0 $0x0  }
0x43: {  	s18 =	simm.s32 @!p0 $0x4E80;
	[sflag:s13] =	ssyncadd.s32 @!p0 $0xFFFFF800  }
0x44: {  	[spmem:s1] =	stream.indirect.scatter.add.f32 @!p0 [tilespmem:s17], [sflag:$0x1B], $0x10, s18, s6, $0xb8;
	[tilespmem:$0x10600] =	vst v63  }
0x45: {  	_ =	swait.ge @!p0 [sflag:s13], $0x800  }
0x46: {  	[sflag:s13] =	ssyncset.done @!p0 $0x0  }
0x47: {  	[sflag:s13] =	ssyncadd.s32 @!p0 $0xFFFFF800  }
0x48: {  	s24 =	stileid.u32;
	s28 =	simm.s32 $0x1;
	[bflag:$0x0] =	sbarrier.arrive $0xFFFF  }
0x49: {  	s6 =	sshll.u32 s24, $0x6;
	s18 =	simm.s32 $0x1B;
	s17 =	rddreg [dreg:$0x4]  }
0x4a: {  	s6 =	sor.u32 $0x1C1B, s6;
	s26 =	rddreg [dreg:$0x8];
	s25 =	sshrl.u32 s17, $0x3  }
0x4b: {  	[hbm:s26@s5], [sflag:s6] =	dma.strided [spmem:s25@s31], $0x4F0, s28, $0x2   }
0x4c: {  	_ =	swait.ge [sflag:s18], $0x4F0  }
0x4d: {  	s29 =	rddreg [dreg:$0xa]  }
0x4e: {  	s31 =	rddreg [dreg:$0x9];
	s3 =	sadd.s32 $0x1, s29  }
0x4f: {  	p1 =	sne.s32 s3, s31  }
.Ltmp1:
0x50: {  	_ = 	snop;
	(pc) =	sbr.rel @!p1 .LBB2_9-.Ltmp1, $3  }
0x51: {  	_ =	sdelay $0x1  }
0x52: {  	[sflag:s18] =	ssyncset.done $0x0  }
0x53: {  	[sflag:s18] =	ssyncadd.s32 $0xFFFFFB10  }
.LBB2_1:
0x54: {  	s6 =	simm.s32 $0x40;
	s13 =	simm.s32 $0x0  }
.LBB2_2:
0x55: {  	p1 =	sne.s32 s6, $0x9DC0;
	[tilespmem:s13+$0xB700] =	vst v0;
	s13 =	smov.u32 s6;
	s6 =	sadd.s32 $0x40, s6  }
.Ltmp2:
0x56: {  	(pc) =	sbr.rel @p1 .LBB2_2-.Ltmp2, $2  }
0x57: {  	_ =	sdelay $0x2  }
0x58: {  	s13 =	sshra.s32 s13, $0x2  }
0x59: {  	[dreg:$0xa] =	wrdreg s3;
	[tilespmem:s13+$0xB700] =	vst v0;
	s6 =	simm.s32 $0xB700  }
0x5a: {  	[spmem:s17] =	stream.linear.scatter [tilespmem:s6], [sflag:$0x1B], $0x2780, $0x38;
	[tilespmem:$0x10600] =	vst v63  }
0x5b: {  	_ =	swait.ge [sflag:s18], $0x2780  }
0x5c: {  	[sflag:s18] =	ssyncset.done $0x0  }
0x5d: {  	s22 =	simm.s32 $0x0;
	s23 =	rddreg [dreg:$0x3];
	[sflag:s18] =	ssyncadd.s32 $0xFFFFD880  }
0x5e: {  	[tilespmem:s22], [sflag:$0x1B] =	stream.linear.gather [hbm4b:s23+s22], $0x2700, $0x38;
	[tilespmem:$0x10600] =	vst v63  }
0x5f: {  	_ =	swait.ge [sflag:s18], $0x2700  }
0x60: {  	[sflag:s18] =	ssyncset.done $0x0  }
0x61: {  	s25 =	simm.s32 $0x2780;
	s24 =	rddreg [dreg:$0x5];
	[sflag:s18] =	ssyncadd.s32 $0xFFFFD900  }
0x62: {  	[tilespmem:s25], [sflag:$0x1B] =	stream.linear.gather [hbm4b:s24+s22], $0x2700, $0x38;
	[tilespmem:$0x10600] =	vst v63  }
0x63: {  	_ =	swait.ge [sflag:s18], $0x2700  }
0x64: {  	[sflag:s18] =	ssyncset.done $0x0  }
0x65: {  	s28 =	simm.s32 $0x2700;
	s26 =	rddreg [dreg:$0x6];
	[sflag:s18] =	ssyncadd.s32 $0xFFFFD900  }
0x66: {  	[tilespmem:s28], [sflag:$0x1B] =	stream.linear.gather [hbm4b:s26+s22], $0x80, $0x38;
	[tilespmem:$0x10600] =	vst v63  }
0x67: {  	_ =	swait.ge [sflag:s18], $0x80  }
0x68: {  	[sflag:s18] =	ssyncset.done $0x0  }
0x69: {  	s31 =	simm.s32 $0x4E80;
	s29 =	rddreg [dreg:$0x7];
	[sflag:s18] =	ssyncadd.s32 $0xFFFFFF80  }
0x6a: {  	[tilespmem:s31], [sflag:$0x1B] =	stream.linear.gather [hbm4b:s29+s22], $0x80, $0x38;
	[tilespmem:$0x10600] =	vst v63  }
.Ltmp3:
0x6b: {  	_ =	swait.ge [sflag:s18], $0x80;
	(pc) =	sbr.rel .LBB2_4-.Ltmp3, $4  }
0x6c: {  	[sflag:s18] =	ssyncset.done $0x0  }
0x6d: {  	[sflag:s18] =	ssyncadd.s32 $0xFFFFFF80  }
0x6e: {  	[bflag:$0x0] =	sbarrier.arrive $0xFFFF  }
0x6f: {  	s13 =	simm.s32 $0x580;
	s6 =	simm.s32 $0x580  }
.LBB2_6:
0x70: {  	s3 =	simm.s32 $0xE  }
0x71: {  	_ =	swait.ge [sflag:s3], $0x800  }
0x72: {  	[sflag:s3] =	ssyncset.done $0x0  }
0x73: {  	s17 =	sadd.s32 $0xFFFFFA80, s6;
	s21 =	simm.s32 $0xF;
	[sflag:s3] =	ssyncadd.s32 $0xFFFFF800  }
0x74: {  	[tilespmem:s19], [sflag:$0x1] =	stream.indirect.gather [hbm4b:s4+s30], $0x10, s17, s30, $0xb8;
	[tilespmem:$0x10600] =	vst v63  }
0x75: {  	_ =	swait.ge [sflag:s21], $0x800  }
0x76: {  	[sflag:s21] =	ssyncset.done $0x0  }
0x77: {  	s22 =	sadd.s32 $0xFFFFFB00, s6;
	s23 =	simm.s32 $0x10;
	[sflag:s21] =	ssyncadd.s32 $0xFFFFF800  }
0x78: {  	[tilespmem:s14], [sflag:$0x2] =	stream.indirect.gather [hbm4b:s4+s30], $0x10, s22, s30, $0xb8;
	[tilespmem:$0x10600] =	vst v63  }
0x79: {  	_ =	swait.ge [sflag:s23], $0x800  }
0x7a: {  	[sflag:s23] =	ssyncset.done $0x0  }
0x7b: {  	s24 =	sadd.s32 $0xFFFFFB80, s6;
	s25 =	simm.s32 $0x11;
	[sflag:s23] =	ssyncadd.s32 $0xFFFFF800  }
0x7c: {  	[tilespmem:s15], [sflag:$0x3] =	stream.indirect.gather [hbm4b:s4+s30], $0x10, s24, s30, $0xb8;
	[tilespmem:$0x10600] =	vst v63  }
0x7d: {  	_ =	swait.ge [sflag:s25], $0x800  }
0x7e: {  	[sflag:s25] =	ssyncset.done $0x0  }
0x7f: {  	s26 =	sadd.s32 $0xFFFFFC00, s6;
	s31 =	simm.s32 $0x12;
	[sflag:s25] =	ssyncadd.s32 $0xFFFFF800  }
0x80: {  	[tilespmem:s0], [sflag:$0x4] =	stream.indirect.gather [hbm4b:s4+s30], $0x10, s26, s30, $0xb8;
	[tilespmem:$0x10600] =	vst v63  }
0x81: {  	_ =	swait.ge [sflag:s31], $0x800  }
0x82: {  	[sflag:s31] =	ssyncset.done $0x0  }
0x83: {  	s3 =	simm.s32 $0x13;
	s0 =	sadd.s32 $0xFFFFFC80, s6;
	[sflag:s31] =	ssyncadd.s32 $0xFFFFF800  }
0x84: {  	[tilespmem:s16], [sflag:$0x5] =	stream.indirect.gather [hbm4b:s4+s30], $0x10, s0, s30, $0xb8;
	[tilespmem:$0x10600] =	vst v63  }
0x85: {  	_ =	swait.ge [sflag:s3], $0x800  }
0x86: {  	[sflag:s3] =	ssyncset.done $0x0  }
0x87: {  	s5 =	sadd.s32 $0xFFFFFD00, s6;
	[sflag:s3] =	ssyncadd.s32 $0xFFFFF800  }
0x88: {  	[tilespmem:s12], [sflag:$0x6] =	stream.indirect.gather [hbm4b:s4+s30], $0x10, s5, s30, $0xb8;
	[tilespmem:$0x10600] =	vst v63  }
0x89: {  	s12 =	simm.s32 $0x14  }
0x8a: {  	_ =	swait.ge [sflag:s12], $0x800  }
0x8b: {  	[sflag:s12] =	ssyncset.done $0x0  }
0x8c: {  	s14 =	sadd.s32 $0xFFFFFD80, s6;
	s15 =	simm.s32 $0x15;
	[sflag:s12] =	ssyncadd.s32 $0xFFFFF800  }
0x8d: {  	[tilespmem:s2], [sflag:$0x7] =	stream.indirect.gather [hbm4b:s4+s30], $0x10, s14, s30, $0xb8;
	[tilespmem:$0x10600] =	vst v63  }
0x8e: {  	_ =	swait.ge [sflag:s15], $0x800  }
0x8f: {  	s18 =	simm.s32 $0x16;
	[sflag:s15] =	ssyncset.done $0x0  }
0x90: {  	s20 =	simm.s32 $0x17;
	s16 =	sadd.s32 $0xFFFFFE00, s6;
	[sflag:s15] =	ssyncadd.s32 $0xFFFFF800  }
0x91: {  	[tilespmem:s7], [sflag:$0x8] =	stream.indirect.gather [hbm4b:s4+s30], $0x10, s16, s30, $0xb8;
	[tilespmem:$0x10600] =	vst v63  }
0x92: {  	s28 =	sadd.s32 $0xFFFFFB00, s13;
	s29 =	sadd.s32 $0xFFFFFB80, s13;
	_ =	swait.ge [sflag:s18], $0x800  }
0x93: {  	s19 =	sadd.s32 $0xFFFFFE80, s6;
	s17 =	sadd.s32 $0xFFFFFA80, s13;
	[sflag:s18] =	ssyncset.done $0x0  }
0x94: {  	s21 =	sadd.s32 $0xFFFFFF00, s6;
	s22 =	simm.s32 $0x18;
	[sflag:s18] =	ssyncadd.s32 $0xFFFFF800  }
0x95: {  	[tilespmem:s8], [sflag:$0x9] =	stream.indirect.gather [hbm4b:s4+s30], $0x10, s19, s30, $0xb8;
	[tilespmem:$0x10600] =	vst v63  }
0x96: {  	s23 =	sadd.s32 $0xFFFFFF80, s6;
	s24 =	simm.s32 $0x19;
	_ =	swait.ge [sflag:s20], $0x800  }
0x97: {  	s25 =	sadd.s32 $0xFFFFFC80, s13;
	s26 =	sadd.s32 $0xFFFFFC00, s13;
	[sflag:s20] =	ssyncset.done $0x0  }
0x98: {  	s31 =	simm.s32 $0x1A;
	s0 =	simm.s32 $0x5F00;
	[sflag:s20] =	ssyncadd.s32 $0xFFFFF800  }
0x99: {  	[tilespmem:s9], [sflag:$0xA] =	stream.indirect.gather [hbm4b:s4+s30], $0x10, s21, s30, $0xb8;
	[tilespmem:$0x10600] =	vst v63  }
0x9a: {  	s5 =	simm.s32 $0xA700;
	s12 =	simm.s32 $0x6F00;
	_ =	swait.ge [sflag:s22], $0x800  }
0x9b: {  	s2 =	simm.s32 $0x7700;
	s14 =	simm.s32 $0x4F00;
	[sflag:s22] =	ssyncset.done $0x0  }
0x9c: {  	s15 =	simm.s32 $0x5700;
	s7 =	simm.s32 $0x7F00;
	[sflag:s22] =	ssyncadd.s32 $0xFFFFF800  }
0x9d: {  	[tilespmem:s10], [sflag:$0xB] =	stream.indirect.gather [hbm4b:s4+s30], $0x10, s23, s30, $0xb8;
	[tilespmem:$0x10600] =	vst v63  }
0x9e: {  	s16 =	simm.s32 $0x6700;
	s18 =	smov.u32 s13;
	_ =	swait.ge [sflag:s24], $0x800  }
0x9f: {  	s19 =	sadd.s32 $0xFFFFFF80, s13;
	s8 =	simm.s32 $0x8700;
	[sflag:s24] =	ssyncset.done $0x0  }
0xa0: {  	s20 =	sadd.s32 $0xFFFFFF00, s13;
	s21 =	sadd.s32 $0xFFFFFE80, s13;
	[sflag:s24] =	ssyncadd.s32 $0xFFFFF800  }
0xa1: {  	[tilespmem:s11], [sflag:$0xC] =	stream.indirect.gather [hbm4b:s4+s30], $0x10, s6, s30, $0xb8;
	[tilespmem:$0x10600] =	vst v63  }
0xa2: {  	s9 =	simm.s32 $0x8F00;
	s22 =	sadd.s32 $0xFFFFFE00, s13;
	_ =	swait.ge [sflag:s31], $0x800  }
0xa3: {  	s23 =	sadd.s32 $0xFFFFFD80, s13;
	s10 =	simm.s32 $0x9700;
	[sflag:s31] =	ssyncset.done $0x0  }
0xa4: {  	s24 =	sadd.s32 $0xFFFFFD00, s13;
	s11 =	simm.s32 $0x9F00;
	[sflag:s31] =	ssyncadd.s32 $0xFFFFF800  }
.LBB2_7:
0xa5: {  	s31 =	sadd.s32 $0x600, s17;
	s3 =	simm.s32 $0xAF00  }
0xa6: {  	[tilespmem:s3], [sflag:$0xD] =	stream.indirect.gather [hbm4b:s4+s30], $0x10, s31, s30, $0xb8;
	[tilespmem:$0x10600] =	vst v63  }
0xa7: {  	s31 =	simm.s32 $0x1  }
0xa8: {  	_ =	swait.ge [sflag:s31], $0x800  }
0xa9: {  	[sflag:s31] =	ssyncset.done $0x0  }
0xaa: {  	[sflag:s31] =	ssyncadd.s32 $0xFFFFF800;
	s31 =	sadd.s32 $0x2780, s17  }
0xab: {  	[spmem:s1] =	stream.indirect.scatter.add.f32 [tilespmem:s14], [sflag:$0xE], $0x10, s31, s30, $0xb8;
	[tilespmem:$0x10600] =	vst v63  }
0xac: {  	s14 =	simm.s32 $0x2  }
0xad: {  	_ =	swait.ge [sflag:s14], $0x800  }
0xae: {  	[sflag:s14] =	ssyncset.done $0x0  }
0xaf: {  	s28 =	sadd.s32 $0x2780, s28;
	[sflag:s14] =	ssyncadd.s32 $0xFFFFF800  }
0xb0: {  	[spmem:s1] =	stream.indirect.scatter.add.f32 [tilespmem:s15], [sflag:$0xF], $0x10, s28, s30, $0xb8;
	[tilespmem:$0x10600] =	vst v63  }
0xb1: {  	s28 =	simm.s32 $0x3  }
0xb2: {  	_ =	swait.ge [sflag:s28], $0x800  }
0xb3: {  	[sflag:s28] =	ssyncset.done $0x0  }
0xb4: {  	s15 =	sadd.s32 $0x2780, s29;
	[sflag:s28] =	ssyncadd.s32 $0xFFFFF800;
	s28 =	simm.s32 $0x4  }
0xb5: {  	[spmem:s1] =	stream.indirect.scatter.add.f32 [tilespmem:s0], [sflag:$0x10], $0x10, s15, s30, $0xb8;
	[tilespmem:$0x10600] =	vst v63  }
0xb6: {  	_ =	swait.ge [sflag:s28], $0x800  }
0xb7: {  	[sflag:s28] =	ssyncset.done $0x0  }
0xb8: {  	s26 =	sadd.s32 $0x2780, s26;
	s29 =	simm.s32 $0x5;
	[sflag:s28] =	ssyncadd.s32 $0xFFFFF800  }
0xb9: {  	[spmem:s1] =	stream.indirect.scatter.add.f32 [tilespmem:s16], [sflag:$0x11], $0x10, s26, s30, $0xb8;
	[tilespmem:$0x10600] =	vst v63  }
0xba: {  	_ =	swait.ge [sflag:s29], $0x800  }
0xbb: {  	[sflag:s29] =	ssyncset.done $0x0  }
0xbc: {  	s25 =	sadd.s32 $0x2780, s25;
	s14 =	simm.s32 $0x6;
	[sflag:s29] =	ssyncadd.s32 $0xFFFFF800  }
0xbd: {  	[spmem:s1] =	stream.indirect.scatter.add.f32 [tilespmem:s12], [sflag:$0x12], $0x10, s25, s30, $0xb8;
	[tilespmem:$0x10600] =	vst v63  }
0xbe: {  	_ =	swait.ge [sflag:s14], $0x800  }
0xbf: {  	[sflag:s14] =	ssyncset.done $0x0  }
0xc0: {  	s24 =	sadd.s32 $0x2780, s24;
	s15 =	simm.s32 $0x7;
	[sflag:s14] =	ssyncadd.s32 $0xFFFFF800  }
0xc1: {  	[spmem:s1] =	stream.indirect.scatter.add.f32 [tilespmem:s2], [sflag:$0x13], $0x10, s24, s30, $0xb8;
	[tilespmem:$0x10600] =	vst v63  }
0xc2: {  	_ =	swait.ge [sflag:s15], $0x800  }
0xc3: {  	[sflag:s15] =	ssyncset.done $0x0  }
0xc4: {  	s23 =	sadd.s32 $0x2780, s23;
	s16 =	simm.s32 $0x8;
	[sflag:s15] =	ssyncadd.s32 $0xFFFFF800  }
0xc5: {  	[spmem:s1] =	stream.indirect.scatter.add.f32 [tilespmem:s7], [sflag:$0x14], $0x10, s23, s30, $0xb8;
	[tilespmem:$0x10600] =	vst v63  }
0xc6: {  	_ =	swait.ge [sflag:s16], $0x800  }
0xc7: {  	[sflag:s16] =	ssyncset.done $0x0  }
0xc8: {  	s22 =	sadd.s32 $0x2780, s22;
	s23 =	simm.s32 $0x9;
	[sflag:s16] =	ssyncadd.s32 $0xFFFFF800  }
0xc9: {  	[spmem:s1] =	stream.indirect.scatter.add.f32 [tilespmem:s8], [sflag:$0x15], $0x10, s22, s30, $0xb8;
	[tilespmem:$0x10600] =	vst v63  }
0xca: {  	_ =	swait.ge [sflag:s23], $0x800  }
0xcb: {  	[sflag:s23] =	ssyncset.done $0x0  }
0xcc: {  	s21 =	sadd.s32 $0x2780, s21;
	s24 =	simm.s32 $0xA;
	[sflag:s23] =	ssyncadd.s32 $0xFFFFF800  }
0xcd: {  	[spmem:s1] =	stream.indirect.scatter.add.f32 [tilespmem:s9], [sflag:$0x16], $0x10, s21, s30, $0xb8;
	[tilespmem:$0x10600] =	vst v63  }
0xce: {  	_ =	swait.ge [sflag:s24], $0x800  }
0xcf: {  	s20 =	sadd.s32 $0x2780, s20;
	[sflag:s24] =	ssyncset.done $0x0  }
0xd0: {  	s19 =	sadd.s32 $0x2780, s19;
	s25 =	simm.s32 $0xB;
	[sflag:s24] =	ssyncadd.s32 $0xFFFFF800  }
0xd1: {  	[spmem:s1] =	stream.indirect.scatter.add.f32 [tilespmem:s10], [sflag:$0x17], $0x10, s20, s30, $0xb8;
	[tilespmem:$0x10600] =	vst v63  }
0xd2: {  	s18 =	sadd.s32 $0x2780, s18;
	s13 =	sadd.s32 $0x680, s13;
	_ =	swait.ge [sflag:s25], $0x800  }
0xd3: {  	s6 =	sadd.s32 $0x680, s6;
	p1 =	sne.s32 s13, $0x2C80;
	[sflag:s25] =	ssyncset.done $0x0  }
0xd4: {  	s31 =	simm.s32 $0x2;
	s26 =	simm.s32 $0xC;
	[sflag:s25] =	ssyncadd.s32 $0xFFFFF800  }
0xd5: {  	[spmem:s1] =	stream.indirect.scatter.add.f32 [tilespmem:s11], [sflag:$0x18], $0x10, s19, s30, $0xb8;
	[tilespmem:$0x10600] =	vst v63  }
0xd6: {  	s0 =	simm.s32 $0x6700;
	s28 =	simm.s32 $0xD;
	_ =	swait.ge [sflag:s26], $0x800  }
0xd7: {  	s29 =	sadd.s32 $0x2D80, s17;
	s12 =	simm.s32 $0x7700;
	[sflag:s26] =	ssyncset.done $0x0  }
0xd8: {  	s14 =	simm.s32 $0x5700;
	s2 =	simm.s32 $0x7F00;
	[sflag:s26] =	ssyncadd.s32 $0xFFFFF800  }
0xd9: {  	[spmem:s1] =	stream.indirect.scatter.add.f32 [tilespmem:s5], [sflag:$0x19], $0x10, s18, s30, $0xb8;
	[tilespmem:$0x10600] =	vst v63  }
.Ltmp4:
0xda: {  	s15 =	simm.s32 $0x5F00;
	s7 =	simm.s32 $0x8700;
	(pc) =	sbr.rel @!p1 .LBB2_8-.Ltmp4, $4  }
0xdb: {  	s16 =	simm.s32 $0x6F00;
	s8 =	simm.s32 $0x8F00;
	_ =	swait.ge [sflag:s28], $0x800  }
0xdc: {  	s9 =	simm.s32 $0x9700;
	s10 =	simm.s32 $0x9F00;
	[sflag:s28] =	ssyncset.done $0x0  }
0xdd: {  	s19 =	simm.s32 $0x4F00;
	s11 =	simm.s32 $0xA700;
	[sflag:s28] =	ssyncadd.s32 $0xFFFFF800  }
0xde: {  	[spmem:s1] =	stream.indirect.scatter.add.f32 [tilespmem:s3], [sflag:$0x1A], $0x10, s29, s30, $0xb8;
	[tilespmem:$0x10600] =	vst v63  }
.LBB2_4:
0xdf: {  	p1 =	sne.s32 s13, $0x580  }
.Ltmp5:
0xe0: {  	_ = 	snop;
	(pc) =	sbr.rel @p1 .LBB2_6-.Ltmp5, $1  }
0xe1: {  	_ =	sdelay $0x3  }
0xe2: {  	s28 =	simm.s32 $0x80;
	s17 =	simm.s32 $0x0  }
0xe3: {  	[tilespmem:s19], [sflag:$0x1] =	stream.indirect.gather [hbm4b:s4+s28], $0x10, s17, s28, $0xb8;
	[tilespmem:$0x10600] =	vst v63  }
0xe4: {  	_ = 	snop  }
0xe5: {  	[tilespmem:s14], [sflag:$0x2] =	stream.indirect.gather [hbm4b:s4+s28], $0x10, s28, s28, $0xb8;
	[tilespmem:$0x10600] =	vst v63  }
0xe6: {  	s29 =	simm.s32 $0x100  }
0xe7: {  	[tilespmem:s15], [sflag:$0x3] =	stream.indirect.gather [hbm4b:s4+s28], $0x10, s29, s28, $0xb8;
	[tilespmem:$0x10600] =	vst v63  }
0xe8: {  	s26 =	simm.s32 $0x180  }
0xe9: {  	[tilespmem:s0], [sflag:$0x4] =	stream.indirect.gather [hbm4b:s4+s28], $0x10, s26, s28, $0xb8;
	[tilespmem:$0x10600] =	vst v63  }
0xea: {  	s25 =	simm.s32 $0x200  }
0xeb: {  	[tilespmem:s16], [sflag:$0x5] =	stream.indirect.gather [hbm4b:s4+s28], $0x10, s25, s28, $0xb8;
	[tilespmem:$0x10600] =	vst v63  }
0xec: {  	s24 =	simm.s32 $0x280  }
0xed: {  	[tilespmem:s12], [sflag:$0x6] =	stream.indirect.gather [hbm4b:s4+s28], $0x10, s24, s28, $0xb8;
	[tilespmem:$0x10600] =	vst v63  }
0xee: {  	s23 =	simm.s32 $0x300  }
0xef: {  	[tilespmem:s2], [sflag:$0x7] =	stream.indirect.gather [hbm4b:s4+s28], $0x10, s23, s28, $0xb8;
	[tilespmem:$0x10600] =	vst v63  }
0xf0: {  	s22 =	simm.s32 $0x380;
	s21 =	simm.s32 $0x400;
	s20 =	simm.s32 $0x480  }
0xf1: {  	[tilespmem:s7], [sflag:$0x8] =	stream.indirect.gather [hbm4b:s4+s28], $0x10, s22, s28, $0xb8;
	[tilespmem:$0x10600] =	vst v63  }
0xf2: {  	s18 =	simm.s32 $0x580;
	s5 =	simm.s32 $0xA700;
	s19 =	simm.s32 $0x500  }
0xf3: {  	[tilespmem:s8], [sflag:$0x9] =	stream.indirect.gather [hbm4b:s4+s28], $0x10, s21, s28, $0xb8;
	[tilespmem:$0x10600] =	vst v63  }
0xf4: {  	s14 =	simm.s32 $0x4F00;
	s15 =	simm.s32 $0x5700;
	s0 =	simm.s32 $0x5F00  }
0xf5: {  	[tilespmem:s9], [sflag:$0xA] =	stream.indirect.gather [hbm4b:s4+s28], $0x10, s20, s28, $0xb8;
	[tilespmem:$0x10600] =	vst v63  }
.Ltmp6:
0xf6: {  	s16 =	simm.s32 $0x6700;
	s12 =	simm.s32 $0x6F00;
	(pc) =	sbr.rel .LBB2_7-.Ltmp6, $4  }
0xf7: {  	[tilespmem:s10], [sflag:$0xB] =	stream.indirect.gather [hbm4b:s4+s28], $0x10, s19, s28, $0xb8;
	[tilespmem:$0x10600] =	vst v63  }
0xf8: {  	s2 =	simm.s32 $0x7700;
	s7 =	simm.s32 $0x7F00;
	s8 =	simm.s32 $0x8700  }
0xf9: {  	[tilespmem:s11], [sflag:$0xC] =	stream.indirect.gather [hbm4b:s4+s28], $0x10, s18, s28, $0xb8;
	[tilespmem:$0x10600] =	vst v63  }
0xfa: {  	s9 =	simm.s32 $0x8F00;
	s10 =	simm.s32 $0x9700;
	s11 =	simm.s32 $0x9F00  }
.LBB2_9:
0xfb: {  	_ =	sfence.sel $0x180000  }
0xfc: {  	[bflag:$0x0] =	sbarrier.arrive $0xFFFF  }
0xfd: {  	_ =	strace $0x9000004D  }
0xfe: {  	s0 =	stileid.u32;
	[bflag:$0x2] =	sbarrier.arrive $0xFFFF  }
0xff: {  	p0 =	sne.s32 s0, $0x0;
	s0 =	rddreg [dreg:$0x2]  }
0x100: {  	s0 =	sadd.s32 @!p0 $0x100000, s0  }
0x101: {  	[sflag:s0] =	ssyncadd.tile.s32 @!p0 $0x1;
	_ =	shalt  }
.Lfunc_end2:
_tile_overlayer_lowered:
.L_overlay_start_2:
0x102: {  	(tag) =	ssettag $0x2  }
0x103: {  	s0 =	rddreg [dreg:$0x0];
	s2 =	stileid.u32  }
0x104: {  	s1 =	rddreg [dreg:$0x1];
	p0 =	sne.s32 s2, $0x0  }
0x105: {  	s3 =	rddreg [dreg:$0x2];
	[bflag:$0x3] =	sbarrier.arrive $0xFFFF;
	s2 =	simm.s32 @!p0 $0x1C1B  }
0x106: {  	[timem:s3], [sflag:s2] =	dma.local @!p0 [hbm:s0], s1  }
0x107: {  	s0 =	simm.s32 @!p0 $0x1B  }
0x108: {  	_ =	swait.ge @!p0 [sflag:s0], s1  }
0x109: {  	s1 =	ssub.s32 @!p0 $0x0, s1;
	[sflag:s0] =	ssyncset.done @!p0 $0x0  }
0x10a: {  	[sflag:s0] =	ssyncadd.s32 @!p0 s1  }
0x10b: {  	[bflag:$0x3] =	sbarrier.arrive $0xFFFF  }
0x10c: {  	_ =	shalt  }

// kernel: kernel.9.cloned.1.call-start
scs
__scs_entry_jumppad:
0x0: {  	(pc) =	sbr.rel $0x88, $3  }
0x1: {  	(tag) =	ssettag $0x0;
	lr =	simm.s32 $0x1  }
0x2: {  	[smem:$0x3F99] =	sst lr;
	_ =	strace $0xD0000000  }
0x3: {  	_ = 	snop  }
0x4: {  	_ = 	snop  }
0x5: {  	_ = 	snop  }
0x6: {  	_ = 	snop  }
0x7: {  	_ = 	snop  }
__scs_overlays_trampoline_lowered:
0x8: {  	[smem:$0x3FA8] =	sst s0  }
0x9: {  	[smem:$0x3FA9] =	sst s1  }
0xa: {  	[smem:$0x3FAA] =	sst s2  }
0xb: {  	[smem:$0x3FAB] =	sst s3  }
0xc: {  	[smem:$0x3FAC] =	sst s4  }
0xd: {  	[smem:$0x3FAD] =	sst s5  }
0xe: {  	[smem:$0x3FAE] =	sst s6  }
0xf: {  	[smem:$0x3FAF] =	sst s7  }
0x10: {  	[smem:$0x3FB0] =	sst s8  }
0x11: {  	[smem:$0x3FB1] =	sst s9;
	s0 =	simm.s32 @!p0 $0x0  }
0x12: {  	s1 =	sld [smem:$0x3F97];
	s0 =	simm.s32 @p0 $0x1  }
0x13: {  	[smem:$0x3FB2] =	sst s0;
	s0 =	simm.s32 @!p1 $0x0  }
0x14: {  	s2 =	sld [smem:$0x3F96];
	s0 =	simm.s32 @p1 $0x1  }
0x15: {  	[smem:$0x3FB3] =	sst s0;
	s0 =	simm.s32 @!p2 $0x0  }
0x16: {  	s3 =	sld [smem:$0x3FDB];
	s0 =	simm.s32 @p2 $0x1  }
0x17: {  	s4 =	simm.s32 $0x1BF5;
	[smem:$0x3FB5] =	sst s0  }
0x18: {  	s0 =	sld [smem:$0x3F98];
	_ =	swait.ge [sflag:s4], $0x0  }
0x19: {  	s7 =	sld [smem:$0x3F99]  }
0x1a: {  	s8 =	sadd.s32 $0xFFFFE003, lr  }
0x1b: {  	s9 =	sadd.s32 $0xFFFFFEF7, lr;
	s5 =	simm.s32 $0xFFFFFFFF;
	p2 =	slt.u32 s8, $0xFFFFF086  }
0x1c: {  	p1 =	slt.u32 s9, $0xF7A;
	s5 =	simm.s32 @!p2 $0x0  }
0x1d: {  	s5 =	simm.s32 @p1 $0x1;
	p0 =	seq.s32 s7, s2  }
0x1e: {  	s7 =	smul.u32 @!p0 $0xF7A, s2;
	p2 =	seq.s32 @!p0 s5, $0x0  }
0x1f: {  	s9 =	smul.u32 $0xF7A, s1;
	s8 =	simm.s32 @!p0 $0x1BF5;
	p2 =	por !p2, p0  }
0x20: {  	[sflag:s8] =	ssyncset.s32 @!p0 $0xFFFFF086;
	s6 =	sadd.s32 @!p0 s3, s7;
	s7 =	simm.s32 @!p0 $0x108  }
0x21: {  	s3 =	sadd.s32 s3, s9;
	s6 =	sadd.s32 @!p0 $0x88, s6;
	s7 =	simm.s32 @p2 $0x1082  }
0x22: {  	[simem:s7], [sflag:s8] =	dma.local @!p0 [hbm:s6], $0xF7A  }
0x23: {  	s9 =	sor.u32 $0xD0000000, s2;
	s6 =	simm.s32 $0x108;
	_ =	swait.ge @!p0 [sflag:s8], $0x0  }
0x24: {  	s3 =	sadd.s32 $0x88, s3;
	s6 =	simm.s32 @!p1 $0x1082;
	[sflag:s4] =	ssyncset.s32 $0xFFFFF086  }
0x25: {  	[simem:s6], [sflag:s4] =	dma.local [hbm:s3], $0xF7A  }
0x26: {  	[smem:$0x3F99] =	sst s1;
	(tag) =	ssettag s2;
	_ =	strace s9  }
0x27: {  	s1 =	sld [smem:$0x3FA9]  }
0x28: {  	s2 =	sld [smem:$0x3FAA]  }
0x29: {  	s4 =	sld [smem:$0x3FAC]  }
0x2a: {  	p0 =	seq.s32 s5, $0x0;
	s5 =	sld [smem:$0x3FAD]  }
0x2b: {  	s6 =	sld [smem:$0x3FAE]  }
0x2c: {  	s7 =	sld [smem:$0x3FAF]  }
0x2d: {  	s3 =	simm.s32 $0x108;
	s8 =	sld [smem:$0x3FB0]  }
0x2e: {  	s3 =	simm.s32 @!p0 $0x1082;
	s9 =	sld [smem:$0x3FB1]  }
0x2f: {  	lr =	sadd.s32 s0, s3;
	s0 =	sld [smem:$0x3FA8]  }
0x30: {  	s3 =	sld [smem:$0x3FAB]  }
0x31: {  	[smem:$0x3FB4] =	sst s10  }
0x32: {  	s10 =	sld [smem:$0x3FB2];
	_ =	sdelay $0x3  }
0x33: {  	p0 =	seq.s32 s10, $0x1;
	s10 =	sld [smem:$0x3FB4];
	_ =	sdelay $0x3  }
0x34: {  	[smem:$0x3FB4] =	sst s10  }
0x35: {  	s10 =	sld [smem:$0x3FB3];
	_ =	sdelay $0x3  }
0x36: {  	p1 =	seq.s32 s10, $0x1;
	s10 =	sld [smem:$0x3FB4];
	_ =	sdelay $0x3  }
0x37: {  	[smem:$0x3FB4] =	sst s10  }
0x38: {  	s10 =	sld [smem:$0x3FB5]  }
0x39: {  	_ = 	snop;
	(pc) =	sbr.ind lr, $3  }
0x3a: {  	_ = 	snop  }
0x3b: {  	_ = 	snop  }
0x3c: {  	p2 =	seq.s32 s10, $0x1;
	s10 =	sld [smem:$0x3FB4]  }
0x3d: {  	_ =	shalt  }
0x3e: {  	_ =	shalt  }
0x3f: {  	_ =	shalt  }
0x40: {  	_ =	shalt  }
0x41: {  	_ =	shalt  }
0x42: {  	_ =	shalt  }
0x43: {  	_ =	shalt  }
0x44: {  	_ =	shalt  }
0x45: {  	_ =	shalt  }
0x46: {  	_ =	shalt  }
0x47: {  	_ =	shalt  }
0x48: {  	_ =	shalt  }
0x49: {  	_ =	shalt  }
0x4a: {  	_ =	shalt  }
0x4b: {  	_ =	shalt  }
0x4c: {  	_ =	shalt  }
0x4d: {  	_ =	shalt  }
0x4e: {  	_ =	shalt  }
0x4f: {  	_ =	shalt  }
0x50: {  	_ =	shalt  }
0x51: {  	_ =	shalt  }
0x52: {  	_ =	shalt  }
0x53: {  	_ =	shalt  }
0x54: {  	_ =	shalt  }
0x55: {  	_ =	shalt  }
0x56: {  	_ =	shalt  }
0x57: {  	_ =	shalt  }
0x58: {  	_ =	shalt  }
0x59: {  	_ =	shalt  }
0x5a: {  	_ =	shalt  }
0x5b: {  	_ =	shalt  }
0x5c: {  	_ =	shalt  }
0x5d: {  	_ =	shalt  }
0x5e: {  	_ =	shalt  }
0x5f: {  	_ =	shalt  }
0x60: {  	_ =	shalt  }
0x61: {  	_ =	shalt  }
0x62: {  	_ =	shalt  }
0x63: {  	_ =	shalt  }
0x64: {  	_ =	shalt  }
0x65: {  	_ =	shalt  }
0x66: {  	_ =	shalt  }
0x67: {  	_ =	shalt  }
0x68: {  	_ =	shalt  }
0x69: {  	_ =	shalt  }
0x6a: {  	_ =	shalt  }
0x6b: {  	_ =	shalt  }
0x6c: {  	_ =	shalt  }
0x6d: {  	_ =	shalt  }
0x6e: {  	_ =	shalt  }
0x6f: {  	_ =	shalt  }
0x70: {  	_ =	shalt  }
0x71: {  	_ =	shalt  }
0x72: {  	_ =	shalt  }
0x73: {  	_ =	shalt  }
0x74: {  	_ =	shalt  }
0x75: {  	_ =	shalt  }
0x76: {  	_ =	shalt  }
0x77: {  	_ =	shalt  }
0x78: {  	_ =	shalt  }
0x79: {  	_ =	shalt  }
0x7a: {  	_ =	shalt  }
0x7b: {  	_ =	shalt  }
0x7c: {  	_ =	shalt  }
0x7d: {  	_ =	shalt  }
0x7e: {  	_ =	shalt  }
0x7f: {  	_ =	shalt  }
0x80: {  	_ =	shalt  }
0x81: {  	_ =	shalt  }
0x82: {  	_ =	shalt  }
0x83: {  	_ =	shalt  }
0x84: {  	_ =	shalt  }
0x85: {  	_ =	shalt  }
0x86: {  	_ =	shalt  }
0x87: {  	_ =	shalt  }
.Lfunc_end0:
.L_simem_size_0:
called_computation_lowered:
.L_overlay_start_0:
0x88: {  	s2 =	sld [smem:$0x3FD9]  }
0x89: {  	s3 =	sld [smem:$0x3FFE];
	_ =	sdelay $0x1  }
0x8a: {  	s1 =	srdreg.scid  }
0x8b: {  	s0 =	sand.u32 $0x1, s1  }
0x8c: {  	s16 =	sshll.u32 s0, $0xA;
	s2 =	sadd.s32 s3, s2  }
0x8d: {  	s2 =	sadd.s32 s2, s16  }
0x8e: {  	[smem:$0x3FC0] =	sst s2  }
0x8f: {  	_ = 	snop  }
0x90: {  	(tm) =	ssettm $0x1  }
0x91: {  	s17 =	sld [smem:$0x3FFB];
	_ =	sdelay $0x3  }
0x92: {  	_ =	strace s17  }
0x93: {  	s2 =	sld [smem:$0x3FFC];
	_ =	sdelay $0x3  }
0x94: {  	_ =	strace s2  }
0x95: {  	s2 =	sld [smem:$0x3FFD];
	_ =	sdelay $0x3  }
0x96: {  	_ =	strace s2  }
0x97: {  	_ =	strace $0x8FFFFFFF  }
0x98: {  	s18 =	sld [smem:$0x3FDB];
	_ =	sdelay $0x1  }
0x99: {  	s19 =	simm.s32 $_scs_section_size  }
0x9a: {  	s4 =	simm.s32 $_size__tile_overlayer_lowered;
	s5 =	simm.s32 $_tile_overlayer_lowered  }
0x9b: {  	s22 =	simm.s32 $0x1BFF;
	s21 =	sshll.u32 s5, $0x1;
	s2 =	sadd.s32 s19, s18  }
0x9c: {  	s6 =	simm.s32 $0x0;
	s20 =	sshll.u32 s4, $0x1;
	s4 =	sadd.s32 s21, s2  }
0x9d: {  	[timem:s6], [sflag:s22] =	dma.local [hbm:s4], s20  }
0x9e: {  	_ =	swait.ge [sflag:s22], s20  }
0x9f: {  	s3 =	ssub.s32 $0x0, s20;
	[sflag:s22] =	ssyncset.done $0x0  }
0xa0: {  	[sflag:s22] =	ssyncadd.s32 s3;
	_ =	sdelay $0x1  }
0xa1: {  	s23 =	simm.s32 $0x1B8B  }
0xa2: {  	_ =	swait.ge [sflag:s23], $0x1  }
0xa3: {  	[sflag:s23] =	ssyncset.done $0x0  }
0xa4: {  	s25 =	simm.s32 $0x1B8E;
	s24 =	sld [smem:$0x3FFE];
	[sflag:s23] =	ssyncadd.s32 $0xFFFFFFFF  }
0xa5: {  	s26 =	simm.s32 $execute0_lowered;
	[smem:$0x3FD2] =	sst s25  }
0xa6: {  	s4 =	sshll.u32 s26, $0x1;
	_ =	strace $0x80000046;
	[dreg:$0x1] =	wrdreg $0xFFFFFFFF  }
0xa7: {  	s28 =	simm.s32 $_size_execute0_lowered;
	s2 =	sadd.s32 s2, s4;
	[dreg:$0x0] =	wrdreg $0x0  }
0xa8: {  	s4 =	sshll.u32 s28, $0x1;
	[dreg:$0x2] =	wrdreg s2  }
0xa9: {  	[dreg:$0x3] =	wrdreg s4  }
0xaa: {  	[dreg:$0x4] =	wrdreg $0xC0  }
0xab: {  	_ =	task [dreg:s6], $0x5FFFF  }
0xac: {  	[dreg:$0x1] =	wrdreg $0xFFFFFFFF  }
0xad: {  	[dreg:$0x0] =	wrdreg $0x60  }
0xae: {  	[dreg:$0x2] =	wrdreg s24  }
0xaf: {  	[dreg:$0x3] =	wrdreg $0x57000  }
0xb0: {  	[dreg:$0x4] =	wrdreg $0x9  }
0xb1: {  	_ =	task.clear_ibuf [dreg:s6], $0x5FFFF;
	_ =	strace $0x90000046  }
0xb2: {  	s29 =	simm.s32 $0x9;
	_ =	strace $0x80000048  }
0xb3: {  	_ =	swait.ge [sflag:s29], $0x1  }
0xb4: {  	[sflag:s29] =	ssyncadd.s32 $0xFFFFFFFF  }
0xb5: {  	_ =	strace $0x90000048  }
0xb6: {  	_ =	sfence  }
0xb7: {  	s30 =	sld [smem:$0x0];
	_ =	sdelay $0x2  }
0xb8: {  	s31 =	sshll.u32 s1, $0xD;
	s1 =	sshrl.u32 s1, $0x2  }
0xb9: {  	s3 =	sand.u32 $0x4000, s31;
	s1 =	sadd.s32 s1, s30  }
0xba: {  	s0 =	sor.u32 s3, s0;
	s1 =	sshll.u32 s1, $0x11  }
0xbb: {  	s0 =	sor.u32 s1, s0  }
0xbc: {  	s0 =	sadd.s32 $0x8F2B, s0  }
0xbd: {  	[sflag:s0] =	ssyncadd.remote.s32 $0x1  }
0xbe: {  	_ =	sfence.sel $0xFFFF  }
0xbf: {  	[dreg:$0x0] =	wrdreg $0xFFFFFFFF;
	(pc) =	sbr.abs _section_cstart, $3  }
0xc0: {  	[dreg:$0x1] =	wrdreg $0xFFFFFFFF  }
0xc1: {  	_ =	task.clear_ibuf [dreg:s6], $0x2FFFF;
	_ =	strace $0x9FFFFFFF  }
0xc2: {  	(tm) =	ssettm $0x7FFFFFFF  }
0xc3: {  	_ =	shalt  }
tec
execute0_lowered:
.L_overlay_start_1:
0x0: {  	(tag) =	ssettag $0x1  }
0x1: {  	s0 =	rddreg [dreg:$0x0]  }
0x2: {  	s2 =	rddreg [dreg:$0x1]  }
0x3: {  	s3 =	srdreg.scid;
	s1 =	stileid.u32;
	s6 =	simm.s32 $0x13C00  }
0x4: {  	s12 =	simm.s32 $0x80;
	s13 =	simm.s32 $0x2780;
	s28 =	simm.s32 $0x3  }
0x5: {  	s29 =	simm.s32 $0x4;
	s30 =	simm.s32 $0x5;
	s31 =	simm.s32 $0x6  }
0x6: {  	s14 =	simm.s32 $0xA;
	s15 =	simm.s32 $0xB;
	s16 =	simm.s32 $0xC  }
0x7: {  	s4 =	sand.u32 $0x1, s3;
	s17 =	sand.u32 $0x1, s1;
	s3 =	simm.s32 $0x0  }
0x8: {  	s7 =	sshll.u32 s1, $0x3;
	s20 =	sadd.s32 $0x2800, s0;
	s10 =	smul.u32 $0x9E00, s1  }
0x9: {  	s5 =	smul.u32 $0x27800, s4;
	p0 =	seq.s32 s17, $0x1;
	[smem:$0x7FF] =	sst s3  }
0xa: {  	s18 =	sand.u32 $0x70, s7;
	s19 =	sshll.u32 s4, $0x4;
	s4 =	ssub.s32 $0x2, s4  }
0xb: {  	s17 =	simm.s32 $0xD;
	s6 =	simm.s32 @!p0 $0x0;
	_ =	strace $0x80000047  }
0xc: {  	s9 =	sor.u32 s1, s19;
	s22 =	sshrl.u32 s4, $0x1;
	s25 =	sshrl.u32 s10, $0x2  }
0xd: {  	s10 =	simm.s32 $0xE;
	s5 =	sadd.s32 s5, s6;
	s21 =	smul.u32 $0x2700, s9  }
0xe: {  	s8 =	smin.u32 s9, $0x3;
	s11 =	ssub.s32 s4, s22;
	s4 =	sadd.s32 s25, s2  }
0xf: {  	s22 =	simm.s32 $0x500;
	p0 =	sgt.u32 s9, $0x3;
	s25 =	simm.s32 $0x1  }
0x10: {  	s9 =	simm.s32 $0x8;
	s5 =	sor.u32 s18, s5;
	s24 =	sshll.u32 s8, $0x4  }
0x11: {  	s8 =	smax.u32 s11, $0x1;
	s11 =	simm.s32 $0x9;
	s18 =	simm.s32 $0x10  }
0x12: {  	s5 =	sshrl.u32 s5, $0x3;
	s23 =	sshrl.u32 s21, $0x3;
	s7 =	sadd.s32 s24, s20  }
0x13: {  	s24 =	simm.s32 $0x600;
	s0 =	sadd.s32 s5, s0;
	s26 =	sadd.s32 s20, s23  }
0x14: {  	s6 =	sadd.s32 $0x13840, s7;
	s23 =	simm.s32 $0x580;
	s5 =	sadd.s32 $0x9C40, s26  }
0x15: {  	v0 =	vimm.f32 $1.000000000e+00;
	v1 =	vimm.f32 $0.0e+00;
	s7 =	sadd.s32 $0x16200, s0;
	s26 =	simm.s32 $0x2;
	s0 =	simm.s32 $0x7  }
.LBB2_1:
0x16: {  	s19 =	simm.s32 $0x0  }
.LBB2_2:
0x17: {  	p1 =	sne.s32 s19, $0x1FC0  }
.Ltmp0:
0x18: {  	_ = 	snop;
	(pc) =	sbr.rel @p1 .LBB2_2-.Ltmp0, $3  }
0x19: {  	_ =	sdelay $0x1  }
0x1a: {  	s20 =	sshra.s32 s19, $0x2  }
0x1b: {  	s19 =	sadd.s32 $0x40, s19;
	[tilespmem:s20+$0x2780] =	vst v0  }
0x1c: {  	s19 =	simm.s32 $0x40;
	s20 =	simm.s32 $0x0  }
.LBB2_4:
0x1d: {  	p1 =	sne.s32 s19, $0x9DC0;
	[tilespmem:s20+$0x2F80] =	vst v1;
	s20 =	smov.u32 s19;
	s19 =	sadd.s32 $0x40, s19  }
.Ltmp1:
0x1e: {  	(pc) =	sbr.rel @p1 .LBB2_4-.Ltmp1, $2  }
0x1f: {  	_ =	sdelay $0x2  }
0x20: {  	s20 =	sshra.s32 s20, $0x2  }
0x21: {  	[tilespmem:s20+$0x2F80] =	vst v1;
	s19 =	simm.s32 $0x2F80  }
0x22: {  	[spmem:s4] =	stream.linear.scatter [tilespmem:s19], [sflag:$0xE], $0x2780, $0x38;
	[tilespmem:$0x7E80] =	vst v63  }
0x23: {  	_ =	swait.ge [sflag:s10], $0x2780  }
0x24: {  	[sflag:s10] =	ssyncset.done $0x0  }
0x25: {  	s19 =	simm.s32 $0x0;
	[sflag:s10] =	ssyncadd.s32 $0xFFFFD880  }
0x26: {  	[tilespmem:s19], [sflag:$0xE] =	stream.linear.gather [hbm4b:s5+s19], $0x2700, $0x38;
	[tilespmem:$0x7E80] =	vst v63  }
0x27: {  	_ =	swait.ge [sflag:s10], $0x2700  }
0x28: {  	[sflag:s10] =	ssyncset.done $0x0  }
0x29: {  	s21 =	simm.s32 $0x2700;
	[sflag:s10] =	ssyncadd.s32 $0xFFFFD900  }
0x2a: {  	[tilespmem:s21], [sflag:$0xE] =	stream.linear.gather [hbm4b:s6+s19], $0x80, $0x38;
	[tilespmem:$0x7E80] =	vst v63  }
0x2b: {  	_ =	swait.ge [sflag:s10], $0x80  }
0x2c: {  	[sflag:s10] =	ssyncset.done $0x0  }
0x2d: {  	[sflag:s10] =	ssyncadd.s32 $0xFFFFFF80  }
0x2e: {  	[bflag:$0x0] =	sbarrier.arrive $0xFFFF  }
0x2f: {  	[spmem:s2] =	stream.indirect.scatter.add.f32 [tilespmem:s13], [sflag:$0x1], $0x10, s19, s12, $0xb8;
	[tilespmem:$0x7E80] =	vst v63  }
0x30: {  	_ = 	snop  }
0x31: {  	[spmem:s2] =	stream.indirect.scatter.add.f32 [tilespmem:s13], [sflag:$0x2], $0x10, s12, s12, $0xb8;
	[tilespmem:$0x7E80] =	vst v63  }
0x32: {  	s20 =	simm.s32 $0x100  }
0x33: {  	[spmem:s2] =	stream.indirect.scatter.add.f32 [tilespmem:s13], [sflag:$0x3], $0x10, s20, s12, $0xb8;
	[tilespmem:$0x7E80] =	vst v63  }
0x34: {  	s21 =	simm.s32 $0x180  }
0x35: {  	[spmem:s2] =	stream.indirect.scatter.add.f32 [tilespmem:s13], [sflag:$0x4], $0x10, s21, s12, $0xb8;
	[tilespmem:$0x7E80] =	vst v63  }
0x36: {  	s20 =	simm.s32 $0x200  }
0x37: {  	[spmem:s2] =	stream.indirect.scatter.add.f32 [tilespmem:s13], [sflag:$0x5], $0x10, s20, s12, $0xb8;
	[tilespmem:$0x7E80] =	vst v63  }
0x38: {  	s21 =	simm.s32 $0x280  }
0x39: {  	[spmem:s2] =	stream.indirect.scatter.add.f32 [tilespmem:s13], [sflag:$0x6], $0x10, s21, s12, $0xb8;
	[tilespmem:$0x7E80] =	vst v63  }
0x3a: {  	s20 =	simm.s32 $0x300  }
0x3b: {  	[spmem:s2] =	stream.indirect.scatter.add.f32 [tilespmem:s13], [sflag:$0x7], $0x10, s20, s12, $0xb8;
	[tilespmem:$0x7E80] =	vst v63  }
0x3c: {  	s21 =	simm.s32 $0x380  }
0x3d: {  	[spmem:s2] =	stream.indirect.scatter.add.f32 [tilespmem:s13], [sflag:$0x8], $0x10, s21, s12, $0xb8;
	[tilespmem:$0x7E80] =	vst v63  }
0x3e: {  	s20 =	simm.s32 $0x400  }
0x3f: {  	[spmem:s2] =	stream.indirect.scatter.add.f32 [tilespmem:s13], [sflag:$0x9], $0x10, s20, s12, $0xb8;
	[tilespmem:$0x7E80] =	vst v63  }
0x40: {  	s21 =	simm.s32 $0x480  }
0x41: {  	[spmem:s2] =	stream.indirect.scatter.add.f32 [tilespmem:s13], [sflag:$0xA], $0x10, s21, s12, $0xb8;
	[tilespmem:$0x7E80] =	vst v63  }
0x42: {  	_ = 	snop  }
0x43: {  	[spmem:s2] =	stream.indirect.scatter.add.f32 [tilespmem:s13], [sflag:$0xB], $0x10, s22, s12, $0xb8;
	[tilespmem:$0x7E80] =	vst v63  }
0x44: {  	_ = 	snop  }
0x45: {  	[spmem:s2] =	stream.indirect.scatter.add.f32 [tilespmem:s13], [sflag:$0xC], $0x10, s23, s12, $0xb8;
	[tilespmem:$0x7E80] =	vst v63  }
0x46: {  	_ = 	snop  }
0x47: {  	[spmem:s2] =	stream.indirect.scatter.add.f32 [tilespmem:s13], [sflag:$0xD], $0x10, s24, s12, $0xb8;
	[tilespmem:$0x7E80] =	vst v63  }
0x48: {  	_ =	swait.ge [sflag:s25], $0x800  }
0x49: {  	[sflag:s25] =	ssyncset.done $0x0  }
0x4a: {  	s20 =	simm.s32 $0x680;
	[sflag:s25] =	ssyncadd.s32 $0xFFFFF800  }
0x4b: {  	[spmem:s2] =	stream.indirect.scatter.add.f32 [tilespmem:s13], [sflag:$0x1], $0x10, s20, s12, $0xb8;
	[tilespmem:$0x7E80] =	vst v63  }
0x4c: {  	_ =	swait.ge [sflag:s26], $0x800  }
0x4d: {  	[sflag:s26] =	ssyncset.done $0x0  }
0x4e: {  	s21 =	simm.s32 $0x700;
	[sflag:s26] =	ssyncadd.s32 $0xFFFFF800  }
0x4f: {  	[spmem:s2] =	stream.indirect.scatter.add.f32 [tilespmem:s13], [sflag:$0x2], $0x10, s21, s12, $0xb8;
	[tilespmem:$0x7E80] =	vst v63  }
0x50: {  	_ =	swait.ge [sflag:s28], $0x800  }
0x51: {  	[sflag:s28] =	ssyncset.done $0x0  }
0x52: {  	s20 =	simm.s32 $0x780;
	[sflag:s28] =	ssyncadd.s32 $0xFFFFF800  }
0x53: {  	[spmem:s2] =	stream.indirect.scatter.add.f32 [tilespmem:s13], [sflag:$0x3], $0x10, s20, s12, $0xb8;
	[tilespmem:$0x7E80] =	vst v63  }
0x54: {  	_ =	swait.ge [sflag:s29], $0x800  }
0x55: {  	[sflag:s29] =	ssyncset.done $0x0  }
0x56: {  	s21 =	simm.s32 $0x800;
	[sflag:s29] =	ssyncadd.s32 $0xFFFFF800  }
0x57: {  	[spmem:s2] =	stream.indirect.scatter.add.f32 [tilespmem:s13], [sflag:$0x4], $0x10, s21, s12, $0xb8;
	[tilespmem:$0x7E80] =	vst v63  }
0x58: {  	_ =	swait.ge [sflag:s30], $0x800  }
0x59: {  	[sflag:s30] =	ssyncset.done $0x0  }
0x5a: {  	s20 =	simm.s32 $0x880;
	[sflag:s30] =	ssyncadd.s32 $0xFFFFF800  }
0x5b: {  	[spmem:s2] =	stream.indirect.scatter.add.f32 [tilespmem:s13], [sflag:$0x5], $0x10, s20, s12, $0xb8;
	[tilespmem:$0x7E80] =	vst v63  }
0x5c: {  	_ =	swait.ge [sflag:s31], $0x800  }
0x5d: {  	[sflag:s31] =	ssyncset.done $0x0  }
0x5e: {  	s21 =	simm.s32 $0x900;
	[sflag:s31] =	ssyncadd.s32 $0xFFFFF800  }
0x5f: {  	[spmem:s2] =	stream.indirect.scatter.add.f32 [tilespmem:s13], [sflag:$0x6], $0x10, s21, s12, $0xb8;
	[tilespmem:$0x7E80] =	vst v63  }
0x60: {  	_ =	swait.ge [sflag:s0], $0x800  }
0x61: {  	[sflag:s0] =	ssyncset.done $0x0  }
0x62: {  	s20 =	simm.s32 $0x980;
	[sflag:s0] =	ssyncadd.s32 $0xFFFFF800  }
0x63: {  	[spmem:s2] =	stream.indirect.scatter.add.f32 [tilespmem:s13], [sflag:$0x7], $0x10, s20, s12, $0xb8;
	[tilespmem:$0x7E80] =	vst v63  }
0x64: {  	_ =	swait.ge [sflag:s9], $0x800  }
0x65: {  	[sflag:s9] =	ssyncset.done $0x0  }
0x66: {  	s21 =	simm.s32 $0xA00;
	[sflag:s9] =	ssyncadd.s32 $0xFFFFF800  }
0x67: {  	[spmem:s2] =	stream.indirect.scatter.add.f32 [tilespmem:s13], [sflag:$0x8], $0x10, s21, s12, $0xb8;
	[tilespmem:$0x7E80] =	vst v63  }
0x68: {  	_ =	swait.ge [sflag:s11], $0x800  }
0x69: {  	[sflag:s11] =	ssyncset.done $0x0  }
0x6a: {  	s20 =	simm.s32 $0xA80;
	[sflag:s11] =	ssyncadd.s32 $0xFFFFF800  }
0x6b: {  	[spmem:s2] =	stream.indirect.scatter.add.f32 [tilespmem:s13], [sflag:$0x9], $0x10, s20, s12, $0xb8;
	[tilespmem:$0x7E80] =	vst v63  }
0x6c: {  	_ =	swait.ge [sflag:s14], $0x800  }
0x6d: {  	[sflag:s14] =	ssyncset.done $0x0  }
0x6e: {  	s21 =	simm.s32 $0xB00;
	[sflag:s14] =	ssyncadd.s32 $0xFFFFF800  }
0x6f: {  	[spmem:s2] =	stream.indirect.scatter.add.f32 [tilespmem:s13], [sflag:$0xA], $0x10, s21, s12, $0xb8;
	[tilespmem:$0x7E80] =	vst v63  }
0x70: {  	_ =	swait.ge [sflag:s15], $0x800  }
0x71: {  	[sflag:s15] =	ssyncset.done $0x0  }
0x72: {  	s20 =	simm.s32 $0xB80;
	[sflag:s15] =	ssyncadd.s32 $0xFFFFF800  }
0x73: {  	[spmem:s2] =	stream.indirect.scatter.add.f32 [tilespmem:s13], [sflag:$0xB], $0x10, s20, s12, $0xb8;
	[tilespmem:$0x7E80] =	vst v63  }
0x74: {  	_ =	swait.ge [sflag:s16], $0x800  }
0x75: {  	[sflag:s16] =	ssyncset.done $0x0  }
0x76: {  	s21 =	simm.s32 $0xC00;
	[sflag:s16] =	ssyncadd.s32 $0xFFFFF800  }
0x77: {  	[spmem:s2] =	stream.indirect.scatter.add.f32 [tilespmem:s13], [sflag:$0xC], $0x10, s21, s12, $0xb8;
	[tilespmem:$0x7E80] =	vst v63  }
0x78: {  	_ =	swait.ge [sflag:s17], $0x800  }
0x79: {  	[sflag:s17] =	ssyncset.done $0x0  }
0x7a: {  	s19 =	simm.s32 $0x1A00;
	s20 =	simm.s32 $0xC80;
	[sflag:s17] =	ssyncadd.s32 $0xFFFFF800  }
.LBB2_6:
0x7b: {  	[spmem:s2] =	stream.indirect.scatter.add.f32 [tilespmem:s13], [sflag:$0xD], $0x10, s20, s12, $0xb8;
	[tilespmem:$0x7E80] =	vst v63  }
0x7c: {  	s20 =	smov.u32 s19  }
0x7d: {  	p1 =	sne.s32 s19, $0x6800;
	s19 =	sadd.s32 $0x1A00, s19;
	_ =	swait.ge [sflag:s25], $0x800  }
0x7e: {  	s20 =	sshra.s32 s20, $0x2;
	[sflag:s25] =	ssyncset.done $0x0  }
0x7f: {  	s21 =	sadd.s32 $0x680, s20;
	[sflag:s25] =	ssyncadd.s32 $0xFFFFF800  }
0x80: {  	[spmem:s2] =	stream.indirect.scatter.add.f32 [tilespmem:s13], [sflag:$0x1], $0x10, s21, s12, $0xb8;
	[tilespmem:$0x7E80] =	vst v63  }
0x81: {  	_ =	swait.ge [sflag:s26], $0x800  }
0x82: {  	[sflag:s26] =	ssyncset.done $0x0  }
0x83: {  	s21 =	sadd.s32 $0x700, s20;
	[sflag:s26] =	ssyncadd.s32 $0xFFFFF800  }
0x84: {  	[spmem:s2] =	stream.indirect.scatter.add.f32 [tilespmem:s13], [sflag:$0x2], $0x10, s21, s12, $0xb8;
	[tilespmem:$0x7E80] =	vst v63  }
0x85: {  	_ =	swait.ge [sflag:s28], $0x800  }
0x86: {  	[sflag:s28] =	ssyncset.done $0x0  }
0x87: {  	s21 =	sadd.s32 $0x780, s20;
	[sflag:s28] =	ssyncadd.s32 $0xFFFFF800  }
0x88: {  	[spmem:s2] =	stream.indirect.scatter.add.f32 [tilespmem:s13], [sflag:$0x3], $0x10, s21, s12, $0xb8;
	[tilespmem:$0x7E80] =	vst v63  }
0x89: {  	_ =	swait.ge [sflag:s29], $0x800  }
0x8a: {  	[sflag:s29] =	ssyncset.done $0x0  }
0x8b: {  	s21 =	sadd.s32 $0x800, s20;
	[sflag:s29] =	ssyncadd.s32 $0xFFFFF800  }
0x8c: {  	[spmem:s2] =	stream.indirect.scatter.add.f32 [tilespmem:s13], [sflag:$0x4], $0x10, s21, s12, $0xb8;
	[tilespmem:$0x7E80] =	vst v63  }
0x8d: {  	_ =	swait.ge [sflag:s30], $0x800  }
0x8e: {  	[sflag:s30] =	ssyncset.done $0x0  }
0x8f: {  	s21 =	sadd.s32 $0x880, s20;
	[sflag:s30] =	ssyncadd.s32 $0xFFFFF800  }
0x90: {  	[spmem:s2] =	stream.indirect.scatter.add.f32 [tilespmem:s13], [sflag:$0x5], $0x10, s21, s12, $0xb8;
	[tilespmem:$0x7E80] =	vst v63  }
0x91: {  	_ =	swait.ge [sflag:s31], $0x800  }
0x92: {  	[sflag:s31] =	ssyncset.done $0x0  }
0x93: {  	s21 =	sadd.s32 $0x900, s20;
	[sflag:s31] =	ssyncadd.s32 $0xFFFFF800  }
0x94: {  	[spmem:s2] =	stream.indirect.scatter.add.f32 [tilespmem:s13], [sflag:$0x6], $0x10, s21, s12, $0xb8;
	[tilespmem:$0x7E80] =	vst v63  }
0x95: {  	_ =	swait.ge [sflag:s0], $0x800  }
0x96: {  	[sflag:s0] =	ssyncset.done $0x0  }
0x97: {  	s21 =	sadd.s32 $0x980, s20;
	[sflag:s0] =	ssyncadd.s32 $0xFFFFF800  }
0x98: {  	[spmem:s2] =	stream.indirect.scatter.add.f32 [tilespmem:s13], [sflag:$0x7], $0x10, s21, s12, $0xb8;
	[tilespmem:$0x7E80] =	vst v63  }
0x99: {  	_ =	swait.ge [sflag:s9], $0x800  }
0x9a: {  	[sflag:s9] =	ssyncset.done $0x0  }
0x9b: {  	s21 =	sadd.s32 $0xA00, s20;
	[sflag:s9] =	ssyncadd.s32 $0xFFFFF800  }
0x9c: {  	[spmem:s2] =	stream.indirect.scatter.add.f32 [tilespmem:s13], [sflag:$0x8], $0x10, s21, s12, $0xb8;
	[tilespmem:$0x7E80] =	vst v63  }
0x9d: {  	_ =	swait.ge [sflag:s11], $0x800  }
0x9e: {  	[sflag:s11] =	ssyncset.done $0x0  }
0x9f: {  	s21 =	sadd.s32 $0xA80, s20;
	[sflag:s11] =	ssyncadd.s32 $0xFFFFF800  }
0xa0: {  	[spmem:s2] =	stream.indirect.scatter.add.f32 [tilespmem:s13], [sflag:$0x9], $0x10, s21, s12, $0xb8;
	[tilespmem:$0x7E80] =	vst v63  }
0xa1: {  	_ =	swait.ge [sflag:s14], $0x800  }
0xa2: {  	[sflag:s14] =	ssyncset.done $0x0  }
0xa3: {  	s21 =	sadd.s32 $0xB00, s20;
	[sflag:s14] =	ssyncadd.s32 $0xFFFFF800  }
0xa4: {  	[spmem:s2] =	stream.indirect.scatter.add.f32 [tilespmem:s13], [sflag:$0xA], $0x10, s21, s12, $0xb8;
	[tilespmem:$0x7E80] =	vst v63  }
0xa5: {  	_ =	swait.ge [sflag:s15], $0x800  }
0xa6: {  	[sflag:s15] =	ssyncset.done $0x0  }
0xa7: {  	s21 =	sadd.s32 $0xB80, s20;
	[sflag:s15] =	ssyncadd.s32 $0xFFFFF800  }
0xa8: {  	[spmem:s2] =	stream.indirect.scatter.add.f32 [tilespmem:s13], [sflag:$0xB], $0x10, s21, s12, $0xb8;
	[tilespmem:$0x7E80] =	vst v63  }
0xa9: {  	_ =	swait.ge [sflag:s16], $0x800  }
0xaa: {  	[sflag:s16] =	ssyncset.done $0x0  }
.Ltmp2:
0xab: {  	s21 =	sadd.s32 $0xC00, s20;
	[sflag:s16] =	ssyncadd.s32 $0xFFFFF800;
	(pc) =	sbr.rel @p1 .LBB2_6-.Ltmp2, $4  }
0xac: {  	[spmem:s2] =	stream.indirect.scatter.add.f32 [tilespmem:s13], [sflag:$0xC], $0x10, s21, s12, $0xb8;
	[tilespmem:$0x7E80] =	vst v63  }
0xad: {  	_ =	swait.ge [sflag:s17], $0x800  }
0xae: {  	[sflag:s17] =	ssyncset.done $0x0  }
0xaf: {  	s20 =	sadd.s32 $0xC80, s20;
	[sflag:s17] =	ssyncadd.s32 $0xFFFFF800  }
0xb0: {  	[spmem:s2] =	stream.indirect.scatter.add.f32 [tilespmem:s13], [sflag:$0xD], $0x10, s20, s12, $0xb8;
	[tilespmem:$0x7E80] =	vst v63  }
0xb1: {  	_ =	swait.ge [sflag:s25], $0x800  }
0xb2: {  	[sflag:s25] =	ssyncset.done $0x0  }
0xb3: {  	[sflag:s25] =	ssyncadd.s32 $0xFFFFF800  }
0xb4: {  	_ =	swait.ge [sflag:s26], $0x800  }
0xb5: {  	[sflag:s26] =	ssyncset.done $0x0  }
0xb6: {  	[sflag:s26] =	ssyncadd.s32 $0xFFFFF800  }
0xb7: {  	_ =	swait.ge [sflag:s28], $0x800  }
0xb8: {  	[sflag:s28] =	ssyncset.done $0x0  }
0xb9: {  	[sflag:s28] =	ssyncadd.s32 $0xFFFFF800  }
0xba: {  	_ =	swait.ge [sflag:s29], $0x800  }
0xbb: {  	[sflag:s29] =	ssyncset.done $0x0  }
0xbc: {  	[sflag:s29] =	ssyncadd.s32 $0xFFFFF800  }
0xbd: {  	_ =	swait.ge [sflag:s30], $0x800  }
0xbe: {  	[sflag:s30] =	ssyncset.done $0x0  }
0xbf: {  	[sflag:s30] =	ssyncadd.s32 $0xFFFFF800  }
0xc0: {  	_ =	swait.ge [sflag:s31], $0x800  }
0xc1: {  	[sflag:s31] =	ssyncset.done $0x0  }
0xc2: {  	[sflag:s31] =	ssyncadd.s32 $0xFFFFF800  }
0xc3: {  	_ =	swait.ge [sflag:s0], $0x800  }
0xc4: {  	[sflag:s0] =	ssyncset.done $0x0  }
0xc5: {  	[sflag:s0] =	ssyncadd.s32 $0xFFFFF800  }
0xc6: {  	_ =	swait.ge [sflag:s9], $0x800  }
0xc7: {  	[sflag:s9] =	ssyncset.done $0x0  }
0xc8: {  	[sflag:s9] =	ssyncadd.s32 $0xFFFFF800  }
0xc9: {  	_ =	swait.ge [sflag:s11], $0x800  }
0xca: {  	[sflag:s11] =	ssyncset.done $0x0  }
0xcb: {  	[sflag:s11] =	ssyncadd.s32 $0xFFFFF800  }
0xcc: {  	_ =	swait.ge [sflag:s14], $0x800  }
0xcd: {  	[sflag:s14] =	ssyncset.done $0x0  }
0xce: {  	[sflag:s14] =	ssyncadd.s32 $0xFFFFF800  }
0xcf: {  	_ =	swait.ge [sflag:s15], $0x800  }
0xd0: {  	[sflag:s15] =	ssyncset.done $0x0  }
0xd1: {  	[sflag:s15] =	ssyncadd.s32 $0xFFFFF800  }
0xd2: {  	_ =	swait.ge [sflag:s16], $0x800  }
0xd3: {  	[sflag:s16] =	ssyncset.done $0x0  }
0xd4: {  	[sflag:s16] =	ssyncadd.s32 $0xFFFFF800  }
0xd5: {  	_ =	swait.ge [sflag:s17], $0x800  }
0xd6: {  	s19 =	simm.s32 @!p0 $0x80;
	[sflag:s17] =	ssyncset.done $0x0  }
0xd7: {  	s20 =	simm.s32 @!p0 $0x2700;
	s21 =	simm.s32 @!p0 $0x2780;
	[sflag:s17] =	ssyncadd.s32 $0xFFFFF800  }
0xd8: {  	[spmem:s2] =	stream.indirect.scatter.add.f32 @!p0 [tilespmem:s21], [sflag:$0xE], $0x10, s20, s19, $0xb8;
	[tilespmem:$0x7E80] =	vst v63  }
0xd9: {  	s19 =	simm.s32 @!p0 $0xE  }
0xda: {  	s3 =	sadd.s32 $0x1, s3;
	_ =	swait.ge @!p0 [sflag:s19], $0x800  }
0xdb: {  	p1 =	sne.s32 s3, s8;
	[sflag:s19] =	ssyncset.done @!p0 $0x0  }
0xdc: {  	s20 =	sshll.u32 s1, $0x6;
	s21 =	sshrl.u32 s4, $0x3;
	[sflag:s19] =	ssyncadd.s32 @!p0 $0xFFFFF800  }
.Ltmp3:
0xdd: {  	s19 =	sor.u32 $0x1C0E, s20;
	[bflag:$0x0] =	sbarrier.arrive $0xFFFF;
	(pc) =	sbr.rel @p1 .LBB2_1-.Ltmp3, $4  }
0xde: {  	[hbm:s7@s18], [sflag:s19] =	dma.strided [spmem:s21@s26], $0x4F0, s25, $0x2   }
0xdf: {  	_ =	swait.ge [sflag:s10], $0x4F0  }
0xe0: {  	[sflag:s10] =	ssyncset.done $0x0  }
0xe1: {  	[sflag:s10] =	ssyncadd.s32 $0xFFFFFB10  }
0xe2: {  	_ =	sfence.sel $0x180000  }
0xe3: {  	[bflag:$0x0] =	sbarrier.arrive $0xFFFF  }
0xe4: {  	_ =	strace $0x90000047  }
0xe5: {  	[bflag:$0x2] =	sbarrier.arrive $0xFFFF  }
0xe6: {  	p0 =	sne.s32 s1, $0x0;
	s0 =	rddreg [dreg:$0x2]  }
0xe7: {  	s0 =	sadd.s32 @!p0 $0x100000, s0  }
0xe8: {  	[sflag:s0] =	ssyncadd.tile.s32 @!p0 $0x1;
	_ =	shalt  }
.Lfunc_end2:
_tile_overlayer_lowered:
.L_overlay_start_2:
0xe9: {  	(tag) =	ssettag $0x2  }
0xea: {  	s0 =	rddreg [dreg:$0x0];
	s2 =	stileid.u32  }
0xeb: {  	s1 =	rddreg [dreg:$0x1];
	p0 =	sne.s32 s2, $0x0  }
0xec: {  	s3 =	rddreg [dreg:$0x2];
	[bflag:$0x3] =	sbarrier.arrive $0xFFFF;
	s2 =	simm.s32 @!p0 $0x1C0E  }
0xed: {  	[timem:s3], [sflag:s2] =	dma.local @!p0 [hbm:s0], s1  }
0xee: {  	s0 =	simm.s32 @!p0 $0xE  }
0xef: {  	_ =	swait.ge @!p0 [sflag:s0], s1  }
0xf0: {  	s1 =	ssub.s32 @!p0 $0x0, s1;
	[sflag:s0] =	ssyncset.done @!p0 $0x0  }
0xf1: {  	[sflag:s0] =	ssyncadd.s32 @!p0 s1  }
0xf2: {  	[bflag:$0x3] =	sbarrier.arrive $0xFFFF  }
0xf3: {  	_ =	shalt  }

</sc_bundles>
